<compile_context>
chip_gen: v7x
topology: tpu7x:2x2x1
jax: 0.10.2.dev20260603
libtpu: 0.0.44.dev20260713+nightly
codegen_flags: <defaults>
</compile_context>

<pallas_src>
import functools

import jax
import jax.numpy as jnp
from jax import lax
from jax.experimental import pallas as pl
from jax.experimental.pallas import tpu as pltpu
from jax.experimental.pallas import tpu_sc as plsc

B, T, D, K = 8, 576, 256, 1024


CHUNKS = (576,)


BPS = 4


def _dist_body(boff, x_ref, cb_ref, idx_ref, loss_ref, cbn_s, caug_s):
    i = pl.program_id(0)

    @pl.when(i == 0)
    def _():
        cb = cb_ref[...]
        cbn_s[...] = cb * -2.0
        c_sq = jnp.sum(cb * cb, axis=1)
        caug_s[...] = jnp.broadcast_to(c_sq[None, :], (8, K))
        loss_ref[0, 0] = 0.0

    cbn = cbn_s[...]
    c_sq8 = caug_s[...]

    for bi in range(BPS):
        xi = x_ref[bi]
        x_sq = jnp.sum(xi * xi, axis=1)
        accv = jnp.full((8, K), jnp.inf, jnp.float32)
        acci = jnp.zeros((8, K), jnp.int32)
        cstart = 0
        for tb in CHUNKS:
            xi_c = xi[cstart:cstart + tb, :]
            dc = lax.dot_general(xi_c, cbn, (((1,), (1,)), ((), ())),
                                 preferred_element_type=jnp.float32)
            for g in range(tb // 8):
                t0 = cstart + g * 8
                blk = (c_sq8 + x_sq[t0:t0 + 8, None]) + dc[g * 8:(g + 1) * 8, :]
                upd = blk < accv
                accv = jnp.minimum(accv, blk)
                acci = jnp.where(upd, t0 // 8, acci)
            cstart += tb

        minv = jnp.min(accv, axis=0)
        tcand = acci * 8 + lax.broadcasted_iota(jnp.int32, (8, K), 0)
        amin = jnp.min(jnp.where(accv == minv[None, :], tcand, T), axis=0)
        idx_ref[bi, 0, :] = amin + (boff + i * BPS + bi) * T
        loss_ref[0, 0] += jnp.sum(minv)


def _distances_argmin(x, codebook, boff, nb):
    return pl.pallas_call(
        functools.partial(_dist_body, boff),
        grid=(nb // BPS,),
        in_specs=[
            pl.BlockSpec((BPS, T, D), lambda i: (i, 0, 0)),
            pl.BlockSpec((K, D), lambda i: (0, 0)),
        ],
        out_specs=[
            pl.BlockSpec((BPS, 1, K), lambda i: (i, 0, 0)),
            pl.BlockSpec(block_shape=(1, 1), index_map=lambda i: (0, 0),
                         memory_space=pltpu.SMEM),
        ],
        out_shape=[
            jax.ShapeDtypeStruct((nb, 1, K), jnp.int32),
            jax.ShapeDtypeStruct((1, 1), jnp.float32),
        ],
        scratch_shapes=[
            pltpu.VMEM((K, D), jnp.float32),
            pltpu.VMEM((8, K), jnp.float32),
        ],
    )(x, codebook)


_NC, _NS = 2, 16
_NW = _NC * _NS
_CHUNK = 128


def _gather_body(bpw, table_hbm, idx_hbm, out_hbm, idx_v, rows_v, sem_g0,
                 sem_g1, sem_w):
    wid = lax.axis_index("s") * _NC + lax.axis_index("c")
    base = wid * bpw
    pltpu.sync_copy(idx_hbm.at[pl.ds(base, bpw)], idx_v)
    sems = [sem_g0, sem_g1]
    gathers = [pltpu.async_copy(
        table_hbm.at[idx_v.at[pl.ds(c * _CHUNK, _CHUNK)]],
        rows_v.at[pl.ds(c * _CHUNK, _CHUNK)],
        sems[c]) for c in range(bpw // _CHUNK)]
    writes = []
    for c, g in enumerate(gathers):
        g.wait()
        writes.append(pltpu.async_copy(
            rows_v.at[pl.ds(c * _CHUNK, _CHUNK)],
            out_hbm.at[pl.ds(base + c * _CHUNK, _CHUNK)],
            sem_w))
    for w in writes:
        w.wait()


@functools.cache
def _gather_rows(nrows):
    bpw = nrows // _NW
    return functools.partial(
        pl.kernel,
        mesh=plsc.VectorSubcoreMesh(core_axis_name="c", subcore_axis_name="s"),
        out_type=jax.ShapeDtypeStruct((nrows, D), jnp.float32),
        scratch_types=[
            pltpu.VMEM((bpw,), jnp.int32),
            pltpu.VMEM((bpw, D), jnp.float32),
            pltpu.SemaphoreType.DMA,
            pltpu.SemaphoreType.DMA,
            pltpu.SemaphoreType.DMA,
        ],
    )(functools.partial(_gather_body, bpw))


def kernel(x, codebook):
    idx4, loss_sum = _distances_argmin(x, codebook, 0, B)
    table = x.reshape(B * T, D)
    out = _gather_rows(B * K)(table, idx4.reshape(B * K)).reshape(B, K, D)
    loss = loss_sum[0, 0] * (2.0 / (B * K * D))
    return out, loss

# --- scband reference (transcript-rebuilt; emitter-appended) ---
"""Pipeline reference for scband-codebook-sampler-10634339025302 (READ-ONLY COPY).

The authoritative reference and input builder live on the scoring server;
editing this copy changes nothing except your own understanding.
"""

import jax, jax.numpy as jnp
import numpy as np

NUM_CODES = 1024
FEATURE_SIZE = 256


def setup_inputs(seed: int = 0) -> dict:
    key = jax.random.key(seed)
    k1, k2 = jax.random.split(key)
    x = jax.random.normal(k1, (8, 576, 256), dtype=jnp.float32)
    codebook = jax.random.normal(k2, (NUM_CODES, FEATURE_SIZE), dtype=jnp.float32)
    return {"x": x, "codebook": codebook}


def reference(x, codebook):
    sg = jax.lax.stop_gradient
    batch_size = x.shape[0]
    codebook_outputs = []
    codebook_losses = []
    c_sq = jnp.sum(codebook ** 2, axis=-1)  # [K]
    for i in range(batch_size):
        xi = x[i]  # [T, D]
        x_sq = jnp.sum(xi ** 2, axis=-1)  # [T]
        # squared euclidean distances between every code and every token: [K, T]
        distances = c_sq[:, None] + x_sq[None, :] - 2.0 * (codebook @ xi.T)
        indices = jnp.argmin(distances, axis=1)  # nearest token per code, [K]
        codebook_output = xi[indices]  # [K, D]
        codebook_output_ste = codebook + sg(codebook_output - codebook)
        codebook_loss = jnp.mean((codebook_output - sg(codebook)) ** 2) + jnp.mean((codebook - sg(codebook_output)) ** 2)
        codebook_losses.append(codebook_loss)
        codebook_outputs.append(codebook_output_ste[None, :, :])
    out = jnp.concatenate(codebook_outputs, axis=0)  # [B, K, D]
    loss = sum(codebook_losses) / len(codebook_losses)
    return (out, loss)

if __name__ == "__main__":
    import jax
    _d = setup_inputs()
    print(jax.jit(kernel)(*tuple(_d.values())))

</pallas_src>

<mosaic_0001>
#map = affine_map<(d0, d1) -> (0, 0)>
#map1 = affine_map<(d0, d1) -> (0)>
module attributes {stable_mosaic.version = 14 : i64} {
  func.func @_gather_body(%arg0: i32, %arg1: i32, %arg2: memref<4608x256xf32, #tpu.memory_space<hbm>>, %arg3: memref<8192xi32, #tpu.memory_space<hbm>>, %arg4: memref<8192x256xf32, #tpu.memory_space<hbm>>, %arg5: memref<256xi32, #tpu.memory_space<vmem>>, %arg6: memref<256x256xf32, #tpu.memory_space<vmem>>, %arg7: memref<!tpu.dma_semaphore, #tpu.memory_space<semaphore_mem>>, %arg8: memref<!tpu.dma_semaphore, #tpu.memory_space<semaphore_mem>>, %arg9: memref<!tpu.dma_semaphore, #tpu.memory_space<semaphore_mem>>) attributes {dimension_semantics = [#tpu.dimension_semantics<core_parallel>, #tpu.dimension_semantics<subcore_parallel>], iteration_bounds = array<i64: 2, 16>, scalar_prefetch = 0 : i64, scratch_operands = 5 : i64, tpu.core_type = #tpu.core_type<sc_vector_subcore>, window_params = [{transform_indices = #map}, {transform_indices = #map1}, {transform_indices = #map}]} {
    %mul3A = arith.constant 2 : i32
    %mul3A_0 = arith.muli %arg1, %mul3A : i32
    %add3A = arith.addi %mul3A_0, %arg0 : i32
    %mul3A_1 = arith.constant 256 : i32
    %mul3A_2 = arith.muli %add3A, %mul3A_1 : i32
    "tpu.region"() ({
      %run_scoped3A = tpu.sem_alloc : memref<!tpu.dma_semaphore, #tpu.memory_space<semaphore_mem>>
      %dma_start3A_77 = tpu.memref_slice %arg3[%mul3A_2] : memref<8192xi32, #tpu.memory_space<hbm>> -> memref<256xi32, #tpu.memory_space<hbm>>
      %dma_start3A_78 = tpu.memref_slice %arg3[%mul3A_2] : memref<8192xi32, #tpu.memory_space<hbm>> -> memref<256xi32, #tpu.memory_space<hbm>>
      tpu.enqueue_dma source(%dma_start3A_78 : memref<256xi32, #tpu.memory_space<hbm>>) target(%arg5 : memref<256xi32, #tpu.memory_space<vmem>>) target_semaphore(%run_scoped3A : memref<!tpu.dma_semaphore, #tpu.memory_space<semaphore_mem>>)
      %dma_wait3A_79 = tpu.memref_slice %arg3[%mul3A_2] : memref<8192xi32, #tpu.memory_space<hbm>> -> memref<256xi32, #tpu.memory_space<hbm>>
      %dma_wait3A_80 = tpu.memref_slice %arg3[%mul3A_2] : memref<8192xi32, #tpu.memory_space<hbm>> -> memref<256xi32, #tpu.memory_space<hbm>>
      tpu.wait_dma2 semaphore(%run_scoped3A : memref<!tpu.dma_semaphore, #tpu.memory_space<semaphore_mem>>) src(%dma_wait3A_80 : memref<256xi32, #tpu.memory_space<hbm>>) dst(%arg5 : memref<256xi32, #tpu.memory_space<vmem>>)
      tpu.yield
    }) : () -> ()
    %dma_start3A = arith.constant 0 : i32
    %dma_start3A_3 = arith.constant 0 : i32
    %dma_start3A_4 = tpu.memref_slice %arg6[%dma_start3A, %dma_start3A_3] : memref<256x256xf32, #tpu.memory_space<vmem>> -> memref<128x256xf32, #tpu.memory_space<vmem>>
    %dma_start3A_5 = arith.constant 0 : i32
    %dma_start3A_6 = tpu.memref_slice %arg5[%dma_start3A_5] : memref<256xi32, #tpu.memory_space<vmem>> -> memref<128xi32, #tpu.memory_space<vmem>>
    %dma_start3A_7 = arith.constant 0 : i32
    %dma_start3A_8 = arith.constant 0 : i32
    %dma_start3A_9 = tpu.memref_slice %arg2[%dma_start3A_7, %dma_start3A_8] : memref<4608x256xf32, #tpu.memory_space<hbm>> -> memref<4608x256xf32, #tpu.memory_space<hbm>>
    tpu.enqueue_indirect_dma source(%dma_start3A_9 : memref<4608x256xf32, #tpu.memory_space<hbm>>) target(%dma_start3A_4 : memref<128x256xf32, #tpu.memory_space<vmem>>) offsets(%dma_start3A_6 : memref<128xi32, #tpu.memory_space<vmem>>) semaphore(%arg7 : memref<!tpu.dma_semaphore, #tpu.memory_space<semaphore_mem>>)
    %dma_start3A_10 = arith.constant 128 : i32
    %dma_start3A_11 = arith.constant 0 : i32
    %dma_start3A_12 = tpu.memref_slice %arg6[%dma_start3A_10, %dma_start3A_11] : memref<256x256xf32, #tpu.memory_space<vmem>> -> memref<128x256xf32, #tpu.memory_space<vmem>>
    %dma_start3A_13 = arith.constant 128 : i32
    %dma_start3A_14 = tpu.memref_slice %arg5[%dma_start3A_13] : memref<256xi32, #tpu.memory_space<vmem>> -> memref<128xi32, #tpu.memory_space<vmem>>
    %dma_start3A_15 = arith.constant 0 : i32
    %dma_start3A_16 = arith.constant 0 : i32
    %dma_start3A_17 = tpu.memref_slice %arg2[%dma_start3A_15, %dma_start3A_16] : memref<4608x256xf32, #tpu.memory_space<hbm>> -> memref<4608x256xf32, #tpu.memory_space<hbm>>
    tpu.enqueue_indirect_dma source(%dma_start3A_17 : memref<4608x256xf32, #tpu.memory_space<hbm>>) target(%dma_start3A_12 : memref<128x256xf32, #tpu.memory_space<vmem>>) offsets(%dma_start3A_14 : memref<128xi32, #tpu.memory_space<vmem>>) semaphore(%arg8 : memref<!tpu.dma_semaphore, #tpu.memory_space<semaphore_mem>>)
    %dma_wait3A = arith.constant 0 : i32
    %dma_wait3A_18 = arith.constant 0 : i32
    %dma_wait3A_19 = tpu.memref_slice %arg6[%dma_wait3A, %dma_wait3A_18] : memref<256x256xf32, #tpu.memory_space<vmem>> -> memref<128x256xf32, #tpu.memory_space<vmem>>
    %dma_wait3A_20 = arith.constant 0 : i32
    %dma_wait3A_21 = tpu.memref_slice %arg5[%dma_wait3A_20] : memref<256xi32, #tpu.memory_space<vmem>> -> memref<128xi32, #tpu.memory_space<vmem>>
    %dma_wait3A_22 = arith.constant 0 : i32
    %dma_wait3A_23 = arith.constant 0 : i32
    %dma_wait3A_24 = tpu.memref_slice %arg2[%dma_wait3A_22, %dma_wait3A_23] : memref<4608x256xf32, #tpu.memory_space<hbm>> -> memref<4608x256xf32, #tpu.memory_space<hbm>>
    tpu.wait_indirect_dma semaphore(%arg7 : memref<!tpu.dma_semaphore, #tpu.memory_space<semaphore_mem>>) src(%dma_wait3A_24 : memref<4608x256xf32, #tpu.memory_space<hbm>>) dst(%dma_wait3A_19 : memref<128x256xf32, #tpu.memory_space<vmem>>)
    %add3A_25 = arith.constant 0 : i32
    %add3A_26 = arith.addi %mul3A_2, %add3A_25 : i32
    %dma_start3A_27 = arith.constant 0 : i32
    %dma_start3A_28 = arith.constant 0 : i32
    %dma_start3A_29 = tpu.memref_slice %arg6[%dma_start3A_27, %dma_start3A_28] : memref<256x256xf32, #tpu.memory_space<vmem>> -> memref<128x256xf32, #tpu.memory_space<vmem>>
    %dma_start3A_30 = arith.constant 0 : i32
    %dma_start3A_31 = tpu.memref_slice %arg4[%add3A_26, %dma_start3A_30] : memref<8192x256xf32, #tpu.memory_space<hbm>> -> memref<128x256xf32, #tpu.memory_space<hbm>>
    %dma_start3A_32 = arith.constant 0 : i32
    %dma_start3A_33 = tpu.memref_slice %arg4[%add3A_26, %dma_start3A_32] : memref<8192x256xf32, #tpu.memory_space<hbm>> -> memref<128x256xf32, #tpu.memory_space<hbm>>
    %dma_start3A_34 = arith.constant 0 : i32
    %dma_start3A_35 = arith.constant 0 : i32
    %dma_start3A_36 = tpu.memref_slice %arg6[%dma_start3A_34, %dma_start3A_35] : memref<256x256xf32, #tpu.memory_space<vmem>> -> memref<128x256xf32, #tpu.memory_space<vmem>>
    tpu.enqueue_dma source(%dma_start3A_36 : memref<128x256xf32, #tpu.memory_space<vmem>>) target(%dma_start3A_33 : memref<128x256xf32, #tpu.memory_space<hbm>>) target_semaphore(%arg9 : memref<!tpu.dma_semaphore, #tpu.memory_space<semaphore_mem>>)
    %dma_wait3A_37 = arith.constant 128 : i32
    %dma_wait3A_38 = arith.constant 0 : i32
    %dma_wait3A_39 = tpu.memref_slice %arg6[%dma_wait3A_37, %dma_wait3A_38] : memref<256x256xf32, #tpu.memory_space<vmem>> -> memref<128x256xf32, #tpu.memory_space<vmem>>
    %dma_wait3A_40 = arith.constant 128 : i32
    %dma_wait3A_41 = tpu.memref_slice %arg5[%dma_wait3A_40] : memref<256xi32, #tpu.memory_space<vmem>> -> memref<128xi32, #tpu.memory_space<vmem>>
    %dma_wait3A_42 = arith.constant 0 : i32
    %dma_wait3A_43 = arith.constant 0 : i32
    %dma_wait3A_44 = tpu.memref_slice %arg2[%dma_wait3A_42, %dma_wait3A_43] : memref<4608x256xf32, #tpu.memory_space<hbm>> -> memref<4608x256xf32, #tpu.memory_space<hbm>>
    tpu.wait_indirect_dma semaphore(%arg8 : memref<!tpu.dma_semaphore, #tpu.memory_space<semaphore_mem>>) src(%dma_wait3A_44 : memref<4608x256xf32, #tpu.memory_space<hbm>>) dst(%dma_wait3A_39 : memref<128x256xf32, #tpu.memory_space<vmem>>)
    %add3A_45 = arith.constant 128 : i32
    %add3A_46 = arith.addi %mul3A_2, %add3A_45 : i32
    %dma_start3A_47 = arith.constant 128 : i32
    %dma_start3A_48 = arith.constant 0 : i32
    %dma_start3A_49 = tpu.memref_slice %arg6[%dma_start3A_47, %dma_start3A_48] : memref<256x256xf32, #tpu.memory_space<vmem>> -> memref<128x256xf32, #tpu.memory_space<vmem>>
    %dma_start3A_50 = arith.constant 0 : i32
    %dma_start3A_51 = tpu.memref_slice %arg4[%add3A_46, %dma_start3A_50] : memref<8192x256xf32, #tpu.memory_space<hbm>> -> memref<128x256xf32, #tpu.memory_space<hbm>>
    %dma_start3A_52 = arith.constant 0 : i32
    %dma_start3A_53 = tpu.memref_slice %arg4[%add3A_46, %dma_start3A_52] : memref<8192x256xf32, #tpu.memory_space<hbm>> -> memref<128x256xf32, #tpu.memory_space<hbm>>
    %dma_start3A_54 = arith.constant 128 : i32
    %dma_start3A_55 = arith.constant 0 : i32
    %dma_start3A_56 = tpu.memref_slice %arg6[%dma_start3A_54, %dma_start3A_55] : memref<256x256xf32, #tpu.memory_space<vmem>> -> memref<128x256xf32, #tpu.memory_space<vmem>>
    tpu.enqueue_dma source(%dma_start3A_56 : memref<128x256xf32, #tpu.memory_space<vmem>>) target(%dma_start3A_53 : memref<128x256xf32, #tpu.memory_space<hbm>>) target_semaphore(%arg9 : memref<!tpu.dma_semaphore, #tpu.memory_space<semaphore_mem>>)
    %dma_wait3A_57 = arith.constant 0 : i32
    %dma_wait3A_58 = arith.constant 0 : i32
    %dma_wait3A_59 = tpu.memref_slice %arg6[%dma_wait3A_57, %dma_wait3A_58] : memref<256x256xf32, #tpu.memory_space<vmem>> -> memref<128x256xf32, #tpu.memory_space<vmem>>
    %dma_wait3A_60 = arith.constant 0 : i32
    %dma_wait3A_61 = tpu.memref_slice %arg4[%add3A_26, %dma_wait3A_60] : memref<8192x256xf32, #tpu.memory_space<hbm>> -> memref<128x256xf32, #tpu.memory_space<hbm>>
    %dma_wait3A_62 = arith.constant 0 : i32
    %dma_wait3A_63 = tpu.memref_slice %arg4[%add3A_26, %dma_wait3A_62] : memref<8192x256xf32, #tpu.memory_space<hbm>> -> memref<128x256xf32, #tpu.memory_space<hbm>>
    %dma_wait3A_64 = arith.constant 0 : i32
    %dma_wait3A_65 = arith.constant 0 : i32
    %dma_wait3A_66 = tpu.memref_slice %arg6[%dma_wait3A_64, %dma_wait3A_65] : memref<256x256xf32, #tpu.memory_space<vmem>> -> memref<128x256xf32, #tpu.memory_space<vmem>>
    tpu.wait_dma2 semaphore(%arg9 : memref<!tpu.dma_semaphore, #tpu.memory_space<semaphore_mem>>) src(%dma_wait3A_66 : memref<128x256xf32, #tpu.memory_space<vmem>>) dst(%dma_wait3A_63 : memref<128x256xf32, #tpu.memory_space<hbm>>)
    %dma_wait3A_67 = arith.constant 128 : i32
    %dma_wait3A_68 = arith.constant 0 : i32
    %dma_wait3A_69 = tpu.memref_slice %arg6[%dma_wait3A_67, %dma_wait3A_68] : memref<256x256xf32, #tpu.memory_space<vmem>> -> memref<128x256xf32, #tpu.memory_space<vmem>>
    %dma_wait3A_70 = arith.constant 0 : i32
    %dma_wait3A_71 = tpu.memref_slice %arg4[%add3A_46, %dma_wait3A_70] : memref<8192x256xf32, #tpu.memory_space<hbm>> -> memref<128x256xf32, #tpu.memory_space<hbm>>
    %dma_wait3A_72 = arith.constant 0 : i32
    %dma_wait3A_73 = tpu.memref_slice %arg4[%add3A_46, %dma_wait3A_72] : memref<8192x256xf32, #tpu.memory_space<hbm>> -> memref<128x256xf32, #tpu.memory_space<hbm>>
    %dma_wait3A_74 = arith.constant 128 : i32
    %dma_wait3A_75 = arith.constant 0 : i32
    %dma_wait3A_76 = tpu.memref_slice %arg6[%dma_wait3A_74, %dma_wait3A_75] : memref<256x256xf32, #tpu.memory_space<vmem>> -> memref<128x256xf32, #tpu.memory_space<vmem>>
    tpu.wait_dma2 semaphore(%arg9 : memref<!tpu.dma_semaphore, #tpu.memory_space<semaphore_mem>>) src(%dma_wait3A_76 : memref<128x256xf32, #tpu.memory_space<vmem>>) dst(%dma_wait3A_73 : memref<128x256xf32, #tpu.memory_space<hbm>>)
    return
  }
}

module attributes {stable_mosaic.version = 14 : i64} {
  func.func @_dist_body(%arg0: i32, %arg1: memref<4x576x256xf32, #tpu.memory_space<vmem>>, %arg2: memref<1024x256xf32, #tpu.memory_space<vmem>>, %arg3: memref<4x1x1024xi32, #tpu.memory_space<vmem>>, %arg4: memref<1x1xf32, #tpu.memory_space<smem>>, %arg5: memref<1024x256xf32, #tpu.memory_space<vmem>>, %arg6: memref<8x1024xf32, #tpu.memory_space<vmem>>) attributes {dimension_semantics = [#tpu.dimension_semantics<arbitrary>], iteration_bounds = array<i64: 2>, scalar_prefetch = 0 : i64, scratch_operands = 2 : i64, tpu.core_type = #tpu.core_type<tc>, window_params = [{transform_indices = @transform_0, window_bounds = array<i64: 4, 576, 256>}, {pipeline_mode = #tpu.pipeline_mode<synchronous>, transform_indices = @transform_1, window_bounds = array<i64: 1024, 256>}, {transform_indices = @transform_2, window_bounds = array<i64: 4, 1, 1024>}, {transform_indices = @transform_3, window_bounds = array<i64: 1, 1>}]} {
    %eq3A = arith.constant 0 : i32
    %eq3A_0 = arith.cmpi eq, %arg0, %eq3A : i32
    %convert_element_type3A = arith.extui %eq3A_0 : i1 to i32
    %cond3A = arith.constant 0 : i32
    %cond3A_1 = arith.cmpi ne, %convert_element_type3A, %cond3A : i32
    scf.if %cond3A_1 {
      %get3A_3390 = arith.constant 0 : index
      %get3A_3391 = arith.constant 0 : index
      %get3A_3392 = vector.load %arg2[%get3A_3390, %get3A_3391] : memref<1024x256xf32, #tpu.memory_space<vmem>>, vector<1024x256xf32>
      %mul3A_3393 = arith.constant -2.000000e+00 : f32
      %mul3A_3394 = vector.broadcast %mul3A_3393 : f32 to vector<1024x256xf32>
      %mul3A_3395 = arith.mulf %get3A_3392, %mul3A_3394 : vector<1024x256xf32>
      %swap3A_3396 = arith.constant 0 : index
      %swap3A_3397 = arith.constant 0 : index
      %swap3A_3398 = vector.load %arg5[%swap3A_3396, %swap3A_3397] : memref<1024x256xf32, #tpu.memory_space<vmem>>, vector<1024x256xf32>
      tpu.vector_store %arg5[%swap3A_3396, %swap3A_3397], %mul3A_3395 {strides = array<i32>} : memref<1024x256xf32, #tpu.memory_space<vmem>>, vector<1024x256xf32>,
      %mul3A_3399 = arith.mulf %get3A_3392, %get3A_3392 : vector<1024x256xf32>
      %reduce_sum3A_3400 = arith.constant dense<0.000000e+00> : vector<1024xf32>
      %reduce_sum3A_3401 = vector.multi_reduction <add>, %mul3A_3399, %reduce_sum3A_3400 [1] : vector<1024x256xf32> to vector<1024xf32>
      %broadcast_in_dim3A_3402 = vector.shape_cast %reduce_sum3A_3401 : vector<1024xf32> to vector<1x1024xf32>
      %broadcast_in_dim3A_3403 = vector.shape_cast %broadcast_in_dim3A_3402 : vector<1x1024xf32> to vector<1x1024xf32>
      %broadcast_in_dim3A_3404 = vector.broadcast %broadcast_in_dim3A_3403 : vector<1x1024xf32> to vector<8x1024xf32>
      %swap3A_3405 = arith.constant 0 : index
      %swap3A_3406 = arith.constant 0 : index
      %swap3A_3407 = vector.load %arg6[%swap3A_3405, %swap3A_3406] : memref<8x1024xf32, #tpu.memory_space<vmem>>, vector<8x1024xf32>
      tpu.vector_store %arg6[%swap3A_3405, %swap3A_3406], %broadcast_in_dim3A_3404 {strides = array<i32>} : memref<8x1024xf32, #tpu.memory_space<vmem>>, vector<8x1024xf32>,
      %swap3A_3408 = arith.constant 0.000000e+00 : f32
      %swap3A_3409 = arith.constant 0 : index
      %swap3A_3410 = arith.constant 0 : index
      %swap3A_3411 = memref.load %arg4[%swap3A_3409, %swap3A_3410] : memref<1x1xf32, #tpu.memory_space<smem>>
      memref.store %swap3A_3408, %arg4[%swap3A_3409, %swap3A_3410] : memref<1x1xf32, #tpu.memory_space<smem>>
    } else {
    }
    %get3A = arith.constant 0 : index
    %get3A_2 = arith.constant 0 : index
    %get3A_3 = vector.load %arg5[%get3A, %get3A_2] : memref<1024x256xf32, #tpu.memory_space<vmem>>, vector<1024x256xf32>
    %get3A_4 = arith.constant 0 : index
    %get3A_5 = arith.constant 0 : index
    %get3A_6 = vector.load %arg6[%get3A_4, %get3A_5] : memref<8x1024xf32, #tpu.memory_space<vmem>>, vector<8x1024xf32>
    %get3A_7 = arith.constant 0 : index
    %get3A_8 = arith.constant 0 : index
    %get3A_9 = arith.constant 0 : index
    %get3A_10 = vector.load %arg1[%get3A_7, %get3A_8, %get3A_9] : memref<4x576x256xf32, #tpu.memory_space<vmem>>, vector<1x576x256xf32>
    %get3A_11 = vector.shape_cast %get3A_10 : vector<1x576x256xf32> to vector<576x256xf32>
    %mul3A = arith.mulf %get3A_11, %get3A_11 : vector<576x256xf32>
    %reduce_sum3A = arith.constant dense<0.000000e+00> : vector<576xf32>
    %reduce_sum3A_12 = vector.multi_reduction <add>, %mul3A, %reduce_sum3A [1] : vector<576x256xf32> to vector<576xf32>
    %broadcast_in_dim3A = arith.constant 0x7F800000 : f32
    %broadcast_in_dim3A_13 = vector.broadcast %broadcast_in_dim3A : f32 to vector<8x1024xf32>
    %broadcast_in_dim3A_14 = arith.constant 0 : i32
    %broadcast_in_dim3A_15 = vector.broadcast %broadcast_in_dim3A_14 : i32 to vector<8x1024xi32>
    %dot_general3A = arith.constant dense<0.000000e+00> : vector<576x1024xf32>
    %dot_general3A_16 = tpu.matmul %get3A_11, %get3A_3, %dot_general3A {dimension_numbers = #tpu.dot_dimension_numbers<[1], [1], [0], [0], [0, 0, 1, 0], [], []>, transpose_lhs_hint = false} : vector<576x256xf32>, vector<1024x256xf32>, vector<576x1024xf32> -> vector<576x1024xf32>
    %slice3A = vector.extract_strided_slice %reduce_sum3A_12 {offsets = [0], sizes = [8], strides = [1]} : vector<576xf32> to vector<8xf32>
    %broadcast_in_dim3A_17 = vector.shape_cast %slice3A : vector<8xf32> to vector<8x1xf32>
    %add3A = vector.broadcast %broadcast_in_dim3A_17 : vector<8x1xf32> to vector<8x1024xf32>
    %add3A_18 = arith.addf %get3A_6, %add3A : vector<8x1024xf32>
    %slice3A_19 = vector.extract_strided_slice %dot_general3A_16 {offsets = [0, 0], sizes = [8, 1024], strides = [1, 1]} : vector<576x1024xf32> to vector<8x1024xf32>
    %add3A_20 = arith.addf %add3A_18, %slice3A_19 : vector<8x1024xf32>
    %lt3A = arith.cmpf olt, %add3A_20, %broadcast_in_dim3A_13 : vector<8x1024xf32>
    %min3A = arith.minimumf %broadcast_in_dim3A_13, %add3A_20 : vector<8x1024xf32>
    %jit3A = arith.constant 0 : i32
    %broadcast_in_dim3A_21 = vector.broadcast %jit3A : i32 to vector<8x1024xi32>
    %select_n3A = arith.select %lt3A, %broadcast_in_dim3A_21, %broadcast_in_dim3A_15 : vector<8x1024xi1>, vector<8x1024xi32>
    %slice3A_22 = vector.extract_strided_slice %reduce_sum3A_12 {offsets = [8], sizes = [8], strides = [1]} : vector<576xf32> to vector<8xf32>
    %broadcast_in_dim3A_23 = vector.shape_cast %slice3A_22 : vector<8xf32> to vector<8x1xf32>
    %add3A_24 = vector.broadcast %broadcast_in_dim3A_23 : vector<8x1xf32> to vector<8x1024xf32>
    %add3A_25 = arith.addf %get3A_6, %add3A_24 : vector<8x1024xf32>
    %slice3A_26 = vector.extract_strided_slice %dot_general3A_16 {offsets = [8, 0], sizes = [8, 1024], strides = [1, 1]} : vector<576x1024xf32> to vector<8x1024xf32>
    %add3A_27 = arith.addf %add3A_25, %slice3A_26 : vector<8x1024xf32>
    %lt3A_28 = arith.cmpf olt, %add3A_27, %min3A : vector<8x1024xf32>
    %min3A_29 = arith.minimumf %min3A, %add3A_27 : vector<8x1024xf32>
    %jit3A_30 = arith.constant 1 : i32
    %broadcast_in_dim3A_31 = vector.broadcast %jit3A_30 : i32 to vector<8x1024xi32>
    %select_n3A_32 = arith.select %lt3A_28, %broadcast_in_dim3A_31, %select_n3A : vector<8x1024xi1>, vector<8x1024xi32>
    %slice3A_33 = vector.extract_strided_slice %reduce_sum3A_12 {offsets = [16], sizes = [8], strides = [1]} : vector<576xf32> to vector<8xf32>
    %broadcast_in_dim3A_34 = vector.shape_cast %slice3A_33 : vector<8xf32> to vector<8x1xf32>
    %add3A_35 = vector.broadcast %broadcast_in_dim3A_34 : vector<8x1xf32> to vector<8x1024xf32>
    %add3A_36 = arith.addf %get3A_6, %add3A_35 : vector<8x1024xf32>
    %slice3A_37 = vector.extract_strided_slice %dot_general3A_16 {offsets = [16, 0], sizes = [8, 1024], strides = [1, 1]} : vector<576x1024xf32> to vector<8x1024xf32>
    %add3A_38 = arith.addf %add3A_36, %slice3A_37 : vector<8x1024xf32>
    %lt3A_39 = arith.cmpf olt, %add3A_38, %min3A_29 : vector<8x1024xf32>
    %min3A_40 = arith.minimumf %min3A_29, %add3A_38 : vector<8x1024xf32>
    %jit3A_41 = arith.constant 2 : i32
    %broadcast_in_dim3A_42 = vector.broadcast %jit3A_41 : i32 to vector<8x1024xi32>
    %select_n3A_43 = arith.select %lt3A_39, %broadcast_in_dim3A_42, %select_n3A_32 : vector<8x1024xi1>, vector<8x1024xi32>
    %slice3A_44 = vector.extract_strided_slice %reduce_sum3A_12 {offsets = [24], sizes = [8], strides = [1]} : vector<576xf32> to vector<8xf32>
    %broadcast_in_dim3A_45 = vector.shape_cast %slice3A_44 : vector<8xf32> to vector<8x1xf32>
    %add3A_46 = vector.broadcast %broadcast_in_dim3A_45 : vector<8x1xf32> to vector<8x1024xf32>
    %add3A_47 = arith.addf %get3A_6, %add3A_46 : vector<8x1024xf32>
    %slice3A_48 = vector.extract_strided_slice %dot_general3A_16 {offsets = [24, 0], sizes = [8, 1024], strides = [1, 1]} : vector<576x1024xf32> to vector<8x1024xf32>
    %add3A_49 = arith.addf %add3A_47, %slice3A_48 : vector<8x1024xf32>
    %lt3A_50 = arith.cmpf olt, %add3A_49, %min3A_40 : vector<8x1024xf32>
    %min3A_51 = arith.minimumf %min3A_40, %add3A_49 : vector<8x1024xf32>
    %jit3A_52 = arith.constant 3 : i32
    %broadcast_in_dim3A_53 = vector.broadcast %jit3A_52 : i32 to vector<8x1024xi32>
    %select_n3A_54 = arith.select %lt3A_50, %broadcast_in_dim3A_53, %select_n3A_43 : vector<8x1024xi1>, vector<8x1024xi32>
    %slice3A_55 = vector.extract_strided_slice %reduce_sum3A_12 {offsets = [32], sizes = [8], strides = [1]} : vector<576xf32> to vector<8xf32>
    %broadcast_in_dim3A_56 = vector.shape_cast %slice3A_55 : vector<8xf32> to vector<8x1xf32>
    %add3A_57 = vector.broadcast %broadcast_in_dim3A_56 : vector<8x1xf32> to vector<8x1024xf32>
    %add3A_58 = arith.addf %get3A_6, %add3A_57 : vector<8x1024xf32>
    %slice3A_59 = vector.extract_strided_slice %dot_general3A_16 {offsets = [32, 0], sizes = [8, 1024], strides = [1, 1]} : vector<576x1024xf32> to vector<8x1024xf32>
    %add3A_60 = arith.addf %add3A_58, %slice3A_59 : vector<8x1024xf32>
    %lt3A_61 = arith.cmpf olt, %add3A_60, %min3A_51 : vector<8x1024xf32>
    %min3A_62 = arith.minimumf %min3A_51, %add3A_60 : vector<8x1024xf32>
    %jit3A_63 = arith.constant 4 : i32
    %broadcast_in_dim3A_64 = vector.broadcast %jit3A_63 : i32 to vector<8x1024xi32>
    %select_n3A_65 = arith.select %lt3A_61, %broadcast_in_dim3A_64, %select_n3A_54 : vector<8x1024xi1>, vector<8x1024xi32>
    %slice3A_66 = vector.extract_strided_slice %reduce_sum3A_12 {offsets = [40], sizes = [8], strides = [1]} : vector<576xf32> to vector<8xf32>
    %broadcast_in_dim3A_67 = vector.shape_cast %slice3A_66 : vector<8xf32> to vector<8x1xf32>
    %add3A_68 = vector.broadcast %broadcast_in_dim3A_67 : vector<8x1xf32> to vector<8x1024xf32>
    %add3A_69 = arith.addf %get3A_6, %add3A_68 : vector<8x1024xf32>
    %slice3A_70 = vector.extract_strided_slice %dot_general3A_16 {offsets = [40, 0], sizes = [8, 1024], strides = [1, 1]} : vector<576x1024xf32> to vector<8x1024xf32>
    %add3A_71 = arith.addf %add3A_69, %slice3A_70 : vector<8x1024xf32>
    %lt3A_72 = arith.cmpf olt, %add3A_71, %min3A_62 : vector<8x1024xf32>
    %min3A_73 = arith.minimumf %min3A_62, %add3A_71 : vector<8x1024xf32>
    %jit3A_74 = arith.constant 5 : i32
    %broadcast_in_dim3A_75 = vector.broadcast %jit3A_74 : i32 to vector<8x1024xi32>
    %select_n3A_76 = arith.select %lt3A_72, %broadcast_in_dim3A_75, %select_n3A_65 : vector<8x1024xi1>, vector<8x1024xi32>
    %slice3A_77 = vector.extract_strided_slice %reduce_sum3A_12 {offsets = [48], sizes = [8], strides = [1]} : vector<576xf32> to vector<8xf32>
    %broadcast_in_dim3A_78 = vector.shape_cast %slice3A_77 : vector<8xf32> to vector<8x1xf32>
    %add3A_79 = vector.broadcast %broadcast_in_dim3A_78 : vector<8x1xf32> to vector<8x1024xf32>
    %add3A_80 = arith.addf %get3A_6, %add3A_79 : vector<8x1024xf32>
    %slice3A_81 = vector.extract_strided_slice %dot_general3A_16 {offsets = [48, 0], sizes = [8, 1024], strides = [1, 1]} : vector<576x1024xf32> to vector<8x1024xf32>
    %add3A_82 = arith.addf %add3A_80, %slice3A_81 : vector<8x1024xf32>
    %lt3A_83 = arith.cmpf olt, %add3A_82, %min3A_73 : vector<8x1024xf32>
    %min3A_84 = arith.minimumf %min3A_73, %add3A_82 : vector<8x1024xf32>
    %jit3A_85 = arith.constant 6 : i32
    %broadcast_in_dim3A_86 = vector.broadcast %jit3A_85 : i32 to vector<8x1024xi32>
    %select_n3A_87 = arith.select %lt3A_83, %broadcast_in_dim3A_86, %select_n3A_76 : vector<8x1024xi1>, vector<8x1024xi32>
    %slice3A_88 = vector.extract_strided_slice %reduce_sum3A_12 {offsets = [56], sizes = [8], strides = [1]} : vector<576xf32> to vector<8xf32>
    %broadcast_in_dim3A_89 = vector.shape_cast %slice3A_88 : vector<8xf32> to vector<8x1xf32>
    %add3A_90 = vector.broadcast %broadcast_in_dim3A_89 : vector<8x1xf32> to vector<8x1024xf32>
    %add3A_91 = arith.addf %get3A_6, %add3A_90 : vector<8x1024xf32>
    %slice3A_92 = vector.extract_strided_slice %dot_general3A_16 {offsets = [56, 0], sizes = [8, 1024], strides = [1, 1]} : vector<576x1024xf32> to vector<8x1024xf32>
    %add3A_93 = arith.addf %add3A_91, %slice3A_92 : vector<8x1024xf32>
    %lt3A_94 = arith.cmpf olt, %add3A_93, %min3A_84 : vector<8x1024xf32>
    %min3A_95 = arith.minimumf %min3A_84, %add3A_93 : vector<8x1024xf32>
    %jit3A_96 = arith.constant 7 : i32
    %broadcast_in_dim3A_97 = vector.broadcast %jit3A_96 : i32 to vector<8x1024xi32>
    %select_n3A_98 = arith.select %lt3A_94, %broadcast_in_dim3A_97, %select_n3A_87 : vector<8x1024xi1>, vector<8x1024xi32>
    %slice3A_99 = vector.extract_strided_slice %reduce_sum3A_12 {offsets = [64], sizes = [8], strides = [1]} : vector<576xf32> to vector<8xf32>
    %broadcast_in_dim3A_100 = vector.shape_cast %slice3A_99 : vector<8xf32> to vector<8x1xf32>
    %add3A_101 = vector.broadcast %broadcast_in_dim3A_100 : vector<8x1xf32> to vector<8x1024xf32>
    %add3A_102 = arith.addf %get3A_6, %add3A_101 : vector<8x1024xf32>
    %slice3A_103 = vector.extract_strided_slice %dot_general3A_16 {offsets = [64, 0], sizes = [8, 1024], strides = [1, 1]} : vector<576x1024xf32> to vector<8x1024xf32>
    %add3A_104 = arith.addf %add3A_102, %slice3A_103 : vector<8x1024xf32>
    %lt3A_105 = arith.cmpf olt, %add3A_104, %min3A_95 : vector<8x1024xf32>
    %min3A_106 = arith.minimumf %min3A_95, %add3A_104 : vector<8x1024xf32>
    %jit3A_107 = arith.constant 8 : i32
    %broadcast_in_dim3A_108 = vector.broadcast %jit3A_107 : i32 to vector<8x1024xi32>
    %select_n3A_109 = arith.select %lt3A_105, %broadcast_in_dim3A_108, %select_n3A_98 : vector<8x1024xi1>, vector<8x1024xi32>
    %slice3A_110 = vector.extract_strided_slice %reduce_sum3A_12 {offsets = [72], sizes = [8], strides = [1]} : vector<576xf32> to vector<8xf32>
    %broadcast_in_dim3A_111 = vector.shape_cast %slice3A_110 : vector<8xf32> to vector<8x1xf32>
    %add3A_112 = vector.broadcast %broadcast_in_dim3A_111 : vector<8x1xf32> to vector<8x1024xf32>
    %add3A_113 = arith.addf %get3A_6, %add3A_112 : vector<8x1024xf32>
    %slice3A_114 = vector.extract_strided_slice %dot_general3A_16 {offsets = [72, 0], sizes = [8, 1024], strides = [1, 1]} : vector<576x1024xf32> to vector<8x1024xf32>
    %add3A_115 = arith.addf %add3A_113, %slice3A_114 : vector<8x1024xf32>
    %lt3A_116 = arith.cmpf olt, %add3A_115, %min3A_106 : vector<8x1024xf32>
    %min3A_117 = arith.minimumf %min3A_106, %add3A_115 : vector<8x1024xf32>
    %jit3A_118 = arith.constant 9 : i32
    %broadcast_in_dim3A_119 = vector.broadcast %jit3A_118 : i32 to vector<8x1024xi32>
    %select_n3A_120 = arith.select %lt3A_116, %broadcast_in_dim3A_119, %select_n3A_109 : vector<8x1024xi1>, vector<8x1024xi32>
    %slice3A_121 = vector.extract_strided_slice %reduce_sum3A_12 {offsets = [80], sizes = [8], strides = [1]} : vector<576xf32> to vector<8xf32>
    %broadcast_in_dim3A_122 = vector.shape_cast %slice3A_121 : vector<8xf32> to vector<8x1xf32>
    %add3A_123 = vector.broadcast %broadcast_in_dim3A_122 : vector<8x1xf32> to vector<8x1024xf32>
    %add3A_124 = arith.addf %get3A_6, %add3A_123 : vector<8x1024xf32>
    %slice3A_125 = vector.extract_strided_slice %dot_general3A_16 {offsets = [80, 0], sizes = [8, 1024], strides = [1, 1]} : vector<576x1024xf32> to vector<8x1024xf32>
    %add3A_126 = arith.addf %add3A_124, %slice3A_125 : vector<8x1024xf32>
    %lt3A_127 = arith.cmpf olt, %add3A_126, %min3A_117 : vector<8x1024xf32>
    %min3A_128 = arith.minimumf %min3A_117, %add3A_126 : vector<8x1024xf32>
    %jit3A_129 = arith.constant 10 : i32
    %broadcast_in_dim3A_130 = vector.broadcast %jit3A_129 : i32 to vector<8x1024xi32>
    %select_n3A_131 = arith.select %lt3A_127, %broadcast_in_dim3A_130, %select_n3A_120 : vector<8x1024xi1>, vector<8x1024xi32>
    %slice3A_132 = vector.extract_strided_slice %reduce_sum3A_12 {offsets = [88], sizes = [8], strides = [1]} : vector<576xf32> to vector<8xf32>
    %broadcast_in_dim3A_133 = vector.shape_cast %slice3A_132 : vector<8xf32> to vector<8x1xf32>
    %add3A_134 = vector.broadcast %broadcast_in_dim3A_133 : vector<8x1xf32> to vector<8x1024xf32>
    %add3A_135 = arith.addf %get3A_6, %add3A_134 : vector<8x1024xf32>
    %slice3A_136 = vector.extract_strided_slice %dot_general3A_16 {offsets = [88, 0], sizes = [8, 1024], strides = [1, 1]} : vector<576x1024xf32> to vector<8x1024xf32>
    %add3A_137 = arith.addf %add3A_135, %slice3A_136 : vector<8x1024xf32>
    %lt3A_138 = arith.cmpf olt, %add3A_137, %min3A_128 : vector<8x1024xf32>
    %min3A_139 = arith.minimumf %min3A_128, %add3A_137 : vector<8x1024xf32>
    %jit3A_140 = arith.constant 11 : i32
    %broadcast_in_dim3A_141 = vector.broadcast %jit3A_140 : i32 to vector<8x1024xi32>
    %select_n3A_142 = arith.select %lt3A_138, %broadcast_in_dim3A_141, %select_n3A_131 : vector<8x1024xi1>, vector<8x1024xi32>
    %slice3A_143 = vector.extract_strided_slice %reduce_sum3A_12 {offsets = [96], sizes = [8], strides = [1]} : vector<576xf32> to vector<8xf32>
    %broadcast_in_dim3A_144 = vector.shape_cast %slice3A_143 : vector<8xf32> to vector<8x1xf32>
    %add3A_145 = vector.broadcast %broadcast_in_dim3A_144 : vector<8x1xf32> to vector<8x1024xf32>
    %add3A_146 = arith.addf %get3A_6, %add3A_145 : vector<8x1024xf32>
    %slice3A_147 = vector.extract_strided_slice %dot_general3A_16 {offsets = [96, 0], sizes = [8, 1024], strides = [1, 1]} : vector<576x1024xf32> to vector<8x1024xf32>
    %add3A_148 = arith.addf %add3A_146, %slice3A_147 : vector<8x1024xf32>
    %lt3A_149 = arith.cmpf olt, %add3A_148, %min3A_139 : vector<8x1024xf32>
    %min3A_150 = arith.minimumf %min3A_139, %add3A_148 : vector<8x1024xf32>
    %jit3A_151 = arith.constant 12 : i32
    %broadcast_in_dim3A_152 = vector.broadcast %jit3A_151 : i32 to vector<8x1024xi32>
    %select_n3A_153 = arith.select %lt3A_149, %broadcast_in_dim3A_152, %select_n3A_142 : vector<8x1024xi1>, vector<8x1024xi32>
    %slice3A_154 = vector.extract_strided_slice %reduce_sum3A_12 {offsets = [104], sizes = [8], strides = [1]} : vector<576xf32> to vector<8xf32>
    %broadcast_in_dim3A_155 = vector.shape_cast %slice3A_154 : vector<8xf32> to vector<8x1xf32>
    %add3A_156 = vector.broadcast %broadcast_in_dim3A_155 : vector<8x1xf32> to vector<8x1024xf32>
    %add3A_157 = arith.addf %get3A_6, %add3A_156 : vector<8x1024xf32>
    %slice3A_158 = vector.extract_strided_slice %dot_general3A_16 {offsets = [104, 0], sizes = [8, 1024], strides = [1, 1]} : vector<576x1024xf32> to vector<8x1024xf32>
    %add3A_159 = arith.addf %add3A_157, %slice3A_158 : vector<8x1024xf32>
    %lt3A_160 = arith.cmpf olt, %add3A_159, %min3A_150 : vector<8x1024xf32>
    %min3A_161 = arith.minimumf %min3A_150, %add3A_159 : vector<8x1024xf32>
    %jit3A_162 = arith.constant 13 : i32
    %broadcast_in_dim3A_163 = vector.broadcast %jit3A_162 : i32 to vector<8x1024xi32>
    %select_n3A_164 = arith.select %lt3A_160, %broadcast_in_dim3A_163, %select_n3A_153 : vector<8x1024xi1>, vector<8x1024xi32>
    %slice3A_165 = vector.extract_strided_slice %reduce_sum3A_12 {offsets = [112], sizes = [8], strides = [1]} : vector<576xf32> to vector<8xf32>
    %broadcast_in_dim3A_166 = vector.shape_cast %slice3A_165 : vector<8xf32> to vector<8x1xf32>
    %add3A_167 = vector.broadcast %broadcast_in_dim3A_166 : vector<8x1xf32> to vector<8x1024xf32>
    %add3A_168 = arith.addf %get3A_6, %add3A_167 : vector<8x1024xf32>
    %slice3A_169 = vector.extract_strided_slice %dot_general3A_16 {offsets = [112, 0], sizes = [8, 1024], strides = [1, 1]} : vector<576x1024xf32> to vector<8x1024xf32>
    %add3A_170 = arith.addf %add3A_168, %slice3A_169 : vector<8x1024xf32>
    %lt3A_171 = arith.cmpf olt, %add3A_170, %min3A_161 : vector<8x1024xf32>
    %min3A_172 = arith.minimumf %min3A_161, %add3A_170 : vector<8x1024xf32>
    %jit3A_173 = arith.constant 14 : i32
    %broadcast_in_dim3A_174 = vector.broadcast %jit3A_173 : i32 to vector<8x1024xi32>
    %select_n3A_175 = arith.select %lt3A_171, %broadcast_in_dim3A_174, %select_n3A_164 : vector<8x1024xi1>, vector<8x1024xi32>
    %slice3A_176 = vector.extract_strided_slice %reduce_sum3A_12 {offsets = [120], sizes = [8], strides = [1]} : vector<576xf32> to vector<8xf32>
    %broadcast_in_dim3A_177 = vector.shape_cast %slice3A_176 : vector<8xf32> to vector<8x1xf32>
    %add3A_178 = vector.broadcast %broadcast_in_dim3A_177 : vector<8x1xf32> to vector<8x1024xf32>
    %add3A_179 = arith.addf %get3A_6, %add3A_178 : vector<8x1024xf32>
    %slice3A_180 = vector.extract_strided_slice %dot_general3A_16 {offsets = [120, 0], sizes = [8, 1024], strides = [1, 1]} : vector<576x1024xf32> to vector<8x1024xf32>
    %add3A_181 = arith.addf %add3A_179, %slice3A_180 : vector<8x1024xf32>
    %lt3A_182 = arith.cmpf olt, %add3A_181, %min3A_172 : vector<8x1024xf32>
    %min3A_183 = arith.minimumf %min3A_172, %add3A_181 : vector<8x1024xf32>
    %jit3A_184 = arith.constant 15 : i32
    %broadcast_in_dim3A_185 = vector.broadcast %jit3A_184 : i32 to vector<8x1024xi32>
    %select_n3A_186 = arith.select %lt3A_182, %broadcast_in_dim3A_185, %select_n3A_175 : vector<8x1024xi1>, vector<8x1024xi32>
    %slice3A_187 = vector.extract_strided_slice %reduce_sum3A_12 {offsets = [128], sizes = [8], strides = [1]} : vector<576xf32> to vector<8xf32>
    %broadcast_in_dim3A_188 = vector.shape_cast %slice3A_187 : vector<8xf32> to vector<8x1xf32>
    %add3A_189 = vector.broadcast %broadcast_in_dim3A_188 : vector<8x1xf32> to vector<8x1024xf32>
    %add3A_190 = arith.addf %get3A_6, %add3A_189 : vector<8x1024xf32>
    %slice3A_191 = vector.extract_strided_slice %dot_general3A_16 {offsets = [128, 0], sizes = [8, 1024], strides = [1, 1]} : vector<576x1024xf32> to vector<8x1024xf32>
    %add3A_192 = arith.addf %add3A_190, %slice3A_191 : vector<8x1024xf32>
    %lt3A_193 = arith.cmpf olt, %add3A_192, %min3A_183 : vector<8x1024xf32>
    %min3A_194 = arith.minimumf %min3A_183, %add3A_192 : vector<8x1024xf32>
    %jit3A_195 = arith.constant 16 : i32
    %broadcast_in_dim3A_196 = vector.broadcast %jit3A_195 : i32 to vector<8x1024xi32>
    %select_n3A_197 = arith.select %lt3A_193, %broadcast_in_dim3A_196, %select_n3A_186 : vector<8x1024xi1>, vector<8x1024xi32>
    %slice3A_198 = vector.extract_strided_slice %reduce_sum3A_12 {offsets = [136], sizes = [8], strides = [1]} : vector<576xf32> to vector<8xf32>
    %broadcast_in_dim3A_199 = vector.shape_cast %slice3A_198 : vector<8xf32> to vector<8x1xf32>
    %add3A_200 = vector.broadcast %broadcast_in_dim3A_199 : vector<8x1xf32> to vector<8x1024xf32>
    %add3A_201 = arith.addf %get3A_6, %add3A_200 : vector<8x1024xf32>
    %slice3A_202 = vector.extract_strided_slice %dot_general3A_16 {offsets = [136, 0], sizes = [8, 1024], strides = [1, 1]} : vector<576x1024xf32> to vector<8x1024xf32>
    %add3A_203 = arith.addf %add3A_201, %slice3A_202 : vector<8x1024xf32>
    %lt3A_204 = arith.cmpf olt, %add3A_203, %min3A_194 : vector<8x1024xf32>
    %min3A_205 = arith.minimumf %min3A_194, %add3A_203 : vector<8x1024xf32>
    %jit3A_206 = arith.constant 17 : i32
    %broadcast_in_dim3A_207 = vector.broadcast %jit3A_206 : i32 to vector<8x1024xi32>
    %select_n3A_208 = arith.select %lt3A_204, %broadcast_in_dim3A_207, %select_n3A_197 : vector<8x1024xi1>, vector<8x1024xi32>
    %slice3A_209 = vector.extract_strided_slice %reduce_sum3A_12 {offsets = [144], sizes = [8], strides = [1]} : vector<576xf32> to vector<8xf32>
    %broadcast_in_dim3A_210 = vector.shape_cast %slice3A_209 : vector<8xf32> to vector<8x1xf32>
    %add3A_211 = vector.broadcast %broadcast_in_dim3A_210 : vector<8x1xf32> to vector<8x1024xf32>
    %add3A_212 = arith.addf %get3A_6, %add3A_211 : vector<8x1024xf32>
    %slice3A_213 = vector.extract_strided_slice %dot_general3A_16 {offsets = [144, 0], sizes = [8, 1024], strides = [1, 1]} : vector<576x1024xf32> to vector<8x1024xf32>
    %add3A_214 = arith.addf %add3A_212, %slice3A_213 : vector<8x1024xf32>
    %lt3A_215 = arith.cmpf olt, %add3A_214, %min3A_205 : vector<8x1024xf32>
    %min3A_216 = arith.minimumf %min3A_205, %add3A_214 : vector<8x1024xf32>
    %jit3A_217 = arith.constant 18 : i32
    %broadcast_in_dim3A_218 = vector.broadcast %jit3A_217 : i32 to vector<8x1024xi32>
    %select_n3A_219 = arith.select %lt3A_215, %broadcast_in_dim3A_218, %select_n3A_208 : vector<8x1024xi1>, vector<8x1024xi32>
    %slice3A_220 = vector.extract_strided_slice %reduce_sum3A_12 {offsets = [152], sizes = [8], strides = [1]} : vector<576xf32> to vector<8xf32>
    %broadcast_in_dim3A_221 = vector.shape_cast %slice3A_220 : vector<8xf32> to vector<8x1xf32>
    %add3A_222 = vector.broadcast %broadcast_in_dim3A_221 : vector<8x1xf32> to vector<8x1024xf32>
    %add3A_223 = arith.addf %get3A_6, %add3A_222 : vector<8x1024xf32>
    %slice3A_224 = vector.extract_strided_slice %dot_general3A_16 {offsets = [152, 0], sizes = [8, 1024], strides = [1, 1]} : vector<576x1024xf32> to vector<8x1024xf32>
    %add3A_225 = arith.addf %add3A_223, %slice3A_224 : vector<8x1024xf32>
    %lt3A_226 = arith.cmpf olt, %add3A_225, %min3A_216 : vector<8x1024xf32>
    %min3A_227 = arith.minimumf %min3A_216, %add3A_225 : vector<8x1024xf32>
    %jit3A_228 = arith.constant 19 : i32
    %broadcast_in_dim3A_229 = vector.broadcast %jit3A_228 : i32 to vector<8x1024xi32>
    %select_n3A_230 = arith.select %lt3A_226, %broadcast_in_dim3A_229, %select_n3A_219 : vector<8x1024xi1>, vector<8x1024xi32>
    %slice3A_231 = vector.extract_strided_slice %reduce_sum3A_12 {offsets = [160], sizes = [8], strides = [1]} : vector<576xf32> to vector<8xf32>
    %broadcast_in_dim3A_232 = vector.shape_cast %slice3A_231 : vector<8xf32> to vector<8x1xf32>
    %add3A_233 = vector.broadcast %broadcast_in_dim3A_232 : vector<8x1xf32> to vector<8x1024xf32>
    %add3A_234 = arith.addf %get3A_6, %add3A_233 : vector<8x1024xf32>
    %slice3A_235 = vector.extract_strided_slice %dot_general3A_16 {offsets = [160, 0], sizes = [8, 1024], strides = [1, 1]} : vector<576x1024xf32> to vector<8x1024xf32>
    %add3A_236 = arith.addf %add3A_234, %slice3A_235 : vector<8x1024xf32>
    %lt3A_237 = arith.cmpf olt, %add3A_236, %min3A_227 : vector<8x1024xf32>
    %min3A_238 = arith.minimumf %min3A_227, %add3A_236 : vector<8x1024xf32>
    %jit3A_239 = arith.constant 20 : i32
    %broadcast_in_dim3A_240 = vector.broadcast %jit3A_239 : i32 to vector<8x1024xi32>
    %select_n3A_241 = arith.select %lt3A_237, %broadcast_in_dim3A_240, %select_n3A_230 : vector<8x1024xi1>, vector<8x1024xi32>
    %slice3A_242 = vector.extract_strided_slice %reduce_sum3A_12 {offsets = [168], sizes = [8], strides = [1]} : vector<576xf32> to vector<8xf32>
    %broadcast_in_dim3A_243 = vector.shape_cast %slice3A_242 : vector<8xf32> to vector<8x1xf32>
    %add3A_244 = vector.broadcast %broadcast_in_dim3A_243 : vector<8x1xf32> to vector<8x1024xf32>
    %add3A_245 = arith.addf %get3A_6, %add3A_244 : vector<8x1024xf32>
    %slice3A_246 = vector.extract_strided_slice %dot_general3A_16 {offsets = [168, 0], sizes = [8, 1024], strides = [1, 1]} : vector<576x1024xf32> to vector<8x1024xf32>
    %add3A_247 = arith.addf %add3A_245, %slice3A_246 : vector<8x1024xf32>
    %lt3A_248 = arith.cmpf olt, %add3A_247, %min3A_238 : vector<8x1024xf32>
    %min3A_249 = arith.minimumf %min3A_238, %add3A_247 : vector<8x1024xf32>
    %jit3A_250 = arith.constant 21 : i32
    %broadcast_in_dim3A_251 = vector.broadcast %jit3A_250 : i32 to vector<8x1024xi32>
    %select_n3A_252 = arith.select %lt3A_248, %broadcast_in_dim3A_251, %select_n3A_241 : vector<8x1024xi1>, vector<8x1024xi32>
    %slice3A_253 = vector.extract_strided_slice %reduce_sum3A_12 {offsets = [176], sizes = [8], strides = [1]} : vector<576xf32> to vector<8xf32>
    %broadcast_in_dim3A_254 = vector.shape_cast %slice3A_253 : vector<8xf32> to vector<8x1xf32>
    %add3A_255 = vector.broadcast %broadcast_in_dim3A_254 : vector<8x1xf32> to vector<8x1024xf32>
    %add3A_256 = arith.addf %get3A_6, %add3A_255 : vector<8x1024xf32>
    %slice3A_257 = vector.extract_strided_slice %dot_general3A_16 {offsets = [176, 0], sizes = [8, 1024], strides = [1, 1]} : vector<576x1024xf32> to vector<8x1024xf32>
    %add3A_258 = arith.addf %add3A_256, %slice3A_257 : vector<8x1024xf32>
    %lt3A_259 = arith.cmpf olt, %add3A_258, %min3A_249 : vector<8x1024xf32>
    %min3A_260 = arith.minimumf %min3A_249, %add3A_258 : vector<8x1024xf32>
    %jit3A_261 = arith.constant 22 : i32
    %broadcast_in_dim3A_262 = vector.broadcast %jit3A_261 : i32 to vector<8x1024xi32>
    %select_n3A_263 = arith.select %lt3A_259, %broadcast_in_dim3A_262, %select_n3A_252 : vector<8x1024xi1>, vector<8x1024xi32>
    %slice3A_264 = vector.extract_strided_slice %reduce_sum3A_12 {offsets = [184], sizes = [8], strides = [1]} : vector<576xf32> to vector<8xf32>
    %broadcast_in_dim3A_265 = vector.shape_cast %slice3A_264 : vector<8xf32> to vector<8x1xf32>
    %add3A_266 = vector.broadcast %broadcast_in_dim3A_265 : vector<8x1xf32> to vector<8x1024xf32>
    %add3A_267 = arith.addf %get3A_6, %add3A_266 : vector<8x1024xf32>
    %slice3A_268 = vector.extract_strided_slice %dot_general3A_16 {offsets = [184, 0], sizes = [8, 1024], strides = [1, 1]} : vector<576x1024xf32> to vector<8x1024xf32>
    %add3A_269 = arith.addf %add3A_267, %slice3A_268 : vector<8x1024xf32>
    %lt3A_270 = arith.cmpf olt, %add3A_269, %min3A_260 : vector<8x1024xf32>
    %min3A_271 = arith.minimumf %min3A_260, %add3A_269 : vector<8x1024xf32>
    %jit3A_272 = arith.constant 23 : i32
    %broadcast_in_dim3A_273 = vector.broadcast %jit3A_272 : i32 to vector<8x1024xi32>
    %select_n3A_274 = arith.select %lt3A_270, %broadcast_in_dim3A_273, %select_n3A_263 : vector<8x1024xi1>, vector<8x1024xi32>
    %slice3A_275 = vector.extract_strided_slice %reduce_sum3A_12 {offsets = [192], sizes = [8], strides = [1]} : vector<576xf32> to vector<8xf32>
    %broadcast_in_dim3A_276 = vector.shape_cast %slice3A_275 : vector<8xf32> to vector<8x1xf32>
    %add3A_277 = vector.broadcast %broadcast_in_dim3A_276 : vector<8x1xf32> to vector<8x1024xf32>
    %add3A_278 = arith.addf %get3A_6, %add3A_277 : vector<8x1024xf32>
    %slice3A_279 = vector.extract_strided_slice %dot_general3A_16 {offsets = [192, 0], sizes = [8, 1024], strides = [1, 1]} : vector<576x1024xf32> to vector<8x1024xf32>
    %add3A_280 = arith.addf %add3A_278, %slice3A_279 : vector<8x1024xf32>
    %lt3A_281 = arith.cmpf olt, %add3A_280, %min3A_271 : vector<8x1024xf32>
    %min3A_282 = arith.minimumf %min3A_271, %add3A_280 : vector<8x1024xf32>
    %jit3A_283 = arith.constant 24 : i32
    %broadcast_in_dim3A_284 = vector.broadcast %jit3A_283 : i32 to vector<8x1024xi32>
    %select_n3A_285 = arith.select %lt3A_281, %broadcast_in_dim3A_284, %select_n3A_274 : vector<8x1024xi1>, vector<8x1024xi32>
    %slice3A_286 = vector.extract_strided_slice %reduce_sum3A_12 {offsets = [200], sizes = [8], strides = [1]} : vector<576xf32> to vector<8xf32>
    %broadcast_in_dim3A_287 = vector.shape_cast %slice3A_286 : vector<8xf32> to vector<8x1xf32>
    %add3A_288 = vector.broadcast %broadcast_in_dim3A_287 : vector<8x1xf32> to vector<8x1024xf32>
    %add3A_289 = arith.addf %get3A_6, %add3A_288 : vector<8x1024xf32>
    %slice3A_290 = vector.extract_strided_slice %dot_general3A_16 {offsets = [200, 0], sizes = [8, 1024], strides = [1, 1]} : vector<576x1024xf32> to vector<8x1024xf32>
    %add3A_291 = arith.addf %add3A_289, %slice3A_290 : vector<8x1024xf32>
    %lt3A_292 = arith.cmpf olt, %add3A_291, %min3A_282 : vector<8x1024xf32>
    %min3A_293 = arith.minimumf %min3A_282, %add3A_291 : vector<8x1024xf32>
    %jit3A_294 = arith.constant 25 : i32
    %broadcast_in_dim3A_295 = vector.broadcast %jit3A_294 : i32 to vector<8x1024xi32>
    %select_n3A_296 = arith.select %lt3A_292, %broadcast_in_dim3A_295, %select_n3A_285 : vector<8x1024xi1>, vector<8x1024xi32>
    %slice3A_297 = vector.extract_strided_slice %reduce_sum3A_12 {offsets = [208], sizes = [8], strides = [1]} : vector<576xf32> to vector<8xf32>
    %broadcast_in_dim3A_298 = vector.shape_cast %slice3A_297 : vector<8xf32> to vector<8x1xf32>
    %add3A_299 = vector.broadcast %broadcast_in_dim3A_298 : vector<8x1xf32> to vector<8x1024xf32>
    %add3A_300 = arith.addf %get3A_6, %add3A_299 : vector<8x1024xf32>
    %slice3A_301 = vector.extract_strided_slice %dot_general3A_16 {offsets = [208, 0], sizes = [8, 1024], strides = [1, 1]} : vector<576x1024xf32> to vector<8x1024xf32>
    %add3A_302 = arith.addf %add3A_300, %slice3A_301 : vector<8x1024xf32>
    %lt3A_303 = arith.cmpf olt, %add3A_302, %min3A_293 : vector<8x1024xf32>
    %min3A_304 = arith.minimumf %min3A_293, %add3A_302 : vector<8x1024xf32>
    %jit3A_305 = arith.constant 26 : i32
    %broadcast_in_dim3A_306 = vector.broadcast %jit3A_305 : i32 to vector<8x1024xi32>
    %select_n3A_307 = arith.select %lt3A_303, %broadcast_in_dim3A_306, %select_n3A_296 : vector<8x1024xi1>, vector<8x1024xi32>
    %slice3A_308 = vector.extract_strided_slice %reduce_sum3A_12 {offsets = [216], sizes = [8], strides = [1]} : vector<576xf32> to vector<8xf32>
    %broadcast_in_dim3A_309 = vector.shape_cast %slice3A_308 : vector<8xf32> to vector<8x1xf32>
    %add3A_310 = vector.broadcast %broadcast_in_dim3A_309 : vector<8x1xf32> to vector<8x1024xf32>
    %add3A_311 = arith.addf %get3A_6, %add3A_310 : vector<8x1024xf32>
    %slice3A_312 = vector.extract_strided_slice %dot_general3A_16 {offsets = [216, 0], sizes = [8, 1024], strides = [1, 1]} : vector<576x1024xf32> to vector<8x1024xf32>
    %add3A_313 = arith.addf %add3A_311, %slice3A_312 : vector<8x1024xf32>
    %lt3A_314 = arith.cmpf olt, %add3A_313, %min3A_304 : vector<8x1024xf32>
    %min3A_315 = arith.minimumf %min3A_304, %add3A_313 : vector<8x1024xf32>
    %jit3A_316 = arith.constant 27 : i32
    %broadcast_in_dim3A_317 = vector.broadcast %jit3A_316 : i32 to vector<8x1024xi32>
    %select_n3A_318 = arith.select %lt3A_314, %broadcast_in_dim3A_317, %select_n3A_307 : vector<8x1024xi1>, vector<8x1024xi32>
    %slice3A_319 = vector.extract_strided_slice %reduce_sum3A_12 {offsets = [224], sizes = [8], strides = [1]} : vector<576xf32> to vector<8xf32>
    %broadcast_in_dim3A_320 = vector.shape_cast %slice3A_319 : vector<8xf32> to vector<8x1xf32>
    %add3A_321 = vector.broadcast %broadcast_in_dim3A_320 : vector<8x1xf32> to vector<8x1024xf32>
    %add3A_322 = arith.addf %get3A_6, %add3A_321 : vector<8x1024xf32>
    %slice3A_323 = vector.extract_strided_slice %dot_general3A_16 {offsets = [224, 0], sizes = [8, 1024], strides = [1, 1]} : vector<576x1024xf32> to vector<8x1024xf32>
    %add3A_324 = arith.addf %add3A_322, %slice3A_323 : vector<8x1024xf32>
    %lt3A_325 = arith.cmpf olt, %add3A_324, %min3A_315 : vector<8x1024xf32>
    %min3A_326 = arith.minimumf %min3A_315, %add3A_324 : vector<8x1024xf32>
    %jit3A_327 = arith.constant 28 : i32
    %broadcast_in_dim3A_328 = vector.broadcast %jit3A_327 : i32 to vector<8x1024xi32>
    %select_n3A_329 = arith.select %lt3A_325, %broadcast_in_dim3A_328, %select_n3A_318 : vector<8x1024xi1>, vector<8x1024xi32>
    %slice3A_330 = vector.extract_strided_slice %reduce_sum3A_12 {offsets = [232], sizes = [8], strides = [1]} : vector<576xf32> to vector<8xf32>
    %broadcast_in_dim3A_331 = vector.shape_cast %slice3A_330 : vector<8xf32> to vector<8x1xf32>
    %add3A_332 = vector.broadcast %broadcast_in_dim3A_331 : vector<8x1xf32> to vector<8x1024xf32>
    %add3A_333 = arith.addf %get3A_6, %add3A_332 : vector<8x1024xf32>
    %slice3A_334 = vector.extract_strided_slice %dot_general3A_16 {offsets = [232, 0], sizes = [8, 1024], strides = [1, 1]} : vector<576x1024xf32> to vector<8x1024xf32>
    %add3A_335 = arith.addf %add3A_333, %slice3A_334 : vector<8x1024xf32>
    %lt3A_336 = arith.cmpf olt, %add3A_335, %min3A_326 : vector<8x1024xf32>
    %min3A_337 = arith.minimumf %min3A_326, %add3A_335 : vector<8x1024xf32>
    %jit3A_338 = arith.constant 29 : i32
    %broadcast_in_dim3A_339 = vector.broadcast %jit3A_338 : i32 to vector<8x1024xi32>
    %select_n3A_340 = arith.select %lt3A_336, %broadcast_in_dim3A_339, %select_n3A_329 : vector<8x1024xi1>, vector<8x1024xi32>
    %slice3A_341 = vector.extract_strided_slice %reduce_sum3A_12 {offsets = [240], sizes = [8], strides = [1]} : vector<576xf32> to vector<8xf32>
    %broadcast_in_dim3A_342 = vector.shape_cast %slice3A_341 : vector<8xf32> to vector<8x1xf32>
    %add3A_343 = vector.broadcast %broadcast_in_dim3A_342 : vector<8x1xf32> to vector<8x1024xf32>
    %add3A_344 = arith.addf %get3A_6, %add3A_343 : vector<8x1024xf32>
    %slice3A_345 = vector.extract_strided_slice %dot_general3A_16 {offsets = [240, 0], sizes = [8, 1024], strides = [1, 1]} : vector<576x1024xf32> to vector<8x1024xf32>
    %add3A_346 = arith.addf %add3A_344, %slice3A_345 : vector<8x1024xf32>
    %lt3A_347 = arith.cmpf olt, %add3A_346, %min3A_337 : vector<8x1024xf32>
    %min3A_348 = arith.minimumf %min3A_337, %add3A_346 : vector<8x1024xf32>
    %jit3A_349 = arith.constant 30 : i32
    %broadcast_in_dim3A_350 = vector.broadcast %jit3A_349 : i32 to vector<8x1024xi32>
    %select_n3A_351 = arith.select %lt3A_347, %broadcast_in_dim3A_350, %select_n3A_340 : vector<8x1024xi1>, vector<8x1024xi32>
    %slice3A_352 = vector.extract_strided_slice %reduce_sum3A_12 {offsets = [248], sizes = [8], strides = [1]} : vector<576xf32> to vector<8xf32>
    %broadcast_in_dim3A_353 = vector.shape_cast %slice3A_352 : vector<8xf32> to vector<8x1xf32>
    %add3A_354 = vector.broadcast %broadcast_in_dim3A_353 : vector<8x1xf32> to vector<8x1024xf32>
    %add3A_355 = arith.addf %get3A_6, %add3A_354 : vector<8x1024xf32>
    %slice3A_356 = vector.extract_strided_slice %dot_general3A_16 {offsets = [248, 0], sizes = [8, 1024], strides = [1, 1]} : vector<576x1024xf32> to vector<8x1024xf32>
    %add3A_357 = arith.addf %add3A_355, %slice3A_356 : vector<8x1024xf32>
    %lt3A_358 = arith.cmpf olt, %add3A_357, %min3A_348 : vector<8x1024xf32>
    %min3A_359 = arith.minimumf %min3A_348, %add3A_357 : vector<8x1024xf32>
    %jit3A_360 = arith.constant 31 : i32
    %broadcast_in_dim3A_361 = vector.broadcast %jit3A_360 : i32 to vector<8x1024xi32>
    %select_n3A_362 = arith.select %lt3A_358, %broadcast_in_dim3A_361, %select_n3A_351 : vector<8x1024xi1>, vector<8x1024xi32>
    %slice3A_363 = vector.extract_strided_slice %reduce_sum3A_12 {offsets = [256], sizes = [8], strides = [1]} : vector<576xf32> to vector<8xf32>
    %broadcast_in_dim3A_364 = vector.shape_cast %slice3A_363 : vector<8xf32> to vector<8x1xf32>
    %add3A_365 = vector.broadcast %broadcast_in_dim3A_364 : vector<8x1xf32> to vector<8x1024xf32>
    %add3A_366 = arith.addf %get3A_6, %add3A_365 : vector<8x1024xf32>
    %slice3A_367 = vector.extract_strided_slice %dot_general3A_16 {offsets = [256, 0], sizes = [8, 1024], strides = [1, 1]} : vector<576x1024xf32> to vector<8x1024xf32>
    %add3A_368 = arith.addf %add3A_366, %slice3A_367 : vector<8x1024xf32>
    %lt3A_369 = arith.cmpf olt, %add3A_368, %min3A_359 : vector<8x1024xf32>
    %min3A_370 = arith.minimumf %min3A_359, %add3A_368 : vector<8x1024xf32>
    %jit3A_371 = arith.constant 32 : i32
    %broadcast_in_dim3A_372 = vector.broadcast %jit3A_371 : i32 to vector<8x1024xi32>
    %select_n3A_373 = arith.select %lt3A_369, %broadcast_in_dim3A_372, %select_n3A_362 : vector<8x1024xi1>, vector<8x1024xi32>
    %slice3A_374 = vector.extract_strided_slice %reduce_sum3A_12 {offsets = [264], sizes = [8], strides = [1]} : vector<576xf32> to vector<8xf32>
    %broadcast_in_dim3A_375 = vector.shape_cast %slice3A_374 : vector<8xf32> to vector<8x1xf32>
    %add3A_376 = vector.broadcast %broadcast_in_dim3A_375 : vector<8x1xf32> to vector<8x1024xf32>
    %add3A_377 = arith.addf %get3A_6, %add3A_376 : vector<8x1024xf32>
    %slice3A_378 = vector.extract_strided_slice %dot_general3A_16 {offsets = [264, 0], sizes = [8, 1024], strides = [1, 1]} : vector<576x1024xf32> to vector<8x1024xf32>
    %add3A_379 = arith.addf %add3A_377, %slice3A_378 : vector<8x1024xf32>
    %lt3A_380 = arith.cmpf olt, %add3A_379, %min3A_370 : vector<8x1024xf32>
    %min3A_381 = arith.minimumf %min3A_370, %add3A_379 : vector<8x1024xf32>
    %jit3A_382 = arith.constant 33 : i32
    %broadcast_in_dim3A_383 = vector.broadcast %jit3A_382 : i32 to vector<8x1024xi32>
    %select_n3A_384 = arith.select %lt3A_380, %broadcast_in_dim3A_383, %select_n3A_373 : vector<8x1024xi1>, vector<8x1024xi32>
    %slice3A_385 = vector.extract_strided_slice %reduce_sum3A_12 {offsets = [272], sizes = [8], strides = [1]} : vector<576xf32> to vector<8xf32>
    %broadcast_in_dim3A_386 = vector.shape_cast %slice3A_385 : vector<8xf32> to vector<8x1xf32>
    %add3A_387 = vector.broadcast %broadcast_in_dim3A_386 : vector<8x1xf32> to vector<8x1024xf32>
    %add3A_388 = arith.addf %get3A_6, %add3A_387 : vector<8x1024xf32>
    %slice3A_389 = vector.extract_strided_slice %dot_general3A_16 {offsets = [272, 0], sizes = [8, 1024], strides = [1, 1]} : vector<576x1024xf32> to vector<8x1024xf32>
    %add3A_390 = arith.addf %add3A_388, %slice3A_389 : vector<8x1024xf32>
    %lt3A_391 = arith.cmpf olt, %add3A_390, %min3A_381 : vector<8x1024xf32>
    %min3A_392 = arith.minimumf %min3A_381, %add3A_390 : vector<8x1024xf32>
    %jit3A_393 = arith.constant 34 : i32
    %broadcast_in_dim3A_394 = vector.broadcast %jit3A_393 : i32 to vector<8x1024xi32>
    %select_n3A_395 = arith.select %lt3A_391, %broadcast_in_dim3A_394, %select_n3A_384 : vector<8x1024xi1>, vector<8x1024xi32>
    %slice3A_396 = vector.extract_strided_slice %reduce_sum3A_12 {offsets = [280], sizes = [8], strides = [1]} : vector<576xf32> to vector<8xf32>
    %broadcast_in_dim3A_397 = vector.shape_cast %slice3A_396 : vector<8xf32> to vector<8x1xf32>
    %add3A_398 = vector.broadcast %broadcast_in_dim3A_397 : vector<8x1xf32> to vector<8x1024xf32>
    %add3A_399 = arith.addf %get3A_6, %add3A_398 : vector<8x1024xf32>
    %slice3A_400 = vector.extract_strided_slice %dot_general3A_16 {offsets = [280, 0], sizes = [8, 1024], strides = [1, 1]} : vector<576x1024xf32> to vector<8x1024xf32>
    %add3A_401 = arith.addf %add3A_399, %slice3A_400 : vector<8x1024xf32>
    %lt3A_402 = arith.cmpf olt, %add3A_401, %min3A_392 : vector<8x1024xf32>
    %min3A_403 = arith.minimumf %min3A_392, %add3A_401 : vector<8x1024xf32>
    %jit3A_404 = arith.constant 35 : i32
    %broadcast_in_dim3A_405 = vector.broadcast %jit3A_404 : i32 to vector<8x1024xi32>
    %select_n3A_406 = arith.select %lt3A_402, %broadcast_in_dim3A_405, %select_n3A_395 : vector<8x1024xi1>, vector<8x1024xi32>
    %slice3A_407 = vector.extract_strided_slice %reduce_sum3A_12 {offsets = [288], sizes = [8], strides = [1]} : vector<576xf32> to vector<8xf32>
    %broadcast_in_dim3A_408 = vector.shape_cast %slice3A_407 : vector<8xf32> to vector<8x1xf32>
    %add3A_409 = vector.broadcast %broadcast_in_dim3A_408 : vector<8x1xf32> to vector<8x1024xf32>
    %add3A_410 = arith.addf %get3A_6, %add3A_409 : vector<8x1024xf32>
    %slice3A_411 = vector.extract_strided_slice %dot_general3A_16 {offsets = [288, 0], sizes = [8, 1024], strides = [1, 1]} : vector<576x1024xf32> to vector<8x1024xf32>
    %add3A_412 = arith.addf %add3A_410, %slice3A_411 : vector<8x1024xf32>
    %lt3A_413 = arith.cmpf olt, %add3A_412, %min3A_403 : vector<8x1024xf32>
    %min3A_414 = arith.minimumf %min3A_403, %add3A_412 : vector<8x1024xf32>
    %jit3A_415 = arith.constant 36 : i32
    %broadcast_in_dim3A_416 = vector.broadcast %jit3A_415 : i32 to vector<8x1024xi32>
    %select_n3A_417 = arith.select %lt3A_413, %broadcast_in_dim3A_416, %select_n3A_406 : vector<8x1024xi1>, vector<8x1024xi32>
    %slice3A_418 = vector.extract_strided_slice %reduce_sum3A_12 {offsets = [296], sizes = [8], strides = [1]} : vector<576xf32> to vector<8xf32>
    %broadcast_in_dim3A_419 = vector.shape_cast %slice3A_418 : vector<8xf32> to vector<8x1xf32>
    %add3A_420 = vector.broadcast %broadcast_in_dim3A_419 : vector<8x1xf32> to vector<8x1024xf32>
    %add3A_421 = arith.addf %get3A_6, %add3A_420 : vector<8x1024xf32>
    %slice3A_422 = vector.extract_strided_slice %dot_general3A_16 {offsets = [296, 0], sizes = [8, 1024], strides = [1, 1]} : vector<576x1024xf32> to vector<8x1024xf32>
    %add3A_423 = arith.addf %add3A_421, %slice3A_422 : vector<8x1024xf32>
    %lt3A_424 = arith.cmpf olt, %add3A_423, %min3A_414 : vector<8x1024xf32>
    %min3A_425 = arith.minimumf %min3A_414, %add3A_423 : vector<8x1024xf32>
    %jit3A_426 = arith.constant 37 : i32
    %broadcast_in_dim3A_427 = vector.broadcast %jit3A_426 : i32 to vector<8x1024xi32>
    %select_n3A_428 = arith.select %lt3A_424, %broadcast_in_dim3A_427, %select_n3A_417 : vector<8x1024xi1>, vector<8x1024xi32>
    %slice3A_429 = vector.extract_strided_slice %reduce_sum3A_12 {offsets = [304], sizes = [8], strides = [1]} : vector<576xf32> to vector<8xf32>
    %broadcast_in_dim3A_430 = vector.shape_cast %slice3A_429 : vector<8xf32> to vector<8x1xf32>
    %add3A_431 = vector.broadcast %broadcast_in_dim3A_430 : vector<8x1xf32> to vector<8x1024xf32>
    %add3A_432 = arith.addf %get3A_6, %add3A_431 : vector<8x1024xf32>
    %slice3A_433 = vector.extract_strided_slice %dot_general3A_16 {offsets = [304, 0], sizes = [8, 1024], strides = [1, 1]} : vector<576x1024xf32> to vector<8x1024xf32>
    %add3A_434 = arith.addf %add3A_432, %slice3A_433 : vector<8x1024xf32>
    %lt3A_435 = arith.cmpf olt, %add3A_434, %min3A_425 : vector<8x1024xf32>
    %min3A_436 = arith.minimumf %min3A_425, %add3A_434 : vector<8x1024xf32>
    %jit3A_437 = arith.constant 38 : i32
    %broadcast_in_dim3A_438 = vector.broadcast %jit3A_437 : i32 to vector<8x1024xi32>
    %select_n3A_439 = arith.select %lt3A_435, %broadcast_in_dim3A_438, %select_n3A_428 : vector<8x1024xi1>, vector<8x1024xi32>
    %slice3A_440 = vector.extract_strided_slice %reduce_sum3A_12 {offsets = [312], sizes = [8], strides = [1]} : vector<576xf32> to vector<8xf32>
    %broadcast_in_dim3A_441 = vector.shape_cast %slice3A_440 : vector<8xf32> to vector<8x1xf32>
    %add3A_442 = vector.broadcast %broadcast_in_dim3A_441 : vector<8x1xf32> to vector<8x1024xf32>
    %add3A_443 = arith.addf %get3A_6, %add3A_442 : vector<8x1024xf32>
    %slice3A_444 = vector.extract_strided_slice %dot_general3A_16 {offsets = [312, 0], sizes = [8, 1024], strides = [1, 1]} : vector<576x1024xf32> to vector<8x1024xf32>
    %add3A_445 = arith.addf %add3A_443, %slice3A_444 : vector<8x1024xf32>
    %lt3A_446 = arith.cmpf olt, %add3A_445, %min3A_436 : vector<8x1024xf32>
    %min3A_447 = arith.minimumf %min3A_436, %add3A_445 : vector<8x1024xf32>
    %jit3A_448 = arith.constant 39 : i32
    %broadcast_in_dim3A_449 = vector.broadcast %jit3A_448 : i32 to vector<8x1024xi32>
    %select_n3A_450 = arith.select %lt3A_446, %broadcast_in_dim3A_449, %select_n3A_439 : vector<8x1024xi1>, vector<8x1024xi32>
    %slice3A_451 = vector.extract_strided_slice %reduce_sum3A_12 {offsets = [320], sizes = [8], strides = [1]} : vector<576xf32> to vector<8xf32>
    %broadcast_in_dim3A_452 = vector.shape_cast %slice3A_451 : vector<8xf32> to vector<8x1xf32>
    %add3A_453 = vector.broadcast %broadcast_in_dim3A_452 : vector<8x1xf32> to vector<8x1024xf32>
    %add3A_454 = arith.addf %get3A_6, %add3A_453 : vector<8x1024xf32>
    %slice3A_455 = vector.extract_strided_slice %dot_general3A_16 {offsets = [320, 0], sizes = [8, 1024], strides = [1, 1]} : vector<576x1024xf32> to vector<8x1024xf32>
    %add3A_456 = arith.addf %add3A_454, %slice3A_455 : vector<8x1024xf32>
    %lt3A_457 = arith.cmpf olt, %add3A_456, %min3A_447 : vector<8x1024xf32>
    %min3A_458 = arith.minimumf %min3A_447, %add3A_456 : vector<8x1024xf32>
    %jit3A_459 = arith.constant 40 : i32
    %broadcast_in_dim3A_460 = vector.broadcast %jit3A_459 : i32 to vector<8x1024xi32>
    %select_n3A_461 = arith.select %lt3A_457, %broadcast_in_dim3A_460, %select_n3A_450 : vector<8x1024xi1>, vector<8x1024xi32>
    %slice3A_462 = vector.extract_strided_slice %reduce_sum3A_12 {offsets = [328], sizes = [8], strides = [1]} : vector<576xf32> to vector<8xf32>
    %broadcast_in_dim3A_463 = vector.shape_cast %slice3A_462 : vector<8xf32> to vector<8x1xf32>
    %add3A_464 = vector.broadcast %broadcast_in_dim3A_463 : vector<8x1xf32> to vector<8x1024xf32>
    %add3A_465 = arith.addf %get3A_6, %add3A_464 : vector<8x1024xf32>
    %slice3A_466 = vector.extract_strided_slice %dot_general3A_16 {offsets = [328, 0], sizes = [8, 1024], strides = [1, 1]} : vector<576x1024xf32> to vector<8x1024xf32>
    %add3A_467 = arith.addf %add3A_465, %slice3A_466 : vector<8x1024xf32>
    %lt3A_468 = arith.cmpf olt, %add3A_467, %min3A_458 : vector<8x1024xf32>
    %min3A_469 = arith.minimumf %min3A_458, %add3A_467 : vector<8x1024xf32>
    %jit3A_470 = arith.constant 41 : i32
    %broadcast_in_dim3A_471 = vector.broadcast %jit3A_470 : i32 to vector<8x1024xi32>
    %select_n3A_472 = arith.select %lt3A_468, %broadcast_in_dim3A_471, %select_n3A_461 : vector<8x1024xi1>, vector<8x1024xi32>
    %slice3A_473 = vector.extract_strided_slice %reduce_sum3A_12 {offsets = [336], sizes = [8], strides = [1]} : vector<576xf32> to vector<8xf32>
    %broadcast_in_dim3A_474 = vector.shape_cast %slice3A_473 : vector<8xf32> to vector<8x1xf32>
    %add3A_475 = vector.broadcast %broadcast_in_dim3A_474 : vector<8x1xf32> to vector<8x1024xf32>
    %add3A_476 = arith.addf %get3A_6, %add3A_475 : vector<8x1024xf32>
    %slice3A_477 = vector.extract_strided_slice %dot_general3A_16 {offsets = [336, 0], sizes = [8, 1024], strides = [1, 1]} : vector<576x1024xf32> to vector<8x1024xf32>
    %add3A_478 = arith.addf %add3A_476, %slice3A_477 : vector<8x1024xf32>
    %lt3A_479 = arith.cmpf olt, %add3A_478, %min3A_469 : vector<8x1024xf32>
    %min3A_480 = arith.minimumf %min3A_469, %add3A_478 : vector<8x1024xf32>
    %jit3A_481 = arith.constant 42 : i32
    %broadcast_in_dim3A_482 = vector.broadcast %jit3A_481 : i32 to vector<8x1024xi32>
    %select_n3A_483 = arith.select %lt3A_479, %broadcast_in_dim3A_482, %select_n3A_472 : vector<8x1024xi1>, vector<8x1024xi32>
    %slice3A_484 = vector.extract_strided_slice %reduce_sum3A_12 {offsets = [344], sizes = [8], strides = [1]} : vector<576xf32> to vector<8xf32>
    %broadcast_in_dim3A_485 = vector.shape_cast %slice3A_484 : vector<8xf32> to vector<8x1xf32>
    %add3A_486 = vector.broadcast %broadcast_in_dim3A_485 : vector<8x1xf32> to vector<8x1024xf32>
    %add3A_487 = arith.addf %get3A_6, %add3A_486 : vector<8x1024xf32>
    %slice3A_488 = vector.extract_strided_slice %dot_general3A_16 {offsets = [344, 0], sizes = [8, 1024], strides = [1, 1]} : vector<576x1024xf32> to vector<8x1024xf32>
    %add3A_489 = arith.addf %add3A_487, %slice3A_488 : vector<8x1024xf32>
    %lt3A_490 = arith.cmpf olt, %add3A_489, %min3A_480 : vector<8x1024xf32>
    %min3A_491 = arith.minimumf %min3A_480, %add3A_489 : vector<8x1024xf32>
    %jit3A_492 = arith.constant 43 : i32
    %broadcast_in_dim3A_493 = vector.broadcast %jit3A_492 : i32 to vector<8x1024xi32>
    %select_n3A_494 = arith.select %lt3A_490, %broadcast_in_dim3A_493, %select_n3A_483 : vector<8x1024xi1>, vector<8x1024xi32>
    %slice3A_495 = vector.extract_strided_slice %reduce_sum3A_12 {offsets = [352], sizes = [8], strides = [1]} : vector<576xf32> to vector<8xf32>
    %broadcast_in_dim3A_496 = vector.shape_cast %slice3A_495 : vector<8xf32> to vector<8x1xf32>
    %add3A_497 = vector.broadcast %broadcast_in_dim3A_496 : vector<8x1xf32> to vector<8x1024xf32>
    %add3A_498 = arith.addf %get3A_6, %add3A_497 : vector<8x1024xf32>
    %slice3A_499 = vector.extract_strided_slice %dot_general3A_16 {offsets = [352, 0], sizes = [8, 1024], strides = [1, 1]} : vector<576x1024xf32> to vector<8x1024xf32>
    %add3A_500 = arith.addf %add3A_498, %slice3A_499 : vector<8x1024xf32>
    %lt3A_501 = arith.cmpf olt, %add3A_500, %min3A_491 : vector<8x1024xf32>
    %min3A_502 = arith.minimumf %min3A_491, %add3A_500 : vector<8x1024xf32>
    %jit3A_503 = arith.constant 44 : i32
    %broadcast_in_dim3A_504 = vector.broadcast %jit3A_503 : i32 to vector<8x1024xi32>
    %select_n3A_505 = arith.select %lt3A_501, %broadcast_in_dim3A_504, %select_n3A_494 : vector<8x1024xi1>, vector<8x1024xi32>
    %slice3A_506 = vector.extract_strided_slice %reduce_sum3A_12 {offsets = [360], sizes = [8], strides = [1]} : vector<576xf32> to vector<8xf32>
    %broadcast_in_dim3A_507 = vector.shape_cast %slice3A_506 : vector<8xf32> to vector<8x1xf32>
    %add3A_508 = vector.broadcast %broadcast_in_dim3A_507 : vector<8x1xf32> to vector<8x1024xf32>
    %add3A_509 = arith.addf %get3A_6, %add3A_508 : vector<8x1024xf32>
    %slice3A_510 = vector.extract_strided_slice %dot_general3A_16 {offsets = [360, 0], sizes = [8, 1024], strides = [1, 1]} : vector<576x1024xf32> to vector<8x1024xf32>
    %add3A_511 = arith.addf %add3A_509, %slice3A_510 : vector<8x1024xf32>
    %lt3A_512 = arith.cmpf olt, %add3A_511, %min3A_502 : vector<8x1024xf32>
    %min3A_513 = arith.minimumf %min3A_502, %add3A_511 : vector<8x1024xf32>
    %jit3A_514 = arith.constant 45 : i32
    %broadcast_in_dim3A_515 = vector.broadcast %jit3A_514 : i32 to vector<8x1024xi32>
    %select_n3A_516 = arith.select %lt3A_512, %broadcast_in_dim3A_515, %select_n3A_505 : vector<8x1024xi1>, vector<8x1024xi32>
    %slice3A_517 = vector.extract_strided_slice %reduce_sum3A_12 {offsets = [368], sizes = [8], strides = [1]} : vector<576xf32> to vector<8xf32>
    %broadcast_in_dim3A_518 = vector.shape_cast %slice3A_517 : vector<8xf32> to vector<8x1xf32>
    %add3A_519 = vector.broadcast %broadcast_in_dim3A_518 : vector<8x1xf32> to vector<8x1024xf32>
    %add3A_520 = arith.addf %get3A_6, %add3A_519 : vector<8x1024xf32>
    %slice3A_521 = vector.extract_strided_slice %dot_general3A_16 {offsets = [368, 0], sizes = [8, 1024], strides = [1, 1]} : vector<576x1024xf32> to vector<8x1024xf32>
    %add3A_522 = arith.addf %add3A_520, %slice3A_521 : vector<8x1024xf32>
    %lt3A_523 = arith.cmpf olt, %add3A_522, %min3A_513 : vector<8x1024xf32>
    %min3A_524 = arith.minimumf %min3A_513, %add3A_522 : vector<8x1024xf32>
    %jit3A_525 = arith.constant 46 : i32
    %broadcast_in_dim3A_526 = vector.broadcast %jit3A_525 : i32 to vector<8x1024xi32>
    %select_n3A_527 = arith.select %lt3A_523, %broadcast_in_dim3A_526, %select_n3A_516 : vector<8x1024xi1>, vector<8x1024xi32>
    %slice3A_528 = vector.extract_strided_slice %reduce_sum3A_12 {offsets = [376], sizes = [8], strides = [1]} : vector<576xf32> to vector<8xf32>
    %broadcast_in_dim3A_529 = vector.shape_cast %slice3A_528 : vector<8xf32> to vector<8x1xf32>
    %add3A_530 = vector.broadcast %broadcast_in_dim3A_529 : vector<8x1xf32> to vector<8x1024xf32>
    %add3A_531 = arith.addf %get3A_6, %add3A_530 : vector<8x1024xf32>
    %slice3A_532 = vector.extract_strided_slice %dot_general3A_16 {offsets = [376, 0], sizes = [8, 1024], strides = [1, 1]} : vector<576x1024xf32> to vector<8x1024xf32>
    %add3A_533 = arith.addf %add3A_531, %slice3A_532 : vector<8x1024xf32>
    %lt3A_534 = arith.cmpf olt, %add3A_533, %min3A_524 : vector<8x1024xf32>
    %min3A_535 = arith.minimumf %min3A_524, %add3A_533 : vector<8x1024xf32>
    %jit3A_536 = arith.constant 47 : i32
    %broadcast_in_dim3A_537 = vector.broadcast %jit3A_536 : i32 to vector<8x1024xi32>
    %select_n3A_538 = arith.select %lt3A_534, %broadcast_in_dim3A_537, %select_n3A_527 : vector<8x1024xi1>, vector<8x1024xi32>
    %slice3A_539 = vector.extract_strided_slice %reduce_sum3A_12 {offsets = [384], sizes = [8], strides = [1]} : vector<576xf32> to vector<8xf32>
    %broadcast_in_dim3A_540 = vector.shape_cast %slice3A_539 : vector<8xf32> to vector<8x1xf32>
    %add3A_541 = vector.broadcast %broadcast_in_dim3A_540 : vector<8x1xf32> to vector<8x1024xf32>
    %add3A_542 = arith.addf %get3A_6, %add3A_541 : vector<8x1024xf32>
    %slice3A_543 = vector.extract_strided_slice %dot_general3A_16 {offsets = [384, 0], sizes = [8, 1024], strides = [1, 1]} : vector<576x1024xf32> to vector<8x1024xf32>
    %add3A_544 = arith.addf %add3A_542, %slice3A_543 : vector<8x1024xf32>
    %lt3A_545 = arith.cmpf olt, %add3A_544, %min3A_535 : vector<8x1024xf32>
    %min3A_546 = arith.minimumf %min3A_535, %add3A_544 : vector<8x1024xf32>
    %jit3A_547 = arith.constant 48 : i32
    %broadcast_in_dim3A_548 = vector.broadcast %jit3A_547 : i32 to vector<8x1024xi32>
    %select_n3A_549 = arith.select %lt3A_545, %broadcast_in_dim3A_548, %select_n3A_538 : vector<8x1024xi1>, vector<8x1024xi32>
    %slice3A_550 = vector.extract_strided_slice %reduce_sum3A_12 {offsets = [392], sizes = [8], strides = [1]} : vector<576xf32> to vector<8xf32>
    %broadcast_in_dim3A_551 = vector.shape_cast %slice3A_550 : vector<8xf32> to vector<8x1xf32>
    %add3A_552 = vector.broadcast %broadcast_in_dim3A_551 : vector<8x1xf32> to vector<8x1024xf32>
    %add3A_553 = arith.addf %get3A_6, %add3A_552 : vector<8x1024xf32>
    %slice3A_554 = vector.extract_strided_slice %dot_general3A_16 {offsets = [392, 0], sizes = [8, 1024], strides = [1, 1]} : vector<576x1024xf32> to vector<8x1024xf32>
    %add3A_555 = arith.addf %add3A_553, %slice3A_554 : vector<8x1024xf32>
    %lt3A_556 = arith.cmpf olt, %add3A_555, %min3A_546 : vector<8x1024xf32>
    %min3A_557 = arith.minimumf %min3A_546, %add3A_555 : vector<8x1024xf32>
    %jit3A_558 = arith.constant 49 : i32
    %broadcast_in_dim3A_559 = vector.broadcast %jit3A_558 : i32 to vector<8x1024xi32>
    %select_n3A_560 = arith.select %lt3A_556, %broadcast_in_dim3A_559, %select_n3A_549 : vector<8x1024xi1>, vector<8x1024xi32>
    %slice3A_561 = vector.extract_strided_slice %reduce_sum3A_12 {offsets = [400], sizes = [8], strides = [1]} : vector<576xf32> to vector<8xf32>
    %broadcast_in_dim3A_562 = vector.shape_cast %slice3A_561 : vector<8xf32> to vector<8x1xf32>
    %add3A_563 = vector.broadcast %broadcast_in_dim3A_562 : vector<8x1xf32> to vector<8x1024xf32>
    %add3A_564 = arith.addf %get3A_6, %add3A_563 : vector<8x1024xf32>
    %slice3A_565 = vector.extract_strided_slice %dot_general3A_16 {offsets = [400, 0], sizes = [8, 1024], strides = [1, 1]} : vector<576x1024xf32> to vector<8x1024xf32>
    %add3A_566 = arith.addf %add3A_564, %slice3A_565 : vector<8x1024xf32>
    %lt3A_567 = arith.cmpf olt, %add3A_566, %min3A_557 : vector<8x1024xf32>
    %min3A_568 = arith.minimumf %min3A_557, %add3A_566 : vector<8x1024xf32>
    %jit3A_569 = arith.constant 50 : i32
    %broadcast_in_dim3A_570 = vector.broadcast %jit3A_569 : i32 to vector<8x1024xi32>
    %select_n3A_571 = arith.select %lt3A_567, %broadcast_in_dim3A_570, %select_n3A_560 : vector<8x1024xi1>, vector<8x1024xi32>
    %slice3A_572 = vector.extract_strided_slice %reduce_sum3A_12 {offsets = [408], sizes = [8], strides = [1]} : vector<576xf32> to vector<8xf32>
    %broadcast_in_dim3A_573 = vector.shape_cast %slice3A_572 : vector<8xf32> to vector<8x1xf32>
    %add3A_574 = vector.broadcast %broadcast_in_dim3A_573 : vector<8x1xf32> to vector<8x1024xf32>
    %add3A_575 = arith.addf %get3A_6, %add3A_574 : vector<8x1024xf32>
    %slice3A_576 = vector.extract_strided_slice %dot_general3A_16 {offsets = [408, 0], sizes = [8, 1024], strides = [1, 1]} : vector<576x1024xf32> to vector<8x1024xf32>
    %add3A_577 = arith.addf %add3A_575, %slice3A_576 : vector<8x1024xf32>
    %lt3A_578 = arith.cmpf olt, %add3A_577, %min3A_568 : vector<8x1024xf32>
    %min3A_579 = arith.minimumf %min3A_568, %add3A_577 : vector<8x1024xf32>
    %jit3A_580 = arith.constant 51 : i32
    %broadcast_in_dim3A_581 = vector.broadcast %jit3A_580 : i32 to vector<8x1024xi32>
    %select_n3A_582 = arith.select %lt3A_578, %broadcast_in_dim3A_581, %select_n3A_571 : vector<8x1024xi1>, vector<8x1024xi32>
    %slice3A_583 = vector.extract_strided_slice %reduce_sum3A_12 {offsets = [416], sizes = [8], strides = [1]} : vector<576xf32> to vector<8xf32>
    %broadcast_in_dim3A_584 = vector.shape_cast %slice3A_583 : vector<8xf32> to vector<8x1xf32>
    %add3A_585 = vector.broadcast %broadcast_in_dim3A_584 : vector<8x1xf32> to vector<8x1024xf32>
    %add3A_586 = arith.addf %get3A_6, %add3A_585 : vector<8x1024xf32>
    %slice3A_587 = vector.extract_strided_slice %dot_general3A_16 {offsets = [416, 0], sizes = [8, 1024], strides = [1, 1]} : vector<576x1024xf32> to vector<8x1024xf32>
    %add3A_588 = arith.addf %add3A_586, %slice3A_587 : vector<8x1024xf32>
    %lt3A_589 = arith.cmpf olt, %add3A_588, %min3A_579 : vector<8x1024xf32>
    %min3A_590 = arith.minimumf %min3A_579, %add3A_588 : vector<8x1024xf32>
    %jit3A_591 = arith.constant 52 : i32
    %broadcast_in_dim3A_592 = vector.broadcast %jit3A_591 : i32 to vector<8x1024xi32>
    %select_n3A_593 = arith.select %lt3A_589, %broadcast_in_dim3A_592, %select_n3A_582 : vector<8x1024xi1>, vector<8x1024xi32>
    %slice3A_594 = vector.extract_strided_slice %reduce_sum3A_12 {offsets = [424], sizes = [8], strides = [1]} : vector<576xf32> to vector<8xf32>
    %broadcast_in_dim3A_595 = vector.shape_cast %slice3A_594 : vector<8xf32> to vector<8x1xf32>
    %add3A_596 = vector.broadcast %broadcast_in_dim3A_595 : vector<8x1xf32> to vector<8x1024xf32>
    %add3A_597 = arith.addf %get3A_6, %add3A_596 : vector<8x1024xf32>
    %slice3A_598 = vector.extract_strided_slice %dot_general3A_16 {offsets = [424, 0], sizes = [8, 1024], strides = [1, 1]} : vector<576x1024xf32> to vector<8x1024xf32>
    %add3A_599 = arith.addf %add3A_597, %slice3A_598 : vector<8x1024xf32>
    %lt3A_600 = arith.cmpf olt, %add3A_599, %min3A_590 : vector<8x1024xf32>
    %min3A_601 = arith.minimumf %min3A_590, %add3A_599 : vector<8x1024xf32>
    %jit3A_602 = arith.constant 53 : i32
    %broadcast_in_dim3A_603 = vector.broadcast %jit3A_602 : i32 to vector<8x1024xi32>
    %select_n3A_604 = arith.select %lt3A_600, %broadcast_in_dim3A_603, %select_n3A_593 : vector<8x1024xi1>, vector<8x1024xi32>
    %slice3A_605 = vector.extract_strided_slice %reduce_sum3A_12 {offsets = [432], sizes = [8], strides = [1]} : vector<576xf32> to vector<8xf32>
    %broadcast_in_dim3A_606 = vector.shape_cast %slice3A_605 : vector<8xf32> to vector<8x1xf32>
    %add3A_607 = vector.broadcast %broadcast_in_dim3A_606 : vector<8x1xf32> to vector<8x1024xf32>
    %add3A_608 = arith.addf %get3A_6, %add3A_607 : vector<8x1024xf32>
    %slice3A_609 = vector.extract_strided_slice %dot_general3A_16 {offsets = [432, 0], sizes = [8, 1024], strides = [1, 1]} : vector<576x1024xf32> to vector<8x1024xf32>
    %add3A_610 = arith.addf %add3A_608, %slice3A_609 : vector<8x1024xf32>
    %lt3A_611 = arith.cmpf olt, %add3A_610, %min3A_601 : vector<8x1024xf32>
    %min3A_612 = arith.minimumf %min3A_601, %add3A_610 : vector<8x1024xf32>
    %jit3A_613 = arith.constant 54 : i32
    %broadcast_in_dim3A_614 = vector.broadcast %jit3A_613 : i32 to vector<8x1024xi32>
    %select_n3A_615 = arith.select %lt3A_611, %broadcast_in_dim3A_614, %select_n3A_604 : vector<8x1024xi1>, vector<8x1024xi32>
    %slice3A_616 = vector.extract_strided_slice %reduce_sum3A_12 {offsets = [440], sizes = [8], strides = [1]} : vector<576xf32> to vector<8xf32>
    %broadcast_in_dim3A_617 = vector.shape_cast %slice3A_616 : vector<8xf32> to vector<8x1xf32>
    %add3A_618 = vector.broadcast %broadcast_in_dim3A_617 : vector<8x1xf32> to vector<8x1024xf32>
    %add3A_619 = arith.addf %get3A_6, %add3A_618 : vector<8x1024xf32>
    %slice3A_620 = vector.extract_strided_slice %dot_general3A_16 {offsets = [440, 0], sizes = [8, 1024], strides = [1, 1]} : vector<576x1024xf32> to vector<8x1024xf32>
    %add3A_621 = arith.addf %add3A_619, %slice3A_620 : vector<8x1024xf32>
    %lt3A_622 = arith.cmpf olt, %add3A_621, %min3A_612 : vector<8x1024xf32>
    %min3A_623 = arith.minimumf %min3A_612, %add3A_621 : vector<8x1024xf32>
    %jit3A_624 = arith.constant 55 : i32
    %broadcast_in_dim3A_625 = vector.broadcast %jit3A_624 : i32 to vector<8x1024xi32>
    %select_n3A_626 = arith.select %lt3A_622, %broadcast_in_dim3A_625, %select_n3A_615 : vector<8x1024xi1>, vector<8x1024xi32>
    %slice3A_627 = vector.extract_strided_slice %reduce_sum3A_12 {offsets = [448], sizes = [8], strides = [1]} : vector<576xf32> to vector<8xf32>
    %broadcast_in_dim3A_628 = vector.shape_cast %slice3A_627 : vector<8xf32> to vector<8x1xf32>
    %add3A_629 = vector.broadcast %broadcast_in_dim3A_628 : vector<8x1xf32> to vector<8x1024xf32>
    %add3A_630 = arith.addf %get3A_6, %add3A_629 : vector<8x1024xf32>
    %slice3A_631 = vector.extract_strided_slice %dot_general3A_16 {offsets = [448, 0], sizes = [8, 1024], strides = [1, 1]} : vector<576x1024xf32> to vector<8x1024xf32>
    %add3A_632 = arith.addf %add3A_630, %slice3A_631 : vector<8x1024xf32>
    %lt3A_633 = arith.cmpf olt, %add3A_632, %min3A_623 : vector<8x1024xf32>
    %min3A_634 = arith.minimumf %min3A_623, %add3A_632 : vector<8x1024xf32>
    %jit3A_635 = arith.constant 56 : i32
    %broadcast_in_dim3A_636 = vector.broadcast %jit3A_635 : i32 to vector<8x1024xi32>
    %select_n3A_637 = arith.select %lt3A_633, %broadcast_in_dim3A_636, %select_n3A_626 : vector<8x1024xi1>, vector<8x1024xi32>
    %slice3A_638 = vector.extract_strided_slice %reduce_sum3A_12 {offsets = [456], sizes = [8], strides = [1]} : vector<576xf32> to vector<8xf32>
    %broadcast_in_dim3A_639 = vector.shape_cast %slice3A_638 : vector<8xf32> to vector<8x1xf32>
    %add3A_640 = vector.broadcast %broadcast_in_dim3A_639 : vector<8x1xf32> to vector<8x1024xf32>
    %add3A_641 = arith.addf %get3A_6, %add3A_640 : vector<8x1024xf32>
    %slice3A_642 = vector.extract_strided_slice %dot_general3A_16 {offsets = [456, 0], sizes = [8, 1024], strides = [1, 1]} : vector<576x1024xf32> to vector<8x1024xf32>
    %add3A_643 = arith.addf %add3A_641, %slice3A_642 : vector<8x1024xf32>
    %lt3A_644 = arith.cmpf olt, %add3A_643, %min3A_634 : vector<8x1024xf32>
    %min3A_645 = arith.minimumf %min3A_634, %add3A_643 : vector<8x1024xf32>
    %jit3A_646 = arith.constant 57 : i32
    %broadcast_in_dim3A_647 = vector.broadcast %jit3A_646 : i32 to vector<8x1024xi32>
    %select_n3A_648 = arith.select %lt3A_644, %broadcast_in_dim3A_647, %select_n3A_637 : vector<8x1024xi1>, vector<8x1024xi32>
    %slice3A_649 = vector.extract_strided_slice %reduce_sum3A_12 {offsets = [464], sizes = [8], strides = [1]} : vector<576xf32> to vector<8xf32>
    %broadcast_in_dim3A_650 = vector.shape_cast %slice3A_649 : vector<8xf32> to vector<8x1xf32>
    %add3A_651 = vector.broadcast %broadcast_in_dim3A_650 : vector<8x1xf32> to vector<8x1024xf32>
    %add3A_652 = arith.addf %get3A_6, %add3A_651 : vector<8x1024xf32>
    %slice3A_653 = vector.extract_strided_slice %dot_general3A_16 {offsets = [464, 0], sizes = [8, 1024], strides = [1, 1]} : vector<576x1024xf32> to vector<8x1024xf32>
    %add3A_654 = arith.addf %add3A_652, %slice3A_653 : vector<8x1024xf32>
    %lt3A_655 = arith.cmpf olt, %add3A_654, %min3A_645 : vector<8x1024xf32>
    %min3A_656 = arith.minimumf %min3A_645, %add3A_654 : vector<8x1024xf32>
    %jit3A_657 = arith.constant 58 : i32
    %broadcast_in_dim3A_658 = vector.broadcast %jit3A_657 : i32 to vector<8x1024xi32>
    %select_n3A_659 = arith.select %lt3A_655, %broadcast_in_dim3A_658, %select_n3A_648 : vector<8x1024xi1>, vector<8x1024xi32>
    %slice3A_660 = vector.extract_strided_slice %reduce_sum3A_12 {offsets = [472], sizes = [8], strides = [1]} : vector<576xf32> to vector<8xf32>
    %broadcast_in_dim3A_661 = vector.shape_cast %slice3A_660 : vector<8xf32> to vector<8x1xf32>
    %add3A_662 = vector.broadcast %broadcast_in_dim3A_661 : vector<8x1xf32> to vector<8x1024xf32>
    %add3A_663 = arith.addf %get3A_6, %add3A_662 : vector<8x1024xf32>
    %slice3A_664 = vector.extract_strided_slice %dot_general3A_16 {offsets = [472, 0], sizes = [8, 1024], strides = [1, 1]} : vector<576x1024xf32> to vector<8x1024xf32>
    %add3A_665 = arith.addf %add3A_663, %slice3A_664 : vector<8x1024xf32>
    %lt3A_666 = arith.cmpf olt, %add3A_665, %min3A_656 : vector<8x1024xf32>
    %min3A_667 = arith.minimumf %min3A_656, %add3A_665 : vector<8x1024xf32>
    %jit3A_668 = arith.constant 59 : i32
    %broadcast_in_dim3A_669 = vector.broadcast %jit3A_668 : i32 to vector<8x1024xi32>
    %select_n3A_670 = arith.select %lt3A_666, %broadcast_in_dim3A_669, %select_n3A_659 : vector<8x1024xi1>, vector<8x1024xi32>
    %slice3A_671 = vector.extract_strided_slice %reduce_sum3A_12 {offsets = [480], sizes = [8], strides = [1]} : vector<576xf32> to vector<8xf32>
    %broadcast_in_dim3A_672 = vector.shape_cast %slice3A_671 : vector<8xf32> to vector<8x1xf32>
    %add3A_673 = vector.broadcast %broadcast_in_dim3A_672 : vector<8x1xf32> to vector<8x1024xf32>
    %add3A_674 = arith.addf %get3A_6, %add3A_673 : vector<8x1024xf32>
    %slice3A_675 = vector.extract_strided_slice %dot_general3A_16 {offsets = [480, 0], sizes = [8, 1024], strides = [1, 1]} : vector<576x1024xf32> to vector<8x1024xf32>
    %add3A_676 = arith.addf %add3A_674, %slice3A_675 : vector<8x1024xf32>
    %lt3A_677 = arith.cmpf olt, %add3A_676, %min3A_667 : vector<8x1024xf32>
    %min3A_678 = arith.minimumf %min3A_667, %add3A_676 : vector<8x1024xf32>
    %jit3A_679 = arith.constant 60 : i32
    %broadcast_in_dim3A_680 = vector.broadcast %jit3A_679 : i32 to vector<8x1024xi32>
    %select_n3A_681 = arith.select %lt3A_677, %broadcast_in_dim3A_680, %select_n3A_670 : vector<8x1024xi1>, vector<8x1024xi32>
    %slice3A_682 = vector.extract_strided_slice %reduce_sum3A_12 {offsets = [488], sizes = [8], strides = [1]} : vector<576xf32> to vector<8xf32>
    %broadcast_in_dim3A_683 = vector.shape_cast %slice3A_682 : vector<8xf32> to vector<8x1xf32>
    %add3A_684 = vector.broadcast %broadcast_in_dim3A_683 : vector<8x1xf32> to vector<8x1024xf32>
    %add3A_685 = arith.addf %get3A_6, %add3A_684 : vector<8x1024xf32>
    %slice3A_686 = vector.extract_strided_slice %dot_general3A_16 {offsets = [488, 0], sizes = [8, 1024], strides = [1, 1]} : vector<576x1024xf32> to vector<8x1024xf32>
    %add3A_687 = arith.addf %add3A_685, %slice3A_686 : vector<8x1024xf32>
    %lt3A_688 = arith.cmpf olt, %add3A_687, %min3A_678 : vector<8x1024xf32>
    %min3A_689 = arith.minimumf %min3A_678, %add3A_687 : vector<8x1024xf32>
    %jit3A_690 = arith.constant 61 : i32
    %broadcast_in_dim3A_691 = vector.broadcast %jit3A_690 : i32 to vector<8x1024xi32>
    %select_n3A_692 = arith.select %lt3A_688, %broadcast_in_dim3A_691, %select_n3A_681 : vector<8x1024xi1>, vector<8x1024xi32>
    %slice3A_693 = vector.extract_strided_slice %reduce_sum3A_12 {offsets = [496], sizes = [8], strides = [1]} : vector<576xf32> to vector<8xf32>
    %broadcast_in_dim3A_694 = vector.shape_cast %slice3A_693 : vector<8xf32> to vector<8x1xf32>
    %add3A_695 = vector.broadcast %broadcast_in_dim3A_694 : vector<8x1xf32> to vector<8x1024xf32>
    %add3A_696 = arith.addf %get3A_6, %add3A_695 : vector<8x1024xf32>
    %slice3A_697 = vector.extract_strided_slice %dot_general3A_16 {offsets = [496, 0], sizes = [8, 1024], strides = [1, 1]} : vector<576x1024xf32> to vector<8x1024xf32>
    %add3A_698 = arith.addf %add3A_696, %slice3A_697 : vector<8x1024xf32>
    %lt3A_699 = arith.cmpf olt, %add3A_698, %min3A_689 : vector<8x1024xf32>
    %min3A_700 = arith.minimumf %min3A_689, %add3A_698 : vector<8x1024xf32>
    %jit3A_701 = arith.constant 62 : i32
    %broadcast_in_dim3A_702 = vector.broadcast %jit3A_701 : i32 to vector<8x1024xi32>
    %select_n3A_703 = arith.select %lt3A_699, %broadcast_in_dim3A_702, %select_n3A_692 : vector<8x1024xi1>, vector<8x1024xi32>
    %slice3A_704 = vector.extract_strided_slice %reduce_sum3A_12 {offsets = [504], sizes = [8], strides = [1]} : vector<576xf32> to vector<8xf32>
    %broadcast_in_dim3A_705 = vector.shape_cast %slice3A_704 : vector<8xf32> to vector<8x1xf32>
    %add3A_706 = vector.broadcast %broadcast_in_dim3A_705 : vector<8x1xf32> to vector<8x1024xf32>
    %add3A_707 = arith.addf %get3A_6, %add3A_706 : vector<8x1024xf32>
    %slice3A_708 = vector.extract_strided_slice %dot_general3A_16 {offsets = [504, 0], sizes = [8, 1024], strides = [1, 1]} : vector<576x1024xf32> to vector<8x1024xf32>
    %add3A_709 = arith.addf %add3A_707, %slice3A_708 : vector<8x1024xf32>
    %lt3A_710 = arith.cmpf olt, %add3A_709, %min3A_700 : vector<8x1024xf32>
    %min3A_711 = arith.minimumf %min3A_700, %add3A_709 : vector<8x1024xf32>
    %jit3A_712 = arith.constant 63 : i32
    %broadcast_in_dim3A_713 = vector.broadcast %jit3A_712 : i32 to vector<8x1024xi32>
    %select_n3A_714 = arith.select %lt3A_710, %broadcast_in_dim3A_713, %select_n3A_703 : vector<8x1024xi1>, vector<8x1024xi32>
    %slice3A_715 = vector.extract_strided_slice %reduce_sum3A_12 {offsets = [512], sizes = [8], strides = [1]} : vector<576xf32> to vector<8xf32>
    %broadcast_in_dim3A_716 = vector.shape_cast %slice3A_715 : vector<8xf32> to vector<8x1xf32>
    %add3A_717 = vector.broadcast %broadcast_in_dim3A_716 : vector<8x1xf32> to vector<8x1024xf32>
    %add3A_718 = arith.addf %get3A_6, %add3A_717 : vector<8x1024xf32>
    %slice3A_719 = vector.extract_strided_slice %dot_general3A_16 {offsets = [512, 0], sizes = [8, 1024], strides = [1, 1]} : vector<576x1024xf32> to vector<8x1024xf32>
    %add3A_720 = arith.addf %add3A_718, %slice3A_719 : vector<8x1024xf32>
    %lt3A_721 = arith.cmpf olt, %add3A_720, %min3A_711 : vector<8x1024xf32>
    %min3A_722 = arith.minimumf %min3A_711, %add3A_720 : vector<8x1024xf32>
    %jit3A_723 = arith.constant 64 : i32
    %broadcast_in_dim3A_724 = vector.broadcast %jit3A_723 : i32 to vector<8x1024xi32>
    %select_n3A_725 = arith.select %lt3A_721, %broadcast_in_dim3A_724, %select_n3A_714 : vector<8x1024xi1>, vector<8x1024xi32>
    %slice3A_726 = vector.extract_strided_slice %reduce_sum3A_12 {offsets = [520], sizes = [8], strides = [1]} : vector<576xf32> to vector<8xf32>
    %broadcast_in_dim3A_727 = vector.shape_cast %slice3A_726 : vector<8xf32> to vector<8x1xf32>
    %add3A_728 = vector.broadcast %broadcast_in_dim3A_727 : vector<8x1xf32> to vector<8x1024xf32>
    %add3A_729 = arith.addf %get3A_6, %add3A_728 : vector<8x1024xf32>
    %slice3A_730 = vector.extract_strided_slice %dot_general3A_16 {offsets = [520, 0], sizes = [8, 1024], strides = [1, 1]} : vector<576x1024xf32> to vector<8x1024xf32>
    %add3A_731 = arith.addf %add3A_729, %slice3A_730 : vector<8x1024xf32>
    %lt3A_732 = arith.cmpf olt, %add3A_731, %min3A_722 : vector<8x1024xf32>
    %min3A_733 = arith.minimumf %min3A_722, %add3A_731 : vector<8x1024xf32>
    %jit3A_734 = arith.constant 65 : i32
    %broadcast_in_dim3A_735 = vector.broadcast %jit3A_734 : i32 to vector<8x1024xi32>
    %select_n3A_736 = arith.select %lt3A_732, %broadcast_in_dim3A_735, %select_n3A_725 : vector<8x1024xi1>, vector<8x1024xi32>
    %slice3A_737 = vector.extract_strided_slice %reduce_sum3A_12 {offsets = [528], sizes = [8], strides = [1]} : vector<576xf32> to vector<8xf32>
    %broadcast_in_dim3A_738 = vector.shape_cast %slice3A_737 : vector<8xf32> to vector<8x1xf32>
    %add3A_739 = vector.broadcast %broadcast_in_dim3A_738 : vector<8x1xf32> to vector<8x1024xf32>
    %add3A_740 = arith.addf %get3A_6, %add3A_739 : vector<8x1024xf32>
    %slice3A_741 = vector.extract_strided_slice %dot_general3A_16 {offsets = [528, 0], sizes = [8, 1024], strides = [1, 1]} : vector<576x1024xf32> to vector<8x1024xf32>
    %add3A_742 = arith.addf %add3A_740, %slice3A_741 : vector<8x1024xf32>
    %lt3A_743 = arith.cmpf olt, %add3A_742, %min3A_733 : vector<8x1024xf32>
    %min3A_744 = arith.minimumf %min3A_733, %add3A_742 : vector<8x1024xf32>
    %jit3A_745 = arith.constant 66 : i32
    %broadcast_in_dim3A_746 = vector.broadcast %jit3A_745 : i32 to vector<8x1024xi32>
    %select_n3A_747 = arith.select %lt3A_743, %broadcast_in_dim3A_746, %select_n3A_736 : vector<8x1024xi1>, vector<8x1024xi32>
    %slice3A_748 = vector.extract_strided_slice %reduce_sum3A_12 {offsets = [536], sizes = [8], strides = [1]} : vector<576xf32> to vector<8xf32>
    %broadcast_in_dim3A_749 = vector.shape_cast %slice3A_748 : vector<8xf32> to vector<8x1xf32>
    %add3A_750 = vector.broadcast %broadcast_in_dim3A_749 : vector<8x1xf32> to vector<8x1024xf32>
    %add3A_751 = arith.addf %get3A_6, %add3A_750 : vector<8x1024xf32>
    %slice3A_752 = vector.extract_strided_slice %dot_general3A_16 {offsets = [536, 0], sizes = [8, 1024], strides = [1, 1]} : vector<576x1024xf32> to vector<8x1024xf32>
    %add3A_753 = arith.addf %add3A_751, %slice3A_752 : vector<8x1024xf32>
    %lt3A_754 = arith.cmpf olt, %add3A_753, %min3A_744 : vector<8x1024xf32>
    %min3A_755 = arith.minimumf %min3A_744, %add3A_753 : vector<8x1024xf32>
    %jit3A_756 = arith.constant 67 : i32
    %broadcast_in_dim3A_757 = vector.broadcast %jit3A_756 : i32 to vector<8x1024xi32>
    %select_n3A_758 = arith.select %lt3A_754, %broadcast_in_dim3A_757, %select_n3A_747 : vector<8x1024xi1>, vector<8x1024xi32>
    %slice3A_759 = vector.extract_strided_slice %reduce_sum3A_12 {offsets = [544], sizes = [8], strides = [1]} : vector<576xf32> to vector<8xf32>
    %broadcast_in_dim3A_760 = vector.shape_cast %slice3A_759 : vector<8xf32> to vector<8x1xf32>
    %add3A_761 = vector.broadcast %broadcast_in_dim3A_760 : vector<8x1xf32> to vector<8x1024xf32>
    %add3A_762 = arith.addf %get3A_6, %add3A_761 : vector<8x1024xf32>
    %slice3A_763 = vector.extract_strided_slice %dot_general3A_16 {offsets = [544, 0], sizes = [8, 1024], strides = [1, 1]} : vector<576x1024xf32> to vector<8x1024xf32>
    %add3A_764 = arith.addf %add3A_762, %slice3A_763 : vector<8x1024xf32>
    %lt3A_765 = arith.cmpf olt, %add3A_764, %min3A_755 : vector<8x1024xf32>
    %min3A_766 = arith.minimumf %min3A_755, %add3A_764 : vector<8x1024xf32>
    %jit3A_767 = arith.constant 68 : i32
    %broadcast_in_dim3A_768 = vector.broadcast %jit3A_767 : i32 to vector<8x1024xi32>
    %select_n3A_769 = arith.select %lt3A_765, %broadcast_in_dim3A_768, %select_n3A_758 : vector<8x1024xi1>, vector<8x1024xi32>
    %slice3A_770 = vector.extract_strided_slice %reduce_sum3A_12 {offsets = [552], sizes = [8], strides = [1]} : vector<576xf32> to vector<8xf32>
    %broadcast_in_dim3A_771 = vector.shape_cast %slice3A_770 : vector<8xf32> to vector<8x1xf32>
    %add3A_772 = vector.broadcast %broadcast_in_dim3A_771 : vector<8x1xf32> to vector<8x1024xf32>
    %add3A_773 = arith.addf %get3A_6, %add3A_772 : vector<8x1024xf32>
    %slice3A_774 = vector.extract_strided_slice %dot_general3A_16 {offsets = [552, 0], sizes = [8, 1024], strides = [1, 1]} : vector<576x1024xf32> to vector<8x1024xf32>
    %add3A_775 = arith.addf %add3A_773, %slice3A_774 : vector<8x1024xf32>
    %lt3A_776 = arith.cmpf olt, %add3A_775, %min3A_766 : vector<8x1024xf32>
    %min3A_777 = arith.minimumf %min3A_766, %add3A_775 : vector<8x1024xf32>
    %jit3A_778 = arith.constant 69 : i32
    %broadcast_in_dim3A_779 = vector.broadcast %jit3A_778 : i32 to vector<8x1024xi32>
    %select_n3A_780 = arith.select %lt3A_776, %broadcast_in_dim3A_779, %select_n3A_769 : vector<8x1024xi1>, vector<8x1024xi32>
    %slice3A_781 = vector.extract_strided_slice %reduce_sum3A_12 {offsets = [560], sizes = [8], strides = [1]} : vector<576xf32> to vector<8xf32>
    %broadcast_in_dim3A_782 = vector.shape_cast %slice3A_781 : vector<8xf32> to vector<8x1xf32>
    %add3A_783 = vector.broadcast %broadcast_in_dim3A_782 : vector<8x1xf32> to vector<8x1024xf32>
    %add3A_784 = arith.addf %get3A_6, %add3A_783 : vector<8x1024xf32>
    %slice3A_785 = vector.extract_strided_slice %dot_general3A_16 {offsets = [560, 0], sizes = [8, 1024], strides = [1, 1]} : vector<576x1024xf32> to vector<8x1024xf32>
    %add3A_786 = arith.addf %add3A_784, %slice3A_785 : vector<8x1024xf32>
    %lt3A_787 = arith.cmpf olt, %add3A_786, %min3A_777 : vector<8x1024xf32>
    %min3A_788 = arith.minimumf %min3A_777, %add3A_786 : vector<8x1024xf32>
    %jit3A_789 = arith.constant 70 : i32
    %broadcast_in_dim3A_790 = vector.broadcast %jit3A_789 : i32 to vector<8x1024xi32>
    %select_n3A_791 = arith.select %lt3A_787, %broadcast_in_dim3A_790, %select_n3A_780 : vector<8x1024xi1>, vector<8x1024xi32>
    %slice3A_792 = vector.extract_strided_slice %reduce_sum3A_12 {offsets = [568], sizes = [8], strides = [1]} : vector<576xf32> to vector<8xf32>
    %broadcast_in_dim3A_793 = vector.shape_cast %slice3A_792 : vector<8xf32> to vector<8x1xf32>
    %add3A_794 = vector.broadcast %broadcast_in_dim3A_793 : vector<8x1xf32> to vector<8x1024xf32>
    %add3A_795 = arith.addf %get3A_6, %add3A_794 : vector<8x1024xf32>
    %slice3A_796 = vector.extract_strided_slice %dot_general3A_16 {offsets = [568, 0], sizes = [8, 1024], strides = [1, 1]} : vector<576x1024xf32> to vector<8x1024xf32>
    %add3A_797 = arith.addf %add3A_795, %slice3A_796 : vector<8x1024xf32>
    %lt3A_798 = arith.cmpf olt, %add3A_797, %min3A_788 : vector<8x1024xf32>
    %min3A_799 = arith.minimumf %min3A_788, %add3A_797 : vector<8x1024xf32>
    %jit3A_800 = arith.constant 71 : i32
    %broadcast_in_dim3A_801 = vector.broadcast %jit3A_800 : i32 to vector<8x1024xi32>
    %select_n3A_802 = arith.select %lt3A_798, %broadcast_in_dim3A_801, %select_n3A_791 : vector<8x1024xi1>, vector<8x1024xi32>
    %reduce_min3A = arith.constant dense<0x7F800000> : vector<1024xf32>
    %reduce_min3A_803 = vector.multi_reduction <minimumf>, %min3A_799, %reduce_min3A [0] : vector<8x1024xf32> to vector<1024xf32>
    %mul3A_804 = arith.constant 8 : i32
    %mul3A_805 = vector.broadcast %mul3A_804 : i32 to vector<8x1024xi32>
    %mul3A_806 = arith.muli %select_n3A_802, %mul3A_805 : vector<8x1024xi32>
    %iota3A = tpu.iota {dimensions = array<i32: 0>} : vector<8x1024xi32>
    %add3A_807 = arith.addi %mul3A_806, %iota3A : vector<8x1024xi32>
    %broadcast_in_dim3A_808 = vector.shape_cast %reduce_min3A_803 : vector<1024xf32> to vector<1x1024xf32>
    %eq3A_809 = vector.broadcast %broadcast_in_dim3A_808 : vector<1x1024xf32> to vector<8x1024xf32>
    %eq3A_810 = arith.cmpf oeq, %min3A_799, %eq3A_809 : vector<8x1024xf32>
    %jit3A_811 = arith.constant 576 : i32
    %broadcast_in_dim3A_812 = vector.broadcast %jit3A_811 : i32 to vector<8x1024xi32>
    %select_n3A_813 = arith.select %eq3A_810, %add3A_807, %broadcast_in_dim3A_812 : vector<8x1024xi1>, vector<8x1024xi32>
    %reduce_min3A_814 = arith.constant dense<2147483647> : vector<1024xi32>
    %reduce_min3A_815 = vector.multi_reduction <minsi>, %select_n3A_813, %reduce_min3A_814 [0] : vector<8x1024xi32> to vector<1024xi32>
    %mul3A_816 = arith.constant 4 : i32
    %mul3A_817 = arith.muli %arg0, %mul3A_816 : i32
    %add3A_818 = arith.constant 0 : i32
    %add3A_819 = arith.addi %add3A_818, %mul3A_817 : i32
    %add3A_820 = arith.constant 0 : i32
    %add3A_821 = arith.addi %add3A_819, %add3A_820 : i32
    %mul3A_822 = arith.constant 576 : i32
    %mul3A_823 = arith.muli %add3A_821, %mul3A_822 : i32
    %add3A_824 = vector.broadcast %mul3A_823 : i32 to vector<1024xi32>
    %add3A_825 = arith.addi %reduce_min3A_815, %add3A_824 : vector<1024xi32>
    %swap3A = arith.constant 0 : index
    %swap3A_826 = arith.constant 0 : index
    %swap3A_827 = arith.constant 0 : index
    %swap3A_828 = vector.load %arg3[%swap3A, %swap3A_826, %swap3A_827] : memref<4x1x1024xi32, #tpu.memory_space<vmem>>, vector<1x1x1024xi32>
    %swap3A_829 = vector.shape_cast %swap3A_828 : vector<1x1x1024xi32> to vector<1024xi32>
    %swap3A_830 = vector.shape_cast %add3A_825 : vector<1024xi32> to vector<1x1x1024xi32>
    tpu.vector_store %arg3[%swap3A, %swap3A_826, %swap3A_827], %swap3A_830 {strides = array<i32>} : memref<4x1x1024xi32, #tpu.memory_space<vmem>>, vector<1x1x1024xi32>,
    %get3A_831 = arith.constant 0 : index
    %get3A_832 = arith.constant 0 : index
    %get3A_833 = memref.load %arg4[%get3A_831, %get3A_832] : memref<1x1xf32, #tpu.memory_space<smem>>
    %reduce_sum3A_834 = vector.shape_cast %reduce_min3A_803 : vector<1024xf32> to vector<1x1024xf32>
    %reduce_sum3A_835 = arith.constant dense<0.000000e+00> : vector<1xf32>
    %reduce_sum3A_836 = vector.multi_reduction <add>, %reduce_sum3A_834, %reduce_sum3A_835 [1] : vector<1x1024xf32> to vector<1xf32>
    %reduce_sum3A_837 = vector.shape_cast %reduce_sum3A_836 : vector<1xf32> to vector<1x1xf32>
    %reduce_sum3A_838 = vector.extract %reduce_sum3A_837[0, 0] : f32 from vector<1x1xf32>
    %add3A_839 = arith.addf %get3A_833, %reduce_sum3A_838 : f32
    %swap3A_840 = arith.constant 0 : index
    %swap3A_841 = arith.constant 0 : index
    %swap3A_842 = memref.load %arg4[%swap3A_840, %swap3A_841] : memref<1x1xf32, #tpu.memory_space<smem>>
    memref.store %add3A_839, %arg4[%swap3A_840, %swap3A_841] : memref<1x1xf32, #tpu.memory_space<smem>>
    %get3A_843 = arith.constant 1 : index
    %get3A_844 = arith.constant 0 : index
    %get3A_845 = arith.constant 0 : index
    %get3A_846 = vector.load %arg1[%get3A_843, %get3A_844, %get3A_845] : memref<4x576x256xf32, #tpu.memory_space<vmem>>, vector<1x576x256xf32>
    %get3A_847 = vector.shape_cast %get3A_846 : vector<1x576x256xf32> to vector<576x256xf32>
    %mul3A_848 = arith.mulf %get3A_847, %get3A_847 : vector<576x256xf32>
    %reduce_sum3A_849 = arith.constant dense<0.000000e+00> : vector<576xf32>
    %reduce_sum3A_850 = vector.multi_reduction <add>, %mul3A_848, %reduce_sum3A_849 [1] : vector<576x256xf32> to vector<576xf32>
    %broadcast_in_dim3A_851 = arith.constant 0x7F800000 : f32
    %broadcast_in_dim3A_852 = vector.broadcast %broadcast_in_dim3A_851 : f32 to vector<8x1024xf32>
    %broadcast_in_dim3A_853 = arith.constant 0 : i32
    %broadcast_in_dim3A_854 = vector.broadcast %broadcast_in_dim3A_853 : i32 to vector<8x1024xi32>
    %dot_general3A_855 = arith.constant dense<0.000000e+00> : vector<576x1024xf32>
    %dot_general3A_856 = tpu.matmul %get3A_847, %get3A_3, %dot_general3A_855 {dimension_numbers = #tpu.dot_dimension_numbers<[1], [1], [0], [0], [0, 0, 1, 0], [], []>, transpose_lhs_hint = false} : vector<576x256xf32>, vector<1024x256xf32>, vector<576x1024xf32> -> vector<576x1024xf32>
    %slice3A_857 = vector.extract_strided_slice %reduce_sum3A_850 {offsets = [0], sizes = [8], strides = [1]} : vector<576xf32> to vector<8xf32>
    %broadcast_in_dim3A_858 = vector.shape_cast %slice3A_857 : vector<8xf32> to vector<8x1xf32>
    %add3A_859 = vector.broadcast %broadcast_in_dim3A_858 : vector<8x1xf32> to vector<8x1024xf32>
    %add3A_860 = arith.addf %get3A_6, %add3A_859 : vector<8x1024xf32>
    %slice3A_861 = vector.extract_strided_slice %dot_general3A_856 {offsets = [0, 0], sizes = [8, 1024], strides = [1, 1]} : vector<576x1024xf32> to vector<8x1024xf32>
    %add3A_862 = arith.addf %add3A_860, %slice3A_861 : vector<8x1024xf32>
    %lt3A_863 = arith.cmpf olt, %add3A_862, %broadcast_in_dim3A_852 : vector<8x1024xf32>
    %min3A_864 = arith.minimumf %broadcast_in_dim3A_852, %add3A_862 : vector<8x1024xf32>
    %jit3A_865 = arith.constant 0 : i32
    %broadcast_in_dim3A_866 = vector.broadcast %jit3A_865 : i32 to vector<8x1024xi32>
    %select_n3A_867 = arith.select %lt3A_863, %broadcast_in_dim3A_866, %broadcast_in_dim3A_854 : vector<8x1024xi1>, vector<8x1024xi32>
    %slice3A_868 = vector.extract_strided_slice %reduce_sum3A_850 {offsets = [8], sizes = [8], strides = [1]} : vector<576xf32> to vector<8xf32>
    %broadcast_in_dim3A_869 = vector.shape_cast %slice3A_868 : vector<8xf32> to vector<8x1xf32>
    %add3A_870 = vector.broadcast %broadcast_in_dim3A_869 : vector<8x1xf32> to vector<8x1024xf32>
    %add3A_871 = arith.addf %get3A_6, %add3A_870 : vector<8x1024xf32>
    %slice3A_872 = vector.extract_strided_slice %dot_general3A_856 {offsets = [8, 0], sizes = [8, 1024], strides = [1, 1]} : vector<576x1024xf32> to vector<8x1024xf32>
    %add3A_873 = arith.addf %add3A_871, %slice3A_872 : vector<8x1024xf32>
    %lt3A_874 = arith.cmpf olt, %add3A_873, %min3A_864 : vector<8x1024xf32>
    %min3A_875 = arith.minimumf %min3A_864, %add3A_873 : vector<8x1024xf32>
    %jit3A_876 = arith.constant 1 : i32
    %broadcast_in_dim3A_877 = vector.broadcast %jit3A_876 : i32 to vector<8x1024xi32>
    %select_n3A_878 = arith.select %lt3A_874, %broadcast_in_dim3A_877, %select_n3A_867 : vector<8x1024xi1>, vector<8x1024xi32>
    %slice3A_879 = vector.extract_strided_slice %reduce_sum3A_850 {offsets = [16], sizes = [8], strides = [1]} : vector<576xf32> to vector<8xf32>
    %broadcast_in_dim3A_880 = vector.shape_cast %slice3A_879 : vector<8xf32> to vector<8x1xf32>
    %add3A_881 = vector.broadcast %broadcast_in_dim3A_880 : vector<8x1xf32> to vector<8x1024xf32>
    %add3A_882 = arith.addf %get3A_6, %add3A_881 : vector<8x1024xf32>
    %slice3A_883 = vector.extract_strided_slice %dot_general3A_856 {offsets = [16, 0], sizes = [8, 1024], strides = [1, 1]} : vector<576x1024xf32> to vector<8x1024xf32>
    %add3A_884 = arith.addf %add3A_882, %slice3A_883 : vector<8x1024xf32>
    %lt3A_885 = arith.cmpf olt, %add3A_884, %min3A_875 : vector<8x1024xf32>
    %min3A_886 = arith.minimumf %min3A_875, %add3A_884 : vector<8x1024xf32>
    %jit3A_887 = arith.constant 2 : i32
    %broadcast_in_dim3A_888 = vector.broadcast %jit3A_887 : i32 to vector<8x1024xi32>
    %select_n3A_889 = arith.select %lt3A_885, %broadcast_in_dim3A_888, %select_n3A_878 : vector<8x1024xi1>, vector<8x1024xi32>
    %slice3A_890 = vector.extract_strided_slice %reduce_sum3A_850 {offsets = [24], sizes = [8], strides = [1]} : vector<576xf32> to vector<8xf32>
    %broadcast_in_dim3A_891 = vector.shape_cast %slice3A_890 : vector<8xf32> to vector<8x1xf32>
    %add3A_892 = vector.broadcast %broadcast_in_dim3A_891 : vector<8x1xf32> to vector<8x1024xf32>
    %add3A_893 = arith.addf %get3A_6, %add3A_892 : vector<8x1024xf32>
    %slice3A_894 = vector.extract_strided_slice %dot_general3A_856 {offsets = [24, 0], sizes = [8, 1024], strides = [1, 1]} : vector<576x1024xf32> to vector<8x1024xf32>
    %add3A_895 = arith.addf %add3A_893, %slice3A_894 : vector<8x1024xf32>
    %lt3A_896 = arith.cmpf olt, %add3A_895, %min3A_886 : vector<8x1024xf32>
    %min3A_897 = arith.minimumf %min3A_886, %add3A_895 : vector<8x1024xf32>
    %jit3A_898 = arith.constant 3 : i32
    %broadcast_in_dim3A_899 = vector.broadcast %jit3A_898 : i32 to vector<8x1024xi32>
    %select_n3A_900 = arith.select %lt3A_896, %broadcast_in_dim3A_899, %select_n3A_889 : vector<8x1024xi1>, vector<8x1024xi32>
    %slice3A_901 = vector.extract_strided_slice %reduce_sum3A_850 {offsets = [32], sizes = [8], strides = [1]} : vector<576xf32> to vector<8xf32>
    %broadcast_in_dim3A_902 = vector.shape_cast %slice3A_901 : vector<8xf32> to vector<8x1xf32>
    %add3A_903 = vector.broadcast %broadcast_in_dim3A_902 : vector<8x1xf32> to vector<8x1024xf32>
    %add3A_904 = arith.addf %get3A_6, %add3A_903 : vector<8x1024xf32>
    %slice3A_905 = vector.extract_strided_slice %dot_general3A_856 {offsets = [32, 0], sizes = [8, 1024], strides = [1, 1]} : vector<576x1024xf32> to vector<8x1024xf32>
    %add3A_906 = arith.addf %add3A_904, %slice3A_905 : vector<8x1024xf32>
    %lt3A_907 = arith.cmpf olt, %add3A_906, %min3A_897 : vector<8x1024xf32>
    %min3A_908 = arith.minimumf %min3A_897, %add3A_906 : vector<8x1024xf32>
    %jit3A_909 = arith.constant 4 : i32
    %broadcast_in_dim3A_910 = vector.broadcast %jit3A_909 : i32 to vector<8x1024xi32>
    %select_n3A_911 = arith.select %lt3A_907, %broadcast_in_dim3A_910, %select_n3A_900 : vector<8x1024xi1>, vector<8x1024xi32>
    %slice3A_912 = vector.extract_strided_slice %reduce_sum3A_850 {offsets = [40], sizes = [8], strides = [1]} : vector<576xf32> to vector<8xf32>
    %broadcast_in_dim3A_913 = vector.shape_cast %slice3A_912 : vector<8xf32> to vector<8x1xf32>
    %add3A_914 = vector.broadcast %broadcast_in_dim3A_913 : vector<8x1xf32> to vector<8x1024xf32>
    %add3A_915 = arith.addf %get3A_6, %add3A_914 : vector<8x1024xf32>
    %slice3A_916 = vector.extract_strided_slice %dot_general3A_856 {offsets = [40, 0], sizes = [8, 1024], strides = [1, 1]} : vector<576x1024xf32> to vector<8x1024xf32>
    %add3A_917 = arith.addf %add3A_915, %slice3A_916 : vector<8x1024xf32>
    %lt3A_918 = arith.cmpf olt, %add3A_917, %min3A_908 : vector<8x1024xf32>
    %min3A_919 = arith.minimumf %min3A_908, %add3A_917 : vector<8x1024xf32>
    %jit3A_920 = arith.constant 5 : i32
    %broadcast_in_dim3A_921 = vector.broadcast %jit3A_920 : i32 to vector<8x1024xi32>
    %select_n3A_922 = arith.select %lt3A_918, %broadcast_in_dim3A_921, %select_n3A_911 : vector<8x1024xi1>, vector<8x1024xi32>
    %slice3A_923 = vector.extract_strided_slice %reduce_sum3A_850 {offsets = [48], sizes = [8], strides = [1]} : vector<576xf32> to vector<8xf32>
    %broadcast_in_dim3A_924 = vector.shape_cast %slice3A_923 : vector<8xf32> to vector<8x1xf32>
    %add3A_925 = vector.broadcast %broadcast_in_dim3A_924 : vector<8x1xf32> to vector<8x1024xf32>
    %add3A_926 = arith.addf %get3A_6, %add3A_925 : vector<8x1024xf32>
    %slice3A_927 = vector.extract_strided_slice %dot_general3A_856 {offsets = [48, 0], sizes = [8, 1024], strides = [1, 1]} : vector<576x1024xf32> to vector<8x1024xf32>
    %add3A_928 = arith.addf %add3A_926, %slice3A_927 : vector<8x1024xf32>
    %lt3A_929 = arith.cmpf olt, %add3A_928, %min3A_919 : vector<8x1024xf32>
    %min3A_930 = arith.minimumf %min3A_919, %add3A_928 : vector<8x1024xf32>
    %jit3A_931 = arith.constant 6 : i32
    %broadcast_in_dim3A_932 = vector.broadcast %jit3A_931 : i32 to vector<8x1024xi32>
    %select_n3A_933 = arith.select %lt3A_929, %broadcast_in_dim3A_932, %select_n3A_922 : vector<8x1024xi1>, vector<8x1024xi32>
    %slice3A_934 = vector.extract_strided_slice %reduce_sum3A_850 {offsets = [56], sizes = [8], strides = [1]} : vector<576xf32> to vector<8xf32>
    %broadcast_in_dim3A_935 = vector.shape_cast %slice3A_934 : vector<8xf32> to vector<8x1xf32>
    %add3A_936 = vector.broadcast %broadcast_in_dim3A_935 : vector<8x1xf32> to vector<8x1024xf32>
    %add3A_937 = arith.addf %get3A_6, %add3A_936 : vector<8x1024xf32>
    %slice3A_938 = vector.extract_strided_slice %dot_general3A_856 {offsets = [56, 0], sizes = [8, 1024], strides = [1, 1]} : vector<576x1024xf32> to vector<8x1024xf32>
    %add3A_939 = arith.addf %add3A_937, %slice3A_938 : vector<8x1024xf32>
    %lt3A_940 = arith.cmpf olt, %add3A_939, %min3A_930 : vector<8x1024xf32>
    %min3A_941 = arith.minimumf %min3A_930, %add3A_939 : vector<8x1024xf32>
    %jit3A_942 = arith.constant 7 : i32
    %broadcast_in_dim3A_943 = vector.broadcast %jit3A_942 : i32 to vector<8x1024xi32>
    %select_n3A_944 = arith.select %lt3A_940, %broadcast_in_dim3A_943, %select_n3A_933 : vector<8x1024xi1>, vector<8x1024xi32>
    %slice3A_945 = vector.extract_strided_slice %reduce_sum3A_850 {offsets = [64], sizes = [8], strides = [1]} : vector<576xf32> to vector<8xf32>
    %broadcast_in_dim3A_946 = vector.shape_cast %slice3A_945 : vector<8xf32> to vector<8x1xf32>
    %add3A_947 = vector.broadcast %broadcast_in_dim3A_946 : vector<8x1xf32> to vector<8x1024xf32>
    %add3A_948 = arith.addf %get3A_6, %add3A_947 : vector<8x1024xf32>
    %slice3A_949 = vector.extract_strided_slice %dot_general3A_856 {offsets = [64, 0], sizes = [8, 1024], strides = [1, 1]} : vector<576x1024xf32> to vector<8x1024xf32>
    %add3A_950 = arith.addf %add3A_948, %slice3A_949 : vector<8x1024xf32>
    %lt3A_951 = arith.cmpf olt, %add3A_950, %min3A_941 : vector<8x1024xf32>
    %min3A_952 = arith.minimumf %min3A_941, %add3A_950 : vector<8x1024xf32>
    %jit3A_953 = arith.constant 8 : i32
    %broadcast_in_dim3A_954 = vector.broadcast %jit3A_953 : i32 to vector<8x1024xi32>
    %select_n3A_955 = arith.select %lt3A_951, %broadcast_in_dim3A_954, %select_n3A_944 : vector<8x1024xi1>, vector<8x1024xi32>
    %slice3A_956 = vector.extract_strided_slice %reduce_sum3A_850 {offsets = [72], sizes = [8], strides = [1]} : vector<576xf32> to vector<8xf32>
    %broadcast_in_dim3A_957 = vector.shape_cast %slice3A_956 : vector<8xf32> to vector<8x1xf32>
    %add3A_958 = vector.broadcast %broadcast_in_dim3A_957 : vector<8x1xf32> to vector<8x1024xf32>
    %add3A_959 = arith.addf %get3A_6, %add3A_958 : vector<8x1024xf32>
    %slice3A_960 = vector.extract_strided_slice %dot_general3A_856 {offsets = [72, 0], sizes = [8, 1024], strides = [1, 1]} : vector<576x1024xf32> to vector<8x1024xf32>
    %add3A_961 = arith.addf %add3A_959, %slice3A_960 : vector<8x1024xf32>
    %lt3A_962 = arith.cmpf olt, %add3A_961, %min3A_952 : vector<8x1024xf32>
    %min3A_963 = arith.minimumf %min3A_952, %add3A_961 : vector<8x1024xf32>
    %jit3A_964 = arith.constant 9 : i32
    %broadcast_in_dim3A_965 = vector.broadcast %jit3A_964 : i32 to vector<8x1024xi32>
    %select_n3A_966 = arith.select %lt3A_962, %broadcast_in_dim3A_965, %select_n3A_955 : vector<8x1024xi1>, vector<8x1024xi32>
    %slice3A_967 = vector.extract_strided_slice %reduce_sum3A_850 {offsets = [80], sizes = [8], strides = [1]} : vector<576xf32> to vector<8xf32>
    %broadcast_in_dim3A_968 = vector.shape_cast %slice3A_967 : vector<8xf32> to vector<8x1xf32>
    %add3A_969 = vector.broadcast %broadcast_in_dim3A_968 : vector<8x1xf32> to vector<8x1024xf32>
    %add3A_970 = arith.addf %get3A_6, %add3A_969 : vector<8x1024xf32>
    %slice3A_971 = vector.extract_strided_slice %dot_general3A_856 {offsets = [80, 0], sizes = [8, 1024], strides = [1, 1]} : vector<576x1024xf32> to vector<8x1024xf32>
    %add3A_972 = arith.addf %add3A_970, %slice3A_971 : vector<8x1024xf32>
    %lt3A_973 = arith.cmpf olt, %add3A_972, %min3A_963 : vector<8x1024xf32>
    %min3A_974 = arith.minimumf %min3A_963, %add3A_972 : vector<8x1024xf32>
    %jit3A_975 = arith.constant 10 : i32
    %broadcast_in_dim3A_976 = vector.broadcast %jit3A_975 : i32 to vector<8x1024xi32>
    %select_n3A_977 = arith.select %lt3A_973, %broadcast_in_dim3A_976, %select_n3A_966 : vector<8x1024xi1>, vector<8x1024xi32>
    %slice3A_978 = vector.extract_strided_slice %reduce_sum3A_850 {offsets = [88], sizes = [8], strides = [1]} : vector<576xf32> to vector<8xf32>
    %broadcast_in_dim3A_979 = vector.shape_cast %slice3A_978 : vector<8xf32> to vector<8x1xf32>
    %add3A_980 = vector.broadcast %broadcast_in_dim3A_979 : vector<8x1xf32> to vector<8x1024xf32>
    %add3A_981 = arith.addf %get3A_6, %add3A_980 : vector<8x1024xf32>
    %slice3A_982 = vector.extract_strided_slice %dot_general3A_856 {offsets = [88, 0], sizes = [8, 1024], strides = [1, 1]} : vector<576x1024xf32> to vector<8x1024xf32>
    %add3A_983 = arith.addf %add3A_981, %slice3A_982 : vector<8x1024xf32>
    %lt3A_984 = arith.cmpf olt, %add3A_983, %min3A_974 : vector<8x1024xf32>
    %min3A_985 = arith.minimumf %min3A_974, %add3A_983 : vector<8x1024xf32>
    %jit3A_986 = arith.constant 11 : i32
    %broadcast_in_dim3A_987 = vector.broadcast %jit3A_986 : i32 to vector<8x1024xi32>
    %select_n3A_988 = arith.select %lt3A_984, %broadcast_in_dim3A_987, %select_n3A_977 : vector<8x1024xi1>, vector<8x1024xi32>
    %slice3A_989 = vector.extract_strided_slice %reduce_sum3A_850 {offsets = [96], sizes = [8], strides = [1]} : vector<576xf32> to vector<8xf32>
    %broadcast_in_dim3A_990 = vector.shape_cast %slice3A_989 : vector<8xf32> to vector<8x1xf32>
    %add3A_991 = vector.broadcast %broadcast_in_dim3A_990 : vector<8x1xf32> to vector<8x1024xf32>
    %add3A_992 = arith.addf %get3A_6, %add3A_991 : vector<8x1024xf32>
    %slice3A_993 = vector.extract_strided_slice %dot_general3A_856 {offsets = [96, 0], sizes = [8, 1024], strides = [1, 1]} : vector<576x1024xf32> to vector<8x1024xf32>
    %add3A_994 = arith.addf %add3A_992, %slice3A_993 : vector<8x1024xf32>
    %lt3A_995 = arith.cmpf olt, %add3A_994, %min3A_985 : vector<8x1024xf32>
    %min3A_996 = arith.minimumf %min3A_985, %add3A_994 : vector<8x1024xf32>
    %jit3A_997 = arith.constant 12 : i32
    %broadcast_in_dim3A_998 = vector.broadcast %jit3A_997 : i32 to vector<8x1024xi32>
    %select_n3A_999 = arith.select %lt3A_995, %broadcast_in_dim3A_998, %select_n3A_988 : vector<8x1024xi1>, vector<8x1024xi32>
    %slice3A_1000 = vector.extract_strided_slice %reduce_sum3A_850 {offsets = [104], sizes = [8], strides = [1]} : vector<576xf32> to vector<8xf32>
    %broadcast_in_dim3A_1001 = vector.shape_cast %slice3A_1000 : vector<8xf32> to vector<8x1xf32>
    %add3A_1002 = vector.broadcast %broadcast_in_dim3A_1001 : vector<8x1xf32> to vector<8x1024xf32>
    %add3A_1003 = arith.addf %get3A_6, %add3A_1002 : vector<8x1024xf32>
    %slice3A_1004 = vector.extract_strided_slice %dot_general3A_856 {offsets = [104, 0], sizes = [8, 1024], strides = [1, 1]} : vector<576x1024xf32> to vector<8x1024xf32>
    %add3A_1005 = arith.addf %add3A_1003, %slice3A_1004 : vector<8x1024xf32>
    %lt3A_1006 = arith.cmpf olt, %add3A_1005, %min3A_996 : vector<8x1024xf32>
    %min3A_1007 = arith.minimumf %min3A_996, %add3A_1005 : vector<8x1024xf32>
    %jit3A_1008 = arith.constant 13 : i32
    %broadcast_in_dim3A_1009 = vector.broadcast %jit3A_1008 : i32 to vector<8x1024xi32>
    %select_n3A_1010 = arith.select %lt3A_1006, %broadcast_in_dim3A_1009, %select_n3A_999 : vector<8x1024xi1>, vector<8x1024xi32>
    %slice3A_1011 = vector.extract_strided_slice %reduce_sum3A_850 {offsets = [112], sizes = [8], strides = [1]} : vector<576xf32> to vector<8xf32>
    %broadcast_in_dim3A_1012 = vector.shape_cast %slice3A_1011 : vector<8xf32> to vector<8x1xf32>
    %add3A_1013 = vector.broadcast %broadcast_in_dim3A_1012 : vector<8x1xf32> to vector<8x1024xf32>
    %add3A_1014 = arith.addf %get3A_6, %add3A_1013 : vector<8x1024xf32>
    %slice3A_1015 = vector.extract_strided_slice %dot_general3A_856 {offsets = [112, 0], sizes = [8, 1024], strides = [1, 1]} : vector<576x1024xf32> to vector<8x1024xf32>
    %add3A_1016 = arith.addf %add3A_1014, %slice3A_1015 : vector<8x1024xf32>
    %lt3A_1017 = arith.cmpf olt, %add3A_1016, %min3A_1007 : vector<8x1024xf32>
    %min3A_1018 = arith.minimumf %min3A_1007, %add3A_1016 : vector<8x1024xf32>
    %jit3A_1019 = arith.constant 14 : i32
    %broadcast_in_dim3A_1020 = vector.broadcast %jit3A_1019 : i32 to vector<8x1024xi32>
    %select_n3A_1021 = arith.select %lt3A_1017, %broadcast_in_dim3A_1020, %select_n3A_1010 : vector<8x1024xi1>, vector<8x1024xi32>
    %slice3A_1022 = vector.extract_strided_slice %reduce_sum3A_850 {offsets = [120], sizes = [8], strides = [1]} : vector<576xf32> to vector<8xf32>
    %broadcast_in_dim3A_1023 = vector.shape_cast %slice3A_1022 : vector<8xf32> to vector<8x1xf32>
    %add3A_1024 = vector.broadcast %broadcast_in_dim3A_1023 : vector<8x1xf32> to vector<8x1024xf32>
    %add3A_1025 = arith.addf %get3A_6, %add3A_1024 : vector<8x1024xf32>
    %slice3A_1026 = vector.extract_strided_slice %dot_general3A_856 {offsets = [120, 0], sizes = [8, 1024], strides = [1, 1]} : vector<576x1024xf32> to vector<8x1024xf32>
    %add3A_1027 = arith.addf %add3A_1025, %slice3A_1026 : vector<8x1024xf32>
    %lt3A_1028 = arith.cmpf olt, %add3A_1027, %min3A_1018 : vector<8x1024xf32>
    %min3A_1029 = arith.minimumf %min3A_1018, %add3A_1027 : vector<8x1024xf32>
    %jit3A_1030 = arith.constant 15 : i32
    %broadcast_in_dim3A_1031 = vector.broadcast %jit3A_1030 : i32 to vector<8x1024xi32>
    %select_n3A_1032 = arith.select %lt3A_1028, %broadcast_in_dim3A_1031, %select_n3A_1021 : vector<8x1024xi1>, vector<8x1024xi32>
    %slice3A_1033 = vector.extract_strided_slice %reduce_sum3A_850 {offsets = [128], sizes = [8], strides = [1]} : vector<576xf32> to vector<8xf32>
    %broadcast_in_dim3A_1034 = vector.shape_cast %slice3A_1033 : vector<8xf32> to vector<8x1xf32>
    %add3A_1035 = vector.broadcast %broadcast_in_dim3A_1034 : vector<8x1xf32> to vector<8x1024xf32>
    %add3A_1036 = arith.addf %get3A_6, %add3A_1035 : vector<8x1024xf32>
    %slice3A_1037 = vector.extract_strided_slice %dot_general3A_856 {offsets = [128, 0], sizes = [8, 1024], strides = [1, 1]} : vector<576x1024xf32> to vector<8x1024xf32>
    %add3A_1038 = arith.addf %add3A_1036, %slice3A_1037 : vector<8x1024xf32>
    %lt3A_1039 = arith.cmpf olt, %add3A_1038, %min3A_1029 : vector<8x1024xf32>
    %min3A_1040 = arith.minimumf %min3A_1029, %add3A_1038 : vector<8x1024xf32>
    %jit3A_1041 = arith.constant 16 : i32
    %broadcast_in_dim3A_1042 = vector.broadcast %jit3A_1041 : i32 to vector<8x1024xi32>
    %select_n3A_1043 = arith.select %lt3A_1039, %broadcast_in_dim3A_1042, %select_n3A_1032 : vector<8x1024xi1>, vector<8x1024xi32>
    %slice3A_1044 = vector.extract_strided_slice %reduce_sum3A_850 {offsets = [136], sizes = [8], strides = [1]} : vector<576xf32> to vector<8xf32>
    %broadcast_in_dim3A_1045 = vector.shape_cast %slice3A_1044 : vector<8xf32> to vector<8x1xf32>
    %add3A_1046 = vector.broadcast %broadcast_in_dim3A_1045 : vector<8x1xf32> to vector<8x1024xf32>
    %add3A_1047 = arith.addf %get3A_6, %add3A_1046 : vector<8x1024xf32>
    %slice3A_1048 = vector.extract_strided_slice %dot_general3A_856 {offsets = [136, 0], sizes = [8, 1024], strides = [1, 1]} : vector<576x1024xf32> to vector<8x1024xf32>
    %add3A_1049 = arith.addf %add3A_1047, %slice3A_1048 : vector<8x1024xf32>
    %lt3A_1050 = arith.cmpf olt, %add3A_1049, %min3A_1040 : vector<8x1024xf32>
    %min3A_1051 = arith.minimumf %min3A_1040, %add3A_1049 : vector<8x1024xf32>
    %jit3A_1052 = arith.constant 17 : i32
    %broadcast_in_dim3A_1053 = vector.broadcast %jit3A_1052 : i32 to vector<8x1024xi32>
    %select_n3A_1054 = arith.select %lt3A_1050, %broadcast_in_dim3A_1053, %select_n3A_1043 : vector<8x1024xi1>, vector<8x1024xi32>
    %slice3A_1055 = vector.extract_strided_slice %reduce_sum3A_850 {offsets = [144], sizes = [8], strides = [1]} : vector<576xf32> to vector<8xf32>
    %broadcast_in_dim3A_1056 = vector.shape_cast %slice3A_1055 : vector<8xf32> to vector<8x1xf32>
    %add3A_1057 = vector.broadcast %broadcast_in_dim3A_1056 : vector<8x1xf32> to vector<8x1024xf32>
    %add3A_1058 = arith.addf %get3A_6, %add3A_1057 : vector<8x1024xf32>
    %slice3A_1059 = vector.extract_strided_slice %dot_general3A_856 {offsets = [144, 0], sizes = [8, 1024], strides = [1, 1]} : vector<576x1024xf32> to vector<8x1024xf32>
    %add3A_1060 = arith.addf %add3A_1058, %slice3A_1059 : vector<8x1024xf32>
    %lt3A_1061 = arith.cmpf olt, %add3A_1060, %min3A_1051 : vector<8x1024xf32>
    %min3A_1062 = arith.minimumf %min3A_1051, %add3A_1060 : vector<8x1024xf32>
    %jit3A_1063 = arith.constant 18 : i32
    %broadcast_in_dim3A_1064 = vector.broadcast %jit3A_1063 : i32 to vector<8x1024xi32>
    %select_n3A_1065 = arith.select %lt3A_1061, %broadcast_in_dim3A_1064, %select_n3A_1054 : vector<8x1024xi1>, vector<8x1024xi32>
    %slice3A_1066 = vector.extract_strided_slice %reduce_sum3A_850 {offsets = [152], sizes = [8], strides = [1]} : vector<576xf32> to vector<8xf32>
    %broadcast_in_dim3A_1067 = vector.shape_cast %slice3A_1066 : vector<8xf32> to vector<8x1xf32>
    %add3A_1068 = vector.broadcast %broadcast_in_dim3A_1067 : vector<8x1xf32> to vector<8x1024xf32>
    %add3A_1069 = arith.addf %get3A_6, %add3A_1068 : vector<8x1024xf32>
    %slice3A_1070 = vector.extract_strided_slice %dot_general3A_856 {offsets = [152, 0], sizes = [8, 1024], strides = [1, 1]} : vector<576x1024xf32> to vector<8x1024xf32>
    %add3A_1071 = arith.addf %add3A_1069, %slice3A_1070 : vector<8x1024xf32>
    %lt3A_1072 = arith.cmpf olt, %add3A_1071, %min3A_1062 : vector<8x1024xf32>
    %min3A_1073 = arith.minimumf %min3A_1062, %add3A_1071 : vector<8x1024xf32>
    %jit3A_1074 = arith.constant 19 : i32
    %broadcast_in_dim3A_1075 = vector.broadcast %jit3A_1074 : i32 to vector<8x1024xi32>
    %select_n3A_1076 = arith.select %lt3A_1072, %broadcast_in_dim3A_1075, %select_n3A_1065 : vector<8x1024xi1>, vector<8x1024xi32>
    %slice3A_1077 = vector.extract_strided_slice %reduce_sum3A_850 {offsets = [160], sizes = [8], strides = [1]} : vector<576xf32> to vector<8xf32>
    %broadcast_in_dim3A_1078 = vector.shape_cast %slice3A_1077 : vector<8xf32> to vector<8x1xf32>
    %add3A_1079 = vector.broadcast %broadcast_in_dim3A_1078 : vector<8x1xf32> to vector<8x1024xf32>
    %add3A_1080 = arith.addf %get3A_6, %add3A_1079 : vector<8x1024xf32>
    %slice3A_1081 = vector.extract_strided_slice %dot_general3A_856 {offsets = [160, 0], sizes = [8, 1024], strides = [1, 1]} : vector<576x1024xf32> to vector<8x1024xf32>
    %add3A_1082 = arith.addf %add3A_1080, %slice3A_1081 : vector<8x1024xf32>
    %lt3A_1083 = arith.cmpf olt, %add3A_1082, %min3A_1073 : vector<8x1024xf32>
    %min3A_1084 = arith.minimumf %min3A_1073, %add3A_1082 : vector<8x1024xf32>
    %jit3A_1085 = arith.constant 20 : i32
    %broadcast_in_dim3A_1086 = vector.broadcast %jit3A_1085 : i32 to vector<8x1024xi32>
    %select_n3A_1087 = arith.select %lt3A_1083, %broadcast_in_dim3A_1086, %select_n3A_1076 : vector<8x1024xi1>, vector<8x1024xi32>
    %slice3A_1088 = vector.extract_strided_slice %reduce_sum3A_850 {offsets = [168], sizes = [8], strides = [1]} : vector<576xf32> to vector<8xf32>
    %broadcast_in_dim3A_1089 = vector.shape_cast %slice3A_1088 : vector<8xf32> to vector<8x1xf32>
    %add3A_1090 = vector.broadcast %broadcast_in_dim3A_1089 : vector<8x1xf32> to vector<8x1024xf32>
    %add3A_1091 = arith.addf %get3A_6, %add3A_1090 : vector<8x1024xf32>
    %slice3A_1092 = vector.extract_strided_slice %dot_general3A_856 {offsets = [168, 0], sizes = [8, 1024], strides = [1, 1]} : vector<576x1024xf32> to vector<8x1024xf32>
    %add3A_1093 = arith.addf %add3A_1091, %slice3A_1092 : vector<8x1024xf32>
    %lt3A_1094 = arith.cmpf olt, %add3A_1093, %min3A_1084 : vector<8x1024xf32>
    %min3A_1095 = arith.minimumf %min3A_1084, %add3A_1093 : vector<8x1024xf32>
    %jit3A_1096 = arith.constant 21 : i32
    %broadcast_in_dim3A_1097 = vector.broadcast %jit3A_1096 : i32 to vector<8x1024xi32>
    %select_n3A_1098 = arith.select %lt3A_1094, %broadcast_in_dim3A_1097, %select_n3A_1087 : vector<8x1024xi1>, vector<8x1024xi32>
    %slice3A_1099 = vector.extract_strided_slice %reduce_sum3A_850 {offsets = [176], sizes = [8], strides = [1]} : vector<576xf32> to vector<8xf32>
    %broadcast_in_dim3A_1100 = vector.shape_cast %slice3A_1099 : vector<8xf32> to vector<8x1xf32>
    %add3A_1101 = vector.broadcast %broadcast_in_dim3A_1100 : vector<8x1xf32> to vector<8x1024xf32>
    %add3A_1102 = arith.addf %get3A_6, %add3A_1101 : vector<8x1024xf32>
    %slice3A_1103 = vector.extract_strided_slice %dot_general3A_856 {offsets = [176, 0], sizes = [8, 1024], strides = [1, 1]} : vector<576x1024xf32> to vector<8x1024xf32>
    %add3A_1104 = arith.addf %add3A_1102, %slice3A_1103 : vector<8x1024xf32>
    %lt3A_1105 = arith.cmpf olt, %add3A_1104, %min3A_1095 : vector<8x1024xf32>
    %min3A_1106 = arith.minimumf %min3A_1095, %add3A_1104 : vector<8x1024xf32>
    %jit3A_1107 = arith.constant 22 : i32
    %broadcast_in_dim3A_1108 = vector.broadcast %jit3A_1107 : i32 to vector<8x1024xi32>
    %select_n3A_1109 = arith.select %lt3A_1105, %broadcast_in_dim3A_1108, %select_n3A_1098 : vector<8x1024xi1>, vector<8x1024xi32>
    %slice3A_1110 = vector.extract_strided_slice %reduce_sum3A_850 {offsets = [184], sizes = [8], strides = [1]} : vector<576xf32> to vector<8xf32>
    %broadcast_in_dim3A_1111 = vector.shape_cast %slice3A_1110 : vector<8xf32> to vector<8x1xf32>
    %add3A_1112 = vector.broadcast %broadcast_in_dim3A_1111 : vector<8x1xf32> to vector<8x1024xf32>
    %add3A_1113 = arith.addf %get3A_6, %add3A_1112 : vector<8x1024xf32>
    %slice3A_1114 = vector.extract_strided_slice %dot_general3A_856 {offsets = [184, 0], sizes = [8, 1024], strides = [1, 1]} : vector<576x1024xf32> to vector<8x1024xf32>
    %add3A_1115 = arith.addf %add3A_1113, %slice3A_1114 : vector<8x1024xf32>
    %lt3A_1116 = arith.cmpf olt, %add3A_1115, %min3A_1106 : vector<8x1024xf32>
    %min3A_1117 = arith.minimumf %min3A_1106, %add3A_1115 : vector<8x1024xf32>
    %jit3A_1118 = arith.constant 23 : i32
    %broadcast_in_dim3A_1119 = vector.broadcast %jit3A_1118 : i32 to vector<8x1024xi32>
    %select_n3A_1120 = arith.select %lt3A_1116, %broadcast_in_dim3A_1119, %select_n3A_1109 : vector<8x1024xi1>, vector<8x1024xi32>
    %slice3A_1121 = vector.extract_strided_slice %reduce_sum3A_850 {offsets = [192], sizes = [8], strides = [1]} : vector<576xf32> to vector<8xf32>
    %broadcast_in_dim3A_1122 = vector.shape_cast %slice3A_1121 : vector<8xf32> to vector<8x1xf32>
    %add3A_1123 = vector.broadcast %broadcast_in_dim3A_1122 : vector<8x1xf32> to vector<8x1024xf32>
    %add3A_1124 = arith.addf %get3A_6, %add3A_1123 : vector<8x1024xf32>
    %slice3A_1125 = vector.extract_strided_slice %dot_general3A_856 {offsets = [192, 0], sizes = [8, 1024], strides = [1, 1]} : vector<576x1024xf32> to vector<8x1024xf32>
    %add3A_1126 = arith.addf %add3A_1124, %slice3A_1125 : vector<8x1024xf32>
    %lt3A_1127 = arith.cmpf olt, %add3A_1126, %min3A_1117 : vector<8x1024xf32>
    %min3A_1128 = arith.minimumf %min3A_1117, %add3A_1126 : vector<8x1024xf32>
    %jit3A_1129 = arith.constant 24 : i32
    %broadcast_in_dim3A_1130 = vector.broadcast %jit3A_1129 : i32 to vector<8x1024xi32>
    %select_n3A_1131 = arith.select %lt3A_1127, %broadcast_in_dim3A_1130, %select_n3A_1120 : vector<8x1024xi1>, vector<8x1024xi32>
    %slice3A_1132 = vector.extract_strided_slice %reduce_sum3A_850 {offsets = [200], sizes = [8], strides = [1]} : vector<576xf32> to vector<8xf32>
    %broadcast_in_dim3A_1133 = vector.shape_cast %slice3A_1132 : vector<8xf32> to vector<8x1xf32>
    %add3A_1134 = vector.broadcast %broadcast_in_dim3A_1133 : vector<8x1xf32> to vector<8x1024xf32>
    %add3A_1135 = arith.addf %get3A_6, %add3A_1134 : vector<8x1024xf32>
    %slice3A_1136 = vector.extract_strided_slice %dot_general3A_856 {offsets = [200, 0], sizes = [8, 1024], strides = [1, 1]} : vector<576x1024xf32> to vector<8x1024xf32>
    %add3A_1137 = arith.addf %add3A_1135, %slice3A_1136 : vector<8x1024xf32>
    %lt3A_1138 = arith.cmpf olt, %add3A_1137, %min3A_1128 : vector<8x1024xf32>
    %min3A_1139 = arith.minimumf %min3A_1128, %add3A_1137 : vector<8x1024xf32>
    %jit3A_1140 = arith.constant 25 : i32
    %broadcast_in_dim3A_1141 = vector.broadcast %jit3A_1140 : i32 to vector<8x1024xi32>
    %select_n3A_1142 = arith.select %lt3A_1138, %broadcast_in_dim3A_1141, %select_n3A_1131 : vector<8x1024xi1>, vector<8x1024xi32>
    %slice3A_1143 = vector.extract_strided_slice %reduce_sum3A_850 {offsets = [208], sizes = [8], strides = [1]} : vector<576xf32> to vector<8xf32>
    %broadcast_in_dim3A_1144 = vector.shape_cast %slice3A_1143 : vector<8xf32> to vector<8x1xf32>
    %add3A_1145 = vector.broadcast %broadcast_in_dim3A_1144 : vector<8x1xf32> to vector<8x1024xf32>
    %add3A_1146 = arith.addf %get3A_6, %add3A_1145 : vector<8x1024xf32>
    %slice3A_1147 = vector.extract_strided_slice %dot_general3A_856 {offsets = [208, 0], sizes = [8, 1024], strides = [1, 1]} : vector<576x1024xf32> to vector<8x1024xf32>
    %add3A_1148 = arith.addf %add3A_1146, %slice3A_1147 : vector<8x1024xf32>
    %lt3A_1149 = arith.cmpf olt, %add3A_1148, %min3A_1139 : vector<8x1024xf32>
    %min3A_1150 = arith.minimumf %min3A_1139, %add3A_1148 : vector<8x1024xf32>
    %jit3A_1151 = arith.constant 26 : i32
    %broadcast_in_dim3A_1152 = vector.broadcast %jit3A_1151 : i32 to vector<8x1024xi32>
    %select_n3A_1153 = arith.select %lt3A_1149, %broadcast_in_dim3A_1152, %select_n3A_1142 : vector<8x1024xi1>, vector<8x1024xi32>
    %slice3A_1154 = vector.extract_strided_slice %reduce_sum3A_850 {offsets = [216], sizes = [8], strides = [1]} : vector<576xf32> to vector<8xf32>
    %broadcast_in_dim3A_1155 = vector.shape_cast %slice3A_1154 : vector<8xf32> to vector<8x1xf32>
    %add3A_1156 = vector.broadcast %broadcast_in_dim3A_1155 : vector<8x1xf32> to vector<8x1024xf32>
    %add3A_1157 = arith.addf %get3A_6, %add3A_1156 : vector<8x1024xf32>
    %slice3A_1158 = vector.extract_strided_slice %dot_general3A_856 {offsets = [216, 0], sizes = [8, 1024], strides = [1, 1]} : vector<576x1024xf32> to vector<8x1024xf32>
    %add3A_1159 = arith.addf %add3A_1157, %slice3A_1158 : vector<8x1024xf32>
    %lt3A_1160 = arith.cmpf olt, %add3A_1159, %min3A_1150 : vector<8x1024xf32>
    %min3A_1161 = arith.minimumf %min3A_1150, %add3A_1159 : vector<8x1024xf32>
    %jit3A_1162 = arith.constant 27 : i32
    %broadcast_in_dim3A_1163 = vector.broadcast %jit3A_1162 : i32 to vector<8x1024xi32>
    %select_n3A_1164 = arith.select %lt3A_1160, %broadcast_in_dim3A_1163, %select_n3A_1153 : vector<8x1024xi1>, vector<8x1024xi32>
    %slice3A_1165 = vector.extract_strided_slice %reduce_sum3A_850 {offsets = [224], sizes = [8], strides = [1]} : vector<576xf32> to vector<8xf32>
    %broadcast_in_dim3A_1166 = vector.shape_cast %slice3A_1165 : vector<8xf32> to vector<8x1xf32>
    %add3A_1167 = vector.broadcast %broadcast_in_dim3A_1166 : vector<8x1xf32> to vector<8x1024xf32>
    %add3A_1168 = arith.addf %get3A_6, %add3A_1167 : vector<8x1024xf32>
    %slice3A_1169 = vector.extract_strided_slice %dot_general3A_856 {offsets = [224, 0], sizes = [8, 1024], strides = [1, 1]} : vector<576x1024xf32> to vector<8x1024xf32>
    %add3A_1170 = arith.addf %add3A_1168, %slice3A_1169 : vector<8x1024xf32>
    %lt3A_1171 = arith.cmpf olt, %add3A_1170, %min3A_1161 : vector<8x1024xf32>
    %min3A_1172 = arith.minimumf %min3A_1161, %add3A_1170 : vector<8x1024xf32>
    %jit3A_1173 = arith.constant 28 : i32
    %broadcast_in_dim3A_1174 = vector.broadcast %jit3A_1173 : i32 to vector<8x1024xi32>
    %select_n3A_1175 = arith.select %lt3A_1171, %broadcast_in_dim3A_1174, %select_n3A_1164 : vector<8x1024xi1>, vector<8x1024xi32>
    %slice3A_1176 = vector.extract_strided_slice %reduce_sum3A_850 {offsets = [232], sizes = [8], strides = [1]} : vector<576xf32> to vector<8xf32>
    %broadcast_in_dim3A_1177 = vector.shape_cast %slice3A_1176 : vector<8xf32> to vector<8x1xf32>
    %add3A_1178 = vector.broadcast %broadcast_in_dim3A_1177 : vector<8x1xf32> to vector<8x1024xf32>
    %add3A_1179 = arith.addf %get3A_6, %add3A_1178 : vector<8x1024xf32>
    %slice3A_1180 = vector.extract_strided_slice %dot_general3A_856 {offsets = [232, 0], sizes = [8, 1024], strides = [1, 1]} : vector<576x1024xf32> to vector<8x1024xf32>
    %add3A_1181 = arith.addf %add3A_1179, %slice3A_1180 : vector<8x1024xf32>
    %lt3A_1182 = arith.cmpf olt, %add3A_1181, %min3A_1172 : vector<8x1024xf32>
    %min3A_1183 = arith.minimumf %min3A_1172, %add3A_1181 : vector<8x1024xf32>
    %jit3A_1184 = arith.constant 29 : i32
    %broadcast_in_dim3A_1185 = vector.broadcast %jit3A_1184 : i32 to vector<8x1024xi32>
    %select_n3A_1186 = arith.select %lt3A_1182, %broadcast_in_dim3A_1185, %select_n3A_1175 : vector<8x1024xi1>, vector<8x1024xi32>
    %slice3A_1187 = vector.extract_strided_slice %reduce_sum3A_850 {offsets = [240], sizes = [8], strides = [1]} : vector<576xf32> to vector<8xf32>
    %broadcast_in_dim3A_1188 = vector.shape_cast %slice3A_1187 : vector<8xf32> to vector<8x1xf32>
    %add3A_1189 = vector.broadcast %broadcast_in_dim3A_1188 : vector<8x1xf32> to vector<8x1024xf32>
    %add3A_1190 = arith.addf %get3A_6, %add3A_1189 : vector<8x1024xf32>
    %slice3A_1191 = vector.extract_strided_slice %dot_general3A_856 {offsets = [240, 0], sizes = [8, 1024], strides = [1, 1]} : vector<576x1024xf32> to vector<8x1024xf32>
    %add3A_1192 = arith.addf %add3A_1190, %slice3A_1191 : vector<8x1024xf32>
    %lt3A_1193 = arith.cmpf olt, %add3A_1192, %min3A_1183 : vector<8x1024xf32>
    %min3A_1194 = arith.minimumf %min3A_1183, %add3A_1192 : vector<8x1024xf32>
    %jit3A_1195 = arith.constant 30 : i32
    %broadcast_in_dim3A_1196 = vector.broadcast %jit3A_1195 : i32 to vector<8x1024xi32>
    %select_n3A_1197 = arith.select %lt3A_1193, %broadcast_in_dim3A_1196, %select_n3A_1186 : vector<8x1024xi1>, vector<8x1024xi32>
    %slice3A_1198 = vector.extract_strided_slice %reduce_sum3A_850 {offsets = [248], sizes = [8], strides = [1]} : vector<576xf32> to vector<8xf32>
    %broadcast_in_dim3A_1199 = vector.shape_cast %slice3A_1198 : vector<8xf32> to vector<8x1xf32>
    %add3A_1200 = vector.broadcast %broadcast_in_dim3A_1199 : vector<8x1xf32> to vector<8x1024xf32>
    %add3A_1201 = arith.addf %get3A_6, %add3A_1200 : vector<8x1024xf32>
    %slice3A_1202 = vector.extract_strided_slice %dot_general3A_856 {offsets = [248, 0], sizes = [8, 1024], strides = [1, 1]} : vector<576x1024xf32> to vector<8x1024xf32>
    %add3A_1203 = arith.addf %add3A_1201, %slice3A_1202 : vector<8x1024xf32>
    %lt3A_1204 = arith.cmpf olt, %add3A_1203, %min3A_1194 : vector<8x1024xf32>
    %min3A_1205 = arith.minimumf %min3A_1194, %add3A_1203 : vector<8x1024xf32>
    %jit3A_1206 = arith.constant 31 : i32
    %broadcast_in_dim3A_1207 = vector.broadcast %jit3A_1206 : i32 to vector<8x1024xi32>
    %select_n3A_1208 = arith.select %lt3A_1204, %broadcast_in_dim3A_1207, %select_n3A_1197 : vector<8x1024xi1>, vector<8x1024xi32>
    %slice3A_1209 = vector.extract_strided_slice %reduce_sum3A_850 {offsets = [256], sizes = [8], strides = [1]} : vector<576xf32> to vector<8xf32>
    %broadcast_in_dim3A_1210 = vector.shape_cast %slice3A_1209 : vector<8xf32> to vector<8x1xf32>
    %add3A_1211 = vector.broadcast %broadcast_in_dim3A_1210 : vector<8x1xf32> to vector<8x1024xf32>
    %add3A_1212 = arith.addf %get3A_6, %add3A_1211 : vector<8x1024xf32>
    %slice3A_1213 = vector.extract_strided_slice %dot_general3A_856 {offsets = [256, 0], sizes = [8, 1024], strides = [1, 1]} : vector<576x1024xf32> to vector<8x1024xf32>
    %add3A_1214 = arith.addf %add3A_1212, %slice3A_1213 : vector<8x1024xf32>
    %lt3A_1215 = arith.cmpf olt, %add3A_1214, %min3A_1205 : vector<8x1024xf32>
    %min3A_1216 = arith.minimumf %min3A_1205, %add3A_1214 : vector<8x1024xf32>
    %jit3A_1217 = arith.constant 32 : i32
    %broadcast_in_dim3A_1218 = vector.broadcast %jit3A_1217 : i32 to vector<8x1024xi32>
    %select_n3A_1219 = arith.select %lt3A_1215, %broadcast_in_dim3A_1218, %select_n3A_1208 : vector<8x1024xi1>, vector<8x1024xi32>
    %slice3A_1220 = vector.extract_strided_slice %reduce_sum3A_850 {offsets = [264], sizes = [8], strides = [1]} : vector<576xf32> to vector<8xf32>
    %broadcast_in_dim3A_1221 = vector.shape_cast %slice3A_1220 : vector<8xf32> to vector<8x1xf32>
    %add3A_1222 = vector.broadcast %broadcast_in_dim3A_1221 : vector<8x1xf32> to vector<8x1024xf32>
    %add3A_1223 = arith.addf %get3A_6, %add3A_1222 : vector<8x1024xf32>
    %slice3A_1224 = vector.extract_strided_slice %dot_general3A_856 {offsets = [264, 0], sizes = [8, 1024], strides = [1, 1]} : vector<576x1024xf32> to vector<8x1024xf32>
    %add3A_1225 = arith.addf %add3A_1223, %slice3A_1224 : vector<8x1024xf32>
    %lt3A_1226 = arith.cmpf olt, %add3A_1225, %min3A_1216 : vector<8x1024xf32>
    %min3A_1227 = arith.minimumf %min3A_1216, %add3A_1225 : vector<8x1024xf32>
    %jit3A_1228 = arith.constant 33 : i32
    %broadcast_in_dim3A_1229 = vector.broadcast %jit3A_1228 : i32 to vector<8x1024xi32>
    %select_n3A_1230 = arith.select %lt3A_1226, %broadcast_in_dim3A_1229, %select_n3A_1219 : vector<8x1024xi1>, vector<8x1024xi32>
    %slice3A_1231 = vector.extract_strided_slice %reduce_sum3A_850 {offsets = [272], sizes = [8], strides = [1]} : vector<576xf32> to vector<8xf32>
    %broadcast_in_dim3A_1232 = vector.shape_cast %slice3A_1231 : vector<8xf32> to vector<8x1xf32>
    %add3A_1233 = vector.broadcast %broadcast_in_dim3A_1232 : vector<8x1xf32> to vector<8x1024xf32>
    %add3A_1234 = arith.addf %get3A_6, %add3A_1233 : vector<8x1024xf32>
    %slice3A_1235 = vector.extract_strided_slice %dot_general3A_856 {offsets = [272, 0], sizes = [8, 1024], strides = [1, 1]} : vector<576x1024xf32> to vector<8x1024xf32>
    %add3A_1236 = arith.addf %add3A_1234, %slice3A_1235 : vector<8x1024xf32>
    %lt3A_1237 = arith.cmpf olt, %add3A_1236, %min3A_1227 : vector<8x1024xf32>
    %min3A_1238 = arith.minimumf %min3A_1227, %add3A_1236 : vector<8x1024xf32>
    %jit3A_1239 = arith.constant 34 : i32
    %broadcast_in_dim3A_1240 = vector.broadcast %jit3A_1239 : i32 to vector<8x1024xi32>
    %select_n3A_1241 = arith.select %lt3A_1237, %broadcast_in_dim3A_1240, %select_n3A_1230 : vector<8x1024xi1>, vector<8x1024xi32>
    %slice3A_1242 = vector.extract_strided_slice %reduce_sum3A_850 {offsets = [280], sizes = [8], strides = [1]} : vector<576xf32> to vector<8xf32>
    %broadcast_in_dim3A_1243 = vector.shape_cast %slice3A_1242 : vector<8xf32> to vector<8x1xf32>
    %add3A_1244 = vector.broadcast %broadcast_in_dim3A_1243 : vector<8x1xf32> to vector<8x1024xf32>
    %add3A_1245 = arith.addf %get3A_6, %add3A_1244 : vector<8x1024xf32>
    %slice3A_1246 = vector.extract_strided_slice %dot_general3A_856 {offsets = [280, 0], sizes = [8, 1024], strides = [1, 1]} : vector<576x1024xf32> to vector<8x1024xf32>
    %add3A_1247 = arith.addf %add3A_1245, %slice3A_1246 : vector<8x1024xf32>
    %lt3A_1248 = arith.cmpf olt, %add3A_1247, %min3A_1238 : vector<8x1024xf32>
    %min3A_1249 = arith.minimumf %min3A_1238, %add3A_1247 : vector<8x1024xf32>
    %jit3A_1250 = arith.constant 35 : i32
    %broadcast_in_dim3A_1251 = vector.broadcast %jit3A_1250 : i32 to vector<8x1024xi32>
    %select_n3A_1252 = arith.select %lt3A_1248, %broadcast_in_dim3A_1251, %select_n3A_1241 : vector<8x1024xi1>, vector<8x1024xi32>
    %slice3A_1253 = vector.extract_strided_slice %reduce_sum3A_850 {offsets = [288], sizes = [8], strides = [1]} : vector<576xf32> to vector<8xf32>
    %broadcast_in_dim3A_1254 = vector.shape_cast %slice3A_1253 : vector<8xf32> to vector<8x1xf32>
    %add3A_1255 = vector.broadcast %broadcast_in_dim3A_1254 : vector<8x1xf32> to vector<8x1024xf32>
    %add3A_1256 = arith.addf %get3A_6, %add3A_1255 : vector<8x1024xf32>
    %slice3A_1257 = vector.extract_strided_slice %dot_general3A_856 {offsets = [288, 0], sizes = [8, 1024], strides = [1, 1]} : vector<576x1024xf32> to vector<8x1024xf32>
    %add3A_1258 = arith.addf %add3A_1256, %slice3A_1257 : vector<8x1024xf32>
    %lt3A_1259 = arith.cmpf olt, %add3A_1258, %min3A_1249 : vector<8x1024xf32>
    %min3A_1260 = arith.minimumf %min3A_1249, %add3A_1258 : vector<8x1024xf32>
    %jit3A_1261 = arith.constant 36 : i32
    %broadcast_in_dim3A_1262 = vector.broadcast %jit3A_1261 : i32 to vector<8x1024xi32>
    %select_n3A_1263 = arith.select %lt3A_1259, %broadcast_in_dim3A_1262, %select_n3A_1252 : vector<8x1024xi1>, vector<8x1024xi32>
    %slice3A_1264 = vector.extract_strided_slice %reduce_sum3A_850 {offsets = [296], sizes = [8], strides = [1]} : vector<576xf32> to vector<8xf32>
    %broadcast_in_dim3A_1265 = vector.shape_cast %slice3A_1264 : vector<8xf32> to vector<8x1xf32>
    %add3A_1266 = vector.broadcast %broadcast_in_dim3A_1265 : vector<8x1xf32> to vector<8x1024xf32>
    %add3A_1267 = arith.addf %get3A_6, %add3A_1266 : vector<8x1024xf32>
    %slice3A_1268 = vector.extract_strided_slice %dot_general3A_856 {offsets = [296, 0], sizes = [8, 1024], strides = [1, 1]} : vector<576x1024xf32> to vector<8x1024xf32>
    %add3A_1269 = arith.addf %add3A_1267, %slice3A_1268 : vector<8x1024xf32>
    %lt3A_1270 = arith.cmpf olt, %add3A_1269, %min3A_1260 : vector<8x1024xf32>
    %min3A_1271 = arith.minimumf %min3A_1260, %add3A_1269 : vector<8x1024xf32>
    %jit3A_1272 = arith.constant 37 : i32
    %broadcast_in_dim3A_1273 = vector.broadcast %jit3A_1272 : i32 to vector<8x1024xi32>
    %select_n3A_1274 = arith.select %lt3A_1270, %broadcast_in_dim3A_1273, %select_n3A_1263 : vector<8x1024xi1>, vector<8x1024xi32>
    %slice3A_1275 = vector.extract_strided_slice %reduce_sum3A_850 {offsets = [304], sizes = [8], strides = [1]} : vector<576xf32> to vector<8xf32>
    %broadcast_in_dim3A_1276 = vector.shape_cast %slice3A_1275 : vector<8xf32> to vector<8x1xf32>
    %add3A_1277 = vector.broadcast %broadcast_in_dim3A_1276 : vector<8x1xf32> to vector<8x1024xf32>
    %add3A_1278 = arith.addf %get3A_6, %add3A_1277 : vector<8x1024xf32>
    %slice3A_1279 = vector.extract_strided_slice %dot_general3A_856 {offsets = [304, 0], sizes = [8, 1024], strides = [1, 1]} : vector<576x1024xf32> to vector<8x1024xf32>
    %add3A_1280 = arith.addf %add3A_1278, %slice3A_1279 : vector<8x1024xf32>
    %lt3A_1281 = arith.cmpf olt, %add3A_1280, %min3A_1271 : vector<8x1024xf32>
    %min3A_1282 = arith.minimumf %min3A_1271, %add3A_1280 : vector<8x1024xf32>
    %jit3A_1283 = arith.constant 38 : i32
    %broadcast_in_dim3A_1284 = vector.broadcast %jit3A_1283 : i32 to vector<8x1024xi32>
    %select_n3A_1285 = arith.select %lt3A_1281, %broadcast_in_dim3A_1284, %select_n3A_1274 : vector<8x1024xi1>, vector<8x1024xi32>
    %slice3A_1286 = vector.extract_strided_slice %reduce_sum3A_850 {offsets = [312], sizes = [8], strides = [1]} : vector<576xf32> to vector<8xf32>
    %broadcast_in_dim3A_1287 = vector.shape_cast %slice3A_1286 : vector<8xf32> to vector<8x1xf32>
    %add3A_1288 = vector.broadcast %broadcast_in_dim3A_1287 : vector<8x1xf32> to vector<8x1024xf32>
    %add3A_1289 = arith.addf %get3A_6, %add3A_1288 : vector<8x1024xf32>
    %slice3A_1290 = vector.extract_strided_slice %dot_general3A_856 {offsets = [312, 0], sizes = [8, 1024], strides = [1, 1]} : vector<576x1024xf32> to vector<8x1024xf32>
    %add3A_1291 = arith.addf %add3A_1289, %slice3A_1290 : vector<8x1024xf32>
    %lt3A_1292 = arith.cmpf olt, %add3A_1291, %min3A_1282 : vector<8x1024xf32>
    %min3A_1293 = arith.minimumf %min3A_1282, %add3A_1291 : vector<8x1024xf32>
    %jit3A_1294 = arith.constant 39 : i32
    %broadcast_in_dim3A_1295 = vector.broadcast %jit3A_1294 : i32 to vector<8x1024xi32>
    %select_n3A_1296 = arith.select %lt3A_1292, %broadcast_in_dim3A_1295, %select_n3A_1285 : vector<8x1024xi1>, vector<8x1024xi32>
    %slice3A_1297 = vector.extract_strided_slice %reduce_sum3A_850 {offsets = [320], sizes = [8], strides = [1]} : vector<576xf32> to vector<8xf32>
    %broadcast_in_dim3A_1298 = vector.shape_cast %slice3A_1297 : vector<8xf32> to vector<8x1xf32>
    %add3A_1299 = vector.broadcast %broadcast_in_dim3A_1298 : vector<8x1xf32> to vector<8x1024xf32>
    %add3A_1300 = arith.addf %get3A_6, %add3A_1299 : vector<8x1024xf32>
    %slice3A_1301 = vector.extract_strided_slice %dot_general3A_856 {offsets = [320, 0], sizes = [8, 1024], strides = [1, 1]} : vector<576x1024xf32> to vector<8x1024xf32>
    %add3A_1302 = arith.addf %add3A_1300, %slice3A_1301 : vector<8x1024xf32>
    %lt3A_1303 = arith.cmpf olt, %add3A_1302, %min3A_1293 : vector<8x1024xf32>
    %min3A_1304 = arith.minimumf %min3A_1293, %add3A_1302 : vector<8x1024xf32>
    %jit3A_1305 = arith.constant 40 : i32
    %broadcast_in_dim3A_1306 = vector.broadcast %jit3A_1305 : i32 to vector<8x1024xi32>
    %select_n3A_1307 = arith.select %lt3A_1303, %broadcast_in_dim3A_1306, %select_n3A_1296 : vector<8x1024xi1>, vector<8x1024xi32>
    %slice3A_1308 = vector.extract_strided_slice %reduce_sum3A_850 {offsets = [328], sizes = [8], strides = [1]} : vector<576xf32> to vector<8xf32>
    %broadcast_in_dim3A_1309 = vector.shape_cast %slice3A_1308 : vector<8xf32> to vector<8x1xf32>
    %add3A_1310 = vector.broadcast %broadcast_in_dim3A_1309 : vector<8x1xf32> to vector<8x1024xf32>
    %add3A_1311 = arith.addf %get3A_6, %add3A_1310 : vector<8x1024xf32>
    %slice3A_1312 = vector.extract_strided_slice %dot_general3A_856 {offsets = [328, 0], sizes = [8, 1024], strides = [1, 1]} : vector<576x1024xf32> to vector<8x1024xf32>
    %add3A_1313 = arith.addf %add3A_1311, %slice3A_1312 : vector<8x1024xf32>
    %lt3A_1314 = arith.cmpf olt, %add3A_1313, %min3A_1304 : vector<8x1024xf32>
    %min3A_1315 = arith.minimumf %min3A_1304, %add3A_1313 : vector<8x1024xf32>
    %jit3A_1316 = arith.constant 41 : i32
    %broadcast_in_dim3A_1317 = vector.broadcast %jit3A_1316 : i32 to vector<8x1024xi32>
    %select_n3A_1318 = arith.select %lt3A_1314, %broadcast_in_dim3A_1317, %select_n3A_1307 : vector<8x1024xi1>, vector<8x1024xi32>
    %slice3A_1319 = vector.extract_strided_slice %reduce_sum3A_850 {offsets = [336], sizes = [8], strides = [1]} : vector<576xf32> to vector<8xf32>
    %broadcast_in_dim3A_1320 = vector.shape_cast %slice3A_1319 : vector<8xf32> to vector<8x1xf32>
    %add3A_1321 = vector.broadcast %broadcast_in_dim3A_1320 : vector<8x1xf32> to vector<8x1024xf32>
    %add3A_1322 = arith.addf %get3A_6, %add3A_1321 : vector<8x1024xf32>
    %slice3A_1323 = vector.extract_strided_slice %dot_general3A_856 {offsets = [336, 0], sizes = [8, 1024], strides = [1, 1]} : vector<576x1024xf32> to vector<8x1024xf32>
    %add3A_1324 = arith.addf %add3A_1322, %slice3A_1323 : vector<8x1024xf32>
    %lt3A_1325 = arith.cmpf olt, %add3A_1324, %min3A_1315 : vector<8x1024xf32>
    %min3A_1326 = arith.minimumf %min3A_1315, %add3A_1324 : vector<8x1024xf32>
    %jit3A_1327 = arith.constant 42 : i32
    %broadcast_in_dim3A_1328 = vector.broadcast %jit3A_1327 : i32 to vector<8x1024xi32>
    %select_n3A_1329 = arith.select %lt3A_1325, %broadcast_in_dim3A_1328, %select_n3A_1318 : vector<8x1024xi1>, vector<8x1024xi32>
    %slice3A_1330 = vector.extract_strided_slice %reduce_sum3A_850 {offsets = [344], sizes = [8], strides = [1]} : vector<576xf32> to vector<8xf32>
    %broadcast_in_dim3A_1331 = vector.shape_cast %slice3A_1330 : vector<8xf32> to vector<8x1xf32>
    %add3A_1332 = vector.broadcast %broadcast_in_dim3A_1331 : vector<8x1xf32> to vector<8x1024xf32>
    %add3A_1333 = arith.addf %get3A_6, %add3A_1332 : vector<8x1024xf32>
    %slice3A_1334 = vector.extract_strided_slice %dot_general3A_856 {offsets = [344, 0], sizes = [8, 1024], strides = [1, 1]} : vector<576x1024xf32> to vector<8x1024xf32>
    %add3A_1335 = arith.addf %add3A_1333, %slice3A_1334 : vector<8x1024xf32>
    %lt3A_1336 = arith.cmpf olt, %add3A_1335, %min3A_1326 : vector<8x1024xf32>
    %min3A_1337 = arith.minimumf %min3A_1326, %add3A_1335 : vector<8x1024xf32>
    %jit3A_1338 = arith.constant 43 : i32
    %broadcast_in_dim3A_1339 = vector.broadcast %jit3A_1338 : i32 to vector<8x1024xi32>
    %select_n3A_1340 = arith.select %lt3A_1336, %broadcast_in_dim3A_1339, %select_n3A_1329 : vector<8x1024xi1>, vector<8x1024xi32>
    %slice3A_1341 = vector.extract_strided_slice %reduce_sum3A_850 {offsets = [352], sizes = [8], strides = [1]} : vector<576xf32> to vector<8xf32>
    %broadcast_in_dim3A_1342 = vector.shape_cast %slice3A_1341 : vector<8xf32> to vector<8x1xf32>
    %add3A_1343 = vector.broadcast %broadcast_in_dim3A_1342 : vector<8x1xf32> to vector<8x1024xf32>
    %add3A_1344 = arith.addf %get3A_6, %add3A_1343 : vector<8x1024xf32>
    %slice3A_1345 = vector.extract_strided_slice %dot_general3A_856 {offsets = [352, 0], sizes = [8, 1024], strides = [1, 1]} : vector<576x1024xf32> to vector<8x1024xf32>
    %add3A_1346 = arith.addf %add3A_1344, %slice3A_1345 : vector<8x1024xf32>
    %lt3A_1347 = arith.cmpf olt, %add3A_1346, %min3A_1337 : vector<8x1024xf32>
    %min3A_1348 = arith.minimumf %min3A_1337, %add3A_1346 : vector<8x1024xf32>
    %jit3A_1349 = arith.constant 44 : i32
    %broadcast_in_dim3A_1350 = vector.broadcast %jit3A_1349 : i32 to vector<8x1024xi32>
    %select_n3A_1351 = arith.select %lt3A_1347, %broadcast_in_dim3A_1350, %select_n3A_1340 : vector<8x1024xi1>, vector<8x1024xi32>
    %slice3A_1352 = vector.extract_strided_slice %reduce_sum3A_850 {offsets = [360], sizes = [8], strides = [1]} : vector<576xf32> to vector<8xf32>
    %broadcast_in_dim3A_1353 = vector.shape_cast %slice3A_1352 : vector<8xf32> to vector<8x1xf32>
    %add3A_1354 = vector.broadcast %broadcast_in_dim3A_1353 : vector<8x1xf32> to vector<8x1024xf32>
    %add3A_1355 = arith.addf %get3A_6, %add3A_1354 : vector<8x1024xf32>
    %slice3A_1356 = vector.extract_strided_slice %dot_general3A_856 {offsets = [360, 0], sizes = [8, 1024], strides = [1, 1]} : vector<576x1024xf32> to vector<8x1024xf32>
    %add3A_1357 = arith.addf %add3A_1355, %slice3A_1356 : vector<8x1024xf32>
    %lt3A_1358 = arith.cmpf olt, %add3A_1357, %min3A_1348 : vector<8x1024xf32>
    %min3A_1359 = arith.minimumf %min3A_1348, %add3A_1357 : vector<8x1024xf32>
    %jit3A_1360 = arith.constant 45 : i32
    %broadcast_in_dim3A_1361 = vector.broadcast %jit3A_1360 : i32 to vector<8x1024xi32>
    %select_n3A_1362 = arith.select %lt3A_1358, %broadcast_in_dim3A_1361, %select_n3A_1351 : vector<8x1024xi1>, vector<8x1024xi32>
    %slice3A_1363 = vector.extract_strided_slice %reduce_sum3A_850 {offsets = [368], sizes = [8], strides = [1]} : vector<576xf32> to vector<8xf32>
    %broadcast_in_dim3A_1364 = vector.shape_cast %slice3A_1363 : vector<8xf32> to vector<8x1xf32>
    %add3A_1365 = vector.broadcast %broadcast_in_dim3A_1364 : vector<8x1xf32> to vector<8x1024xf32>
    %add3A_1366 = arith.addf %get3A_6, %add3A_1365 : vector<8x1024xf32>
    %slice3A_1367 = vector.extract_strided_slice %dot_general3A_856 {offsets = [368, 0], sizes = [8, 1024], strides = [1, 1]} : vector<576x1024xf32> to vector<8x1024xf32>
    %add3A_1368 = arith.addf %add3A_1366, %slice3A_1367 : vector<8x1024xf32>
    %lt3A_1369 = arith.cmpf olt, %add3A_1368, %min3A_1359 : vector<8x1024xf32>
    %min3A_1370 = arith.minimumf %min3A_1359, %add3A_1368 : vector<8x1024xf32>
    %jit3A_1371 = arith.constant 46 : i32
    %broadcast_in_dim3A_1372 = vector.broadcast %jit3A_1371 : i32 to vector<8x1024xi32>
    %select_n3A_1373 = arith.select %lt3A_1369, %broadcast_in_dim3A_1372, %select_n3A_1362 : vector<8x1024xi1>, vector<8x1024xi32>
    %slice3A_1374 = vector.extract_strided_slice %reduce_sum3A_850 {offsets = [376], sizes = [8], strides = [1]} : vector<576xf32> to vector<8xf32>
    %broadcast_in_dim3A_1375 = vector.shape_cast %slice3A_1374 : vector<8xf32> to vector<8x1xf32>
    %add3A_1376 = vector.broadcast %broadcast_in_dim3A_1375 : vector<8x1xf32> to vector<8x1024xf32>
    %add3A_1377 = arith.addf %get3A_6, %add3A_1376 : vector<8x1024xf32>
    %slice3A_1378 = vector.extract_strided_slice %dot_general3A_856 {offsets = [376, 0], sizes = [8, 1024], strides = [1, 1]} : vector<576x1024xf32> to vector<8x1024xf32>
    %add3A_1379 = arith.addf %add3A_1377, %slice3A_1378 : vector<8x1024xf32>
    %lt3A_1380 = arith.cmpf olt, %add3A_1379, %min3A_1370 : vector<8x1024xf32>
    %min3A_1381 = arith.minimumf %min3A_1370, %add3A_1379 : vector<8x1024xf32>
    %jit3A_1382 = arith.constant 47 : i32
    %broadcast_in_dim3A_1383 = vector.broadcast %jit3A_1382 : i32 to vector<8x1024xi32>
    %select_n3A_1384 = arith.select %lt3A_1380, %broadcast_in_dim3A_1383, %select_n3A_1373 : vector<8x1024xi1>, vector<8x1024xi32>
    %slice3A_1385 = vector.extract_strided_slice %reduce_sum3A_850 {offsets = [384], sizes = [8], strides = [1]} : vector<576xf32> to vector<8xf32>
    %broadcast_in_dim3A_1386 = vector.shape_cast %slice3A_1385 : vector<8xf32> to vector<8x1xf32>
    %add3A_1387 = vector.broadcast %broadcast_in_dim3A_1386 : vector<8x1xf32> to vector<8x1024xf32>
    %add3A_1388 = arith.addf %get3A_6, %add3A_1387 : vector<8x1024xf32>
    %slice3A_1389 = vector.extract_strided_slice %dot_general3A_856 {offsets = [384, 0], sizes = [8, 1024], strides = [1, 1]} : vector<576x1024xf32> to vector<8x1024xf32>
    %add3A_1390 = arith.addf %add3A_1388, %slice3A_1389 : vector<8x1024xf32>
    %lt3A_1391 = arith.cmpf olt, %add3A_1390, %min3A_1381 : vector<8x1024xf32>
    %min3A_1392 = arith.minimumf %min3A_1381, %add3A_1390 : vector<8x1024xf32>
    %jit3A_1393 = arith.constant 48 : i32
    %broadcast_in_dim3A_1394 = vector.broadcast %jit3A_1393 : i32 to vector<8x1024xi32>
    %select_n3A_1395 = arith.select %lt3A_1391, %broadcast_in_dim3A_1394, %select_n3A_1384 : vector<8x1024xi1>, vector<8x1024xi32>
    %slice3A_1396 = vector.extract_strided_slice %reduce_sum3A_850 {offsets = [392], sizes = [8], strides = [1]} : vector<576xf32> to vector<8xf32>
    %broadcast_in_dim3A_1397 = vector.shape_cast %slice3A_1396 : vector<8xf32> to vector<8x1xf32>
    %add3A_1398 = vector.broadcast %broadcast_in_dim3A_1397 : vector<8x1xf32> to vector<8x1024xf32>
    %add3A_1399 = arith.addf %get3A_6, %add3A_1398 : vector<8x1024xf32>
    %slice3A_1400 = vector.extract_strided_slice %dot_general3A_856 {offsets = [392, 0], sizes = [8, 1024], strides = [1, 1]} : vector<576x1024xf32> to vector<8x1024xf32>
    %add3A_1401 = arith.addf %add3A_1399, %slice3A_1400 : vector<8x1024xf32>
    %lt3A_1402 = arith.cmpf olt, %add3A_1401, %min3A_1392 : vector<8x1024xf32>
    %min3A_1403 = arith.minimumf %min3A_1392, %add3A_1401 : vector<8x1024xf32>
    %jit3A_1404 = arith.constant 49 : i32
    %broadcast_in_dim3A_1405 = vector.broadcast %jit3A_1404 : i32 to vector<8x1024xi32>
    %select_n3A_1406 = arith.select %lt3A_1402, %broadcast_in_dim3A_1405, %select_n3A_1395 : vector<8x1024xi1>, vector<8x1024xi32>
    %slice3A_1407 = vector.extract_strided_slice %reduce_sum3A_850 {offsets = [400], sizes = [8], strides = [1]} : vector<576xf32> to vector<8xf32>
    %broadcast_in_dim3A_1408 = vector.shape_cast %slice3A_1407 : vector<8xf32> to vector<8x1xf32>
    %add3A_1409 = vector.broadcast %broadcast_in_dim3A_1408 : vector<8x1xf32> to vector<8x1024xf32>
    %add3A_1410 = arith.addf %get3A_6, %add3A_1409 : vector<8x1024xf32>
    %slice3A_1411 = vector.extract_strided_slice %dot_general3A_856 {offsets = [400, 0], sizes = [8, 1024], strides = [1, 1]} : vector<576x1024xf32> to vector<8x1024xf32>
    %add3A_1412 = arith.addf %add3A_1410, %slice3A_1411 : vector<8x1024xf32>
    %lt3A_1413 = arith.cmpf olt, %add3A_1412, %min3A_1403 : vector<8x1024xf32>
    %min3A_1414 = arith.minimumf %min3A_1403, %add3A_1412 : vector<8x1024xf32>
    %jit3A_1415 = arith.constant 50 : i32
    %broadcast_in_dim3A_1416 = vector.broadcast %jit3A_1415 : i32 to vector<8x1024xi32>
    %select_n3A_1417 = arith.select %lt3A_1413, %broadcast_in_dim3A_1416, %select_n3A_1406 : vector<8x1024xi1>, vector<8x1024xi32>
    %slice3A_1418 = vector.extract_strided_slice %reduce_sum3A_850 {offsets = [408], sizes = [8], strides = [1]} : vector<576xf32> to vector<8xf32>
    %broadcast_in_dim3A_1419 = vector.shape_cast %slice3A_1418 : vector<8xf32> to vector<8x1xf32>
    %add3A_1420 = vector.broadcast %broadcast_in_dim3A_1419 : vector<8x1xf32> to vector<8x1024xf32>
    %add3A_1421 = arith.addf %get3A_6, %add3A_1420 : vector<8x1024xf32>
    %slice3A_1422 = vector.extract_strided_slice %dot_general3A_856 {offsets = [408, 0], sizes = [8, 1024], strides = [1, 1]} : vector<576x1024xf32> to vector<8x1024xf32>
    %add3A_1423 = arith.addf %add3A_1421, %slice3A_1422 : vector<8x1024xf32>
    %lt3A_1424 = arith.cmpf olt, %add3A_1423, %min3A_1414 : vector<8x1024xf32>
    %min3A_1425 = arith.minimumf %min3A_1414, %add3A_1423 : vector<8x1024xf32>
    %jit3A_1426 = arith.constant 51 : i32
    %broadcast_in_dim3A_1427 = vector.broadcast %jit3A_1426 : i32 to vector<8x1024xi32>
    %select_n3A_1428 = arith.select %lt3A_1424, %broadcast_in_dim3A_1427, %select_n3A_1417 : vector<8x1024xi1>, vector<8x1024xi32>
    %slice3A_1429 = vector.extract_strided_slice %reduce_sum3A_850 {offsets = [416], sizes = [8], strides = [1]} : vector<576xf32> to vector<8xf32>
    %broadcast_in_dim3A_1430 = vector.shape_cast %slice3A_1429 : vector<8xf32> to vector<8x1xf32>
    %add3A_1431 = vector.broadcast %broadcast_in_dim3A_1430 : vector<8x1xf32> to vector<8x1024xf32>
    %add3A_1432 = arith.addf %get3A_6, %add3A_1431 : vector<8x1024xf32>
    %slice3A_1433 = vector.extract_strided_slice %dot_general3A_856 {offsets = [416, 0], sizes = [8, 1024], strides = [1, 1]} : vector<576x1024xf32> to vector<8x1024xf32>
    %add3A_1434 = arith.addf %add3A_1432, %slice3A_1433 : vector<8x1024xf32>
    %lt3A_1435 = arith.cmpf olt, %add3A_1434, %min3A_1425 : vector<8x1024xf32>
    %min3A_1436 = arith.minimumf %min3A_1425, %add3A_1434 : vector<8x1024xf32>
    %jit3A_1437 = arith.constant 52 : i32
    %broadcast_in_dim3A_1438 = vector.broadcast %jit3A_1437 : i32 to vector<8x1024xi32>
    %select_n3A_1439 = arith.select %lt3A_1435, %broadcast_in_dim3A_1438, %select_n3A_1428 : vector<8x1024xi1>, vector<8x1024xi32>
    %slice3A_1440 = vector.extract_strided_slice %reduce_sum3A_850 {offsets = [424], sizes = [8], strides = [1]} : vector<576xf32> to vector<8xf32>
    %broadcast_in_dim3A_1441 = vector.shape_cast %slice3A_1440 : vector<8xf32> to vector<8x1xf32>
    %add3A_1442 = vector.broadcast %broadcast_in_dim3A_1441 : vector<8x1xf32> to vector<8x1024xf32>
    %add3A_1443 = arith.addf %get3A_6, %add3A_1442 : vector<8x1024xf32>
    %slice3A_1444 = vector.extract_strided_slice %dot_general3A_856 {offsets = [424, 0], sizes = [8, 1024], strides = [1, 1]} : vector<576x1024xf32> to vector<8x1024xf32>
    %add3A_1445 = arith.addf %add3A_1443, %slice3A_1444 : vector<8x1024xf32>
    %lt3A_1446 = arith.cmpf olt, %add3A_1445, %min3A_1436 : vector<8x1024xf32>
    %min3A_1447 = arith.minimumf %min3A_1436, %add3A_1445 : vector<8x1024xf32>
    %jit3A_1448 = arith.constant 53 : i32
    %broadcast_in_dim3A_1449 = vector.broadcast %jit3A_1448 : i32 to vector<8x1024xi32>
    %select_n3A_1450 = arith.select %lt3A_1446, %broadcast_in_dim3A_1449, %select_n3A_1439 : vector<8x1024xi1>, vector<8x1024xi32>
    %slice3A_1451 = vector.extract_strided_slice %reduce_sum3A_850 {offsets = [432], sizes = [8], strides = [1]} : vector<576xf32> to vector<8xf32>
    %broadcast_in_dim3A_1452 = vector.shape_cast %slice3A_1451 : vector<8xf32> to vector<8x1xf32>
    %add3A_1453 = vector.broadcast %broadcast_in_dim3A_1452 : vector<8x1xf32> to vector<8x1024xf32>
    %add3A_1454 = arith.addf %get3A_6, %add3A_1453 : vector<8x1024xf32>
    %slice3A_1455 = vector.extract_strided_slice %dot_general3A_856 {offsets = [432, 0], sizes = [8, 1024], strides = [1, 1]} : vector<576x1024xf32> to vector<8x1024xf32>
    %add3A_1456 = arith.addf %add3A_1454, %slice3A_1455 : vector<8x1024xf32>
    %lt3A_1457 = arith.cmpf olt, %add3A_1456, %min3A_1447 : vector<8x1024xf32>
    %min3A_1458 = arith.minimumf %min3A_1447, %add3A_1456 : vector<8x1024xf32>
    %jit3A_1459 = arith.constant 54 : i32
    %broadcast_in_dim3A_1460 = vector.broadcast %jit3A_1459 : i32 to vector<8x1024xi32>
    %select_n3A_1461 = arith.select %lt3A_1457, %broadcast_in_dim3A_1460, %select_n3A_1450 : vector<8x1024xi1>, vector<8x1024xi32>
    %slice3A_1462 = vector.extract_strided_slice %reduce_sum3A_850 {offsets = [440], sizes = [8], strides = [1]} : vector<576xf32> to vector<8xf32>
    %broadcast_in_dim3A_1463 = vector.shape_cast %slice3A_1462 : vector<8xf32> to vector<8x1xf32>
    %add3A_1464 = vector.broadcast %broadcast_in_dim3A_1463 : vector<8x1xf32> to vector<8x1024xf32>
    %add3A_1465 = arith.addf %get3A_6, %add3A_1464 : vector<8x1024xf32>
    %slice3A_1466 = vector.extract_strided_slice %dot_general3A_856 {offsets = [440, 0], sizes = [8, 1024], strides = [1, 1]} : vector<576x1024xf32> to vector<8x1024xf32>
    %add3A_1467 = arith.addf %add3A_1465, %slice3A_1466 : vector<8x1024xf32>
    %lt3A_1468 = arith.cmpf olt, %add3A_1467, %min3A_1458 : vector<8x1024xf32>
    %min3A_1469 = arith.minimumf %min3A_1458, %add3A_1467 : vector<8x1024xf32>
    %jit3A_1470 = arith.constant 55 : i32
    %broadcast_in_dim3A_1471 = vector.broadcast %jit3A_1470 : i32 to vector<8x1024xi32>
    %select_n3A_1472 = arith.select %lt3A_1468, %broadcast_in_dim3A_1471, %select_n3A_1461 : vector<8x1024xi1>, vector<8x1024xi32>
    %slice3A_1473 = vector.extract_strided_slice %reduce_sum3A_850 {offsets = [448], sizes = [8], strides = [1]} : vector<576xf32> to vector<8xf32>
    %broadcast_in_dim3A_1474 = vector.shape_cast %slice3A_1473 : vector<8xf32> to vector<8x1xf32>
    %add3A_1475 = vector.broadcast %broadcast_in_dim3A_1474 : vector<8x1xf32> to vector<8x1024xf32>
    %add3A_1476 = arith.addf %get3A_6, %add3A_1475 : vector<8x1024xf32>
    %slice3A_1477 = vector.extract_strided_slice %dot_general3A_856 {offsets = [448, 0], sizes = [8, 1024], strides = [1, 1]} : vector<576x1024xf32> to vector<8x1024xf32>
    %add3A_1478 = arith.addf %add3A_1476, %slice3A_1477 : vector<8x1024xf32>
    %lt3A_1479 = arith.cmpf olt, %add3A_1478, %min3A_1469 : vector<8x1024xf32>
    %min3A_1480 = arith.minimumf %min3A_1469, %add3A_1478 : vector<8x1024xf32>
    %jit3A_1481 = arith.constant 56 : i32
    %broadcast_in_dim3A_1482 = vector.broadcast %jit3A_1481 : i32 to vector<8x1024xi32>
    %select_n3A_1483 = arith.select %lt3A_1479, %broadcast_in_dim3A_1482, %select_n3A_1472 : vector<8x1024xi1>, vector<8x1024xi32>
    %slice3A_1484 = vector.extract_strided_slice %reduce_sum3A_850 {offsets = [456], sizes = [8], strides = [1]} : vector<576xf32> to vector<8xf32>
    %broadcast_in_dim3A_1485 = vector.shape_cast %slice3A_1484 : vector<8xf32> to vector<8x1xf32>
    %add3A_1486 = vector.broadcast %broadcast_in_dim3A_1485 : vector<8x1xf32> to vector<8x1024xf32>
    %add3A_1487 = arith.addf %get3A_6, %add3A_1486 : vector<8x1024xf32>
    %slice3A_1488 = vector.extract_strided_slice %dot_general3A_856 {offsets = [456, 0], sizes = [8, 1024], strides = [1, 1]} : vector<576x1024xf32> to vector<8x1024xf32>
    %add3A_1489 = arith.addf %add3A_1487, %slice3A_1488 : vector<8x1024xf32>
    %lt3A_1490 = arith.cmpf olt, %add3A_1489, %min3A_1480 : vector<8x1024xf32>
    %min3A_1491 = arith.minimumf %min3A_1480, %add3A_1489 : vector<8x1024xf32>
    %jit3A_1492 = arith.constant 57 : i32
    %broadcast_in_dim3A_1493 = vector.broadcast %jit3A_1492 : i32 to vector<8x1024xi32>
    %select_n3A_1494 = arith.select %lt3A_1490, %broadcast_in_dim3A_1493, %select_n3A_1483 : vector<8x1024xi1>, vector<8x1024xi32>
    %slice3A_1495 = vector.extract_strided_slice %reduce_sum3A_850 {offsets = [464], sizes = [8], strides = [1]} : vector<576xf32> to vector<8xf32>
    %broadcast_in_dim3A_1496 = vector.shape_cast %slice3A_1495 : vector<8xf32> to vector<8x1xf32>
    %add3A_1497 = vector.broadcast %broadcast_in_dim3A_1496 : vector<8x1xf32> to vector<8x1024xf32>
    %add3A_1498 = arith.addf %get3A_6, %add3A_1497 : vector<8x1024xf32>
    %slice3A_1499 = vector.extract_strided_slice %dot_general3A_856 {offsets = [464, 0], sizes = [8, 1024], strides = [1, 1]} : vector<576x1024xf32> to vector<8x1024xf32>
    %add3A_1500 = arith.addf %add3A_1498, %slice3A_1499 : vector<8x1024xf32>
    %lt3A_1501 = arith.cmpf olt, %add3A_1500, %min3A_1491 : vector<8x1024xf32>
    %min3A_1502 = arith.minimumf %min3A_1491, %add3A_1500 : vector<8x1024xf32>
    %jit3A_1503 = arith.constant 58 : i32
    %broadcast_in_dim3A_1504 = vector.broadcast %jit3A_1503 : i32 to vector<8x1024xi32>
    %select_n3A_1505 = arith.select %lt3A_1501, %broadcast_in_dim3A_1504, %select_n3A_1494 : vector<8x1024xi1>, vector<8x1024xi32>
    %slice3A_1506 = vector.extract_strided_slice %reduce_sum3A_850 {offsets = [472], sizes = [8], strides = [1]} : vector<576xf32> to vector<8xf32>
    %broadcast_in_dim3A_1507 = vector.shape_cast %slice3A_1506 : vector<8xf32> to vector<8x1xf32>
    %add3A_1508 = vector.broadcast %broadcast_in_dim3A_1507 : vector<8x1xf32> to vector<8x1024xf32>
    %add3A_1509 = arith.addf %get3A_6, %add3A_1508 : vector<8x1024xf32>
    %slice3A_1510 = vector.extract_strided_slice %dot_general3A_856 {offsets = [472, 0], sizes = [8, 1024], strides = [1, 1]} : vector<576x1024xf32> to vector<8x1024xf32>
    %add3A_1511 = arith.addf %add3A_1509, %slice3A_1510 : vector<8x1024xf32>
    %lt3A_1512 = arith.cmpf olt, %add3A_1511, %min3A_1502 : vector<8x1024xf32>
    %min3A_1513 = arith.minimumf %min3A_1502, %add3A_1511 : vector<8x1024xf32>
    %jit3A_1514 = arith.constant 59 : i32
    %broadcast_in_dim3A_1515 = vector.broadcast %jit3A_1514 : i32 to vector<8x1024xi32>
    %select_n3A_1516 = arith.select %lt3A_1512, %broadcast_in_dim3A_1515, %select_n3A_1505 : vector<8x1024xi1>, vector<8x1024xi32>
    %slice3A_1517 = vector.extract_strided_slice %reduce_sum3A_850 {offsets = [480], sizes = [8], strides = [1]} : vector<576xf32> to vector<8xf32>
    %broadcast_in_dim3A_1518 = vector.shape_cast %slice3A_1517 : vector<8xf32> to vector<8x1xf32>
    %add3A_1519 = vector.broadcast %broadcast_in_dim3A_1518 : vector<8x1xf32> to vector<8x1024xf32>
    %add3A_1520 = arith.addf %get3A_6, %add3A_1519 : vector<8x1024xf32>
    %slice3A_1521 = vector.extract_strided_slice %dot_general3A_856 {offsets = [480, 0], sizes = [8, 1024], strides = [1, 1]} : vector<576x1024xf32> to vector<8x1024xf32>
    %add3A_1522 = arith.addf %add3A_1520, %slice3A_1521 : vector<8x1024xf32>
    %lt3A_1523 = arith.cmpf olt, %add3A_1522, %min3A_1513 : vector<8x1024xf32>
    %min3A_1524 = arith.minimumf %min3A_1513, %add3A_1522 : vector<8x1024xf32>
    %jit3A_1525 = arith.constant 60 : i32
    %broadcast_in_dim3A_1526 = vector.broadcast %jit3A_1525 : i32 to vector<8x1024xi32>
    %select_n3A_1527 = arith.select %lt3A_1523, %broadcast_in_dim3A_1526, %select_n3A_1516 : vector<8x1024xi1>, vector<8x1024xi32>
    %slice3A_1528 = vector.extract_strided_slice %reduce_sum3A_850 {offsets = [488], sizes = [8], strides = [1]} : vector<576xf32> to vector<8xf32>
    %broadcast_in_dim3A_1529 = vector.shape_cast %slice3A_1528 : vector<8xf32> to vector<8x1xf32>
    %add3A_1530 = vector.broadcast %broadcast_in_dim3A_1529 : vector<8x1xf32> to vector<8x1024xf32>
    %add3A_1531 = arith.addf %get3A_6, %add3A_1530 : vector<8x1024xf32>
    %slice3A_1532 = vector.extract_strided_slice %dot_general3A_856 {offsets = [488, 0], sizes = [8, 1024], strides = [1, 1]} : vector<576x1024xf32> to vector<8x1024xf32>
    %add3A_1533 = arith.addf %add3A_1531, %slice3A_1532 : vector<8x1024xf32>
    %lt3A_1534 = arith.cmpf olt, %add3A_1533, %min3A_1524 : vector<8x1024xf32>
    %min3A_1535 = arith.minimumf %min3A_1524, %add3A_1533 : vector<8x1024xf32>
    %jit3A_1536 = arith.constant 61 : i32
    %broadcast_in_dim3A_1537 = vector.broadcast %jit3A_1536 : i32 to vector<8x1024xi32>
    %select_n3A_1538 = arith.select %lt3A_1534, %broadcast_in_dim3A_1537, %select_n3A_1527 : vector<8x1024xi1>, vector<8x1024xi32>
    %slice3A_1539 = vector.extract_strided_slice %reduce_sum3A_850 {offsets = [496], sizes = [8], strides = [1]} : vector<576xf32> to vector<8xf32>
    %broadcast_in_dim3A_1540 = vector.shape_cast %slice3A_1539 : vector<8xf32> to vector<8x1xf32>
    %add3A_1541 = vector.broadcast %broadcast_in_dim3A_1540 : vector<8x1xf32> to vector<8x1024xf32>
    %add3A_1542 = arith.addf %get3A_6, %add3A_1541 : vector<8x1024xf32>
    %slice3A_1543 = vector.extract_strided_slice %dot_general3A_856 {offsets = [496, 0], sizes = [8, 1024], strides = [1, 1]} : vector<576x1024xf32> to vector<8x1024xf32>
    %add3A_1544 = arith.addf %add3A_1542, %slice3A_1543 : vector<8x1024xf32>
    %lt3A_1545 = arith.cmpf olt, %add3A_1544, %min3A_1535 : vector<8x1024xf32>
    %min3A_1546 = arith.minimumf %min3A_1535, %add3A_1544 : vector<8x1024xf32>
    %jit3A_1547 = arith.constant 62 : i32
    %broadcast_in_dim3A_1548 = vector.broadcast %jit3A_1547 : i32 to vector<8x1024xi32>
    %select_n3A_1549 = arith.select %lt3A_1545, %broadcast_in_dim3A_1548, %select_n3A_1538 : vector<8x1024xi1>, vector<8x1024xi32>
    %slice3A_1550 = vector.extract_strided_slice %reduce_sum3A_850 {offsets = [504], sizes = [8], strides = [1]} : vector<576xf32> to vector<8xf32>
    %broadcast_in_dim3A_1551 = vector.shape_cast %slice3A_1550 : vector<8xf32> to vector<8x1xf32>
    %add3A_1552 = vector.broadcast %broadcast_in_dim3A_1551 : vector<8x1xf32> to vector<8x1024xf32>
    %add3A_1553 = arith.addf %get3A_6, %add3A_1552 : vector<8x1024xf32>
    %slice3A_1554 = vector.extract_strided_slice %dot_general3A_856 {offsets = [504, 0], sizes = [8, 1024], strides = [1, 1]} : vector<576x1024xf32> to vector<8x1024xf32>
    %add3A_1555 = arith.addf %add3A_1553, %slice3A_1554 : vector<8x1024xf32>
    %lt3A_1556 = arith.cmpf olt, %add3A_1555, %min3A_1546 : vector<8x1024xf32>
    %min3A_1557 = arith.minimumf %min3A_1546, %add3A_1555 : vector<8x1024xf32>
    %jit3A_1558 = arith.constant 63 : i32
    %broadcast_in_dim3A_1559 = vector.broadcast %jit3A_1558 : i32 to vector<8x1024xi32>
    %select_n3A_1560 = arith.select %lt3A_1556, %broadcast_in_dim3A_1559, %select_n3A_1549 : vector<8x1024xi1>, vector<8x1024xi32>
    %slice3A_1561 = vector.extract_strided_slice %reduce_sum3A_850 {offsets = [512], sizes = [8], strides = [1]} : vector<576xf32> to vector<8xf32>
    %broadcast_in_dim3A_1562 = vector.shape_cast %slice3A_1561 : vector<8xf32> to vector<8x1xf32>
    %add3A_1563 = vector.broadcast %broadcast_in_dim3A_1562 : vector<8x1xf32> to vector<8x1024xf32>
    %add3A_1564 = arith.addf %get3A_6, %add3A_1563 : vector<8x1024xf32>
    %slice3A_1565 = vector.extract_strided_slice %dot_general3A_856 {offsets = [512, 0], sizes = [8, 1024], strides = [1, 1]} : vector<576x1024xf32> to vector<8x1024xf32>
    %add3A_1566 = arith.addf %add3A_1564, %slice3A_1565 : vector<8x1024xf32>
    %lt3A_1567 = arith.cmpf olt, %add3A_1566, %min3A_1557 : vector<8x1024xf32>
    %min3A_1568 = arith.minimumf %min3A_1557, %add3A_1566 : vector<8x1024xf32>
    %jit3A_1569 = arith.constant 64 : i32
    %broadcast_in_dim3A_1570 = vector.broadcast %jit3A_1569 : i32 to vector<8x1024xi32>
    %select_n3A_1571 = arith.select %lt3A_1567, %broadcast_in_dim3A_1570, %select_n3A_1560 : vector<8x1024xi1>, vector<8x1024xi32>
    %slice3A_1572 = vector.extract_strided_slice %reduce_sum3A_850 {offsets = [520], sizes = [8], strides = [1]} : vector<576xf32> to vector<8xf32>
    %broadcast_in_dim3A_1573 = vector.shape_cast %slice3A_1572 : vector<8xf32> to vector<8x1xf32>
    %add3A_1574 = vector.broadcast %broadcast_in_dim3A_1573 : vector<8x1xf32> to vector<8x1024xf32>
    %add3A_1575 = arith.addf %get3A_6, %add3A_1574 : vector<8x1024xf32>
    %slice3A_1576 = vector.extract_strided_slice %dot_general3A_856 {offsets = [520, 0], sizes = [8, 1024], strides = [1, 1]} : vector<576x1024xf32> to vector<8x1024xf32>
    %add3A_1577 = arith.addf %add3A_1575, %slice3A_1576 : vector<8x1024xf32>
    %lt3A_1578 = arith.cmpf olt, %add3A_1577, %min3A_1568 : vector<8x1024xf32>
    %min3A_1579 = arith.minimumf %min3A_1568, %add3A_1577 : vector<8x1024xf32>
    %jit3A_1580 = arith.constant 65 : i32
    %broadcast_in_dim3A_1581 = vector.broadcast %jit3A_1580 : i32 to vector<8x1024xi32>
    %select_n3A_1582 = arith.select %lt3A_1578, %broadcast_in_dim3A_1581, %select_n3A_1571 : vector<8x1024xi1>, vector<8x1024xi32>
    %slice3A_1583 = vector.extract_strided_slice %reduce_sum3A_850 {offsets = [528], sizes = [8], strides = [1]} : vector<576xf32> to vector<8xf32>
    %broadcast_in_dim3A_1584 = vector.shape_cast %slice3A_1583 : vector<8xf32> to vector<8x1xf32>
    %add3A_1585 = vector.broadcast %broadcast_in_dim3A_1584 : vector<8x1xf32> to vector<8x1024xf32>
    %add3A_1586 = arith.addf %get3A_6, %add3A_1585 : vector<8x1024xf32>
    %slice3A_1587 = vector.extract_strided_slice %dot_general3A_856 {offsets = [528, 0], sizes = [8, 1024], strides = [1, 1]} : vector<576x1024xf32> to vector<8x1024xf32>
    %add3A_1588 = arith.addf %add3A_1586, %slice3A_1587 : vector<8x1024xf32>
    %lt3A_1589 = arith.cmpf olt, %add3A_1588, %min3A_1579 : vector<8x1024xf32>
    %min3A_1590 = arith.minimumf %min3A_1579, %add3A_1588 : vector<8x1024xf32>
    %jit3A_1591 = arith.constant 66 : i32
    %broadcast_in_dim3A_1592 = vector.broadcast %jit3A_1591 : i32 to vector<8x1024xi32>
    %select_n3A_1593 = arith.select %lt3A_1589, %broadcast_in_dim3A_1592, %select_n3A_1582 : vector<8x1024xi1>, vector<8x1024xi32>
    %slice3A_1594 = vector.extract_strided_slice %reduce_sum3A_850 {offsets = [536], sizes = [8], strides = [1]} : vector<576xf32> to vector<8xf32>
    %broadcast_in_dim3A_1595 = vector.shape_cast %slice3A_1594 : vector<8xf32> to vector<8x1xf32>
    %add3A_1596 = vector.broadcast %broadcast_in_dim3A_1595 : vector<8x1xf32> to vector<8x1024xf32>
    %add3A_1597 = arith.addf %get3A_6, %add3A_1596 : vector<8x1024xf32>
    %slice3A_1598 = vector.extract_strided_slice %dot_general3A_856 {offsets = [536, 0], sizes = [8, 1024], strides = [1, 1]} : vector<576x1024xf32> to vector<8x1024xf32>
    %add3A_1599 = arith.addf %add3A_1597, %slice3A_1598 : vector<8x1024xf32>
    %lt3A_1600 = arith.cmpf olt, %add3A_1599, %min3A_1590 : vector<8x1024xf32>
    %min3A_1601 = arith.minimumf %min3A_1590, %add3A_1599 : vector<8x1024xf32>
    %jit3A_1602 = arith.constant 67 : i32
    %broadcast_in_dim3A_1603 = vector.broadcast %jit3A_1602 : i32 to vector<8x1024xi32>
    %select_n3A_1604 = arith.select %lt3A_1600, %broadcast_in_dim3A_1603, %select_n3A_1593 : vector<8x1024xi1>, vector<8x1024xi32>
    %slice3A_1605 = vector.extract_strided_slice %reduce_sum3A_850 {offsets = [544], sizes = [8], strides = [1]} : vector<576xf32> to vector<8xf32>
    %broadcast_in_dim3A_1606 = vector.shape_cast %slice3A_1605 : vector<8xf32> to vector<8x1xf32>
    %add3A_1607 = vector.broadcast %broadcast_in_dim3A_1606 : vector<8x1xf32> to vector<8x1024xf32>
    %add3A_1608 = arith.addf %get3A_6, %add3A_1607 : vector<8x1024xf32>
    %slice3A_1609 = vector.extract_strided_slice %dot_general3A_856 {offsets = [544, 0], sizes = [8, 1024], strides = [1, 1]} : vector<576x1024xf32> to vector<8x1024xf32>
    %add3A_1610 = arith.addf %add3A_1608, %slice3A_1609 : vector<8x1024xf32>
    %lt3A_1611 = arith.cmpf olt, %add3A_1610, %min3A_1601 : vector<8x1024xf32>
    %min3A_1612 = arith.minimumf %min3A_1601, %add3A_1610 : vector<8x1024xf32>
    %jit3A_1613 = arith.constant 68 : i32
    %broadcast_in_dim3A_1614 = vector.broadcast %jit3A_1613 : i32 to vector<8x1024xi32>
    %select_n3A_1615 = arith.select %lt3A_1611, %broadcast_in_dim3A_1614, %select_n3A_1604 : vector<8x1024xi1>, vector<8x1024xi32>
    %slice3A_1616 = vector.extract_strided_slice %reduce_sum3A_850 {offsets = [552], sizes = [8], strides = [1]} : vector<576xf32> to vector<8xf32>
    %broadcast_in_dim3A_1617 = vector.shape_cast %slice3A_1616 : vector<8xf32> to vector<8x1xf32>
    %add3A_1618 = vector.broadcast %broadcast_in_dim3A_1617 : vector<8x1xf32> to vector<8x1024xf32>
    %add3A_1619 = arith.addf %get3A_6, %add3A_1618 : vector<8x1024xf32>
    %slice3A_1620 = vector.extract_strided_slice %dot_general3A_856 {offsets = [552, 0], sizes = [8, 1024], strides = [1, 1]} : vector<576x1024xf32> to vector<8x1024xf32>
    %add3A_1621 = arith.addf %add3A_1619, %slice3A_1620 : vector<8x1024xf32>
    %lt3A_1622 = arith.cmpf olt, %add3A_1621, %min3A_1612 : vector<8x1024xf32>
    %min3A_1623 = arith.minimumf %min3A_1612, %add3A_1621 : vector<8x1024xf32>
    %jit3A_1624 = arith.constant 69 : i32
    %broadcast_in_dim3A_1625 = vector.broadcast %jit3A_1624 : i32 to vector<8x1024xi32>
    %select_n3A_1626 = arith.select %lt3A_1622, %broadcast_in_dim3A_1625, %select_n3A_1615 : vector<8x1024xi1>, vector<8x1024xi32>
    %slice3A_1627 = vector.extract_strided_slice %reduce_sum3A_850 {offsets = [560], sizes = [8], strides = [1]} : vector<576xf32> to vector<8xf32>
    %broadcast_in_dim3A_1628 = vector.shape_cast %slice3A_1627 : vector<8xf32> to vector<8x1xf32>
    %add3A_1629 = vector.broadcast %broadcast_in_dim3A_1628 : vector<8x1xf32> to vector<8x1024xf32>
    %add3A_1630 = arith.addf %get3A_6, %add3A_1629 : vector<8x1024xf32>
    %slice3A_1631 = vector.extract_strided_slice %dot_general3A_856 {offsets = [560, 0], sizes = [8, 1024], strides = [1, 1]} : vector<576x1024xf32> to vector<8x1024xf32>
    %add3A_1632 = arith.addf %add3A_1630, %slice3A_1631 : vector<8x1024xf32>
    %lt3A_1633 = arith.cmpf olt, %add3A_1632, %min3A_1623 : vector<8x1024xf32>
    %min3A_1634 = arith.minimumf %min3A_1623, %add3A_1632 : vector<8x1024xf32>
    %jit3A_1635 = arith.constant 70 : i32
    %broadcast_in_dim3A_1636 = vector.broadcast %jit3A_1635 : i32 to vector<8x1024xi32>
    %select_n3A_1637 = arith.select %lt3A_1633, %broadcast_in_dim3A_1636, %select_n3A_1626 : vector<8x1024xi1>, vector<8x1024xi32>
    %slice3A_1638 = vector.extract_strided_slice %reduce_sum3A_850 {offsets = [568], sizes = [8], strides = [1]} : vector<576xf32> to vector<8xf32>
    %broadcast_in_dim3A_1639 = vector.shape_cast %slice3A_1638 : vector<8xf32> to vector<8x1xf32>
    %add3A_1640 = vector.broadcast %broadcast_in_dim3A_1639 : vector<8x1xf32> to vector<8x1024xf32>
    %add3A_1641 = arith.addf %get3A_6, %add3A_1640 : vector<8x1024xf32>
    %slice3A_1642 = vector.extract_strided_slice %dot_general3A_856 {offsets = [568, 0], sizes = [8, 1024], strides = [1, 1]} : vector<576x1024xf32> to vector<8x1024xf32>
    %add3A_1643 = arith.addf %add3A_1641, %slice3A_1642 : vector<8x1024xf32>
    %lt3A_1644 = arith.cmpf olt, %add3A_1643, %min3A_1634 : vector<8x1024xf32>
    %min3A_1645 = arith.minimumf %min3A_1634, %add3A_1643 : vector<8x1024xf32>
    %jit3A_1646 = arith.constant 71 : i32
    %broadcast_in_dim3A_1647 = vector.broadcast %jit3A_1646 : i32 to vector<8x1024xi32>
    %select_n3A_1648 = arith.select %lt3A_1644, %broadcast_in_dim3A_1647, %select_n3A_1637 : vector<8x1024xi1>, vector<8x1024xi32>
    %reduce_min3A_1649 = arith.constant dense<0x7F800000> : vector<1024xf32>
    %reduce_min3A_1650 = vector.multi_reduction <minimumf>, %min3A_1645, %reduce_min3A_1649 [0] : vector<8x1024xf32> to vector<1024xf32>
    %mul3A_1651 = arith.constant 8 : i32
    %mul3A_1652 = vector.broadcast %mul3A_1651 : i32 to vector<8x1024xi32>
    %mul3A_1653 = arith.muli %select_n3A_1648, %mul3A_1652 : vector<8x1024xi32>
    %iota3A_1654 = tpu.iota {dimensions = array<i32: 0>} : vector<8x1024xi32>
    %add3A_1655 = arith.addi %mul3A_1653, %iota3A_1654 : vector<8x1024xi32>
    %broadcast_in_dim3A_1656 = vector.shape_cast %reduce_min3A_1650 : vector<1024xf32> to vector<1x1024xf32>
    %eq3A_1657 = vector.broadcast %broadcast_in_dim3A_1656 : vector<1x1024xf32> to vector<8x1024xf32>
    %eq3A_1658 = arith.cmpf oeq, %min3A_1645, %eq3A_1657 : vector<8x1024xf32>
    %jit3A_1659 = arith.constant 576 : i32
    %broadcast_in_dim3A_1660 = vector.broadcast %jit3A_1659 : i32 to vector<8x1024xi32>
    %select_n3A_1661 = arith.select %eq3A_1658, %add3A_1655, %broadcast_in_dim3A_1660 : vector<8x1024xi1>, vector<8x1024xi32>
    %reduce_min3A_1662 = arith.constant dense<2147483647> : vector<1024xi32>
    %reduce_min3A_1663 = vector.multi_reduction <minsi>, %select_n3A_1661, %reduce_min3A_1662 [0] : vector<8x1024xi32> to vector<1024xi32>
    %mul3A_1664 = arith.constant 4 : i32
    %mul3A_1665 = arith.muli %arg0, %mul3A_1664 : i32
    %add3A_1666 = arith.constant 0 : i32
    %add3A_1667 = arith.addi %add3A_1666, %mul3A_1665 : i32
    %add3A_1668 = arith.constant 1 : i32
    %add3A_1669 = arith.addi %add3A_1667, %add3A_1668 : i32
    %mul3A_1670 = arith.constant 576 : i32
    %mul3A_1671 = arith.muli %add3A_1669, %mul3A_1670 : i32
    %add3A_1672 = vector.broadcast %mul3A_1671 : i32 to vector<1024xi32>
    %add3A_1673 = arith.addi %reduce_min3A_1663, %add3A_1672 : vector<1024xi32>
    %swap3A_1674 = arith.constant 1 : index
    %swap3A_1675 = arith.constant 0 : index
    %swap3A_1676 = arith.constant 0 : index
    %swap3A_1677 = vector.load %arg3[%swap3A_1674, %swap3A_1675, %swap3A_1676] : memref<4x1x1024xi32, #tpu.memory_space<vmem>>, vector<1x1x1024xi32>
    %swap3A_1678 = vector.shape_cast %swap3A_1677 : vector<1x1x1024xi32> to vector<1024xi32>
    %swap3A_1679 = vector.shape_cast %add3A_1673 : vector<1024xi32> to vector<1x1x1024xi32>
    tpu.vector_store %arg3[%swap3A_1674, %swap3A_1675, %swap3A_1676], %swap3A_1679 {strides = array<i32>} : memref<4x1x1024xi32, #tpu.memory_space<vmem>>, vector<1x1x1024xi32>,
    %get3A_1680 = arith.constant 0 : index
    %get3A_1681 = arith.constant 0 : index
    %get3A_1682 = memref.load %arg4[%get3A_1680, %get3A_1681] : memref<1x1xf32, #tpu.memory_space<smem>>
    %reduce_sum3A_1683 = vector.shape_cast %reduce_min3A_1650 : vector<1024xf32> to vector<1x1024xf32>
    %reduce_sum3A_1684 = arith.constant dense<0.000000e+00> : vector<1xf32>
    %reduce_sum3A_1685 = vector.multi_reduction <add>, %reduce_sum3A_1683, %reduce_sum3A_1684 [1] : vector<1x1024xf32> to vector<1xf32>
    %reduce_sum3A_1686 = vector.shape_cast %reduce_sum3A_1685 : vector<1xf32> to vector<1x1xf32>
    %reduce_sum3A_1687 = vector.extract %reduce_sum3A_1686[0, 0] : f32 from vector<1x1xf32>
    %add3A_1688 = arith.addf %get3A_1682, %reduce_sum3A_1687 : f32
    %swap3A_1689 = arith.constant 0 : index
    %swap3A_1690 = arith.constant 0 : index
    %swap3A_1691 = memref.load %arg4[%swap3A_1689, %swap3A_1690] : memref<1x1xf32, #tpu.memory_space<smem>>
    memref.store %add3A_1688, %arg4[%swap3A_1689, %swap3A_1690] : memref<1x1xf32, #tpu.memory_space<smem>>
    %get3A_1692 = arith.constant 2 : index
    %get3A_1693 = arith.constant 0 : index
    %get3A_1694 = arith.constant 0 : index
    %get3A_1695 = vector.load %arg1[%get3A_1692, %get3A_1693, %get3A_1694] : memref<4x576x256xf32, #tpu.memory_space<vmem>>, vector<1x576x256xf32>
    %get3A_1696 = vector.shape_cast %get3A_1695 : vector<1x576x256xf32> to vector<576x256xf32>
    %mul3A_1697 = arith.mulf %get3A_1696, %get3A_1696 : vector<576x256xf32>
    %reduce_sum3A_1698 = arith.constant dense<0.000000e+00> : vector<576xf32>
    %reduce_sum3A_1699 = vector.multi_reduction <add>, %mul3A_1697, %reduce_sum3A_1698 [1] : vector<576x256xf32> to vector<576xf32>
    %broadcast_in_dim3A_1700 = arith.constant 0x7F800000 : f32
    %broadcast_in_dim3A_1701 = vector.broadcast %broadcast_in_dim3A_1700 : f32 to vector<8x1024xf32>
    %broadcast_in_dim3A_1702 = arith.constant 0 : i32
    %broadcast_in_dim3A_1703 = vector.broadcast %broadcast_in_dim3A_1702 : i32 to vector<8x1024xi32>
    %dot_general3A_1704 = arith.constant dense<0.000000e+00> : vector<576x1024xf32>
    %dot_general3A_1705 = tpu.matmul %get3A_1696, %get3A_3, %dot_general3A_1704 {dimension_numbers = #tpu.dot_dimension_numbers<[1], [1], [0], [0], [0, 0, 1, 0], [], []>, transpose_lhs_hint = false} : vector<576x256xf32>, vector<1024x256xf32>, vector<576x1024xf32> -> vector<576x1024xf32>
    %slice3A_1706 = vector.extract_strided_slice %reduce_sum3A_1699 {offsets = [0], sizes = [8], strides = [1]} : vector<576xf32> to vector<8xf32>
    %broadcast_in_dim3A_1707 = vector.shape_cast %slice3A_1706 : vector<8xf32> to vector<8x1xf32>
    %add3A_1708 = vector.broadcast %broadcast_in_dim3A_1707 : vector<8x1xf32> to vector<8x1024xf32>
    %add3A_1709 = arith.addf %get3A_6, %add3A_1708 : vector<8x1024xf32>
    %slice3A_1710 = vector.extract_strided_slice %dot_general3A_1705 {offsets = [0, 0], sizes = [8, 1024], strides = [1, 1]} : vector<576x1024xf32> to vector<8x1024xf32>
    %add3A_1711 = arith.addf %add3A_1709, %slice3A_1710 : vector<8x1024xf32>
    %lt3A_1712 = arith.cmpf olt, %add3A_1711, %broadcast_in_dim3A_1701 : vector<8x1024xf32>
    %min3A_1713 = arith.minimumf %broadcast_in_dim3A_1701, %add3A_1711 : vector<8x1024xf32>
    %jit3A_1714 = arith.constant 0 : i32
    %broadcast_in_dim3A_1715 = vector.broadcast %jit3A_1714 : i32 to vector<8x1024xi32>
    %select_n3A_1716 = arith.select %lt3A_1712, %broadcast_in_dim3A_1715, %broadcast_in_dim3A_1703 : vector<8x1024xi1>, vector<8x1024xi32>
    %slice3A_1717 = vector.extract_strided_slice %reduce_sum3A_1699 {offsets = [8], sizes = [8], strides = [1]} : vector<576xf32> to vector<8xf32>
    %broadcast_in_dim3A_1718 = vector.shape_cast %slice3A_1717 : vector<8xf32> to vector<8x1xf32>
    %add3A_1719 = vector.broadcast %broadcast_in_dim3A_1718 : vector<8x1xf32> to vector<8x1024xf32>
    %add3A_1720 = arith.addf %get3A_6, %add3A_1719 : vector<8x1024xf32>
    %slice3A_1721 = vector.extract_strided_slice %dot_general3A_1705 {offsets = [8, 0], sizes = [8, 1024], strides = [1, 1]} : vector<576x1024xf32> to vector<8x1024xf32>
    %add3A_1722 = arith.addf %add3A_1720, %slice3A_1721 : vector<8x1024xf32>
    %lt3A_1723 = arith.cmpf olt, %add3A_1722, %min3A_1713 : vector<8x1024xf32>
    %min3A_1724 = arith.minimumf %min3A_1713, %add3A_1722 : vector<8x1024xf32>
    %jit3A_1725 = arith.constant 1 : i32
    %broadcast_in_dim3A_1726 = vector.broadcast %jit3A_1725 : i32 to vector<8x1024xi32>
    %select_n3A_1727 = arith.select %lt3A_1723, %broadcast_in_dim3A_1726, %select_n3A_1716 : vector<8x1024xi1>, vector<8x1024xi32>
    %slice3A_1728 = vector.extract_strided_slice %reduce_sum3A_1699 {offsets = [16], sizes = [8], strides = [1]} : vector<576xf32> to vector<8xf32>
    %broadcast_in_dim3A_1729 = vector.shape_cast %slice3A_1728 : vector<8xf32> to vector<8x1xf32>
    %add3A_1730 = vector.broadcast %broadcast_in_dim3A_1729 : vector<8x1xf32> to vector<8x1024xf32>
    %add3A_1731 = arith.addf %get3A_6, %add3A_1730 : vector<8x1024xf32>
    %slice3A_1732 = vector.extract_strided_slice %dot_general3A_1705 {offsets = [16, 0], sizes = [8, 1024], strides = [1, 1]} : vector<576x1024xf32> to vector<8x1024xf32>
    %add3A_1733 = arith.addf %add3A_1731, %slice3A_1732 : vector<8x1024xf32>
    %lt3A_1734 = arith.cmpf olt, %add3A_1733, %min3A_1724 : vector<8x1024xf32>
    %min3A_1735 = arith.minimumf %min3A_1724, %add3A_1733 : vector<8x1024xf32>
    %jit3A_1736 = arith.constant 2 : i32
    %broadcast_in_dim3A_1737 = vector.broadcast %jit3A_1736 : i32 to vector<8x1024xi32>
    %select_n3A_1738 = arith.select %lt3A_1734, %broadcast_in_dim3A_1737, %select_n3A_1727 : vector<8x1024xi1>, vector<8x1024xi32>
    %slice3A_1739 = vector.extract_strided_slice %reduce_sum3A_1699 {offsets = [24], sizes = [8], strides = [1]} : vector<576xf32> to vector<8xf32>
    %broadcast_in_dim3A_1740 = vector.shape_cast %slice3A_1739 : vector<8xf32> to vector<8x1xf32>
    %add3A_1741 = vector.broadcast %broadcast_in_dim3A_1740 : vector<8x1xf32> to vector<8x1024xf32>
    %add3A_1742 = arith.addf %get3A_6, %add3A_1741 : vector<8x1024xf32>
    %slice3A_1743 = vector.extract_strided_slice %dot_general3A_1705 {offsets = [24, 0], sizes = [8, 1024], strides = [1, 1]} : vector<576x1024xf32> to vector<8x1024xf32>
    %add3A_1744 = arith.addf %add3A_1742, %slice3A_1743 : vector<8x1024xf32>
    %lt3A_1745 = arith.cmpf olt, %add3A_1744, %min3A_1735 : vector<8x1024xf32>
    %min3A_1746 = arith.minimumf %min3A_1735, %add3A_1744 : vector<8x1024xf32>
    %jit3A_1747 = arith.constant 3 : i32
    %broadcast_in_dim3A_1748 = vector.broadcast %jit3A_1747 : i32 to vector<8x1024xi32>
    %select_n3A_1749 = arith.select %lt3A_1745, %broadcast_in_dim3A_1748, %select_n3A_1738 : vector<8x1024xi1>, vector<8x1024xi32>
    %slice3A_1750 = vector.extract_strided_slice %reduce_sum3A_1699 {offsets = [32], sizes = [8], strides = [1]} : vector<576xf32> to vector<8xf32>
    %broadcast_in_dim3A_1751 = vector.shape_cast %slice3A_1750 : vector<8xf32> to vector<8x1xf32>
    %add3A_1752 = vector.broadcast %broadcast_in_dim3A_1751 : vector<8x1xf32> to vector<8x1024xf32>
    %add3A_1753 = arith.addf %get3A_6, %add3A_1752 : vector<8x1024xf32>
    %slice3A_1754 = vector.extract_strided_slice %dot_general3A_1705 {offsets = [32, 0], sizes = [8, 1024], strides = [1, 1]} : vector<576x1024xf32> to vector<8x1024xf32>
    %add3A_1755 = arith.addf %add3A_1753, %slice3A_1754 : vector<8x1024xf32>
    %lt3A_1756 = arith.cmpf olt, %add3A_1755, %min3A_1746 : vector<8x1024xf32>
    %min3A_1757 = arith.minimumf %min3A_1746, %add3A_1755 : vector<8x1024xf32>
    %jit3A_1758 = arith.constant 4 : i32
    %broadcast_in_dim3A_1759 = vector.broadcast %jit3A_1758 : i32 to vector<8x1024xi32>
    %select_n3A_1760 = arith.select %lt3A_1756, %broadcast_in_dim3A_1759, %select_n3A_1749 : vector<8x1024xi1>, vector<8x1024xi32>
    %slice3A_1761 = vector.extract_strided_slice %reduce_sum3A_1699 {offsets = [40], sizes = [8], strides = [1]} : vector<576xf32> to vector<8xf32>
    %broadcast_in_dim3A_1762 = vector.shape_cast %slice3A_1761 : vector<8xf32> to vector<8x1xf32>
    %add3A_1763 = vector.broadcast %broadcast_in_dim3A_1762 : vector<8x1xf32> to vector<8x1024xf32>
    %add3A_1764 = arith.addf %get3A_6, %add3A_1763 : vector<8x1024xf32>
    %slice3A_1765 = vector.extract_strided_slice %dot_general3A_1705 {offsets = [40, 0], sizes = [8, 1024], strides = [1, 1]} : vector<576x1024xf32> to vector<8x1024xf32>
    %add3A_1766 = arith.addf %add3A_1764, %slice3A_1765 : vector<8x1024xf32>
    %lt3A_1767 = arith.cmpf olt, %add3A_1766, %min3A_1757 : vector<8x1024xf32>
    %min3A_1768 = arith.minimumf %min3A_1757, %add3A_1766 : vector<8x1024xf32>
    %jit3A_1769 = arith.constant 5 : i32
    %broadcast_in_dim3A_1770 = vector.broadcast %jit3A_1769 : i32 to vector<8x1024xi32>
    %select_n3A_1771 = arith.select %lt3A_1767, %broadcast_in_dim3A_1770, %select_n3A_1760 : vector<8x1024xi1>, vector<8x1024xi32>
    %slice3A_1772 = vector.extract_strided_slice %reduce_sum3A_1699 {offsets = [48], sizes = [8], strides = [1]} : vector<576xf32> to vector<8xf32>
    %broadcast_in_dim3A_1773 = vector.shape_cast %slice3A_1772 : vector<8xf32> to vector<8x1xf32>
    %add3A_1774 = vector.broadcast %broadcast_in_dim3A_1773 : vector<8x1xf32> to vector<8x1024xf32>
    %add3A_1775 = arith.addf %get3A_6, %add3A_1774 : vector<8x1024xf32>
    %slice3A_1776 = vector.extract_strided_slice %dot_general3A_1705 {offsets = [48, 0], sizes = [8, 1024], strides = [1, 1]} : vector<576x1024xf32> to vector<8x1024xf32>
    %add3A_1777 = arith.addf %add3A_1775, %slice3A_1776 : vector<8x1024xf32>
    %lt3A_1778 = arith.cmpf olt, %add3A_1777, %min3A_1768 : vector<8x1024xf32>
    %min3A_1779 = arith.minimumf %min3A_1768, %add3A_1777 : vector<8x1024xf32>
    %jit3A_1780 = arith.constant 6 : i32
    %broadcast_in_dim3A_1781 = vector.broadcast %jit3A_1780 : i32 to vector<8x1024xi32>
    %select_n3A_1782 = arith.select %lt3A_1778, %broadcast_in_dim3A_1781, %select_n3A_1771 : vector<8x1024xi1>, vector<8x1024xi32>
    %slice3A_1783 = vector.extract_strided_slice %reduce_sum3A_1699 {offsets = [56], sizes = [8], strides = [1]} : vector<576xf32> to vector<8xf32>
    %broadcast_in_dim3A_1784 = vector.shape_cast %slice3A_1783 : vector<8xf32> to vector<8x1xf32>
    %add3A_1785 = vector.broadcast %broadcast_in_dim3A_1784 : vector<8x1xf32> to vector<8x1024xf32>
    %add3A_1786 = arith.addf %get3A_6, %add3A_1785 : vector<8x1024xf32>
    %slice3A_1787 = vector.extract_strided_slice %dot_general3A_1705 {offsets = [56, 0], sizes = [8, 1024], strides = [1, 1]} : vector<576x1024xf32> to vector<8x1024xf32>
    %add3A_1788 = arith.addf %add3A_1786, %slice3A_1787 : vector<8x1024xf32>
    %lt3A_1789 = arith.cmpf olt, %add3A_1788, %min3A_1779 : vector<8x1024xf32>
    %min3A_1790 = arith.minimumf %min3A_1779, %add3A_1788 : vector<8x1024xf32>
    %jit3A_1791 = arith.constant 7 : i32
    %broadcast_in_dim3A_1792 = vector.broadcast %jit3A_1791 : i32 to vector<8x1024xi32>
    %select_n3A_1793 = arith.select %lt3A_1789, %broadcast_in_dim3A_1792, %select_n3A_1782 : vector<8x1024xi1>, vector<8x1024xi32>
    %slice3A_1794 = vector.extract_strided_slice %reduce_sum3A_1699 {offsets = [64], sizes = [8], strides = [1]} : vector<576xf32> to vector<8xf32>
    %broadcast_in_dim3A_1795 = vector.shape_cast %slice3A_1794 : vector<8xf32> to vector<8x1xf32>
    %add3A_1796 = vector.broadcast %broadcast_in_dim3A_1795 : vector<8x1xf32> to vector<8x1024xf32>
    %add3A_1797 = arith.addf %get3A_6, %add3A_1796 : vector<8x1024xf32>
    %slice3A_1798 = vector.extract_strided_slice %dot_general3A_1705 {offsets = [64, 0], sizes = [8, 1024], strides = [1, 1]} : vector<576x1024xf32> to vector<8x1024xf32>
    %add3A_1799 = arith.addf %add3A_1797, %slice3A_1798 : vector<8x1024xf32>
    %lt3A_1800 = arith.cmpf olt, %add3A_1799, %min3A_1790 : vector<8x1024xf32>
    %min3A_1801 = arith.minimumf %min3A_1790, %add3A_1799 : vector<8x1024xf32>
    %jit3A_1802 = arith.constant 8 : i32
    %broadcast_in_dim3A_1803 = vector.broadcast %jit3A_1802 : i32 to vector<8x1024xi32>
    %select_n3A_1804 = arith.select %lt3A_1800, %broadcast_in_dim3A_1803, %select_n3A_1793 : vector<8x1024xi1>, vector<8x1024xi32>
    %slice3A_1805 = vector.extract_strided_slice %reduce_sum3A_1699 {offsets = [72], sizes = [8], strides = [1]} : vector<576xf32> to vector<8xf32>
    %broadcast_in_dim3A_1806 = vector.shape_cast %slice3A_1805 : vector<8xf32> to vector<8x1xf32>
    %add3A_1807 = vector.broadcast %broadcast_in_dim3A_1806 : vector<8x1xf32> to vector<8x1024xf32>
    %add3A_1808 = arith.addf %get3A_6, %add3A_1807 : vector<8x1024xf32>
    %slice3A_1809 = vector.extract_strided_slice %dot_general3A_1705 {offsets = [72, 0], sizes = [8, 1024], strides = [1, 1]} : vector<576x1024xf32> to vector<8x1024xf32>
    %add3A_1810 = arith.addf %add3A_1808, %slice3A_1809 : vector<8x1024xf32>
    %lt3A_1811 = arith.cmpf olt, %add3A_1810, %min3A_1801 : vector<8x1024xf32>
    %min3A_1812 = arith.minimumf %min3A_1801, %add3A_1810 : vector<8x1024xf32>
    %jit3A_1813 = arith.constant 9 : i32
    %broadcast_in_dim3A_1814 = vector.broadcast %jit3A_1813 : i32 to vector<8x1024xi32>
    %select_n3A_1815 = arith.select %lt3A_1811, %broadcast_in_dim3A_1814, %select_n3A_1804 : vector<8x1024xi1>, vector<8x1024xi32>
    %slice3A_1816 = vector.extract_strided_slice %reduce_sum3A_1699 {offsets = [80], sizes = [8], strides = [1]} : vector<576xf32> to vector<8xf32>
    %broadcast_in_dim3A_1817 = vector.shape_cast %slice3A_1816 : vector<8xf32> to vector<8x1xf32>
    %add3A_1818 = vector.broadcast %broadcast_in_dim3A_1817 : vector<8x1xf32> to vector<8x1024xf32>
    %add3A_1819 = arith.addf %get3A_6, %add3A_1818 : vector<8x1024xf32>
    %slice3A_1820 = vector.extract_strided_slice %dot_general3A_1705 {offsets = [80, 0], sizes = [8, 1024], strides = [1, 1]} : vector<576x1024xf32> to vector<8x1024xf32>
    %add3A_1821 = arith.addf %add3A_1819, %slice3A_1820 : vector<8x1024xf32>
    %lt3A_1822 = arith.cmpf olt, %add3A_1821, %min3A_1812 : vector<8x1024xf32>
    %min3A_1823 = arith.minimumf %min3A_1812, %add3A_1821 : vector<8x1024xf32>
    %jit3A_1824 = arith.constant 10 : i32
    %broadcast_in_dim3A_1825 = vector.broadcast %jit3A_1824 : i32 to vector<8x1024xi32>
    %select_n3A_1826 = arith.select %lt3A_1822, %broadcast_in_dim3A_1825, %select_n3A_1815 : vector<8x1024xi1>, vector<8x1024xi32>
    %slice3A_1827 = vector.extract_strided_slice %reduce_sum3A_1699 {offsets = [88], sizes = [8], strides = [1]} : vector<576xf32> to vector<8xf32>
    %broadcast_in_dim3A_1828 = vector.shape_cast %slice3A_1827 : vector<8xf32> to vector<8x1xf32>
    %add3A_1829 = vector.broadcast %broadcast_in_dim3A_1828 : vector<8x1xf32> to vector<8x1024xf32>
    %add3A_1830 = arith.addf %get3A_6, %add3A_1829 : vector<8x1024xf32>
    %slice3A_1831 = vector.extract_strided_slice %dot_general3A_1705 {offsets = [88, 0], sizes = [8, 1024], strides = [1, 1]} : vector<576x1024xf32> to vector<8x1024xf32>
    %add3A_1832 = arith.addf %add3A_1830, %slice3A_1831 : vector<8x1024xf32>
    %lt3A_1833 = arith.cmpf olt, %add3A_1832, %min3A_1823 : vector<8x1024xf32>
    %min3A_1834 = arith.minimumf %min3A_1823, %add3A_1832 : vector<8x1024xf32>
    %jit3A_1835 = arith.constant 11 : i32
    %broadcast_in_dim3A_1836 = vector.broadcast %jit3A_1835 : i32 to vector<8x1024xi32>
    %select_n3A_1837 = arith.select %lt3A_1833, %broadcast_in_dim3A_1836, %select_n3A_1826 : vector<8x1024xi1>, vector<8x1024xi32>
    %slice3A_1838 = vector.extract_strided_slice %reduce_sum3A_1699 {offsets = [96], sizes = [8], strides = [1]} : vector<576xf32> to vector<8xf32>
    %broadcast_in_dim3A_1839 = vector.shape_cast %slice3A_1838 : vector<8xf32> to vector<8x1xf32>
    %add3A_1840 = vector.broadcast %broadcast_in_dim3A_1839 : vector<8x1xf32> to vector<8x1024xf32>
    %add3A_1841 = arith.addf %get3A_6, %add3A_1840 : vector<8x1024xf32>
    %slice3A_1842 = vector.extract_strided_slice %dot_general3A_1705 {offsets = [96, 0], sizes = [8, 1024], strides = [1, 1]} : vector<576x1024xf32> to vector<8x1024xf32>
    %add3A_1843 = arith.addf %add3A_1841, %slice3A_1842 : vector<8x1024xf32>
    %lt3A_1844 = arith.cmpf olt, %add3A_1843, %min3A_1834 : vector<8x1024xf32>
    %min3A_1845 = arith.minimumf %min3A_1834, %add3A_1843 : vector<8x1024xf32>
    %jit3A_1846 = arith.constant 12 : i32
    %broadcast_in_dim3A_1847 = vector.broadcast %jit3A_1846 : i32 to vector<8x1024xi32>
    %select_n3A_1848 = arith.select %lt3A_1844, %broadcast_in_dim3A_1847, %select_n3A_1837 : vector<8x1024xi1>, vector<8x1024xi32>
    %slice3A_1849 = vector.extract_strided_slice %reduce_sum3A_1699 {offsets = [104], sizes = [8], strides = [1]} : vector<576xf32> to vector<8xf32>
    %broadcast_in_dim3A_1850 = vector.shape_cast %slice3A_1849 : vector<8xf32> to vector<8x1xf32>
    %add3A_1851 = vector.broadcast %broadcast_in_dim3A_1850 : vector<8x1xf32> to vector<8x1024xf32>
    %add3A_1852 = arith.addf %get3A_6, %add3A_1851 : vector<8x1024xf32>
    %slice3A_1853 = vector.extract_strided_slice %dot_general3A_1705 {offsets = [104, 0], sizes = [8, 1024], strides = [1, 1]} : vector<576x1024xf32> to vector<8x1024xf32>
    %add3A_1854 = arith.addf %add3A_1852, %slice3A_1853 : vector<8x1024xf32>
    %lt3A_1855 = arith.cmpf olt, %add3A_1854, %min3A_1845 : vector<8x1024xf32>
    %min3A_1856 = arith.minimumf %min3A_1845, %add3A_1854 : vector<8x1024xf32>
    %jit3A_1857 = arith.constant 13 : i32
    %broadcast_in_dim3A_1858 = vector.broadcast %jit3A_1857 : i32 to vector<8x1024xi32>
    %select_n3A_1859 = arith.select %lt3A_1855, %broadcast_in_dim3A_1858, %select_n3A_1848 : vector<8x1024xi1>, vector<8x1024xi32>
    %slice3A_1860 = vector.extract_strided_slice %reduce_sum3A_1699 {offsets = [112], sizes = [8], strides = [1]} : vector<576xf32> to vector<8xf32>
    %broadcast_in_dim3A_1861 = vector.shape_cast %slice3A_1860 : vector<8xf32> to vector<8x1xf32>
    %add3A_1862 = vector.broadcast %broadcast_in_dim3A_1861 : vector<8x1xf32> to vector<8x1024xf32>
    %add3A_1863 = arith.addf %get3A_6, %add3A_1862 : vector<8x1024xf32>
    %slice3A_1864 = vector.extract_strided_slice %dot_general3A_1705 {offsets = [112, 0], sizes = [8, 1024], strides = [1, 1]} : vector<576x1024xf32> to vector<8x1024xf32>
    %add3A_1865 = arith.addf %add3A_1863, %slice3A_1864 : vector<8x1024xf32>
    %lt3A_1866 = arith.cmpf olt, %add3A_1865, %min3A_1856 : vector<8x1024xf32>
    %min3A_1867 = arith.minimumf %min3A_1856, %add3A_1865 : vector<8x1024xf32>
    %jit3A_1868 = arith.constant 14 : i32
    %broadcast_in_dim3A_1869 = vector.broadcast %jit3A_1868 : i32 to vector<8x1024xi32>
    %select_n3A_1870 = arith.select %lt3A_1866, %broadcast_in_dim3A_1869, %select_n3A_1859 : vector<8x1024xi1>, vector<8x1024xi32>
    %slice3A_1871 = vector.extract_strided_slice %reduce_sum3A_1699 {offsets = [120], sizes = [8], strides = [1]} : vector<576xf32> to vector<8xf32>
    %broadcast_in_dim3A_1872 = vector.shape_cast %slice3A_1871 : vector<8xf32> to vector<8x1xf32>
    %add3A_1873 = vector.broadcast %broadcast_in_dim3A_1872 : vector<8x1xf32> to vector<8x1024xf32>
    %add3A_1874 = arith.addf %get3A_6, %add3A_1873 : vector<8x1024xf32>
    %slice3A_1875 = vector.extract_strided_slice %dot_general3A_1705 {offsets = [120, 0], sizes = [8, 1024], strides = [1, 1]} : vector<576x1024xf32> to vector<8x1024xf32>
    %add3A_1876 = arith.addf %add3A_1874, %slice3A_1875 : vector<8x1024xf32>
    %lt3A_1877 = arith.cmpf olt, %add3A_1876, %min3A_1867 : vector<8x1024xf32>
    %min3A_1878 = arith.minimumf %min3A_1867, %add3A_1876 : vector<8x1024xf32>
    %jit3A_1879 = arith.constant 15 : i32
    %broadcast_in_dim3A_1880 = vector.broadcast %jit3A_1879 : i32 to vector<8x1024xi32>
    %select_n3A_1881 = arith.select %lt3A_1877, %broadcast_in_dim3A_1880, %select_n3A_1870 : vector<8x1024xi1>, vector<8x1024xi32>
    %slice3A_1882 = vector.extract_strided_slice %reduce_sum3A_1699 {offsets = [128], sizes = [8], strides = [1]} : vector<576xf32> to vector<8xf32>
    %broadcast_in_dim3A_1883 = vector.shape_cast %slice3A_1882 : vector<8xf32> to vector<8x1xf32>
    %add3A_1884 = vector.broadcast %broadcast_in_dim3A_1883 : vector<8x1xf32> to vector<8x1024xf32>
    %add3A_1885 = arith.addf %get3A_6, %add3A_1884 : vector<8x1024xf32>
    %slice3A_1886 = vector.extract_strided_slice %dot_general3A_1705 {offsets = [128, 0], sizes = [8, 1024], strides = [1, 1]} : vector<576x1024xf32> to vector<8x1024xf32>
    %add3A_1887 = arith.addf %add3A_1885, %slice3A_1886 : vector<8x1024xf32>
    %lt3A_1888 = arith.cmpf olt, %add3A_1887, %min3A_1878 : vector<8x1024xf32>
    %min3A_1889 = arith.minimumf %min3A_1878, %add3A_1887 : vector<8x1024xf32>
    %jit3A_1890 = arith.constant 16 : i32
    %broadcast_in_dim3A_1891 = vector.broadcast %jit3A_1890 : i32 to vector<8x1024xi32>
    %select_n3A_1892 = arith.select %lt3A_1888, %broadcast_in_dim3A_1891, %select_n3A_1881 : vector<8x1024xi1>, vector<8x1024xi32>
    %slice3A_1893 = vector.extract_strided_slice %reduce_sum3A_1699 {offsets = [136], sizes = [8], strides = [1]} : vector<576xf32> to vector<8xf32>
    %broadcast_in_dim3A_1894 = vector.shape_cast %slice3A_1893 : vector<8xf32> to vector<8x1xf32>
    %add3A_1895 = vector.broadcast %broadcast_in_dim3A_1894 : vector<8x1xf32> to vector<8x1024xf32>
    %add3A_1896 = arith.addf %get3A_6, %add3A_1895 : vector<8x1024xf32>
    %slice3A_1897 = vector.extract_strided_slice %dot_general3A_1705 {offsets = [136, 0], sizes = [8, 1024], strides = [1, 1]} : vector<576x1024xf32> to vector<8x1024xf32>
    %add3A_1898 = arith.addf %add3A_1896, %slice3A_1897 : vector<8x1024xf32>
    %lt3A_1899 = arith.cmpf olt, %add3A_1898, %min3A_1889 : vector<8x1024xf32>
    %min3A_1900 = arith.minimumf %min3A_1889, %add3A_1898 : vector<8x1024xf32>
    %jit3A_1901 = arith.constant 17 : i32
    %broadcast_in_dim3A_1902 = vector.broadcast %jit3A_1901 : i32 to vector<8x1024xi32>
    %select_n3A_1903 = arith.select %lt3A_1899, %broadcast_in_dim3A_1902, %select_n3A_1892 : vector<8x1024xi1>, vector<8x1024xi32>
    %slice3A_1904 = vector.extract_strided_slice %reduce_sum3A_1699 {offsets = [144], sizes = [8], strides = [1]} : vector<576xf32> to vector<8xf32>
    %broadcast_in_dim3A_1905 = vector.shape_cast %slice3A_1904 : vector<8xf32> to vector<8x1xf32>
    %add3A_1906 = vector.broadcast %broadcast_in_dim3A_1905 : vector<8x1xf32> to vector<8x1024xf32>
    %add3A_1907 = arith.addf %get3A_6, %add3A_1906 : vector<8x1024xf32>
    %slice3A_1908 = vector.extract_strided_slice %dot_general3A_1705 {offsets = [144, 0], sizes = [8, 1024], strides = [1, 1]} : vector<576x1024xf32> to vector<8x1024xf32>
    %add3A_1909 = arith.addf %add3A_1907, %slice3A_1908 : vector<8x1024xf32>
    %lt3A_1910 = arith.cmpf olt, %add3A_1909, %min3A_1900 : vector<8x1024xf32>
    %min3A_1911 = arith.minimumf %min3A_1900, %add3A_1909 : vector<8x1024xf32>
    %jit3A_1912 = arith.constant 18 : i32
    %broadcast_in_dim3A_1913 = vector.broadcast %jit3A_1912 : i32 to vector<8x1024xi32>
    %select_n3A_1914 = arith.select %lt3A_1910, %broadcast_in_dim3A_1913, %select_n3A_1903 : vector<8x1024xi1>, vector<8x1024xi32>
    %slice3A_1915 = vector.extract_strided_slice %reduce_sum3A_1699 {offsets = [152], sizes = [8], strides = [1]} : vector<576xf32> to vector<8xf32>
    %broadcast_in_dim3A_1916 = vector.shape_cast %slice3A_1915 : vector<8xf32> to vector<8x1xf32>
    %add3A_1917 = vector.broadcast %broadcast_in_dim3A_1916 : vector<8x1xf32> to vector<8x1024xf32>
    %add3A_1918 = arith.addf %get3A_6, %add3A_1917 : vector<8x1024xf32>
    %slice3A_1919 = vector.extract_strided_slice %dot_general3A_1705 {offsets = [152, 0], sizes = [8, 1024], strides = [1, 1]} : vector<576x1024xf32> to vector<8x1024xf32>
    %add3A_1920 = arith.addf %add3A_1918, %slice3A_1919 : vector<8x1024xf32>
    %lt3A_1921 = arith.cmpf olt, %add3A_1920, %min3A_1911 : vector<8x1024xf32>
    %min3A_1922 = arith.minimumf %min3A_1911, %add3A_1920 : vector<8x1024xf32>
    %jit3A_1923 = arith.constant 19 : i32
    %broadcast_in_dim3A_1924 = vector.broadcast %jit3A_1923 : i32 to vector<8x1024xi32>
    %select_n3A_1925 = arith.select %lt3A_1921, %broadcast_in_dim3A_1924, %select_n3A_1914 : vector<8x1024xi1>, vector<8x1024xi32>
    %slice3A_1926 = vector.extract_strided_slice %reduce_sum3A_1699 {offsets = [160], sizes = [8], strides = [1]} : vector<576xf32> to vector<8xf32>
    %broadcast_in_dim3A_1927 = vector.shape_cast %slice3A_1926 : vector<8xf32> to vector<8x1xf32>
    %add3A_1928 = vector.broadcast %broadcast_in_dim3A_1927 : vector<8x1xf32> to vector<8x1024xf32>
    %add3A_1929 = arith.addf %get3A_6, %add3A_1928 : vector<8x1024xf32>
    %slice3A_1930 = vector.extract_strided_slice %dot_general3A_1705 {offsets = [160, 0], sizes = [8, 1024], strides = [1, 1]} : vector<576x1024xf32> to vector<8x1024xf32>
    %add3A_1931 = arith.addf %add3A_1929, %slice3A_1930 : vector<8x1024xf32>
    %lt3A_1932 = arith.cmpf olt, %add3A_1931, %min3A_1922 : vector<8x1024xf32>
    %min3A_1933 = arith.minimumf %min3A_1922, %add3A_1931 : vector<8x1024xf32>
    %jit3A_1934 = arith.constant 20 : i32
    %broadcast_in_dim3A_1935 = vector.broadcast %jit3A_1934 : i32 to vector<8x1024xi32>
    %select_n3A_1936 = arith.select %lt3A_1932, %broadcast_in_dim3A_1935, %select_n3A_1925 : vector<8x1024xi1>, vector<8x1024xi32>
    %slice3A_1937 = vector.extract_strided_slice %reduce_sum3A_1699 {offsets = [168], sizes = [8], strides = [1]} : vector<576xf32> to vector<8xf32>
    %broadcast_in_dim3A_1938 = vector.shape_cast %slice3A_1937 : vector<8xf32> to vector<8x1xf32>
    %add3A_1939 = vector.broadcast %broadcast_in_dim3A_1938 : vector<8x1xf32> to vector<8x1024xf32>
    %add3A_1940 = arith.addf %get3A_6, %add3A_1939 : vector<8x1024xf32>
    %slice3A_1941 = vector.extract_strided_slice %dot_general3A_1705 {offsets = [168, 0], sizes = [8, 1024], strides = [1, 1]} : vector<576x1024xf32> to vector<8x1024xf32>
    %add3A_1942 = arith.addf %add3A_1940, %slice3A_1941 : vector<8x1024xf32>
    %lt3A_1943 = arith.cmpf olt, %add3A_1942, %min3A_1933 : vector<8x1024xf32>
    %min3A_1944 = arith.minimumf %min3A_1933, %add3A_1942 : vector<8x1024xf32>
    %jit3A_1945 = arith.constant 21 : i32
    %broadcast_in_dim3A_1946 = vector.broadcast %jit3A_1945 : i32 to vector<8x1024xi32>
    %select_n3A_1947 = arith.select %lt3A_1943, %broadcast_in_dim3A_1946, %select_n3A_1936 : vector<8x1024xi1>, vector<8x1024xi32>
    %slice3A_1948 = vector.extract_strided_slice %reduce_sum3A_1699 {offsets = [176], sizes = [8], strides = [1]} : vector<576xf32> to vector<8xf32>
    %broadcast_in_dim3A_1949 = vector.shape_cast %slice3A_1948 : vector<8xf32> to vector<8x1xf32>
    %add3A_1950 = vector.broadcast %broadcast_in_dim3A_1949 : vector<8x1xf32> to vector<8x1024xf32>
    %add3A_1951 = arith.addf %get3A_6, %add3A_1950 : vector<8x1024xf32>
    %slice3A_1952 = vector.extract_strided_slice %dot_general3A_1705 {offsets = [176, 0], sizes = [8, 1024], strides = [1, 1]} : vector<576x1024xf32> to vector<8x1024xf32>
    %add3A_1953 = arith.addf %add3A_1951, %slice3A_1952 : vector<8x1024xf32>
    %lt3A_1954 = arith.cmpf olt, %add3A_1953, %min3A_1944 : vector<8x1024xf32>
    %min3A_1955 = arith.minimumf %min3A_1944, %add3A_1953 : vector<8x1024xf32>
    %jit3A_1956 = arith.constant 22 : i32
    %broadcast_in_dim3A_1957 = vector.broadcast %jit3A_1956 : i32 to vector<8x1024xi32>
    %select_n3A_1958 = arith.select %lt3A_1954, %broadcast_in_dim3A_1957, %select_n3A_1947 : vector<8x1024xi1>, vector<8x1024xi32>
    %slice3A_1959 = vector.extract_strided_slice %reduce_sum3A_1699 {offsets = [184], sizes = [8], strides = [1]} : vector<576xf32> to vector<8xf32>
    %broadcast_in_dim3A_1960 = vector.shape_cast %slice3A_1959 : vector<8xf32> to vector<8x1xf32>
    %add3A_1961 = vector.broadcast %broadcast_in_dim3A_1960 : vector<8x1xf32> to vector<8x1024xf32>
    %add3A_1962 = arith.addf %get3A_6, %add3A_1961 : vector<8x1024xf32>
    %slice3A_1963 = vector.extract_strided_slice %dot_general3A_1705 {offsets = [184, 0], sizes = [8, 1024], strides = [1, 1]} : vector<576x1024xf32> to vector<8x1024xf32>
    %add3A_1964 = arith.addf %add3A_1962, %slice3A_1963 : vector<8x1024xf32>
    %lt3A_1965 = arith.cmpf olt, %add3A_1964, %min3A_1955 : vector<8x1024xf32>
    %min3A_1966 = arith.minimumf %min3A_1955, %add3A_1964 : vector<8x1024xf32>
    %jit3A_1967 = arith.constant 23 : i32
    %broadcast_in_dim3A_1968 = vector.broadcast %jit3A_1967 : i32 to vector<8x1024xi32>
    %select_n3A_1969 = arith.select %lt3A_1965, %broadcast_in_dim3A_1968, %select_n3A_1958 : vector<8x1024xi1>, vector<8x1024xi32>
    %slice3A_1970 = vector.extract_strided_slice %reduce_sum3A_1699 {offsets = [192], sizes = [8], strides = [1]} : vector<576xf32> to vector<8xf32>
    %broadcast_in_dim3A_1971 = vector.shape_cast %slice3A_1970 : vector<8xf32> to vector<8x1xf32>
    %add3A_1972 = vector.broadcast %broadcast_in_dim3A_1971 : vector<8x1xf32> to vector<8x1024xf32>
    %add3A_1973 = arith.addf %get3A_6, %add3A_1972 : vector<8x1024xf32>
    %slice3A_1974 = vector.extract_strided_slice %dot_general3A_1705 {offsets = [192, 0], sizes = [8, 1024], strides = [1, 1]} : vector<576x1024xf32> to vector<8x1024xf32>
    %add3A_1975 = arith.addf %add3A_1973, %slice3A_1974 : vector<8x1024xf32>
    %lt3A_1976 = arith.cmpf olt, %add3A_1975, %min3A_1966 : vector<8x1024xf32>
    %min3A_1977 = arith.minimumf %min3A_1966, %add3A_1975 : vector<8x1024xf32>
    %jit3A_1978 = arith.constant 24 : i32
    %broadcast_in_dim3A_1979 = vector.broadcast %jit3A_1978 : i32 to vector<8x1024xi32>
    %select_n3A_1980 = arith.select %lt3A_1976, %broadcast_in_dim3A_1979, %select_n3A_1969 : vector<8x1024xi1>, vector<8x1024xi32>
    %slice3A_1981 = vector.extract_strided_slice %reduce_sum3A_1699 {offsets = [200], sizes = [8], strides = [1]} : vector<576xf32> to vector<8xf32>
    %broadcast_in_dim3A_1982 = vector.shape_cast %slice3A_1981 : vector<8xf32> to vector<8x1xf32>
    %add3A_1983 = vector.broadcast %broadcast_in_dim3A_1982 : vector<8x1xf32> to vector<8x1024xf32>
    %add3A_1984 = arith.addf %get3A_6, %add3A_1983 : vector<8x1024xf32>
    %slice3A_1985 = vector.extract_strided_slice %dot_general3A_1705 {offsets = [200, 0], sizes = [8, 1024], strides = [1, 1]} : vector<576x1024xf32> to vector<8x1024xf32>
    %add3A_1986 = arith.addf %add3A_1984, %slice3A_1985 : vector<8x1024xf32>
    %lt3A_1987 = arith.cmpf olt, %add3A_1986, %min3A_1977 : vector<8x1024xf32>
    %min3A_1988 = arith.minimumf %min3A_1977, %add3A_1986 : vector<8x1024xf32>
    %jit3A_1989 = arith.constant 25 : i32
    %broadcast_in_dim3A_1990 = vector.broadcast %jit3A_1989 : i32 to vector<8x1024xi32>
    %select_n3A_1991 = arith.select %lt3A_1987, %broadcast_in_dim3A_1990, %select_n3A_1980 : vector<8x1024xi1>, vector<8x1024xi32>
    %slice3A_1992 = vector.extract_strided_slice %reduce_sum3A_1699 {offsets = [208], sizes = [8], strides = [1]} : vector<576xf32> to vector<8xf32>
    %broadcast_in_dim3A_1993 = vector.shape_cast %slice3A_1992 : vector<8xf32> to vector<8x1xf32>
    %add3A_1994 = vector.broadcast %broadcast_in_dim3A_1993 : vector<8x1xf32> to vector<8x1024xf32>
    %add3A_1995 = arith.addf %get3A_6, %add3A_1994 : vector<8x1024xf32>
    %slice3A_1996 = vector.extract_strided_slice %dot_general3A_1705 {offsets = [208, 0], sizes = [8, 1024], strides = [1, 1]} : vector<576x1024xf32> to vector<8x1024xf32>
    %add3A_1997 = arith.addf %add3A_1995, %slice3A_1996 : vector<8x1024xf32>
    %lt3A_1998 = arith.cmpf olt, %add3A_1997, %min3A_1988 : vector<8x1024xf32>
    %min3A_1999 = arith.minimumf %min3A_1988, %add3A_1997 : vector<8x1024xf32>
    %jit3A_2000 = arith.constant 26 : i32
    %broadcast_in_dim3A_2001 = vector.broadcast %jit3A_2000 : i32 to vector<8x1024xi32>
    %select_n3A_2002 = arith.select %lt3A_1998, %broadcast_in_dim3A_2001, %select_n3A_1991 : vector<8x1024xi1>, vector<8x1024xi32>
    %slice3A_2003 = vector.extract_strided_slice %reduce_sum3A_1699 {offsets = [216], sizes = [8], strides = [1]} : vector<576xf32> to vector<8xf32>
    %broadcast_in_dim3A_2004 = vector.shape_cast %slice3A_2003 : vector<8xf32> to vector<8x1xf32>
    %add3A_2005 = vector.broadcast %broadcast_in_dim3A_2004 : vector<8x1xf32> to vector<8x1024xf32>
    %add3A_2006 = arith.addf %get3A_6, %add3A_2005 : vector<8x1024xf32>
    %slice3A_2007 = vector.extract_strided_slice %dot_general3A_1705 {offsets = [216, 0], sizes = [8, 1024], strides = [1, 1]} : vector<576x1024xf32> to vector<8x1024xf32>
    %add3A_2008 = arith.addf %add3A_2006, %slice3A_2007 : vector<8x1024xf32>
    %lt3A_2009 = arith.cmpf olt, %add3A_2008, %min3A_1999 : vector<8x1024xf32>
    %min3A_2010 = arith.minimumf %min3A_1999, %add3A_2008 : vector<8x1024xf32>
    %jit3A_2011 = arith.constant 27 : i32
    %broadcast_in_dim3A_2012 = vector.broadcast %jit3A_2011 : i32 to vector<8x1024xi32>
    %select_n3A_2013 = arith.select %lt3A_2009, %broadcast_in_dim3A_2012, %select_n3A_2002 : vector<8x1024xi1>, vector<8x1024xi32>
    %slice3A_2014 = vector.extract_strided_slice %reduce_sum3A_1699 {offsets = [224], sizes = [8], strides = [1]} : vector<576xf32> to vector<8xf32>
    %broadcast_in_dim3A_2015 = vector.shape_cast %slice3A_2014 : vector<8xf32> to vector<8x1xf32>
    %add3A_2016 = vector.broadcast %broadcast_in_dim3A_2015 : vector<8x1xf32> to vector<8x1024xf32>
    %add3A_2017 = arith.addf %get3A_6, %add3A_2016 : vector<8x1024xf32>
    %slice3A_2018 = vector.extract_strided_slice %dot_general3A_1705 {offsets = [224, 0], sizes = [8, 1024], strides = [1, 1]} : vector<576x1024xf32> to vector<8x1024xf32>
    %add3A_2019 = arith.addf %add3A_2017, %slice3A_2018 : vector<8x1024xf32>
    %lt3A_2020 = arith.cmpf olt, %add3A_2019, %min3A_2010 : vector<8x1024xf32>
    %min3A_2021 = arith.minimumf %min3A_2010, %add3A_2019 : vector<8x1024xf32>
    %jit3A_2022 = arith.constant 28 : i32
    %broadcast_in_dim3A_2023 = vector.broadcast %jit3A_2022 : i32 to vector<8x1024xi32>
    %select_n3A_2024 = arith.select %lt3A_2020, %broadcast_in_dim3A_2023, %select_n3A_2013 : vector<8x1024xi1>, vector<8x1024xi32>
    %slice3A_2025 = vector.extract_strided_slice %reduce_sum3A_1699 {offsets = [232], sizes = [8], strides = [1]} : vector<576xf32> to vector<8xf32>
    %broadcast_in_dim3A_2026 = vector.shape_cast %slice3A_2025 : vector<8xf32> to vector<8x1xf32>
    %add3A_2027 = vector.broadcast %broadcast_in_dim3A_2026 : vector<8x1xf32> to vector<8x1024xf32>
    %add3A_2028 = arith.addf %get3A_6, %add3A_2027 : vector<8x1024xf32>
    %slice3A_2029 = vector.extract_strided_slice %dot_general3A_1705 {offsets = [232, 0], sizes = [8, 1024], strides = [1, 1]} : vector<576x1024xf32> to vector<8x1024xf32>
    %add3A_2030 = arith.addf %add3A_2028, %slice3A_2029 : vector<8x1024xf32>
    %lt3A_2031 = arith.cmpf olt, %add3A_2030, %min3A_2021 : vector<8x1024xf32>
    %min3A_2032 = arith.minimumf %min3A_2021, %add3A_2030 : vector<8x1024xf32>
    %jit3A_2033 = arith.constant 29 : i32
    %broadcast_in_dim3A_2034 = vector.broadcast %jit3A_2033 : i32 to vector<8x1024xi32>
    %select_n3A_2035 = arith.select %lt3A_2031, %broadcast_in_dim3A_2034, %select_n3A_2024 : vector<8x1024xi1>, vector<8x1024xi32>
    %slice3A_2036 = vector.extract_strided_slice %reduce_sum3A_1699 {offsets = [240], sizes = [8], strides = [1]} : vector<576xf32> to vector<8xf32>
    %broadcast_in_dim3A_2037 = vector.shape_cast %slice3A_2036 : vector<8xf32> to vector<8x1xf32>
    %add3A_2038 = vector.broadcast %broadcast_in_dim3A_2037 : vector<8x1xf32> to vector<8x1024xf32>
    %add3A_2039 = arith.addf %get3A_6, %add3A_2038 : vector<8x1024xf32>
    %slice3A_2040 = vector.extract_strided_slice %dot_general3A_1705 {offsets = [240, 0], sizes = [8, 1024], strides = [1, 1]} : vector<576x1024xf32> to vector<8x1024xf32>
    %add3A_2041 = arith.addf %add3A_2039, %slice3A_2040 : vector<8x1024xf32>
    %lt3A_2042 = arith.cmpf olt, %add3A_2041, %min3A_2032 : vector<8x1024xf32>
    %min3A_2043 = arith.minimumf %min3A_2032, %add3A_2041 : vector<8x1024xf32>
    %jit3A_2044 = arith.constant 30 : i32
    %broadcast_in_dim3A_2045 = vector.broadcast %jit3A_2044 : i32 to vector<8x1024xi32>
    %select_n3A_2046 = arith.select %lt3A_2042, %broadcast_in_dim3A_2045, %select_n3A_2035 : vector<8x1024xi1>, vector<8x1024xi32>
    %slice3A_2047 = vector.extract_strided_slice %reduce_sum3A_1699 {offsets = [248], sizes = [8], strides = [1]} : vector<576xf32> to vector<8xf32>
    %broadcast_in_dim3A_2048 = vector.shape_cast %slice3A_2047 : vector<8xf32> to vector<8x1xf32>
    %add3A_2049 = vector.broadcast %broadcast_in_dim3A_2048 : vector<8x1xf32> to vector<8x1024xf32>
    %add3A_2050 = arith.addf %get3A_6, %add3A_2049 : vector<8x1024xf32>
    %slice3A_2051 = vector.extract_strided_slice %dot_general3A_1705 {offsets = [248, 0], sizes = [8, 1024], strides = [1, 1]} : vector<576x1024xf32> to vector<8x1024xf32>
    %add3A_2052 = arith.addf %add3A_2050, %slice3A_2051 : vector<8x1024xf32>
    %lt3A_2053 = arith.cmpf olt, %add3A_2052, %min3A_2043 : vector<8x1024xf32>
    %min3A_2054 = arith.minimumf %min3A_2043, %add3A_2052 : vector<8x1024xf32>
    %jit3A_2055 = arith.constant 31 : i32
    %broadcast_in_dim3A_2056 = vector.broadcast %jit3A_2055 : i32 to vector<8x1024xi32>
    %select_n3A_2057 = arith.select %lt3A_2053, %broadcast_in_dim3A_2056, %select_n3A_2046 : vector<8x1024xi1>, vector<8x1024xi32>
    %slice3A_2058 = vector.extract_strided_slice %reduce_sum3A_1699 {offsets = [256], sizes = [8], strides = [1]} : vector<576xf32> to vector<8xf32>
    %broadcast_in_dim3A_2059 = vector.shape_cast %slice3A_2058 : vector<8xf32> to vector<8x1xf32>
    %add3A_2060 = vector.broadcast %broadcast_in_dim3A_2059 : vector<8x1xf32> to vector<8x1024xf32>
    %add3A_2061 = arith.addf %get3A_6, %add3A_2060 : vector<8x1024xf32>
    %slice3A_2062 = vector.extract_strided_slice %dot_general3A_1705 {offsets = [256, 0], sizes = [8, 1024], strides = [1, 1]} : vector<576x1024xf32> to vector<8x1024xf32>
    %add3A_2063 = arith.addf %add3A_2061, %slice3A_2062 : vector<8x1024xf32>
    %lt3A_2064 = arith.cmpf olt, %add3A_2063, %min3A_2054 : vector<8x1024xf32>
    %min3A_2065 = arith.minimumf %min3A_2054, %add3A_2063 : vector<8x1024xf32>
    %jit3A_2066 = arith.constant 32 : i32
    %broadcast_in_dim3A_2067 = vector.broadcast %jit3A_2066 : i32 to vector<8x1024xi32>
    %select_n3A_2068 = arith.select %lt3A_2064, %broadcast_in_dim3A_2067, %select_n3A_2057 : vector<8x1024xi1>, vector<8x1024xi32>
    %slice3A_2069 = vector.extract_strided_slice %reduce_sum3A_1699 {offsets = [264], sizes = [8], strides = [1]} : vector<576xf32> to vector<8xf32>
    %broadcast_in_dim3A_2070 = vector.shape_cast %slice3A_2069 : vector<8xf32> to vector<8x1xf32>
    %add3A_2071 = vector.broadcast %broadcast_in_dim3A_2070 : vector<8x1xf32> to vector<8x1024xf32>
    %add3A_2072 = arith.addf %get3A_6, %add3A_2071 : vector<8x1024xf32>
    %slice3A_2073 = vector.extract_strided_slice %dot_general3A_1705 {offsets = [264, 0], sizes = [8, 1024], strides = [1, 1]} : vector<576x1024xf32> to vector<8x1024xf32>
    %add3A_2074 = arith.addf %add3A_2072, %slice3A_2073 : vector<8x1024xf32>
    %lt3A_2075 = arith.cmpf olt, %add3A_2074, %min3A_2065 : vector<8x1024xf32>
    %min3A_2076 = arith.minimumf %min3A_2065, %add3A_2074 : vector<8x1024xf32>
    %jit3A_2077 = arith.constant 33 : i32
    %broadcast_in_dim3A_2078 = vector.broadcast %jit3A_2077 : i32 to vector<8x1024xi32>
    %select_n3A_2079 = arith.select %lt3A_2075, %broadcast_in_dim3A_2078, %select_n3A_2068 : vector<8x1024xi1>, vector<8x1024xi32>
    %slice3A_2080 = vector.extract_strided_slice %reduce_sum3A_1699 {offsets = [272], sizes = [8], strides = [1]} : vector<576xf32> to vector<8xf32>
    %broadcast_in_dim3A_2081 = vector.shape_cast %slice3A_2080 : vector<8xf32> to vector<8x1xf32>
    %add3A_2082 = vector.broadcast %broadcast_in_dim3A_2081 : vector<8x1xf32> to vector<8x1024xf32>
    %add3A_2083 = arith.addf %get3A_6, %add3A_2082 : vector<8x1024xf32>
    %slice3A_2084 = vector.extract_strided_slice %dot_general3A_1705 {offsets = [272, 0], sizes = [8, 1024], strides = [1, 1]} : vector<576x1024xf32> to vector<8x1024xf32>
    %add3A_2085 = arith.addf %add3A_2083, %slice3A_2084 : vector<8x1024xf32>
    %lt3A_2086 = arith.cmpf olt, %add3A_2085, %min3A_2076 : vector<8x1024xf32>
    %min3A_2087 = arith.minimumf %min3A_2076, %add3A_2085 : vector<8x1024xf32>
    %jit3A_2088 = arith.constant 34 : i32
    %broadcast_in_dim3A_2089 = vector.broadcast %jit3A_2088 : i32 to vector<8x1024xi32>
    %select_n3A_2090 = arith.select %lt3A_2086, %broadcast_in_dim3A_2089, %select_n3A_2079 : vector<8x1024xi1>, vector<8x1024xi32>
    %slice3A_2091 = vector.extract_strided_slice %reduce_sum3A_1699 {offsets = [280], sizes = [8], strides = [1]} : vector<576xf32> to vector<8xf32>
    %broadcast_in_dim3A_2092 = vector.shape_cast %slice3A_2091 : vector<8xf32> to vector<8x1xf32>
    %add3A_2093 = vector.broadcast %broadcast_in_dim3A_2092 : vector<8x1xf32> to vector<8x1024xf32>
    %add3A_2094 = arith.addf %get3A_6, %add3A_2093 : vector<8x1024xf32>
    %slice3A_2095 = vector.extract_strided_slice %dot_general3A_1705 {offsets = [280, 0], sizes = [8, 1024], strides = [1, 1]} : vector<576x1024xf32> to vector<8x1024xf32>
    %add3A_2096 = arith.addf %add3A_2094, %slice3A_2095 : vector<8x1024xf32>
    %lt3A_2097 = arith.cmpf olt, %add3A_2096, %min3A_2087 : vector<8x1024xf32>
    %min3A_2098 = arith.minimumf %min3A_2087, %add3A_2096 : vector<8x1024xf32>
    %jit3A_2099 = arith.constant 35 : i32
    %broadcast_in_dim3A_2100 = vector.broadcast %jit3A_2099 : i32 to vector<8x1024xi32>
    %select_n3A_2101 = arith.select %lt3A_2097, %broadcast_in_dim3A_2100, %select_n3A_2090 : vector<8x1024xi1>, vector<8x1024xi32>
    %slice3A_2102 = vector.extract_strided_slice %reduce_sum3A_1699 {offsets = [288], sizes = [8], strides = [1]} : vector<576xf32> to vector<8xf32>
    %broadcast_in_dim3A_2103 = vector.shape_cast %slice3A_2102 : vector<8xf32> to vector<8x1xf32>
    %add3A_2104 = vector.broadcast %broadcast_in_dim3A_2103 : vector<8x1xf32> to vector<8x1024xf32>
    %add3A_2105 = arith.addf %get3A_6, %add3A_2104 : vector<8x1024xf32>
    %slice3A_2106 = vector.extract_strided_slice %dot_general3A_1705 {offsets = [288, 0], sizes = [8, 1024], strides = [1, 1]} : vector<576x1024xf32> to vector<8x1024xf32>
    %add3A_2107 = arith.addf %add3A_2105, %slice3A_2106 : vector<8x1024xf32>
    %lt3A_2108 = arith.cmpf olt, %add3A_2107, %min3A_2098 : vector<8x1024xf32>
    %min3A_2109 = arith.minimumf %min3A_2098, %add3A_2107 : vector<8x1024xf32>
    %jit3A_2110 = arith.constant 36 : i32
    %broadcast_in_dim3A_2111 = vector.broadcast %jit3A_2110 : i32 to vector<8x1024xi32>
    %select_n3A_2112 = arith.select %lt3A_2108, %broadcast_in_dim3A_2111, %select_n3A_2101 : vector<8x1024xi1>, vector<8x1024xi32>
    %slice3A_2113 = vector.extract_strided_slice %reduce_sum3A_1699 {offsets = [296], sizes = [8], strides = [1]} : vector<576xf32> to vector<8xf32>
    %broadcast_in_dim3A_2114 = vector.shape_cast %slice3A_2113 : vector<8xf32> to vector<8x1xf32>
    %add3A_2115 = vector.broadcast %broadcast_in_dim3A_2114 : vector<8x1xf32> to vector<8x1024xf32>
    %add3A_2116 = arith.addf %get3A_6, %add3A_2115 : vector<8x1024xf32>
    %slice3A_2117 = vector.extract_strided_slice %dot_general3A_1705 {offsets = [296, 0], sizes = [8, 1024], strides = [1, 1]} : vector<576x1024xf32> to vector<8x1024xf32>
    %add3A_2118 = arith.addf %add3A_2116, %slice3A_2117 : vector<8x1024xf32>
    %lt3A_2119 = arith.cmpf olt, %add3A_2118, %min3A_2109 : vector<8x1024xf32>
    %min3A_2120 = arith.minimumf %min3A_2109, %add3A_2118 : vector<8x1024xf32>
    %jit3A_2121 = arith.constant 37 : i32
    %broadcast_in_dim3A_2122 = vector.broadcast %jit3A_2121 : i32 to vector<8x1024xi32>
    %select_n3A_2123 = arith.select %lt3A_2119, %broadcast_in_dim3A_2122, %select_n3A_2112 : vector<8x1024xi1>, vector<8x1024xi32>
    %slice3A_2124 = vector.extract_strided_slice %reduce_sum3A_1699 {offsets = [304], sizes = [8], strides = [1]} : vector<576xf32> to vector<8xf32>
    %broadcast_in_dim3A_2125 = vector.shape_cast %slice3A_2124 : vector<8xf32> to vector<8x1xf32>
    %add3A_2126 = vector.broadcast %broadcast_in_dim3A_2125 : vector<8x1xf32> to vector<8x1024xf32>
    %add3A_2127 = arith.addf %get3A_6, %add3A_2126 : vector<8x1024xf32>
    %slice3A_2128 = vector.extract_strided_slice %dot_general3A_1705 {offsets = [304, 0], sizes = [8, 1024], strides = [1, 1]} : vector<576x1024xf32> to vector<8x1024xf32>
    %add3A_2129 = arith.addf %add3A_2127, %slice3A_2128 : vector<8x1024xf32>
    %lt3A_2130 = arith.cmpf olt, %add3A_2129, %min3A_2120 : vector<8x1024xf32>
    %min3A_2131 = arith.minimumf %min3A_2120, %add3A_2129 : vector<8x1024xf32>
    %jit3A_2132 = arith.constant 38 : i32
    %broadcast_in_dim3A_2133 = vector.broadcast %jit3A_2132 : i32 to vector<8x1024xi32>
    %select_n3A_2134 = arith.select %lt3A_2130, %broadcast_in_dim3A_2133, %select_n3A_2123 : vector<8x1024xi1>, vector<8x1024xi32>
    %slice3A_2135 = vector.extract_strided_slice %reduce_sum3A_1699 {offsets = [312], sizes = [8], strides = [1]} : vector<576xf32> to vector<8xf32>
    %broadcast_in_dim3A_2136 = vector.shape_cast %slice3A_2135 : vector<8xf32> to vector<8x1xf32>
    %add3A_2137 = vector.broadcast %broadcast_in_dim3A_2136 : vector<8x1xf32> to vector<8x1024xf32>
    %add3A_2138 = arith.addf %get3A_6, %add3A_2137 : vector<8x1024xf32>
    %slice3A_2139 = vector.extract_strided_slice %dot_general3A_1705 {offsets = [312, 0], sizes = [8, 1024], strides = [1, 1]} : vector<576x1024xf32> to vector<8x1024xf32>
    %add3A_2140 = arith.addf %add3A_2138, %slice3A_2139 : vector<8x1024xf32>
    %lt3A_2141 = arith.cmpf olt, %add3A_2140, %min3A_2131 : vector<8x1024xf32>
    %min3A_2142 = arith.minimumf %min3A_2131, %add3A_2140 : vector<8x1024xf32>
    %jit3A_2143 = arith.constant 39 : i32
    %broadcast_in_dim3A_2144 = vector.broadcast %jit3A_2143 : i32 to vector<8x1024xi32>
    %select_n3A_2145 = arith.select %lt3A_2141, %broadcast_in_dim3A_2144, %select_n3A_2134 : vector<8x1024xi1>, vector<8x1024xi32>
    %slice3A_2146 = vector.extract_strided_slice %reduce_sum3A_1699 {offsets = [320], sizes = [8], strides = [1]} : vector<576xf32> to vector<8xf32>
    %broadcast_in_dim3A_2147 = vector.shape_cast %slice3A_2146 : vector<8xf32> to vector<8x1xf32>
    %add3A_2148 = vector.broadcast %broadcast_in_dim3A_2147 : vector<8x1xf32> to vector<8x1024xf32>
    %add3A_2149 = arith.addf %get3A_6, %add3A_2148 : vector<8x1024xf32>
    %slice3A_2150 = vector.extract_strided_slice %dot_general3A_1705 {offsets = [320, 0], sizes = [8, 1024], strides = [1, 1]} : vector<576x1024xf32> to vector<8x1024xf32>
    %add3A_2151 = arith.addf %add3A_2149, %slice3A_2150 : vector<8x1024xf32>
    %lt3A_2152 = arith.cmpf olt, %add3A_2151, %min3A_2142 : vector<8x1024xf32>
    %min3A_2153 = arith.minimumf %min3A_2142, %add3A_2151 : vector<8x1024xf32>
    %jit3A_2154 = arith.constant 40 : i32
    %broadcast_in_dim3A_2155 = vector.broadcast %jit3A_2154 : i32 to vector<8x1024xi32>
    %select_n3A_2156 = arith.select %lt3A_2152, %broadcast_in_dim3A_2155, %select_n3A_2145 : vector<8x1024xi1>, vector<8x1024xi32>
    %slice3A_2157 = vector.extract_strided_slice %reduce_sum3A_1699 {offsets = [328], sizes = [8], strides = [1]} : vector<576xf32> to vector<8xf32>
    %broadcast_in_dim3A_2158 = vector.shape_cast %slice3A_2157 : vector<8xf32> to vector<8x1xf32>
    %add3A_2159 = vector.broadcast %broadcast_in_dim3A_2158 : vector<8x1xf32> to vector<8x1024xf32>
    %add3A_2160 = arith.addf %get3A_6, %add3A_2159 : vector<8x1024xf32>
    %slice3A_2161 = vector.extract_strided_slice %dot_general3A_1705 {offsets = [328, 0], sizes = [8, 1024], strides = [1, 1]} : vector<576x1024xf32> to vector<8x1024xf32>
    %add3A_2162 = arith.addf %add3A_2160, %slice3A_2161 : vector<8x1024xf32>
    %lt3A_2163 = arith.cmpf olt, %add3A_2162, %min3A_2153 : vector<8x1024xf32>
    %min3A_2164 = arith.minimumf %min3A_2153, %add3A_2162 : vector<8x1024xf32>
    %jit3A_2165 = arith.constant 41 : i32
    %broadcast_in_dim3A_2166 = vector.broadcast %jit3A_2165 : i32 to vector<8x1024xi32>
    %select_n3A_2167 = arith.select %lt3A_2163, %broadcast_in_dim3A_2166, %select_n3A_2156 : vector<8x1024xi1>, vector<8x1024xi32>
    %slice3A_2168 = vector.extract_strided_slice %reduce_sum3A_1699 {offsets = [336], sizes = [8], strides = [1]} : vector<576xf32> to vector<8xf32>
    %broadcast_in_dim3A_2169 = vector.shape_cast %slice3A_2168 : vector<8xf32> to vector<8x1xf32>
    %add3A_2170 = vector.broadcast %broadcast_in_dim3A_2169 : vector<8x1xf32> to vector<8x1024xf32>
    %add3A_2171 = arith.addf %get3A_6, %add3A_2170 : vector<8x1024xf32>
    %slice3A_2172 = vector.extract_strided_slice %dot_general3A_1705 {offsets = [336, 0], sizes = [8, 1024], strides = [1, 1]} : vector<576x1024xf32> to vector<8x1024xf32>
    %add3A_2173 = arith.addf %add3A_2171, %slice3A_2172 : vector<8x1024xf32>
    %lt3A_2174 = arith.cmpf olt, %add3A_2173, %min3A_2164 : vector<8x1024xf32>
    %min3A_2175 = arith.minimumf %min3A_2164, %add3A_2173 : vector<8x1024xf32>
    %jit3A_2176 = arith.constant 42 : i32
    %broadcast_in_dim3A_2177 = vector.broadcast %jit3A_2176 : i32 to vector<8x1024xi32>
    %select_n3A_2178 = arith.select %lt3A_2174, %broadcast_in_dim3A_2177, %select_n3A_2167 : vector<8x1024xi1>, vector<8x1024xi32>
    %slice3A_2179 = vector.extract_strided_slice %reduce_sum3A_1699 {offsets = [344], sizes = [8], strides = [1]} : vector<576xf32> to vector<8xf32>
    %broadcast_in_dim3A_2180 = vector.shape_cast %slice3A_2179 : vector<8xf32> to vector<8x1xf32>
    %add3A_2181 = vector.broadcast %broadcast_in_dim3A_2180 : vector<8x1xf32> to vector<8x1024xf32>
    %add3A_2182 = arith.addf %get3A_6, %add3A_2181 : vector<8x1024xf32>
    %slice3A_2183 = vector.extract_strided_slice %dot_general3A_1705 {offsets = [344, 0], sizes = [8, 1024], strides = [1, 1]} : vector<576x1024xf32> to vector<8x1024xf32>
    %add3A_2184 = arith.addf %add3A_2182, %slice3A_2183 : vector<8x1024xf32>
    %lt3A_2185 = arith.cmpf olt, %add3A_2184, %min3A_2175 : vector<8x1024xf32>
    %min3A_2186 = arith.minimumf %min3A_2175, %add3A_2184 : vector<8x1024xf32>
    %jit3A_2187 = arith.constant 43 : i32
    %broadcast_in_dim3A_2188 = vector.broadcast %jit3A_2187 : i32 to vector<8x1024xi32>
    %select_n3A_2189 = arith.select %lt3A_2185, %broadcast_in_dim3A_2188, %select_n3A_2178 : vector<8x1024xi1>, vector<8x1024xi32>
    %slice3A_2190 = vector.extract_strided_slice %reduce_sum3A_1699 {offsets = [352], sizes = [8], strides = [1]} : vector<576xf32> to vector<8xf32>
    %broadcast_in_dim3A_2191 = vector.shape_cast %slice3A_2190 : vector<8xf32> to vector<8x1xf32>
    %add3A_2192 = vector.broadcast %broadcast_in_dim3A_2191 : vector<8x1xf32> to vector<8x1024xf32>
    %add3A_2193 = arith.addf %get3A_6, %add3A_2192 : vector<8x1024xf32>
    %slice3A_2194 = vector.extract_strided_slice %dot_general3A_1705 {offsets = [352, 0], sizes = [8, 1024], strides = [1, 1]} : vector<576x1024xf32> to vector<8x1024xf32>
    %add3A_2195 = arith.addf %add3A_2193, %slice3A_2194 : vector<8x1024xf32>
    %lt3A_2196 = arith.cmpf olt, %add3A_2195, %min3A_2186 : vector<8x1024xf32>
    %min3A_2197 = arith.minimumf %min3A_2186, %add3A_2195 : vector<8x1024xf32>
    %jit3A_2198 = arith.constant 44 : i32
    %broadcast_in_dim3A_2199 = vector.broadcast %jit3A_2198 : i32 to vector<8x1024xi32>
    %select_n3A_2200 = arith.select %lt3A_2196, %broadcast_in_dim3A_2199, %select_n3A_2189 : vector<8x1024xi1>, vector<8x1024xi32>
    %slice3A_2201 = vector.extract_strided_slice %reduce_sum3A_1699 {offsets = [360], sizes = [8], strides = [1]} : vector<576xf32> to vector<8xf32>
    %broadcast_in_dim3A_2202 = vector.shape_cast %slice3A_2201 : vector<8xf32> to vector<8x1xf32>
    %add3A_2203 = vector.broadcast %broadcast_in_dim3A_2202 : vector<8x1xf32> to vector<8x1024xf32>
    %add3A_2204 = arith.addf %get3A_6, %add3A_2203 : vector<8x1024xf32>
    %slice3A_2205 = vector.extract_strided_slice %dot_general3A_1705 {offsets = [360, 0], sizes = [8, 1024], strides = [1, 1]} : vector<576x1024xf32> to vector<8x1024xf32>
    %add3A_2206 = arith.addf %add3A_2204, %slice3A_2205 : vector<8x1024xf32>
    %lt3A_2207 = arith.cmpf olt, %add3A_2206, %min3A_2197 : vector<8x1024xf32>
    %min3A_2208 = arith.minimumf %min3A_2197, %add3A_2206 : vector<8x1024xf32>
    %jit3A_2209 = arith.constant 45 : i32
    %broadcast_in_dim3A_2210 = vector.broadcast %jit3A_2209 : i32 to vector<8x1024xi32>
    %select_n3A_2211 = arith.select %lt3A_2207, %broadcast_in_dim3A_2210, %select_n3A_2200 : vector<8x1024xi1>, vector<8x1024xi32>
    %slice3A_2212 = vector.extract_strided_slice %reduce_sum3A_1699 {offsets = [368], sizes = [8], strides = [1]} : vector<576xf32> to vector<8xf32>
    %broadcast_in_dim3A_2213 = vector.shape_cast %slice3A_2212 : vector<8xf32> to vector<8x1xf32>
    %add3A_2214 = vector.broadcast %broadcast_in_dim3A_2213 : vector<8x1xf32> to vector<8x1024xf32>
    %add3A_2215 = arith.addf %get3A_6, %add3A_2214 : vector<8x1024xf32>
    %slice3A_2216 = vector.extract_strided_slice %dot_general3A_1705 {offsets = [368, 0], sizes = [8, 1024], strides = [1, 1]} : vector<576x1024xf32> to vector<8x1024xf32>
    %add3A_2217 = arith.addf %add3A_2215, %slice3A_2216 : vector<8x1024xf32>
    %lt3A_2218 = arith.cmpf olt, %add3A_2217, %min3A_2208 : vector<8x1024xf32>
    %min3A_2219 = arith.minimumf %min3A_2208, %add3A_2217 : vector<8x1024xf32>
    %jit3A_2220 = arith.constant 46 : i32
    %broadcast_in_dim3A_2221 = vector.broadcast %jit3A_2220 : i32 to vector<8x1024xi32>
    %select_n3A_2222 = arith.select %lt3A_2218, %broadcast_in_dim3A_2221, %select_n3A_2211 : vector<8x1024xi1>, vector<8x1024xi32>
    %slice3A_2223 = vector.extract_strided_slice %reduce_sum3A_1699 {offsets = [376], sizes = [8], strides = [1]} : vector<576xf32> to vector<8xf32>
    %broadcast_in_dim3A_2224 = vector.shape_cast %slice3A_2223 : vector<8xf32> to vector<8x1xf32>
    %add3A_2225 = vector.broadcast %broadcast_in_dim3A_2224 : vector<8x1xf32> to vector<8x1024xf32>
    %add3A_2226 = arith.addf %get3A_6, %add3A_2225 : vector<8x1024xf32>
    %slice3A_2227 = vector.extract_strided_slice %dot_general3A_1705 {offsets = [376, 0], sizes = [8, 1024], strides = [1, 1]} : vector<576x1024xf32> to vector<8x1024xf32>
    %add3A_2228 = arith.addf %add3A_2226, %slice3A_2227 : vector<8x1024xf32>
    %lt3A_2229 = arith.cmpf olt, %add3A_2228, %min3A_2219 : vector<8x1024xf32>
    %min3A_2230 = arith.minimumf %min3A_2219, %add3A_2228 : vector<8x1024xf32>
    %jit3A_2231 = arith.constant 47 : i32
    %broadcast_in_dim3A_2232 = vector.broadcast %jit3A_2231 : i32 to vector<8x1024xi32>
    %select_n3A_2233 = arith.select %lt3A_2229, %broadcast_in_dim3A_2232, %select_n3A_2222 : vector<8x1024xi1>, vector<8x1024xi32>
    %slice3A_2234 = vector.extract_strided_slice %reduce_sum3A_1699 {offsets = [384], sizes = [8], strides = [1]} : vector<576xf32> to vector<8xf32>
    %broadcast_in_dim3A_2235 = vector.shape_cast %slice3A_2234 : vector<8xf32> to vector<8x1xf32>
    %add3A_2236 = vector.broadcast %broadcast_in_dim3A_2235 : vector<8x1xf32> to vector<8x1024xf32>
    %add3A_2237 = arith.addf %get3A_6, %add3A_2236 : vector<8x1024xf32>
    %slice3A_2238 = vector.extract_strided_slice %dot_general3A_1705 {offsets = [384, 0], sizes = [8, 1024], strides = [1, 1]} : vector<576x1024xf32> to vector<8x1024xf32>
    %add3A_2239 = arith.addf %add3A_2237, %slice3A_2238 : vector<8x1024xf32>
    %lt3A_2240 = arith.cmpf olt, %add3A_2239, %min3A_2230 : vector<8x1024xf32>
    %min3A_2241 = arith.minimumf %min3A_2230, %add3A_2239 : vector<8x1024xf32>
    %jit3A_2242 = arith.constant 48 : i32
    %broadcast_in_dim3A_2243 = vector.broadcast %jit3A_2242 : i32 to vector<8x1024xi32>
    %select_n3A_2244 = arith.select %lt3A_2240, %broadcast_in_dim3A_2243, %select_n3A_2233 : vector<8x1024xi1>, vector<8x1024xi32>
    %slice3A_2245 = vector.extract_strided_slice %reduce_sum3A_1699 {offsets = [392], sizes = [8], strides = [1]} : vector<576xf32> to vector<8xf32>
    %broadcast_in_dim3A_2246 = vector.shape_cast %slice3A_2245 : vector<8xf32> to vector<8x1xf32>
    %add3A_2247 = vector.broadcast %broadcast_in_dim3A_2246 : vector<8x1xf32> to vector<8x1024xf32>
    %add3A_2248 = arith.addf %get3A_6, %add3A_2247 : vector<8x1024xf32>
    %slice3A_2249 = vector.extract_strided_slice %dot_general3A_1705 {offsets = [392, 0], sizes = [8, 1024], strides = [1, 1]} : vector<576x1024xf32> to vector<8x1024xf32>
    %add3A_2250 = arith.addf %add3A_2248, %slice3A_2249 : vector<8x1024xf32>
    %lt3A_2251 = arith.cmpf olt, %add3A_2250, %min3A_2241 : vector<8x1024xf32>
    %min3A_2252 = arith.minimumf %min3A_2241, %add3A_2250 : vector<8x1024xf32>
    %jit3A_2253 = arith.constant 49 : i32
    %broadcast_in_dim3A_2254 = vector.broadcast %jit3A_2253 : i32 to vector<8x1024xi32>
    %select_n3A_2255 = arith.select %lt3A_2251, %broadcast_in_dim3A_2254, %select_n3A_2244 : vector<8x1024xi1>, vector<8x1024xi32>
    %slice3A_2256 = vector.extract_strided_slice %reduce_sum3A_1699 {offsets = [400], sizes = [8], strides = [1]} : vector<576xf32> to vector<8xf32>
    %broadcast_in_dim3A_2257 = vector.shape_cast %slice3A_2256 : vector<8xf32> to vector<8x1xf32>
    %add3A_2258 = vector.broadcast %broadcast_in_dim3A_2257 : vector<8x1xf32> to vector<8x1024xf32>
    %add3A_2259 = arith.addf %get3A_6, %add3A_2258 : vector<8x1024xf32>
    %slice3A_2260 = vector.extract_strided_slice %dot_general3A_1705 {offsets = [400, 0], sizes = [8, 1024], strides = [1, 1]} : vector<576x1024xf32> to vector<8x1024xf32>
    %add3A_2261 = arith.addf %add3A_2259, %slice3A_2260 : vector<8x1024xf32>
    %lt3A_2262 = arith.cmpf olt, %add3A_2261, %min3A_2252 : vector<8x1024xf32>
    %min3A_2263 = arith.minimumf %min3A_2252, %add3A_2261 : vector<8x1024xf32>
    %jit3A_2264 = arith.constant 50 : i32
    %broadcast_in_dim3A_2265 = vector.broadcast %jit3A_2264 : i32 to vector<8x1024xi32>
    %select_n3A_2266 = arith.select %lt3A_2262, %broadcast_in_dim3A_2265, %select_n3A_2255 : vector<8x1024xi1>, vector<8x1024xi32>
    %slice3A_2267 = vector.extract_strided_slice %reduce_sum3A_1699 {offsets = [408], sizes = [8], strides = [1]} : vector<576xf32> to vector<8xf32>
    %broadcast_in_dim3A_2268 = vector.shape_cast %slice3A_2267 : vector<8xf32> to vector<8x1xf32>
    %add3A_2269 = vector.broadcast %broadcast_in_dim3A_2268 : vector<8x1xf32> to vector<8x1024xf32>
    %add3A_2270 = arith.addf %get3A_6, %add3A_2269 : vector<8x1024xf32>
    %slice3A_2271 = vector.extract_strided_slice %dot_general3A_1705 {offsets = [408, 0], sizes = [8, 1024], strides = [1, 1]} : vector<576x1024xf32> to vector<8x1024xf32>
    %add3A_2272 = arith.addf %add3A_2270, %slice3A_2271 : vector<8x1024xf32>
    %lt3A_2273 = arith.cmpf olt, %add3A_2272, %min3A_2263 : vector<8x1024xf32>
    %min3A_2274 = arith.minimumf %min3A_2263, %add3A_2272 : vector<8x1024xf32>
    %jit3A_2275 = arith.constant 51 : i32
    %broadcast_in_dim3A_2276 = vector.broadcast %jit3A_2275 : i32 to vector<8x1024xi32>
    %select_n3A_2277 = arith.select %lt3A_2273, %broadcast_in_dim3A_2276, %select_n3A_2266 : vector<8x1024xi1>, vector<8x1024xi32>
    %slice3A_2278 = vector.extract_strided_slice %reduce_sum3A_1699 {offsets = [416], sizes = [8], strides = [1]} : vector<576xf32> to vector<8xf32>
    %broadcast_in_dim3A_2279 = vector.shape_cast %slice3A_2278 : vector<8xf32> to vector<8x1xf32>
    %add3A_2280 = vector.broadcast %broadcast_in_dim3A_2279 : vector<8x1xf32> to vector<8x1024xf32>
    %add3A_2281 = arith.addf %get3A_6, %add3A_2280 : vector<8x1024xf32>
    %slice3A_2282 = vector.extract_strided_slice %dot_general3A_1705 {offsets = [416, 0], sizes = [8, 1024], strides = [1, 1]} : vector<576x1024xf32> to vector<8x1024xf32>
    %add3A_2283 = arith.addf %add3A_2281, %slice3A_2282 : vector<8x1024xf32>
    %lt3A_2284 = arith.cmpf olt, %add3A_2283, %min3A_2274 : vector<8x1024xf32>
    %min3A_2285 = arith.minimumf %min3A_2274, %add3A_2283 : vector<8x1024xf32>
    %jit3A_2286 = arith.constant 52 : i32
    %broadcast_in_dim3A_2287 = vector.broadcast %jit3A_2286 : i32 to vector<8x1024xi32>
    %select_n3A_2288 = arith.select %lt3A_2284, %broadcast_in_dim3A_2287, %select_n3A_2277 : vector<8x1024xi1>, vector<8x1024xi32>
    %slice3A_2289 = vector.extract_strided_slice %reduce_sum3A_1699 {offsets = [424], sizes = [8], strides = [1]} : vector<576xf32> to vector<8xf32>
    %broadcast_in_dim3A_2290 = vector.shape_cast %slice3A_2289 : vector<8xf32> to vector<8x1xf32>
    %add3A_2291 = vector.broadcast %broadcast_in_dim3A_2290 : vector<8x1xf32> to vector<8x1024xf32>
    %add3A_2292 = arith.addf %get3A_6, %add3A_2291 : vector<8x1024xf32>
    %slice3A_2293 = vector.extract_strided_slice %dot_general3A_1705 {offsets = [424, 0], sizes = [8, 1024], strides = [1, 1]} : vector<576x1024xf32> to vector<8x1024xf32>
    %add3A_2294 = arith.addf %add3A_2292, %slice3A_2293 : vector<8x1024xf32>
    %lt3A_2295 = arith.cmpf olt, %add3A_2294, %min3A_2285 : vector<8x1024xf32>
    %min3A_2296 = arith.minimumf %min3A_2285, %add3A_2294 : vector<8x1024xf32>
    %jit3A_2297 = arith.constant 53 : i32
    %broadcast_in_dim3A_2298 = vector.broadcast %jit3A_2297 : i32 to vector<8x1024xi32>
    %select_n3A_2299 = arith.select %lt3A_2295, %broadcast_in_dim3A_2298, %select_n3A_2288 : vector<8x1024xi1>, vector<8x1024xi32>
    %slice3A_2300 = vector.extract_strided_slice %reduce_sum3A_1699 {offsets = [432], sizes = [8], strides = [1]} : vector<576xf32> to vector<8xf32>
    %broadcast_in_dim3A_2301 = vector.shape_cast %slice3A_2300 : vector<8xf32> to vector<8x1xf32>
    %add3A_2302 = vector.broadcast %broadcast_in_dim3A_2301 : vector<8x1xf32> to vector<8x1024xf32>
    %add3A_2303 = arith.addf %get3A_6, %add3A_2302 : vector<8x1024xf32>
    %slice3A_2304 = vector.extract_strided_slice %dot_general3A_1705 {offsets = [432, 0], sizes = [8, 1024], strides = [1, 1]} : vector<576x1024xf32> to vector<8x1024xf32>
    %add3A_2305 = arith.addf %add3A_2303, %slice3A_2304 : vector<8x1024xf32>
    %lt3A_2306 = arith.cmpf olt, %add3A_2305, %min3A_2296 : vector<8x1024xf32>
    %min3A_2307 = arith.minimumf %min3A_2296, %add3A_2305 : vector<8x1024xf32>
    %jit3A_2308 = arith.constant 54 : i32
    %broadcast_in_dim3A_2309 = vector.broadcast %jit3A_2308 : i32 to vector<8x1024xi32>
    %select_n3A_2310 = arith.select %lt3A_2306, %broadcast_in_dim3A_2309, %select_n3A_2299 : vector<8x1024xi1>, vector<8x1024xi32>
    %slice3A_2311 = vector.extract_strided_slice %reduce_sum3A_1699 {offsets = [440], sizes = [8], strides = [1]} : vector<576xf32> to vector<8xf32>
    %broadcast_in_dim3A_2312 = vector.shape_cast %slice3A_2311 : vector<8xf32> to vector<8x1xf32>
    %add3A_2313 = vector.broadcast %broadcast_in_dim3A_2312 : vector<8x1xf32> to vector<8x1024xf32>
    %add3A_2314 = arith.addf %get3A_6, %add3A_2313 : vector<8x1024xf32>
    %slice3A_2315 = vector.extract_strided_slice %dot_general3A_1705 {offsets = [440, 0], sizes = [8, 1024], strides = [1, 1]} : vector<576x1024xf32> to vector<8x1024xf32>
    %add3A_2316 = arith.addf %add3A_2314, %slice3A_2315 : vector<8x1024xf32>
    %lt3A_2317 = arith.cmpf olt, %add3A_2316, %min3A_2307 : vector<8x1024xf32>
    %min3A_2318 = arith.minimumf %min3A_2307, %add3A_2316 : vector<8x1024xf32>
    %jit3A_2319 = arith.constant 55 : i32
    %broadcast_in_dim3A_2320 = vector.broadcast %jit3A_2319 : i32 to vector<8x1024xi32>
    %select_n3A_2321 = arith.select %lt3A_2317, %broadcast_in_dim3A_2320, %select_n3A_2310 : vector<8x1024xi1>, vector<8x1024xi32>
    %slice3A_2322 = vector.extract_strided_slice %reduce_sum3A_1699 {offsets = [448], sizes = [8], strides = [1]} : vector<576xf32> to vector<8xf32>
    %broadcast_in_dim3A_2323 = vector.shape_cast %slice3A_2322 : vector<8xf32> to vector<8x1xf32>
    %add3A_2324 = vector.broadcast %broadcast_in_dim3A_2323 : vector<8x1xf32> to vector<8x1024xf32>
    %add3A_2325 = arith.addf %get3A_6, %add3A_2324 : vector<8x1024xf32>
    %slice3A_2326 = vector.extract_strided_slice %dot_general3A_1705 {offsets = [448, 0], sizes = [8, 1024], strides = [1, 1]} : vector<576x1024xf32> to vector<8x1024xf32>
    %add3A_2327 = arith.addf %add3A_2325, %slice3A_2326 : vector<8x1024xf32>
    %lt3A_2328 = arith.cmpf olt, %add3A_2327, %min3A_2318 : vector<8x1024xf32>
    %min3A_2329 = arith.minimumf %min3A_2318, %add3A_2327 : vector<8x1024xf32>
    %jit3A_2330 = arith.constant 56 : i32
    %broadcast_in_dim3A_2331 = vector.broadcast %jit3A_2330 : i32 to vector<8x1024xi32>
    %select_n3A_2332 = arith.select %lt3A_2328, %broadcast_in_dim3A_2331, %select_n3A_2321 : vector<8x1024xi1>, vector<8x1024xi32>
    %slice3A_2333 = vector.extract_strided_slice %reduce_sum3A_1699 {offsets = [456], sizes = [8], strides = [1]} : vector<576xf32> to vector<8xf32>
    %broadcast_in_dim3A_2334 = vector.shape_cast %slice3A_2333 : vector<8xf32> to vector<8x1xf32>
    %add3A_2335 = vector.broadcast %broadcast_in_dim3A_2334 : vector<8x1xf32> to vector<8x1024xf32>
    %add3A_2336 = arith.addf %get3A_6, %add3A_2335 : vector<8x1024xf32>
    %slice3A_2337 = vector.extract_strided_slice %dot_general3A_1705 {offsets = [456, 0], sizes = [8, 1024], strides = [1, 1]} : vector<576x1024xf32> to vector<8x1024xf32>
    %add3A_2338 = arith.addf %add3A_2336, %slice3A_2337 : vector<8x1024xf32>
    %lt3A_2339 = arith.cmpf olt, %add3A_2338, %min3A_2329 : vector<8x1024xf32>
    %min3A_2340 = arith.minimumf %min3A_2329, %add3A_2338 : vector<8x1024xf32>
    %jit3A_2341 = arith.constant 57 : i32
    %broadcast_in_dim3A_2342 = vector.broadcast %jit3A_2341 : i32 to vector<8x1024xi32>
    %select_n3A_2343 = arith.select %lt3A_2339, %broadcast_in_dim3A_2342, %select_n3A_2332 : vector<8x1024xi1>, vector<8x1024xi32>
    %slice3A_2344 = vector.extract_strided_slice %reduce_sum3A_1699 {offsets = [464], sizes = [8], strides = [1]} : vector<576xf32> to vector<8xf32>
    %broadcast_in_dim3A_2345 = vector.shape_cast %slice3A_2344 : vector<8xf32> to vector<8x1xf32>
    %add3A_2346 = vector.broadcast %broadcast_in_dim3A_2345 : vector<8x1xf32> to vector<8x1024xf32>
    %add3A_2347 = arith.addf %get3A_6, %add3A_2346 : vector<8x1024xf32>
    %slice3A_2348 = vector.extract_strided_slice %dot_general3A_1705 {offsets = [464, 0], sizes = [8, 1024], strides = [1, 1]} : vector<576x1024xf32> to vector<8x1024xf32>
    %add3A_2349 = arith.addf %add3A_2347, %slice3A_2348 : vector<8x1024xf32>
    %lt3A_2350 = arith.cmpf olt, %add3A_2349, %min3A_2340 : vector<8x1024xf32>
    %min3A_2351 = arith.minimumf %min3A_2340, %add3A_2349 : vector<8x1024xf32>
    %jit3A_2352 = arith.constant 58 : i32
    %broadcast_in_dim3A_2353 = vector.broadcast %jit3A_2352 : i32 to vector<8x1024xi32>
    %select_n3A_2354 = arith.select %lt3A_2350, %broadcast_in_dim3A_2353, %select_n3A_2343 : vector<8x1024xi1>, vector<8x1024xi32>
    %slice3A_2355 = vector.extract_strided_slice %reduce_sum3A_1699 {offsets = [472], sizes = [8], strides = [1]} : vector<576xf32> to vector<8xf32>
    %broadcast_in_dim3A_2356 = vector.shape_cast %slice3A_2355 : vector<8xf32> to vector<8x1xf32>
    %add3A_2357 = vector.broadcast %broadcast_in_dim3A_2356 : vector<8x1xf32> to vector<8x1024xf32>
    %add3A_2358 = arith.addf %get3A_6, %add3A_2357 : vector<8x1024xf32>
    %slice3A_2359 = vector.extract_strided_slice %dot_general3A_1705 {offsets = [472, 0], sizes = [8, 1024], strides = [1, 1]} : vector<576x1024xf32> to vector<8x1024xf32>
    %add3A_2360 = arith.addf %add3A_2358, %slice3A_2359 : vector<8x1024xf32>
    %lt3A_2361 = arith.cmpf olt, %add3A_2360, %min3A_2351 : vector<8x1024xf32>
    %min3A_2362 = arith.minimumf %min3A_2351, %add3A_2360 : vector<8x1024xf32>
    %jit3A_2363 = arith.constant 59 : i32
    %broadcast_in_dim3A_2364 = vector.broadcast %jit3A_2363 : i32 to vector<8x1024xi32>
    %select_n3A_2365 = arith.select %lt3A_2361, %broadcast_in_dim3A_2364, %select_n3A_2354 : vector<8x1024xi1>, vector<8x1024xi32>
    %slice3A_2366 = vector.extract_strided_slice %reduce_sum3A_1699 {offsets = [480], sizes = [8], strides = [1]} : vector<576xf32> to vector<8xf32>
    %broadcast_in_dim3A_2367 = vector.shape_cast %slice3A_2366 : vector<8xf32> to vector<8x1xf32>
    %add3A_2368 = vector.broadcast %broadcast_in_dim3A_2367 : vector<8x1xf32> to vector<8x1024xf32>
    %add3A_2369 = arith.addf %get3A_6, %add3A_2368 : vector<8x1024xf32>
    %slice3A_2370 = vector.extract_strided_slice %dot_general3A_1705 {offsets = [480, 0], sizes = [8, 1024], strides = [1, 1]} : vector<576x1024xf32> to vector<8x1024xf32>
    %add3A_2371 = arith.addf %add3A_2369, %slice3A_2370 : vector<8x1024xf32>
    %lt3A_2372 = arith.cmpf olt, %add3A_2371, %min3A_2362 : vector<8x1024xf32>
    %min3A_2373 = arith.minimumf %min3A_2362, %add3A_2371 : vector<8x1024xf32>
    %jit3A_2374 = arith.constant 60 : i32
    %broadcast_in_dim3A_2375 = vector.broadcast %jit3A_2374 : i32 to vector<8x1024xi32>
    %select_n3A_2376 = arith.select %lt3A_2372, %broadcast_in_dim3A_2375, %select_n3A_2365 : vector<8x1024xi1>, vector<8x1024xi32>
    %slice3A_2377 = vector.extract_strided_slice %reduce_sum3A_1699 {offsets = [488], sizes = [8], strides = [1]} : vector<576xf32> to vector<8xf32>
    %broadcast_in_dim3A_2378 = vector.shape_cast %slice3A_2377 : vector<8xf32> to vector<8x1xf32>
    %add3A_2379 = vector.broadcast %broadcast_in_dim3A_2378 : vector<8x1xf32> to vector<8x1024xf32>
    %add3A_2380 = arith.addf %get3A_6, %add3A_2379 : vector<8x1024xf32>
    %slice3A_2381 = vector.extract_strided_slice %dot_general3A_1705 {offsets = [488, 0], sizes = [8, 1024], strides = [1, 1]} : vector<576x1024xf32> to vector<8x1024xf32>
    %add3A_2382 = arith.addf %add3A_2380, %slice3A_2381 : vector<8x1024xf32>
    %lt3A_2383 = arith.cmpf olt, %add3A_2382, %min3A_2373 : vector<8x1024xf32>
    %min3A_2384 = arith.minimumf %min3A_2373, %add3A_2382 : vector<8x1024xf32>
    %jit3A_2385 = arith.constant 61 : i32
    %broadcast_in_dim3A_2386 = vector.broadcast %jit3A_2385 : i32 to vector<8x1024xi32>
    %select_n3A_2387 = arith.select %lt3A_2383, %broadcast_in_dim3A_2386, %select_n3A_2376 : vector<8x1024xi1>, vector<8x1024xi32>
    %slice3A_2388 = vector.extract_strided_slice %reduce_sum3A_1699 {offsets = [496], sizes = [8], strides = [1]} : vector<576xf32> to vector<8xf32>
    %broadcast_in_dim3A_2389 = vector.shape_cast %slice3A_2388 : vector<8xf32> to vector<8x1xf32>
    %add3A_2390 = vector.broadcast %broadcast_in_dim3A_2389 : vector<8x1xf32> to vector<8x1024xf32>
    %add3A_2391 = arith.addf %get3A_6, %add3A_2390 : vector<8x1024xf32>
    %slice3A_2392 = vector.extract_strided_slice %dot_general3A_1705 {offsets = [496, 0], sizes = [8, 1024], strides = [1, 1]} : vector<576x1024xf32> to vector<8x1024xf32>
    %add3A_2393 = arith.addf %add3A_2391, %slice3A_2392 : vector<8x1024xf32>
    %lt3A_2394 = arith.cmpf olt, %add3A_2393, %min3A_2384 : vector<8x1024xf32>
    %min3A_2395 = arith.minimumf %min3A_2384, %add3A_2393 : vector<8x1024xf32>
    %jit3A_2396 = arith.constant 62 : i32
    %broadcast_in_dim3A_2397 = vector.broadcast %jit3A_2396 : i32 to vector<8x1024xi32>
    %select_n3A_2398 = arith.select %lt3A_2394, %broadcast_in_dim3A_2397, %select_n3A_2387 : vector<8x1024xi1>, vector<8x1024xi32>
    %slice3A_2399 = vector.extract_strided_slice %reduce_sum3A_1699 {offsets = [504], sizes = [8], strides = [1]} : vector<576xf32> to vector<8xf32>
    %broadcast_in_dim3A_2400 = vector.shape_cast %slice3A_2399 : vector<8xf32> to vector<8x1xf32>
    %add3A_2401 = vector.broadcast %broadcast_in_dim3A_2400 : vector<8x1xf32> to vector<8x1024xf32>
    %add3A_2402 = arith.addf %get3A_6, %add3A_2401 : vector<8x1024xf32>
    %slice3A_2403 = vector.extract_strided_slice %dot_general3A_1705 {offsets = [504, 0], sizes = [8, 1024], strides = [1, 1]} : vector<576x1024xf32> to vector<8x1024xf32>
    %add3A_2404 = arith.addf %add3A_2402, %slice3A_2403 : vector<8x1024xf32>
    %lt3A_2405 = arith.cmpf olt, %add3A_2404, %min3A_2395 : vector<8x1024xf32>
    %min3A_2406 = arith.minimumf %min3A_2395, %add3A_2404 : vector<8x1024xf32>
    %jit3A_2407 = arith.constant 63 : i32
    %broadcast_in_dim3A_2408 = vector.broadcast %jit3A_2407 : i32 to vector<8x1024xi32>
    %select_n3A_2409 = arith.select %lt3A_2405, %broadcast_in_dim3A_2408, %select_n3A_2398 : vector<8x1024xi1>, vector<8x1024xi32>
    %slice3A_2410 = vector.extract_strided_slice %reduce_sum3A_1699 {offsets = [512], sizes = [8], strides = [1]} : vector<576xf32> to vector<8xf32>
    %broadcast_in_dim3A_2411 = vector.shape_cast %slice3A_2410 : vector<8xf32> to vector<8x1xf32>
    %add3A_2412 = vector.broadcast %broadcast_in_dim3A_2411 : vector<8x1xf32> to vector<8x1024xf32>
    %add3A_2413 = arith.addf %get3A_6, %add3A_2412 : vector<8x1024xf32>
    %slice3A_2414 = vector.extract_strided_slice %dot_general3A_1705 {offsets = [512, 0], sizes = [8, 1024], strides = [1, 1]} : vector<576x1024xf32> to vector<8x1024xf32>
    %add3A_2415 = arith.addf %add3A_2413, %slice3A_2414 : vector<8x1024xf32>
    %lt3A_2416 = arith.cmpf olt, %add3A_2415, %min3A_2406 : vector<8x1024xf32>
    %min3A_2417 = arith.minimumf %min3A_2406, %add3A_2415 : vector<8x1024xf32>
    %jit3A_2418 = arith.constant 64 : i32
    %broadcast_in_dim3A_2419 = vector.broadcast %jit3A_2418 : i32 to vector<8x1024xi32>
    %select_n3A_2420 = arith.select %lt3A_2416, %broadcast_in_dim3A_2419, %select_n3A_2409 : vector<8x1024xi1>, vector<8x1024xi32>
    %slice3A_2421 = vector.extract_strided_slice %reduce_sum3A_1699 {offsets = [520], sizes = [8], strides = [1]} : vector<576xf32> to vector<8xf32>
    %broadcast_in_dim3A_2422 = vector.shape_cast %slice3A_2421 : vector<8xf32> to vector<8x1xf32>
    %add3A_2423 = vector.broadcast %broadcast_in_dim3A_2422 : vector<8x1xf32> to vector<8x1024xf32>
    %add3A_2424 = arith.addf %get3A_6, %add3A_2423 : vector<8x1024xf32>
    %slice3A_2425 = vector.extract_strided_slice %dot_general3A_1705 {offsets = [520, 0], sizes = [8, 1024], strides = [1, 1]} : vector<576x1024xf32> to vector<8x1024xf32>
    %add3A_2426 = arith.addf %add3A_2424, %slice3A_2425 : vector<8x1024xf32>
    %lt3A_2427 = arith.cmpf olt, %add3A_2426, %min3A_2417 : vector<8x1024xf32>
    %min3A_2428 = arith.minimumf %min3A_2417, %add3A_2426 : vector<8x1024xf32>
    %jit3A_2429 = arith.constant 65 : i32
    %broadcast_in_dim3A_2430 = vector.broadcast %jit3A_2429 : i32 to vector<8x1024xi32>
    %select_n3A_2431 = arith.select %lt3A_2427, %broadcast_in_dim3A_2430, %select_n3A_2420 : vector<8x1024xi1>, vector<8x1024xi32>
    %slice3A_2432 = vector.extract_strided_slice %reduce_sum3A_1699 {offsets = [528], sizes = [8], strides = [1]} : vector<576xf32> to vector<8xf32>
    %broadcast_in_dim3A_2433 = vector.shape_cast %slice3A_2432 : vector<8xf32> to vector<8x1xf32>
    %add3A_2434 = vector.broadcast %broadcast_in_dim3A_2433 : vector<8x1xf32> to vector<8x1024xf32>
    %add3A_2435 = arith.addf %get3A_6, %add3A_2434 : vector<8x1024xf32>
    %slice3A_2436 = vector.extract_strided_slice %dot_general3A_1705 {offsets = [528, 0], sizes = [8, 1024], strides = [1, 1]} : vector<576x1024xf32> to vector<8x1024xf32>
    %add3A_2437 = arith.addf %add3A_2435, %slice3A_2436 : vector<8x1024xf32>
    %lt3A_2438 = arith.cmpf olt, %add3A_2437, %min3A_2428 : vector<8x1024xf32>
    %min3A_2439 = arith.minimumf %min3A_2428, %add3A_2437 : vector<8x1024xf32>
    %jit3A_2440 = arith.constant 66 : i32
    %broadcast_in_dim3A_2441 = vector.broadcast %jit3A_2440 : i32 to vector<8x1024xi32>
    %select_n3A_2442 = arith.select %lt3A_2438, %broadcast_in_dim3A_2441, %select_n3A_2431 : vector<8x1024xi1>, vector<8x1024xi32>
    %slice3A_2443 = vector.extract_strided_slice %reduce_sum3A_1699 {offsets = [536], sizes = [8], strides = [1]} : vector<576xf32> to vector<8xf32>
    %broadcast_in_dim3A_2444 = vector.shape_cast %slice3A_2443 : vector<8xf32> to vector<8x1xf32>
    %add3A_2445 = vector.broadcast %broadcast_in_dim3A_2444 : vector<8x1xf32> to vector<8x1024xf32>
    %add3A_2446 = arith.addf %get3A_6, %add3A_2445 : vector<8x1024xf32>
    %slice3A_2447 = vector.extract_strided_slice %dot_general3A_1705 {offsets = [536, 0], sizes = [8, 1024], strides = [1, 1]} : vector<576x1024xf32> to vector<8x1024xf32>
    %add3A_2448 = arith.addf %add3A_2446, %slice3A_2447 : vector<8x1024xf32>
    %lt3A_2449 = arith.cmpf olt, %add3A_2448, %min3A_2439 : vector<8x1024xf32>
    %min3A_2450 = arith.minimumf %min3A_2439, %add3A_2448 : vector<8x1024xf32>
    %jit3A_2451 = arith.constant 67 : i32
    %broadcast_in_dim3A_2452 = vector.broadcast %jit3A_2451 : i32 to vector<8x1024xi32>
    %select_n3A_2453 = arith.select %lt3A_2449, %broadcast_in_dim3A_2452, %select_n3A_2442 : vector<8x1024xi1>, vector<8x1024xi32>
    %slice3A_2454 = vector.extract_strided_slice %reduce_sum3A_1699 {offsets = [544], sizes = [8], strides = [1]} : vector<576xf32> to vector<8xf32>
    %broadcast_in_dim3A_2455 = vector.shape_cast %slice3A_2454 : vector<8xf32> to vector<8x1xf32>
    %add3A_2456 = vector.broadcast %broadcast_in_dim3A_2455 : vector<8x1xf32> to vector<8x1024xf32>
    %add3A_2457 = arith.addf %get3A_6, %add3A_2456 : vector<8x1024xf32>
    %slice3A_2458 = vector.extract_strided_slice %dot_general3A_1705 {offsets = [544, 0], sizes = [8, 1024], strides = [1, 1]} : vector<576x1024xf32> to vector<8x1024xf32>
    %add3A_2459 = arith.addf %add3A_2457, %slice3A_2458 : vector<8x1024xf32>
    %lt3A_2460 = arith.cmpf olt, %add3A_2459, %min3A_2450 : vector<8x1024xf32>
    %min3A_2461 = arith.minimumf %min3A_2450, %add3A_2459 : vector<8x1024xf32>
    %jit3A_2462 = arith.constant 68 : i32
    %broadcast_in_dim3A_2463 = vector.broadcast %jit3A_2462 : i32 to vector<8x1024xi32>
    %select_n3A_2464 = arith.select %lt3A_2460, %broadcast_in_dim3A_2463, %select_n3A_2453 : vector<8x1024xi1>, vector<8x1024xi32>
    %slice3A_2465 = vector.extract_strided_slice %reduce_sum3A_1699 {offsets = [552], sizes = [8], strides = [1]} : vector<576xf32> to vector<8xf32>
    %broadcast_in_dim3A_2466 = vector.shape_cast %slice3A_2465 : vector<8xf32> to vector<8x1xf32>
    %add3A_2467 = vector.broadcast %broadcast_in_dim3A_2466 : vector<8x1xf32> to vector<8x1024xf32>
    %add3A_2468 = arith.addf %get3A_6, %add3A_2467 : vector<8x1024xf32>
    %slice3A_2469 = vector.extract_strided_slice %dot_general3A_1705 {offsets = [552, 0], sizes = [8, 1024], strides = [1, 1]} : vector<576x1024xf32> to vector<8x1024xf32>
    %add3A_2470 = arith.addf %add3A_2468, %slice3A_2469 : vector<8x1024xf32>
    %lt3A_2471 = arith.cmpf olt, %add3A_2470, %min3A_2461 : vector<8x1024xf32>
    %min3A_2472 = arith.minimumf %min3A_2461, %add3A_2470 : vector<8x1024xf32>
    %jit3A_2473 = arith.constant 69 : i32
    %broadcast_in_dim3A_2474 = vector.broadcast %jit3A_2473 : i32 to vector<8x1024xi32>
    %select_n3A_2475 = arith.select %lt3A_2471, %broadcast_in_dim3A_2474, %select_n3A_2464 : vector<8x1024xi1>, vector<8x1024xi32>
    %slice3A_2476 = vector.extract_strided_slice %reduce_sum3A_1699 {offsets = [560], sizes = [8], strides = [1]} : vector<576xf32> to vector<8xf32>
    %broadcast_in_dim3A_2477 = vector.shape_cast %slice3A_2476 : vector<8xf32> to vector<8x1xf32>
    %add3A_2478 = vector.broadcast %broadcast_in_dim3A_2477 : vector<8x1xf32> to vector<8x1024xf32>
    %add3A_2479 = arith.addf %get3A_6, %add3A_2478 : vector<8x1024xf32>
    %slice3A_2480 = vector.extract_strided_slice %dot_general3A_1705 {offsets = [560, 0], sizes = [8, 1024], strides = [1, 1]} : vector<576x1024xf32> to vector<8x1024xf32>
    %add3A_2481 = arith.addf %add3A_2479, %slice3A_2480 : vector<8x1024xf32>
    %lt3A_2482 = arith.cmpf olt, %add3A_2481, %min3A_2472 : vector<8x1024xf32>
    %min3A_2483 = arith.minimumf %min3A_2472, %add3A_2481 : vector<8x1024xf32>
    %jit3A_2484 = arith.constant 70 : i32
    %broadcast_in_dim3A_2485 = vector.broadcast %jit3A_2484 : i32 to vector<8x1024xi32>
    %select_n3A_2486 = arith.select %lt3A_2482, %broadcast_in_dim3A_2485, %select_n3A_2475 : vector<8x1024xi1>, vector<8x1024xi32>
    %slice3A_2487 = vector.extract_strided_slice %reduce_sum3A_1699 {offsets = [568], sizes = [8], strides = [1]} : vector<576xf32> to vector<8xf32>
    %broadcast_in_dim3A_2488 = vector.shape_cast %slice3A_2487 : vector<8xf32> to vector<8x1xf32>
    %add3A_2489 = vector.broadcast %broadcast_in_dim3A_2488 : vector<8x1xf32> to vector<8x1024xf32>
    %add3A_2490 = arith.addf %get3A_6, %add3A_2489 : vector<8x1024xf32>
    %slice3A_2491 = vector.extract_strided_slice %dot_general3A_1705 {offsets = [568, 0], sizes = [8, 1024], strides = [1, 1]} : vector<576x1024xf32> to vector<8x1024xf32>
    %add3A_2492 = arith.addf %add3A_2490, %slice3A_2491 : vector<8x1024xf32>
    %lt3A_2493 = arith.cmpf olt, %add3A_2492, %min3A_2483 : vector<8x1024xf32>
    %min3A_2494 = arith.minimumf %min3A_2483, %add3A_2492 : vector<8x1024xf32>
    %jit3A_2495 = arith.constant 71 : i32
    %broadcast_in_dim3A_2496 = vector.broadcast %jit3A_2495 : i32 to vector<8x1024xi32>
    %select_n3A_2497 = arith.select %lt3A_2493, %broadcast_in_dim3A_2496, %select_n3A_2486 : vector<8x1024xi1>, vector<8x1024xi32>
    %reduce_min3A_2498 = arith.constant dense<0x7F800000> : vector<1024xf32>
    %reduce_min3A_2499 = vector.multi_reduction <minimumf>, %min3A_2494, %reduce_min3A_2498 [0] : vector<8x1024xf32> to vector<1024xf32>
    %mul3A_2500 = arith.constant 8 : i32
    %mul3A_2501 = vector.broadcast %mul3A_2500 : i32 to vector<8x1024xi32>
    %mul3A_2502 = arith.muli %select_n3A_2497, %mul3A_2501 : vector<8x1024xi32>
    %iota3A_2503 = tpu.iota {dimensions = array<i32: 0>} : vector<8x1024xi32>
    %add3A_2504 = arith.addi %mul3A_2502, %iota3A_2503 : vector<8x1024xi32>
    %broadcast_in_dim3A_2505 = vector.shape_cast %reduce_min3A_2499 : vector<1024xf32> to vector<1x1024xf32>
    %eq3A_2506 = vector.broadcast %broadcast_in_dim3A_2505 : vector<1x1024xf32> to vector<8x1024xf32>
    %eq3A_2507 = arith.cmpf oeq, %min3A_2494, %eq3A_2506 : vector<8x1024xf32>
    %jit3A_2508 = arith.constant 576 : i32
    %broadcast_in_dim3A_2509 = vector.broadcast %jit3A_2508 : i32 to vector<8x1024xi32>
    %select_n3A_2510 = arith.select %eq3A_2507, %add3A_2504, %broadcast_in_dim3A_2509 : vector<8x1024xi1>, vector<8x1024xi32>
    %reduce_min3A_2511 = arith.constant dense<2147483647> : vector<1024xi32>
    %reduce_min3A_2512 = vector.multi_reduction <minsi>, %select_n3A_2510, %reduce_min3A_2511 [0] : vector<8x1024xi32> to vector<1024xi32>
    %mul3A_2513 = arith.constant 4 : i32
    %mul3A_2514 = arith.muli %arg0, %mul3A_2513 : i32
    %add3A_2515 = arith.constant 0 : i32
    %add3A_2516 = arith.addi %add3A_2515, %mul3A_2514 : i32
    %add3A_2517 = arith.constant 2 : i32
    %add3A_2518 = arith.addi %add3A_2516, %add3A_2517 : i32
    %mul3A_2519 = arith.constant 576 : i32
    %mul3A_2520 = arith.muli %add3A_2518, %mul3A_2519 : i32
    %add3A_2521 = vector.broadcast %mul3A_2520 : i32 to vector<1024xi32>
    %add3A_2522 = arith.addi %reduce_min3A_2512, %add3A_2521 : vector<1024xi32>
    %swap3A_2523 = arith.constant 2 : index
    %swap3A_2524 = arith.constant 0 : index
    %swap3A_2525 = arith.constant 0 : index
    %swap3A_2526 = vector.load %arg3[%swap3A_2523, %swap3A_2524, %swap3A_2525] : memref<4x1x1024xi32, #tpu.memory_space<vmem>>, vector<1x1x1024xi32>
    %swap3A_2527 = vector.shape_cast %swap3A_2526 : vector<1x1x1024xi32> to vector<1024xi32>
    %swap3A_2528 = vector.shape_cast %add3A_2522 : vector<1024xi32> to vector<1x1x1024xi32>
    tpu.vector_store %arg3[%swap3A_2523, %swap3A_2524, %swap3A_2525], %swap3A_2528 {strides = array<i32>} : memref<4x1x1024xi32, #tpu.memory_space<vmem>>, vector<1x1x1024xi32>,
    %get3A_2529 = arith.constant 0 : index
    %get3A_2530 = arith.constant 0 : index
    %get3A_2531 = memref.load %arg4[%get3A_2529, %get3A_2530] : memref<1x1xf32, #tpu.memory_space<smem>>
    %reduce_sum3A_2532 = vector.shape_cast %reduce_min3A_2499 : vector<1024xf32> to vector<1x1024xf32>
    %reduce_sum3A_2533 = arith.constant dense<0.000000e+00> : vector<1xf32>
    %reduce_sum3A_2534 = vector.multi_reduction <add>, %reduce_sum3A_2532, %reduce_sum3A_2533 [1] : vector<1x1024xf32> to vector<1xf32>
    %reduce_sum3A_2535 = vector.shape_cast %reduce_sum3A_2534 : vector<1xf32> to vector<1x1xf32>
    %reduce_sum3A_2536 = vector.extract %reduce_sum3A_2535[0, 0] : f32 from vector<1x1xf32>
    %add3A_2537 = arith.addf %get3A_2531, %reduce_sum3A_2536 : f32
    %swap3A_2538 = arith.constant 0 : index
    %swap3A_2539 = arith.constant 0 : index
    %swap3A_2540 = memref.load %arg4[%swap3A_2538, %swap3A_2539] : memref<1x1xf32, #tpu.memory_space<smem>>
    memref.store %add3A_2537, %arg4[%swap3A_2538, %swap3A_2539] : memref<1x1xf32, #tpu.memory_space<smem>>
    %get3A_2541 = arith.constant 3 : index
    %get3A_2542 = arith.constant 0 : index
    %get3A_2543 = arith.constant 0 : index
    %get3A_2544 = vector.load %arg1[%get3A_2541, %get3A_2542, %get3A_2543] : memref<4x576x256xf32, #tpu.memory_space<vmem>>, vector<1x576x256xf32>
    %get3A_2545 = vector.shape_cast %get3A_2544 : vector<1x576x256xf32> to vector<576x256xf32>
    %mul3A_2546 = arith.mulf %get3A_2545, %get3A_2545 : vector<576x256xf32>
    %reduce_sum3A_2547 = arith.constant dense<0.000000e+00> : vector<576xf32>
    %reduce_sum3A_2548 = vector.multi_reduction <add>, %mul3A_2546, %reduce_sum3A_2547 [1] : vector<576x256xf32> to vector<576xf32>
    %broadcast_in_dim3A_2549 = arith.constant 0x7F800000 : f32
    %broadcast_in_dim3A_2550 = vector.broadcast %broadcast_in_dim3A_2549 : f32 to vector<8x1024xf32>
    %broadcast_in_dim3A_2551 = arith.constant 0 : i32
    %broadcast_in_dim3A_2552 = vector.broadcast %broadcast_in_dim3A_2551 : i32 to vector<8x1024xi32>
    %dot_general3A_2553 = arith.constant dense<0.000000e+00> : vector<576x1024xf32>
    %dot_general3A_2554 = tpu.matmul %get3A_2545, %get3A_3, %dot_general3A_2553 {dimension_numbers = #tpu.dot_dimension_numbers<[1], [1], [0], [0], [0, 0, 1, 0], [], []>, transpose_lhs_hint = false} : vector<576x256xf32>, vector<1024x256xf32>, vector<576x1024xf32> -> vector<576x1024xf32>
    %slice3A_2555 = vector.extract_strided_slice %reduce_sum3A_2548 {offsets = [0], sizes = [8], strides = [1]} : vector<576xf32> to vector<8xf32>
    %broadcast_in_dim3A_2556 = vector.shape_cast %slice3A_2555 : vector<8xf32> to vector<8x1xf32>
    %add3A_2557 = vector.broadcast %broadcast_in_dim3A_2556 : vector<8x1xf32> to vector<8x1024xf32>
    %add3A_2558 = arith.addf %get3A_6, %add3A_2557 : vector<8x1024xf32>
    %slice3A_2559 = vector.extract_strided_slice %dot_general3A_2554 {offsets = [0, 0], sizes = [8, 1024], strides = [1, 1]} : vector<576x1024xf32> to vector<8x1024xf32>
    %add3A_2560 = arith.addf %add3A_2558, %slice3A_2559 : vector<8x1024xf32>
    %lt3A_2561 = arith.cmpf olt, %add3A_2560, %broadcast_in_dim3A_2550 : vector<8x1024xf32>
    %min3A_2562 = arith.minimumf %broadcast_in_dim3A_2550, %add3A_2560 : vector<8x1024xf32>
    %jit3A_2563 = arith.constant 0 : i32
    %broadcast_in_dim3A_2564 = vector.broadcast %jit3A_2563 : i32 to vector<8x1024xi32>
    %select_n3A_2565 = arith.select %lt3A_2561, %broadcast_in_dim3A_2564, %broadcast_in_dim3A_2552 : vector<8x1024xi1>, vector<8x1024xi32>
    %slice3A_2566 = vector.extract_strided_slice %reduce_sum3A_2548 {offsets = [8], sizes = [8], strides = [1]} : vector<576xf32> to vector<8xf32>
    %broadcast_in_dim3A_2567 = vector.shape_cast %slice3A_2566 : vector<8xf32> to vector<8x1xf32>
    %add3A_2568 = vector.broadcast %broadcast_in_dim3A_2567 : vector<8x1xf32> to vector<8x1024xf32>
    %add3A_2569 = arith.addf %get3A_6, %add3A_2568 : vector<8x1024xf32>
    %slice3A_2570 = vector.extract_strided_slice %dot_general3A_2554 {offsets = [8, 0], sizes = [8, 1024], strides = [1, 1]} : vector<576x1024xf32> to vector<8x1024xf32>
    %add3A_2571 = arith.addf %add3A_2569, %slice3A_2570 : vector<8x1024xf32>
    %lt3A_2572 = arith.cmpf olt, %add3A_2571, %min3A_2562 : vector<8x1024xf32>
    %min3A_2573 = arith.minimumf %min3A_2562, %add3A_2571 : vector<8x1024xf32>
    %jit3A_2574 = arith.constant 1 : i32
    %broadcast_in_dim3A_2575 = vector.broadcast %jit3A_2574 : i32 to vector<8x1024xi32>
    %select_n3A_2576 = arith.select %lt3A_2572, %broadcast_in_dim3A_2575, %select_n3A_2565 : vector<8x1024xi1>, vector<8x1024xi32>
    %slice3A_2577 = vector.extract_strided_slice %reduce_sum3A_2548 {offsets = [16], sizes = [8], strides = [1]} : vector<576xf32> to vector<8xf32>
    %broadcast_in_dim3A_2578 = vector.shape_cast %slice3A_2577 : vector<8xf32> to vector<8x1xf32>
    %add3A_2579 = vector.broadcast %broadcast_in_dim3A_2578 : vector<8x1xf32> to vector<8x1024xf32>
    %add3A_2580 = arith.addf %get3A_6, %add3A_2579 : vector<8x1024xf32>
    %slice3A_2581 = vector.extract_strided_slice %dot_general3A_2554 {offsets = [16, 0], sizes = [8, 1024], strides = [1, 1]} : vector<576x1024xf32> to vector<8x1024xf32>
    %add3A_2582 = arith.addf %add3A_2580, %slice3A_2581 : vector<8x1024xf32>
    %lt3A_2583 = arith.cmpf olt, %add3A_2582, %min3A_2573 : vector<8x1024xf32>
    %min3A_2584 = arith.minimumf %min3A_2573, %add3A_2582 : vector<8x1024xf32>
    %jit3A_2585 = arith.constant 2 : i32
    %broadcast_in_dim3A_2586 = vector.broadcast %jit3A_2585 : i32 to vector<8x1024xi32>
    %select_n3A_2587 = arith.select %lt3A_2583, %broadcast_in_dim3A_2586, %select_n3A_2576 : vector<8x1024xi1>, vector<8x1024xi32>
    %slice3A_2588 = vector.extract_strided_slice %reduce_sum3A_2548 {offsets = [24], sizes = [8], strides = [1]} : vector<576xf32> to vector<8xf32>
    %broadcast_in_dim3A_2589 = vector.shape_cast %slice3A_2588 : vector<8xf32> to vector<8x1xf32>
    %add3A_2590 = vector.broadcast %broadcast_in_dim3A_2589 : vector<8x1xf32> to vector<8x1024xf32>
    %add3A_2591 = arith.addf %get3A_6, %add3A_2590 : vector<8x1024xf32>
    %slice3A_2592 = vector.extract_strided_slice %dot_general3A_2554 {offsets = [24, 0], sizes = [8, 1024], strides = [1, 1]} : vector<576x1024xf32> to vector<8x1024xf32>
    %add3A_2593 = arith.addf %add3A_2591, %slice3A_2592 : vector<8x1024xf32>
    %lt3A_2594 = arith.cmpf olt, %add3A_2593, %min3A_2584 : vector<8x1024xf32>
    %min3A_2595 = arith.minimumf %min3A_2584, %add3A_2593 : vector<8x1024xf32>
    %jit3A_2596 = arith.constant 3 : i32
    %broadcast_in_dim3A_2597 = vector.broadcast %jit3A_2596 : i32 to vector<8x1024xi32>
    %select_n3A_2598 = arith.select %lt3A_2594, %broadcast_in_dim3A_2597, %select_n3A_2587 : vector<8x1024xi1>, vector<8x1024xi32>
    %slice3A_2599 = vector.extract_strided_slice %reduce_sum3A_2548 {offsets = [32], sizes = [8], strides = [1]} : vector<576xf32> to vector<8xf32>
    %broadcast_in_dim3A_2600 = vector.shape_cast %slice3A_2599 : vector<8xf32> to vector<8x1xf32>
    %add3A_2601 = vector.broadcast %broadcast_in_dim3A_2600 : vector<8x1xf32> to vector<8x1024xf32>
    %add3A_2602 = arith.addf %get3A_6, %add3A_2601 : vector<8x1024xf32>
    %slice3A_2603 = vector.extract_strided_slice %dot_general3A_2554 {offsets = [32, 0], sizes = [8, 1024], strides = [1, 1]} : vector<576x1024xf32> to vector<8x1024xf32>
    %add3A_2604 = arith.addf %add3A_2602, %slice3A_2603 : vector<8x1024xf32>
    %lt3A_2605 = arith.cmpf olt, %add3A_2604, %min3A_2595 : vector<8x1024xf32>
    %min3A_2606 = arith.minimumf %min3A_2595, %add3A_2604 : vector<8x1024xf32>
    %jit3A_2607 = arith.constant 4 : i32
    %broadcast_in_dim3A_2608 = vector.broadcast %jit3A_2607 : i32 to vector<8x1024xi32>
    %select_n3A_2609 = arith.select %lt3A_2605, %broadcast_in_dim3A_2608, %select_n3A_2598 : vector<8x1024xi1>, vector<8x1024xi32>
    %slice3A_2610 = vector.extract_strided_slice %reduce_sum3A_2548 {offsets = [40], sizes = [8], strides = [1]} : vector<576xf32> to vector<8xf32>
    %broadcast_in_dim3A_2611 = vector.shape_cast %slice3A_2610 : vector<8xf32> to vector<8x1xf32>
    %add3A_2612 = vector.broadcast %broadcast_in_dim3A_2611 : vector<8x1xf32> to vector<8x1024xf32>
    %add3A_2613 = arith.addf %get3A_6, %add3A_2612 : vector<8x1024xf32>
    %slice3A_2614 = vector.extract_strided_slice %dot_general3A_2554 {offsets = [40, 0], sizes = [8, 1024], strides = [1, 1]} : vector<576x1024xf32> to vector<8x1024xf32>
    %add3A_2615 = arith.addf %add3A_2613, %slice3A_2614 : vector<8x1024xf32>
    %lt3A_2616 = arith.cmpf olt, %add3A_2615, %min3A_2606 : vector<8x1024xf32>
    %min3A_2617 = arith.minimumf %min3A_2606, %add3A_2615 : vector<8x1024xf32>
    %jit3A_2618 = arith.constant 5 : i32
    %broadcast_in_dim3A_2619 = vector.broadcast %jit3A_2618 : i32 to vector<8x1024xi32>
    %select_n3A_2620 = arith.select %lt3A_2616, %broadcast_in_dim3A_2619, %select_n3A_2609 : vector<8x1024xi1>, vector<8x1024xi32>
    %slice3A_2621 = vector.extract_strided_slice %reduce_sum3A_2548 {offsets = [48], sizes = [8], strides = [1]} : vector<576xf32> to vector<8xf32>
    %broadcast_in_dim3A_2622 = vector.shape_cast %slice3A_2621 : vector<8xf32> to vector<8x1xf32>
    %add3A_2623 = vector.broadcast %broadcast_in_dim3A_2622 : vector<8x1xf32> to vector<8x1024xf32>
    %add3A_2624 = arith.addf %get3A_6, %add3A_2623 : vector<8x1024xf32>
    %slice3A_2625 = vector.extract_strided_slice %dot_general3A_2554 {offsets = [48, 0], sizes = [8, 1024], strides = [1, 1]} : vector<576x1024xf32> to vector<8x1024xf32>
    %add3A_2626 = arith.addf %add3A_2624, %slice3A_2625 : vector<8x1024xf32>
    %lt3A_2627 = arith.cmpf olt, %add3A_2626, %min3A_2617 : vector<8x1024xf32>
    %min3A_2628 = arith.minimumf %min3A_2617, %add3A_2626 : vector<8x1024xf32>
    %jit3A_2629 = arith.constant 6 : i32
    %broadcast_in_dim3A_2630 = vector.broadcast %jit3A_2629 : i32 to vector<8x1024xi32>
    %select_n3A_2631 = arith.select %lt3A_2627, %broadcast_in_dim3A_2630, %select_n3A_2620 : vector<8x1024xi1>, vector<8x1024xi32>
    %slice3A_2632 = vector.extract_strided_slice %reduce_sum3A_2548 {offsets = [56], sizes = [8], strides = [1]} : vector<576xf32> to vector<8xf32>
    %broadcast_in_dim3A_2633 = vector.shape_cast %slice3A_2632 : vector<8xf32> to vector<8x1xf32>
    %add3A_2634 = vector.broadcast %broadcast_in_dim3A_2633 : vector<8x1xf32> to vector<8x1024xf32>
    %add3A_2635 = arith.addf %get3A_6, %add3A_2634 : vector<8x1024xf32>
    %slice3A_2636 = vector.extract_strided_slice %dot_general3A_2554 {offsets = [56, 0], sizes = [8, 1024], strides = [1, 1]} : vector<576x1024xf32> to vector<8x1024xf32>
    %add3A_2637 = arith.addf %add3A_2635, %slice3A_2636 : vector<8x1024xf32>
    %lt3A_2638 = arith.cmpf olt, %add3A_2637, %min3A_2628 : vector<8x1024xf32>
    %min3A_2639 = arith.minimumf %min3A_2628, %add3A_2637 : vector<8x1024xf32>
    %jit3A_2640 = arith.constant 7 : i32
    %broadcast_in_dim3A_2641 = vector.broadcast %jit3A_2640 : i32 to vector<8x1024xi32>
    %select_n3A_2642 = arith.select %lt3A_2638, %broadcast_in_dim3A_2641, %select_n3A_2631 : vector<8x1024xi1>, vector<8x1024xi32>
    %slice3A_2643 = vector.extract_strided_slice %reduce_sum3A_2548 {offsets = [64], sizes = [8], strides = [1]} : vector<576xf32> to vector<8xf32>
    %broadcast_in_dim3A_2644 = vector.shape_cast %slice3A_2643 : vector<8xf32> to vector<8x1xf32>
    %add3A_2645 = vector.broadcast %broadcast_in_dim3A_2644 : vector<8x1xf32> to vector<8x1024xf32>
    %add3A_2646 = arith.addf %get3A_6, %add3A_2645 : vector<8x1024xf32>
    %slice3A_2647 = vector.extract_strided_slice %dot_general3A_2554 {offsets = [64, 0], sizes = [8, 1024], strides = [1, 1]} : vector<576x1024xf32> to vector<8x1024xf32>
    %add3A_2648 = arith.addf %add3A_2646, %slice3A_2647 : vector<8x1024xf32>
    %lt3A_2649 = arith.cmpf olt, %add3A_2648, %min3A_2639 : vector<8x1024xf32>
    %min3A_2650 = arith.minimumf %min3A_2639, %add3A_2648 : vector<8x1024xf32>
    %jit3A_2651 = arith.constant 8 : i32
    %broadcast_in_dim3A_2652 = vector.broadcast %jit3A_2651 : i32 to vector<8x1024xi32>
    %select_n3A_2653 = arith.select %lt3A_2649, %broadcast_in_dim3A_2652, %select_n3A_2642 : vector<8x1024xi1>, vector<8x1024xi32>
    %slice3A_2654 = vector.extract_strided_slice %reduce_sum3A_2548 {offsets = [72], sizes = [8], strides = [1]} : vector<576xf32> to vector<8xf32>
    %broadcast_in_dim3A_2655 = vector.shape_cast %slice3A_2654 : vector<8xf32> to vector<8x1xf32>
    %add3A_2656 = vector.broadcast %broadcast_in_dim3A_2655 : vector<8x1xf32> to vector<8x1024xf32>
    %add3A_2657 = arith.addf %get3A_6, %add3A_2656 : vector<8x1024xf32>
    %slice3A_2658 = vector.extract_strided_slice %dot_general3A_2554 {offsets = [72, 0], sizes = [8, 1024], strides = [1, 1]} : vector<576x1024xf32> to vector<8x1024xf32>
    %add3A_2659 = arith.addf %add3A_2657, %slice3A_2658 : vector<8x1024xf32>
    %lt3A_2660 = arith.cmpf olt, %add3A_2659, %min3A_2650 : vector<8x1024xf32>
    %min3A_2661 = arith.minimumf %min3A_2650, %add3A_2659 : vector<8x1024xf32>
    %jit3A_2662 = arith.constant 9 : i32
    %broadcast_in_dim3A_2663 = vector.broadcast %jit3A_2662 : i32 to vector<8x1024xi32>
    %select_n3A_2664 = arith.select %lt3A_2660, %broadcast_in_dim3A_2663, %select_n3A_2653 : vector<8x1024xi1>, vector<8x1024xi32>
    %slice3A_2665 = vector.extract_strided_slice %reduce_sum3A_2548 {offsets = [80], sizes = [8], strides = [1]} : vector<576xf32> to vector<8xf32>
    %broadcast_in_dim3A_2666 = vector.shape_cast %slice3A_2665 : vector<8xf32> to vector<8x1xf32>
    %add3A_2667 = vector.broadcast %broadcast_in_dim3A_2666 : vector<8x1xf32> to vector<8x1024xf32>
    %add3A_2668 = arith.addf %get3A_6, %add3A_2667 : vector<8x1024xf32>
    %slice3A_2669 = vector.extract_strided_slice %dot_general3A_2554 {offsets = [80, 0], sizes = [8, 1024], strides = [1, 1]} : vector<576x1024xf32> to vector<8x1024xf32>
    %add3A_2670 = arith.addf %add3A_2668, %slice3A_2669 : vector<8x1024xf32>
    %lt3A_2671 = arith.cmpf olt, %add3A_2670, %min3A_2661 : vector<8x1024xf32>
    %min3A_2672 = arith.minimumf %min3A_2661, %add3A_2670 : vector<8x1024xf32>
    %jit3A_2673 = arith.constant 10 : i32
    %broadcast_in_dim3A_2674 = vector.broadcast %jit3A_2673 : i32 to vector<8x1024xi32>
    %select_n3A_2675 = arith.select %lt3A_2671, %broadcast_in_dim3A_2674, %select_n3A_2664 : vector<8x1024xi1>, vector<8x1024xi32>
    %slice3A_2676 = vector.extract_strided_slice %reduce_sum3A_2548 {offsets = [88], sizes = [8], strides = [1]} : vector<576xf32> to vector<8xf32>
    %broadcast_in_dim3A_2677 = vector.shape_cast %slice3A_2676 : vector<8xf32> to vector<8x1xf32>
    %add3A_2678 = vector.broadcast %broadcast_in_dim3A_2677 : vector<8x1xf32> to vector<8x1024xf32>
    %add3A_2679 = arith.addf %get3A_6, %add3A_2678 : vector<8x1024xf32>
    %slice3A_2680 = vector.extract_strided_slice %dot_general3A_2554 {offsets = [88, 0], sizes = [8, 1024], strides = [1, 1]} : vector<576x1024xf32> to vector<8x1024xf32>
    %add3A_2681 = arith.addf %add3A_2679, %slice3A_2680 : vector<8x1024xf32>
    %lt3A_2682 = arith.cmpf olt, %add3A_2681, %min3A_2672 : vector<8x1024xf32>
    %min3A_2683 = arith.minimumf %min3A_2672, %add3A_2681 : vector<8x1024xf32>
    %jit3A_2684 = arith.constant 11 : i32
    %broadcast_in_dim3A_2685 = vector.broadcast %jit3A_2684 : i32 to vector<8x1024xi32>
    %select_n3A_2686 = arith.select %lt3A_2682, %broadcast_in_dim3A_2685, %select_n3A_2675 : vector<8x1024xi1>, vector<8x1024xi32>
    %slice3A_2687 = vector.extract_strided_slice %reduce_sum3A_2548 {offsets = [96], sizes = [8], strides = [1]} : vector<576xf32> to vector<8xf32>
    %broadcast_in_dim3A_2688 = vector.shape_cast %slice3A_2687 : vector<8xf32> to vector<8x1xf32>
    %add3A_2689 = vector.broadcast %broadcast_in_dim3A_2688 : vector<8x1xf32> to vector<8x1024xf32>
    %add3A_2690 = arith.addf %get3A_6, %add3A_2689 : vector<8x1024xf32>
    %slice3A_2691 = vector.extract_strided_slice %dot_general3A_2554 {offsets = [96, 0], sizes = [8, 1024], strides = [1, 1]} : vector<576x1024xf32> to vector<8x1024xf32>
    %add3A_2692 = arith.addf %add3A_2690, %slice3A_2691 : vector<8x1024xf32>
    %lt3A_2693 = arith.cmpf olt, %add3A_2692, %min3A_2683 : vector<8x1024xf32>
    %min3A_2694 = arith.minimumf %min3A_2683, %add3A_2692 : vector<8x1024xf32>
    %jit3A_2695 = arith.constant 12 : i32
    %broadcast_in_dim3A_2696 = vector.broadcast %jit3A_2695 : i32 to vector<8x1024xi32>
    %select_n3A_2697 = arith.select %lt3A_2693, %broadcast_in_dim3A_2696, %select_n3A_2686 : vector<8x1024xi1>, vector<8x1024xi32>
    %slice3A_2698 = vector.extract_strided_slice %reduce_sum3A_2548 {offsets = [104], sizes = [8], strides = [1]} : vector<576xf32> to vector<8xf32>
    %broadcast_in_dim3A_2699 = vector.shape_cast %slice3A_2698 : vector<8xf32> to vector<8x1xf32>
    %add3A_2700 = vector.broadcast %broadcast_in_dim3A_2699 : vector<8x1xf32> to vector<8x1024xf32>
    %add3A_2701 = arith.addf %get3A_6, %add3A_2700 : vector<8x1024xf32>
    %slice3A_2702 = vector.extract_strided_slice %dot_general3A_2554 {offsets = [104, 0], sizes = [8, 1024], strides = [1, 1]} : vector<576x1024xf32> to vector<8x1024xf32>
    %add3A_2703 = arith.addf %add3A_2701, %slice3A_2702 : vector<8x1024xf32>
    %lt3A_2704 = arith.cmpf olt, %add3A_2703, %min3A_2694 : vector<8x1024xf32>
    %min3A_2705 = arith.minimumf %min3A_2694, %add3A_2703 : vector<8x1024xf32>
    %jit3A_2706 = arith.constant 13 : i32
    %broadcast_in_dim3A_2707 = vector.broadcast %jit3A_2706 : i32 to vector<8x1024xi32>
    %select_n3A_2708 = arith.select %lt3A_2704, %broadcast_in_dim3A_2707, %select_n3A_2697 : vector<8x1024xi1>, vector<8x1024xi32>
    %slice3A_2709 = vector.extract_strided_slice %reduce_sum3A_2548 {offsets = [112], sizes = [8], strides = [1]} : vector<576xf32> to vector<8xf32>
    %broadcast_in_dim3A_2710 = vector.shape_cast %slice3A_2709 : vector<8xf32> to vector<8x1xf32>
    %add3A_2711 = vector.broadcast %broadcast_in_dim3A_2710 : vector<8x1xf32> to vector<8x1024xf32>
    %add3A_2712 = arith.addf %get3A_6, %add3A_2711 : vector<8x1024xf32>
    %slice3A_2713 = vector.extract_strided_slice %dot_general3A_2554 {offsets = [112, 0], sizes = [8, 1024], strides = [1, 1]} : vector<576x1024xf32> to vector<8x1024xf32>
    %add3A_2714 = arith.addf %add3A_2712, %slice3A_2713 : vector<8x1024xf32>
    %lt3A_2715 = arith.cmpf olt, %add3A_2714, %min3A_2705 : vector<8x1024xf32>
    %min3A_2716 = arith.minimumf %min3A_2705, %add3A_2714 : vector<8x1024xf32>
    %jit3A_2717 = arith.constant 14 : i32
    %broadcast_in_dim3A_2718 = vector.broadcast %jit3A_2717 : i32 to vector<8x1024xi32>
    %select_n3A_2719 = arith.select %lt3A_2715, %broadcast_in_dim3A_2718, %select_n3A_2708 : vector<8x1024xi1>, vector<8x1024xi32>
    %slice3A_2720 = vector.extract_strided_slice %reduce_sum3A_2548 {offsets = [120], sizes = [8], strides = [1]} : vector<576xf32> to vector<8xf32>
    %broadcast_in_dim3A_2721 = vector.shape_cast %slice3A_2720 : vector<8xf32> to vector<8x1xf32>
    %add3A_2722 = vector.broadcast %broadcast_in_dim3A_2721 : vector<8x1xf32> to vector<8x1024xf32>
    %add3A_2723 = arith.addf %get3A_6, %add3A_2722 : vector<8x1024xf32>
    %slice3A_2724 = vector.extract_strided_slice %dot_general3A_2554 {offsets = [120, 0], sizes = [8, 1024], strides = [1, 1]} : vector<576x1024xf32> to vector<8x1024xf32>
    %add3A_2725 = arith.addf %add3A_2723, %slice3A_2724 : vector<8x1024xf32>
    %lt3A_2726 = arith.cmpf olt, %add3A_2725, %min3A_2716 : vector<8x1024xf32>
    %min3A_2727 = arith.minimumf %min3A_2716, %add3A_2725 : vector<8x1024xf32>
    %jit3A_2728 = arith.constant 15 : i32
    %broadcast_in_dim3A_2729 = vector.broadcast %jit3A_2728 : i32 to vector<8x1024xi32>
    %select_n3A_2730 = arith.select %lt3A_2726, %broadcast_in_dim3A_2729, %select_n3A_2719 : vector<8x1024xi1>, vector<8x1024xi32>
    %slice3A_2731 = vector.extract_strided_slice %reduce_sum3A_2548 {offsets = [128], sizes = [8], strides = [1]} : vector<576xf32> to vector<8xf32>
    %broadcast_in_dim3A_2732 = vector.shape_cast %slice3A_2731 : vector<8xf32> to vector<8x1xf32>
    %add3A_2733 = vector.broadcast %broadcast_in_dim3A_2732 : vector<8x1xf32> to vector<8x1024xf32>
    %add3A_2734 = arith.addf %get3A_6, %add3A_2733 : vector<8x1024xf32>
    %slice3A_2735 = vector.extract_strided_slice %dot_general3A_2554 {offsets = [128, 0], sizes = [8, 1024], strides = [1, 1]} : vector<576x1024xf32> to vector<8x1024xf32>
    %add3A_2736 = arith.addf %add3A_2734, %slice3A_2735 : vector<8x1024xf32>
    %lt3A_2737 = arith.cmpf olt, %add3A_2736, %min3A_2727 : vector<8x1024xf32>
    %min3A_2738 = arith.minimumf %min3A_2727, %add3A_2736 : vector<8x1024xf32>
    %jit3A_2739 = arith.constant 16 : i32
    %broadcast_in_dim3A_2740 = vector.broadcast %jit3A_2739 : i32 to vector<8x1024xi32>
    %select_n3A_2741 = arith.select %lt3A_2737, %broadcast_in_dim3A_2740, %select_n3A_2730 : vector<8x1024xi1>, vector<8x1024xi32>
    %slice3A_2742 = vector.extract_strided_slice %reduce_sum3A_2548 {offsets = [136], sizes = [8], strides = [1]} : vector<576xf32> to vector<8xf32>
    %broadcast_in_dim3A_2743 = vector.shape_cast %slice3A_2742 : vector<8xf32> to vector<8x1xf32>
    %add3A_2744 = vector.broadcast %broadcast_in_dim3A_2743 : vector<8x1xf32> to vector<8x1024xf32>
    %add3A_2745 = arith.addf %get3A_6, %add3A_2744 : vector<8x1024xf32>
    %slice3A_2746 = vector.extract_strided_slice %dot_general3A_2554 {offsets = [136, 0], sizes = [8, 1024], strides = [1, 1]} : vector<576x1024xf32> to vector<8x1024xf32>
    %add3A_2747 = arith.addf %add3A_2745, %slice3A_2746 : vector<8x1024xf32>
    %lt3A_2748 = arith.cmpf olt, %add3A_2747, %min3A_2738 : vector<8x1024xf32>
    %min3A_2749 = arith.minimumf %min3A_2738, %add3A_2747 : vector<8x1024xf32>
    %jit3A_2750 = arith.constant 17 : i32
    %broadcast_in_dim3A_2751 = vector.broadcast %jit3A_2750 : i32 to vector<8x1024xi32>
    %select_n3A_2752 = arith.select %lt3A_2748, %broadcast_in_dim3A_2751, %select_n3A_2741 : vector<8x1024xi1>, vector<8x1024xi32>
    %slice3A_2753 = vector.extract_strided_slice %reduce_sum3A_2548 {offsets = [144], sizes = [8], strides = [1]} : vector<576xf32> to vector<8xf32>
    %broadcast_in_dim3A_2754 = vector.shape_cast %slice3A_2753 : vector<8xf32> to vector<8x1xf32>
    %add3A_2755 = vector.broadcast %broadcast_in_dim3A_2754 : vector<8x1xf32> to vector<8x1024xf32>
    %add3A_2756 = arith.addf %get3A_6, %add3A_2755 : vector<8x1024xf32>
    %slice3A_2757 = vector.extract_strided_slice %dot_general3A_2554 {offsets = [144, 0], sizes = [8, 1024], strides = [1, 1]} : vector<576x1024xf32> to vector<8x1024xf32>
    %add3A_2758 = arith.addf %add3A_2756, %slice3A_2757 : vector<8x1024xf32>
    %lt3A_2759 = arith.cmpf olt, %add3A_2758, %min3A_2749 : vector<8x1024xf32>
    %min3A_2760 = arith.minimumf %min3A_2749, %add3A_2758 : vector<8x1024xf32>
    %jit3A_2761 = arith.constant 18 : i32
    %broadcast_in_dim3A_2762 = vector.broadcast %jit3A_2761 : i32 to vector<8x1024xi32>
    %select_n3A_2763 = arith.select %lt3A_2759, %broadcast_in_dim3A_2762, %select_n3A_2752 : vector<8x1024xi1>, vector<8x1024xi32>
    %slice3A_2764 = vector.extract_strided_slice %reduce_sum3A_2548 {offsets = [152], sizes = [8], strides = [1]} : vector<576xf32> to vector<8xf32>
    %broadcast_in_dim3A_2765 = vector.shape_cast %slice3A_2764 : vector<8xf32> to vector<8x1xf32>
    %add3A_2766 = vector.broadcast %broadcast_in_dim3A_2765 : vector<8x1xf32> to vector<8x1024xf32>
    %add3A_2767 = arith.addf %get3A_6, %add3A_2766 : vector<8x1024xf32>
    %slice3A_2768 = vector.extract_strided_slice %dot_general3A_2554 {offsets = [152, 0], sizes = [8, 1024], strides = [1, 1]} : vector<576x1024xf32> to vector<8x1024xf32>
    %add3A_2769 = arith.addf %add3A_2767, %slice3A_2768 : vector<8x1024xf32>
    %lt3A_2770 = arith.cmpf olt, %add3A_2769, %min3A_2760 : vector<8x1024xf32>
    %min3A_2771 = arith.minimumf %min3A_2760, %add3A_2769 : vector<8x1024xf32>
    %jit3A_2772 = arith.constant 19 : i32
    %broadcast_in_dim3A_2773 = vector.broadcast %jit3A_2772 : i32 to vector<8x1024xi32>
    %select_n3A_2774 = arith.select %lt3A_2770, %broadcast_in_dim3A_2773, %select_n3A_2763 : vector<8x1024xi1>, vector<8x1024xi32>
    %slice3A_2775 = vector.extract_strided_slice %reduce_sum3A_2548 {offsets = [160], sizes = [8], strides = [1]} : vector<576xf32> to vector<8xf32>
    %broadcast_in_dim3A_2776 = vector.shape_cast %slice3A_2775 : vector<8xf32> to vector<8x1xf32>
    %add3A_2777 = vector.broadcast %broadcast_in_dim3A_2776 : vector<8x1xf32> to vector<8x1024xf32>
    %add3A_2778 = arith.addf %get3A_6, %add3A_2777 : vector<8x1024xf32>
    %slice3A_2779 = vector.extract_strided_slice %dot_general3A_2554 {offsets = [160, 0], sizes = [8, 1024], strides = [1, 1]} : vector<576x1024xf32> to vector<8x1024xf32>
    %add3A_2780 = arith.addf %add3A_2778, %slice3A_2779 : vector<8x1024xf32>
    %lt3A_2781 = arith.cmpf olt, %add3A_2780, %min3A_2771 : vector<8x1024xf32>
    %min3A_2782 = arith.minimumf %min3A_2771, %add3A_2780 : vector<8x1024xf32>
    %jit3A_2783 = arith.constant 20 : i32
    %broadcast_in_dim3A_2784 = vector.broadcast %jit3A_2783 : i32 to vector<8x1024xi32>
    %select_n3A_2785 = arith.select %lt3A_2781, %broadcast_in_dim3A_2784, %select_n3A_2774 : vector<8x1024xi1>, vector<8x1024xi32>
    %slice3A_2786 = vector.extract_strided_slice %reduce_sum3A_2548 {offsets = [168], sizes = [8], strides = [1]} : vector<576xf32> to vector<8xf32>
    %broadcast_in_dim3A_2787 = vector.shape_cast %slice3A_2786 : vector<8xf32> to vector<8x1xf32>
    %add3A_2788 = vector.broadcast %broadcast_in_dim3A_2787 : vector<8x1xf32> to vector<8x1024xf32>
    %add3A_2789 = arith.addf %get3A_6, %add3A_2788 : vector<8x1024xf32>
    %slice3A_2790 = vector.extract_strided_slice %dot_general3A_2554 {offsets = [168, 0], sizes = [8, 1024], strides = [1, 1]} : vector<576x1024xf32> to vector<8x1024xf32>
    %add3A_2791 = arith.addf %add3A_2789, %slice3A_2790 : vector<8x1024xf32>
    %lt3A_2792 = arith.cmpf olt, %add3A_2791, %min3A_2782 : vector<8x1024xf32>
    %min3A_2793 = arith.minimumf %min3A_2782, %add3A_2791 : vector<8x1024xf32>
    %jit3A_2794 = arith.constant 21 : i32
    %broadcast_in_dim3A_2795 = vector.broadcast %jit3A_2794 : i32 to vector<8x1024xi32>
    %select_n3A_2796 = arith.select %lt3A_2792, %broadcast_in_dim3A_2795, %select_n3A_2785 : vector<8x1024xi1>, vector<8x1024xi32>
    %slice3A_2797 = vector.extract_strided_slice %reduce_sum3A_2548 {offsets = [176], sizes = [8], strides = [1]} : vector<576xf32> to vector<8xf32>
    %broadcast_in_dim3A_2798 = vector.shape_cast %slice3A_2797 : vector<8xf32> to vector<8x1xf32>
    %add3A_2799 = vector.broadcast %broadcast_in_dim3A_2798 : vector<8x1xf32> to vector<8x1024xf32>
    %add3A_2800 = arith.addf %get3A_6, %add3A_2799 : vector<8x1024xf32>
    %slice3A_2801 = vector.extract_strided_slice %dot_general3A_2554 {offsets = [176, 0], sizes = [8, 1024], strides = [1, 1]} : vector<576x1024xf32> to vector<8x1024xf32>
    %add3A_2802 = arith.addf %add3A_2800, %slice3A_2801 : vector<8x1024xf32>
    %lt3A_2803 = arith.cmpf olt, %add3A_2802, %min3A_2793 : vector<8x1024xf32>
    %min3A_2804 = arith.minimumf %min3A_2793, %add3A_2802 : vector<8x1024xf32>
    %jit3A_2805 = arith.constant 22 : i32
    %broadcast_in_dim3A_2806 = vector.broadcast %jit3A_2805 : i32 to vector<8x1024xi32>
    %select_n3A_2807 = arith.select %lt3A_2803, %broadcast_in_dim3A_2806, %select_n3A_2796 : vector<8x1024xi1>, vector<8x1024xi32>
    %slice3A_2808 = vector.extract_strided_slice %reduce_sum3A_2548 {offsets = [184], sizes = [8], strides = [1]} : vector<576xf32> to vector<8xf32>
    %broadcast_in_dim3A_2809 = vector.shape_cast %slice3A_2808 : vector<8xf32> to vector<8x1xf32>
    %add3A_2810 = vector.broadcast %broadcast_in_dim3A_2809 : vector<8x1xf32> to vector<8x1024xf32>
    %add3A_2811 = arith.addf %get3A_6, %add3A_2810 : vector<8x1024xf32>
    %slice3A_2812 = vector.extract_strided_slice %dot_general3A_2554 {offsets = [184, 0], sizes = [8, 1024], strides = [1, 1]} : vector<576x1024xf32> to vector<8x1024xf32>
    %add3A_2813 = arith.addf %add3A_2811, %slice3A_2812 : vector<8x1024xf32>
    %lt3A_2814 = arith.cmpf olt, %add3A_2813, %min3A_2804 : vector<8x1024xf32>
    %min3A_2815 = arith.minimumf %min3A_2804, %add3A_2813 : vector<8x1024xf32>
    %jit3A_2816 = arith.constant 23 : i32
    %broadcast_in_dim3A_2817 = vector.broadcast %jit3A_2816 : i32 to vector<8x1024xi32>
    %select_n3A_2818 = arith.select %lt3A_2814, %broadcast_in_dim3A_2817, %select_n3A_2807 : vector<8x1024xi1>, vector<8x1024xi32>
    %slice3A_2819 = vector.extract_strided_slice %reduce_sum3A_2548 {offsets = [192], sizes = [8], strides = [1]} : vector<576xf32> to vector<8xf32>
    %broadcast_in_dim3A_2820 = vector.shape_cast %slice3A_2819 : vector<8xf32> to vector<8x1xf32>
    %add3A_2821 = vector.broadcast %broadcast_in_dim3A_2820 : vector<8x1xf32> to vector<8x1024xf32>
    %add3A_2822 = arith.addf %get3A_6, %add3A_2821 : vector<8x1024xf32>
    %slice3A_2823 = vector.extract_strided_slice %dot_general3A_2554 {offsets = [192, 0], sizes = [8, 1024], strides = [1, 1]} : vector<576x1024xf32> to vector<8x1024xf32>
    %add3A_2824 = arith.addf %add3A_2822, %slice3A_2823 : vector<8x1024xf32>
    %lt3A_2825 = arith.cmpf olt, %add3A_2824, %min3A_2815 : vector<8x1024xf32>
    %min3A_2826 = arith.minimumf %min3A_2815, %add3A_2824 : vector<8x1024xf32>
    %jit3A_2827 = arith.constant 24 : i32
    %broadcast_in_dim3A_2828 = vector.broadcast %jit3A_2827 : i32 to vector<8x1024xi32>
    %select_n3A_2829 = arith.select %lt3A_2825, %broadcast_in_dim3A_2828, %select_n3A_2818 : vector<8x1024xi1>, vector<8x1024xi32>
    %slice3A_2830 = vector.extract_strided_slice %reduce_sum3A_2548 {offsets = [200], sizes = [8], strides = [1]} : vector<576xf32> to vector<8xf32>
    %broadcast_in_dim3A_2831 = vector.shape_cast %slice3A_2830 : vector<8xf32> to vector<8x1xf32>
    %add3A_2832 = vector.broadcast %broadcast_in_dim3A_2831 : vector<8x1xf32> to vector<8x1024xf32>
    %add3A_2833 = arith.addf %get3A_6, %add3A_2832 : vector<8x1024xf32>
    %slice3A_2834 = vector.extract_strided_slice %dot_general3A_2554 {offsets = [200, 0], sizes = [8, 1024], strides = [1, 1]} : vector<576x1024xf32> to vector<8x1024xf32>
    %add3A_2835 = arith.addf %add3A_2833, %slice3A_2834 : vector<8x1024xf32>
    %lt3A_2836 = arith.cmpf olt, %add3A_2835, %min3A_2826 : vector<8x1024xf32>
    %min3A_2837 = arith.minimumf %min3A_2826, %add3A_2835 : vector<8x1024xf32>
    %jit3A_2838 = arith.constant 25 : i32
    %broadcast_in_dim3A_2839 = vector.broadcast %jit3A_2838 : i32 to vector<8x1024xi32>
    %select_n3A_2840 = arith.select %lt3A_2836, %broadcast_in_dim3A_2839, %select_n3A_2829 : vector<8x1024xi1>, vector<8x1024xi32>
    %slice3A_2841 = vector.extract_strided_slice %reduce_sum3A_2548 {offsets = [208], sizes = [8], strides = [1]} : vector<576xf32> to vector<8xf32>
    %broadcast_in_dim3A_2842 = vector.shape_cast %slice3A_2841 : vector<8xf32> to vector<8x1xf32>
    %add3A_2843 = vector.broadcast %broadcast_in_dim3A_2842 : vector<8x1xf32> to vector<8x1024xf32>
    %add3A_2844 = arith.addf %get3A_6, %add3A_2843 : vector<8x1024xf32>
    %slice3A_2845 = vector.extract_strided_slice %dot_general3A_2554 {offsets = [208, 0], sizes = [8, 1024], strides = [1, 1]} : vector<576x1024xf32> to vector<8x1024xf32>
    %add3A_2846 = arith.addf %add3A_2844, %slice3A_2845 : vector<8x1024xf32>
    %lt3A_2847 = arith.cmpf olt, %add3A_2846, %min3A_2837 : vector<8x1024xf32>
    %min3A_2848 = arith.minimumf %min3A_2837, %add3A_2846 : vector<8x1024xf32>
    %jit3A_2849 = arith.constant 26 : i32
    %broadcast_in_dim3A_2850 = vector.broadcast %jit3A_2849 : i32 to vector<8x1024xi32>
    %select_n3A_2851 = arith.select %lt3A_2847, %broadcast_in_dim3A_2850, %select_n3A_2840 : vector<8x1024xi1>, vector<8x1024xi32>
    %slice3A_2852 = vector.extract_strided_slice %reduce_sum3A_2548 {offsets = [216], sizes = [8], strides = [1]} : vector<576xf32> to vector<8xf32>
    %broadcast_in_dim3A_2853 = vector.shape_cast %slice3A_2852 : vector<8xf32> to vector<8x1xf32>
    %add3A_2854 = vector.broadcast %broadcast_in_dim3A_2853 : vector<8x1xf32> to vector<8x1024xf32>
    %add3A_2855 = arith.addf %get3A_6, %add3A_2854 : vector<8x1024xf32>
    %slice3A_2856 = vector.extract_strided_slice %dot_general3A_2554 {offsets = [216, 0], sizes = [8, 1024], strides = [1, 1]} : vector<576x1024xf32> to vector<8x1024xf32>
    %add3A_2857 = arith.addf %add3A_2855, %slice3A_2856 : vector<8x1024xf32>
    %lt3A_2858 = arith.cmpf olt, %add3A_2857, %min3A_2848 : vector<8x1024xf32>
    %min3A_2859 = arith.minimumf %min3A_2848, %add3A_2857 : vector<8x1024xf32>
    %jit3A_2860 = arith.constant 27 : i32
    %broadcast_in_dim3A_2861 = vector.broadcast %jit3A_2860 : i32 to vector<8x1024xi32>
    %select_n3A_2862 = arith.select %lt3A_2858, %broadcast_in_dim3A_2861, %select_n3A_2851 : vector<8x1024xi1>, vector<8x1024xi32>
    %slice3A_2863 = vector.extract_strided_slice %reduce_sum3A_2548 {offsets = [224], sizes = [8], strides = [1]} : vector<576xf32> to vector<8xf32>
    %broadcast_in_dim3A_2864 = vector.shape_cast %slice3A_2863 : vector<8xf32> to vector<8x1xf32>
    %add3A_2865 = vector.broadcast %broadcast_in_dim3A_2864 : vector<8x1xf32> to vector<8x1024xf32>
    %add3A_2866 = arith.addf %get3A_6, %add3A_2865 : vector<8x1024xf32>
    %slice3A_2867 = vector.extract_strided_slice %dot_general3A_2554 {offsets = [224, 0], sizes = [8, 1024], strides = [1, 1]} : vector<576x1024xf32> to vector<8x1024xf32>
    %add3A_2868 = arith.addf %add3A_2866, %slice3A_2867 : vector<8x1024xf32>
    %lt3A_2869 = arith.cmpf olt, %add3A_2868, %min3A_2859 : vector<8x1024xf32>
    %min3A_2870 = arith.minimumf %min3A_2859, %add3A_2868 : vector<8x1024xf32>
    %jit3A_2871 = arith.constant 28 : i32
    %broadcast_in_dim3A_2872 = vector.broadcast %jit3A_2871 : i32 to vector<8x1024xi32>
    %select_n3A_2873 = arith.select %lt3A_2869, %broadcast_in_dim3A_2872, %select_n3A_2862 : vector<8x1024xi1>, vector<8x1024xi32>
    %slice3A_2874 = vector.extract_strided_slice %reduce_sum3A_2548 {offsets = [232], sizes = [8], strides = [1]} : vector<576xf32> to vector<8xf32>
    %broadcast_in_dim3A_2875 = vector.shape_cast %slice3A_2874 : vector<8xf32> to vector<8x1xf32>
    %add3A_2876 = vector.broadcast %broadcast_in_dim3A_2875 : vector<8x1xf32> to vector<8x1024xf32>
    %add3A_2877 = arith.addf %get3A_6, %add3A_2876 : vector<8x1024xf32>
    %slice3A_2878 = vector.extract_strided_slice %dot_general3A_2554 {offsets = [232, 0], sizes = [8, 1024], strides = [1, 1]} : vector<576x1024xf32> to vector<8x1024xf32>
    %add3A_2879 = arith.addf %add3A_2877, %slice3A_2878 : vector<8x1024xf32>
    %lt3A_2880 = arith.cmpf olt, %add3A_2879, %min3A_2870 : vector<8x1024xf32>
    %min3A_2881 = arith.minimumf %min3A_2870, %add3A_2879 : vector<8x1024xf32>
    %jit3A_2882 = arith.constant 29 : i32
    %broadcast_in_dim3A_2883 = vector.broadcast %jit3A_2882 : i32 to vector<8x1024xi32>
    %select_n3A_2884 = arith.select %lt3A_2880, %broadcast_in_dim3A_2883, %select_n3A_2873 : vector<8x1024xi1>, vector<8x1024xi32>
    %slice3A_2885 = vector.extract_strided_slice %reduce_sum3A_2548 {offsets = [240], sizes = [8], strides = [1]} : vector<576xf32> to vector<8xf32>
    %broadcast_in_dim3A_2886 = vector.shape_cast %slice3A_2885 : vector<8xf32> to vector<8x1xf32>
    %add3A_2887 = vector.broadcast %broadcast_in_dim3A_2886 : vector<8x1xf32> to vector<8x1024xf32>
    %add3A_2888 = arith.addf %get3A_6, %add3A_2887 : vector<8x1024xf32>
    %slice3A_2889 = vector.extract_strided_slice %dot_general3A_2554 {offsets = [240, 0], sizes = [8, 1024], strides = [1, 1]} : vector<576x1024xf32> to vector<8x1024xf32>
    %add3A_2890 = arith.addf %add3A_2888, %slice3A_2889 : vector<8x1024xf32>
    %lt3A_2891 = arith.cmpf olt, %add3A_2890, %min3A_2881 : vector<8x1024xf32>
    %min3A_2892 = arith.minimumf %min3A_2881, %add3A_2890 : vector<8x1024xf32>
    %jit3A_2893 = arith.constant 30 : i32
    %broadcast_in_dim3A_2894 = vector.broadcast %jit3A_2893 : i32 to vector<8x1024xi32>
    %select_n3A_2895 = arith.select %lt3A_2891, %broadcast_in_dim3A_2894, %select_n3A_2884 : vector<8x1024xi1>, vector<8x1024xi32>
    %slice3A_2896 = vector.extract_strided_slice %reduce_sum3A_2548 {offsets = [248], sizes = [8], strides = [1]} : vector<576xf32> to vector<8xf32>
    %broadcast_in_dim3A_2897 = vector.shape_cast %slice3A_2896 : vector<8xf32> to vector<8x1xf32>
    %add3A_2898 = vector.broadcast %broadcast_in_dim3A_2897 : vector<8x1xf32> to vector<8x1024xf32>
    %add3A_2899 = arith.addf %get3A_6, %add3A_2898 : vector<8x1024xf32>
    %slice3A_2900 = vector.extract_strided_slice %dot_general3A_2554 {offsets = [248, 0], sizes = [8, 1024], strides = [1, 1]} : vector<576x1024xf32> to vector<8x1024xf32>
    %add3A_2901 = arith.addf %add3A_2899, %slice3A_2900 : vector<8x1024xf32>
    %lt3A_2902 = arith.cmpf olt, %add3A_2901, %min3A_2892 : vector<8x1024xf32>
    %min3A_2903 = arith.minimumf %min3A_2892, %add3A_2901 : vector<8x1024xf32>
    %jit3A_2904 = arith.constant 31 : i32
    %broadcast_in_dim3A_2905 = vector.broadcast %jit3A_2904 : i32 to vector<8x1024xi32>
    %select_n3A_2906 = arith.select %lt3A_2902, %broadcast_in_dim3A_2905, %select_n3A_2895 : vector<8x1024xi1>, vector<8x1024xi32>
    %slice3A_2907 = vector.extract_strided_slice %reduce_sum3A_2548 {offsets = [256], sizes = [8], strides = [1]} : vector<576xf32> to vector<8xf32>
    %broadcast_in_dim3A_2908 = vector.shape_cast %slice3A_2907 : vector<8xf32> to vector<8x1xf32>
    %add3A_2909 = vector.broadcast %broadcast_in_dim3A_2908 : vector<8x1xf32> to vector<8x1024xf32>
    %add3A_2910 = arith.addf %get3A_6, %add3A_2909 : vector<8x1024xf32>
    %slice3A_2911 = vector.extract_strided_slice %dot_general3A_2554 {offsets = [256, 0], sizes = [8, 1024], strides = [1, 1]} : vector<576x1024xf32> to vector<8x1024xf32>
    %add3A_2912 = arith.addf %add3A_2910, %slice3A_2911 : vector<8x1024xf32>
    %lt3A_2913 = arith.cmpf olt, %add3A_2912, %min3A_2903 : vector<8x1024xf32>
    %min3A_2914 = arith.minimumf %min3A_2903, %add3A_2912 : vector<8x1024xf32>
    %jit3A_2915 = arith.constant 32 : i32
    %broadcast_in_dim3A_2916 = vector.broadcast %jit3A_2915 : i32 to vector<8x1024xi32>
    %select_n3A_2917 = arith.select %lt3A_2913, %broadcast_in_dim3A_2916, %select_n3A_2906 : vector<8x1024xi1>, vector<8x1024xi32>
    %slice3A_2918 = vector.extract_strided_slice %reduce_sum3A_2548 {offsets = [264], sizes = [8], strides = [1]} : vector<576xf32> to vector<8xf32>
    %broadcast_in_dim3A_2919 = vector.shape_cast %slice3A_2918 : vector<8xf32> to vector<8x1xf32>
    %add3A_2920 = vector.broadcast %broadcast_in_dim3A_2919 : vector<8x1xf32> to vector<8x1024xf32>
    %add3A_2921 = arith.addf %get3A_6, %add3A_2920 : vector<8x1024xf32>
    %slice3A_2922 = vector.extract_strided_slice %dot_general3A_2554 {offsets = [264, 0], sizes = [8, 1024], strides = [1, 1]} : vector<576x1024xf32> to vector<8x1024xf32>
    %add3A_2923 = arith.addf %add3A_2921, %slice3A_2922 : vector<8x1024xf32>
    %lt3A_2924 = arith.cmpf olt, %add3A_2923, %min3A_2914 : vector<8x1024xf32>
    %min3A_2925 = arith.minimumf %min3A_2914, %add3A_2923 : vector<8x1024xf32>
    %jit3A_2926 = arith.constant 33 : i32
    %broadcast_in_dim3A_2927 = vector.broadcast %jit3A_2926 : i32 to vector<8x1024xi32>
    %select_n3A_2928 = arith.select %lt3A_2924, %broadcast_in_dim3A_2927, %select_n3A_2917 : vector<8x1024xi1>, vector<8x1024xi32>
    %slice3A_2929 = vector.extract_strided_slice %reduce_sum3A_2548 {offsets = [272], sizes = [8], strides = [1]} : vector<576xf32> to vector<8xf32>
    %broadcast_in_dim3A_2930 = vector.shape_cast %slice3A_2929 : vector<8xf32> to vector<8x1xf32>
    %add3A_2931 = vector.broadcast %broadcast_in_dim3A_2930 : vector<8x1xf32> to vector<8x1024xf32>
    %add3A_2932 = arith.addf %get3A_6, %add3A_2931 : vector<8x1024xf32>
    %slice3A_2933 = vector.extract_strided_slice %dot_general3A_2554 {offsets = [272, 0], sizes = [8, 1024], strides = [1, 1]} : vector<576x1024xf32> to vector<8x1024xf32>
    %add3A_2934 = arith.addf %add3A_2932, %slice3A_2933 : vector<8x1024xf32>
    %lt3A_2935 = arith.cmpf olt, %add3A_2934, %min3A_2925 : vector<8x1024xf32>
    %min3A_2936 = arith.minimumf %min3A_2925, %add3A_2934 : vector<8x1024xf32>
    %jit3A_2937 = arith.constant 34 : i32
    %broadcast_in_dim3A_2938 = vector.broadcast %jit3A_2937 : i32 to vector<8x1024xi32>
    %select_n3A_2939 = arith.select %lt3A_2935, %broadcast_in_dim3A_2938, %select_n3A_2928 : vector<8x1024xi1>, vector<8x1024xi32>
    %slice3A_2940 = vector.extract_strided_slice %reduce_sum3A_2548 {offsets = [280], sizes = [8], strides = [1]} : vector<576xf32> to vector<8xf32>
    %broadcast_in_dim3A_2941 = vector.shape_cast %slice3A_2940 : vector<8xf32> to vector<8x1xf32>
    %add3A_2942 = vector.broadcast %broadcast_in_dim3A_2941 : vector<8x1xf32> to vector<8x1024xf32>
    %add3A_2943 = arith.addf %get3A_6, %add3A_2942 : vector<8x1024xf32>
    %slice3A_2944 = vector.extract_strided_slice %dot_general3A_2554 {offsets = [280, 0], sizes = [8, 1024], strides = [1, 1]} : vector<576x1024xf32> to vector<8x1024xf32>
    %add3A_2945 = arith.addf %add3A_2943, %slice3A_2944 : vector<8x1024xf32>
    %lt3A_2946 = arith.cmpf olt, %add3A_2945, %min3A_2936 : vector<8x1024xf32>
    %min3A_2947 = arith.minimumf %min3A_2936, %add3A_2945 : vector<8x1024xf32>
    %jit3A_2948 = arith.constant 35 : i32
    %broadcast_in_dim3A_2949 = vector.broadcast %jit3A_2948 : i32 to vector<8x1024xi32>
    %select_n3A_2950 = arith.select %lt3A_2946, %broadcast_in_dim3A_2949, %select_n3A_2939 : vector<8x1024xi1>, vector<8x1024xi32>
    %slice3A_2951 = vector.extract_strided_slice %reduce_sum3A_2548 {offsets = [288], sizes = [8], strides = [1]} : vector<576xf32> to vector<8xf32>
    %broadcast_in_dim3A_2952 = vector.shape_cast %slice3A_2951 : vector<8xf32> to vector<8x1xf32>
    %add3A_2953 = vector.broadcast %broadcast_in_dim3A_2952 : vector<8x1xf32> to vector<8x1024xf32>
    %add3A_2954 = arith.addf %get3A_6, %add3A_2953 : vector<8x1024xf32>
    %slice3A_2955 = vector.extract_strided_slice %dot_general3A_2554 {offsets = [288, 0], sizes = [8, 1024], strides = [1, 1]} : vector<576x1024xf32> to vector<8x1024xf32>
    %add3A_2956 = arith.addf %add3A_2954, %slice3A_2955 : vector<8x1024xf32>
    %lt3A_2957 = arith.cmpf olt, %add3A_2956, %min3A_2947 : vector<8x1024xf32>
    %min3A_2958 = arith.minimumf %min3A_2947, %add3A_2956 : vector<8x1024xf32>
    %jit3A_2959 = arith.constant 36 : i32
    %broadcast_in_dim3A_2960 = vector.broadcast %jit3A_2959 : i32 to vector<8x1024xi32>
    %select_n3A_2961 = arith.select %lt3A_2957, %broadcast_in_dim3A_2960, %select_n3A_2950 : vector<8x1024xi1>, vector<8x1024xi32>
    %slice3A_2962 = vector.extract_strided_slice %reduce_sum3A_2548 {offsets = [296], sizes = [8], strides = [1]} : vector<576xf32> to vector<8xf32>
    %broadcast_in_dim3A_2963 = vector.shape_cast %slice3A_2962 : vector<8xf32> to vector<8x1xf32>
    %add3A_2964 = vector.broadcast %broadcast_in_dim3A_2963 : vector<8x1xf32> to vector<8x1024xf32>
    %add3A_2965 = arith.addf %get3A_6, %add3A_2964 : vector<8x1024xf32>
    %slice3A_2966 = vector.extract_strided_slice %dot_general3A_2554 {offsets = [296, 0], sizes = [8, 1024], strides = [1, 1]} : vector<576x1024xf32> to vector<8x1024xf32>
    %add3A_2967 = arith.addf %add3A_2965, %slice3A_2966 : vector<8x1024xf32>
    %lt3A_2968 = arith.cmpf olt, %add3A_2967, %min3A_2958 : vector<8x1024xf32>
    %min3A_2969 = arith.minimumf %min3A_2958, %add3A_2967 : vector<8x1024xf32>
    %jit3A_2970 = arith.constant 37 : i32
    %broadcast_in_dim3A_2971 = vector.broadcast %jit3A_2970 : i32 to vector<8x1024xi32>
    %select_n3A_2972 = arith.select %lt3A_2968, %broadcast_in_dim3A_2971, %select_n3A_2961 : vector<8x1024xi1>, vector<8x1024xi32>
    %slice3A_2973 = vector.extract_strided_slice %reduce_sum3A_2548 {offsets = [304], sizes = [8], strides = [1]} : vector<576xf32> to vector<8xf32>
    %broadcast_in_dim3A_2974 = vector.shape_cast %slice3A_2973 : vector<8xf32> to vector<8x1xf32>
    %add3A_2975 = vector.broadcast %broadcast_in_dim3A_2974 : vector<8x1xf32> to vector<8x1024xf32>
    %add3A_2976 = arith.addf %get3A_6, %add3A_2975 : vector<8x1024xf32>
    %slice3A_2977 = vector.extract_strided_slice %dot_general3A_2554 {offsets = [304, 0], sizes = [8, 1024], strides = [1, 1]} : vector<576x1024xf32> to vector<8x1024xf32>
    %add3A_2978 = arith.addf %add3A_2976, %slice3A_2977 : vector<8x1024xf32>
    %lt3A_2979 = arith.cmpf olt, %add3A_2978, %min3A_2969 : vector<8x1024xf32>
    %min3A_2980 = arith.minimumf %min3A_2969, %add3A_2978 : vector<8x1024xf32>
    %jit3A_2981 = arith.constant 38 : i32
    %broadcast_in_dim3A_2982 = vector.broadcast %jit3A_2981 : i32 to vector<8x1024xi32>
    %select_n3A_2983 = arith.select %lt3A_2979, %broadcast_in_dim3A_2982, %select_n3A_2972 : vector<8x1024xi1>, vector<8x1024xi32>
    %slice3A_2984 = vector.extract_strided_slice %reduce_sum3A_2548 {offsets = [312], sizes = [8], strides = [1]} : vector<576xf32> to vector<8xf32>
    %broadcast_in_dim3A_2985 = vector.shape_cast %slice3A_2984 : vector<8xf32> to vector<8x1xf32>
    %add3A_2986 = vector.broadcast %broadcast_in_dim3A_2985 : vector<8x1xf32> to vector<8x1024xf32>
    %add3A_2987 = arith.addf %get3A_6, %add3A_2986 : vector<8x1024xf32>
    %slice3A_2988 = vector.extract_strided_slice %dot_general3A_2554 {offsets = [312, 0], sizes = [8, 1024], strides = [1, 1]} : vector<576x1024xf32> to vector<8x1024xf32>
    %add3A_2989 = arith.addf %add3A_2987, %slice3A_2988 : vector<8x1024xf32>
    %lt3A_2990 = arith.cmpf olt, %add3A_2989, %min3A_2980 : vector<8x1024xf32>
    %min3A_2991 = arith.minimumf %min3A_2980, %add3A_2989 : vector<8x1024xf32>
    %jit3A_2992 = arith.constant 39 : i32
    %broadcast_in_dim3A_2993 = vector.broadcast %jit3A_2992 : i32 to vector<8x1024xi32>
    %select_n3A_2994 = arith.select %lt3A_2990, %broadcast_in_dim3A_2993, %select_n3A_2983 : vector<8x1024xi1>, vector<8x1024xi32>
    %slice3A_2995 = vector.extract_strided_slice %reduce_sum3A_2548 {offsets = [320], sizes = [8], strides = [1]} : vector<576xf32> to vector<8xf32>
    %broadcast_in_dim3A_2996 = vector.shape_cast %slice3A_2995 : vector<8xf32> to vector<8x1xf32>
    %add3A_2997 = vector.broadcast %broadcast_in_dim3A_2996 : vector<8x1xf32> to vector<8x1024xf32>
    %add3A_2998 = arith.addf %get3A_6, %add3A_2997 : vector<8x1024xf32>
    %slice3A_2999 = vector.extract_strided_slice %dot_general3A_2554 {offsets = [320, 0], sizes = [8, 1024], strides = [1, 1]} : vector<576x1024xf32> to vector<8x1024xf32>
    %add3A_3000 = arith.addf %add3A_2998, %slice3A_2999 : vector<8x1024xf32>
    %lt3A_3001 = arith.cmpf olt, %add3A_3000, %min3A_2991 : vector<8x1024xf32>
    %min3A_3002 = arith.minimumf %min3A_2991, %add3A_3000 : vector<8x1024xf32>
    %jit3A_3003 = arith.constant 40 : i32
    %broadcast_in_dim3A_3004 = vector.broadcast %jit3A_3003 : i32 to vector<8x1024xi32>
    %select_n3A_3005 = arith.select %lt3A_3001, %broadcast_in_dim3A_3004, %select_n3A_2994 : vector<8x1024xi1>, vector<8x1024xi32>
    %slice3A_3006 = vector.extract_strided_slice %reduce_sum3A_2548 {offsets = [328], sizes = [8], strides = [1]} : vector<576xf32> to vector<8xf32>
    %broadcast_in_dim3A_3007 = vector.shape_cast %slice3A_3006 : vector<8xf32> to vector<8x1xf32>
    %add3A_3008 = vector.broadcast %broadcast_in_dim3A_3007 : vector<8x1xf32> to vector<8x1024xf32>
    %add3A_3009 = arith.addf %get3A_6, %add3A_3008 : vector<8x1024xf32>
    %slice3A_3010 = vector.extract_strided_slice %dot_general3A_2554 {offsets = [328, 0], sizes = [8, 1024], strides = [1, 1]} : vector<576x1024xf32> to vector<8x1024xf32>
    %add3A_3011 = arith.addf %add3A_3009, %slice3A_3010 : vector<8x1024xf32>
    %lt3A_3012 = arith.cmpf olt, %add3A_3011, %min3A_3002 : vector<8x1024xf32>
    %min3A_3013 = arith.minimumf %min3A_3002, %add3A_3011 : vector<8x1024xf32>
    %jit3A_3014 = arith.constant 41 : i32
    %broadcast_in_dim3A_3015 = vector.broadcast %jit3A_3014 : i32 to vector<8x1024xi32>
    %select_n3A_3016 = arith.select %lt3A_3012, %broadcast_in_dim3A_3015, %select_n3A_3005 : vector<8x1024xi1>, vector<8x1024xi32>
    %slice3A_3017 = vector.extract_strided_slice %reduce_sum3A_2548 {offsets = [336], sizes = [8], strides = [1]} : vector<576xf32> to vector<8xf32>
    %broadcast_in_dim3A_3018 = vector.shape_cast %slice3A_3017 : vector<8xf32> to vector<8x1xf32>
    %add3A_3019 = vector.broadcast %broadcast_in_dim3A_3018 : vector<8x1xf32> to vector<8x1024xf32>
    %add3A_3020 = arith.addf %get3A_6, %add3A_3019 : vector<8x1024xf32>
    %slice3A_3021 = vector.extract_strided_slice %dot_general3A_2554 {offsets = [336, 0], sizes = [8, 1024], strides = [1, 1]} : vector<576x1024xf32> to vector<8x1024xf32>
    %add3A_3022 = arith.addf %add3A_3020, %slice3A_3021 : vector<8x1024xf32>
    %lt3A_3023 = arith.cmpf olt, %add3A_3022, %min3A_3013 : vector<8x1024xf32>
    %min3A_3024 = arith.minimumf %min3A_3013, %add3A_3022 : vector<8x1024xf32>
    %jit3A_3025 = arith.constant 42 : i32
    %broadcast_in_dim3A_3026 = vector.broadcast %jit3A_3025 : i32 to vector<8x1024xi32>
    %select_n3A_3027 = arith.select %lt3A_3023, %broadcast_in_dim3A_3026, %select_n3A_3016 : vector<8x1024xi1>, vector<8x1024xi32>
    %slice3A_3028 = vector.extract_strided_slice %reduce_sum3A_2548 {offsets = [344], sizes = [8], strides = [1]} : vector<576xf32> to vector<8xf32>
    %broadcast_in_dim3A_3029 = vector.shape_cast %slice3A_3028 : vector<8xf32> to vector<8x1xf32>
    %add3A_3030 = vector.broadcast %broadcast_in_dim3A_3029 : vector<8x1xf32> to vector<8x1024xf32>
    %add3A_3031 = arith.addf %get3A_6, %add3A_3030 : vector<8x1024xf32>
    %slice3A_3032 = vector.extract_strided_slice %dot_general3A_2554 {offsets = [344, 0], sizes = [8, 1024], strides = [1, 1]} : vector<576x1024xf32> to vector<8x1024xf32>
    %add3A_3033 = arith.addf %add3A_3031, %slice3A_3032 : vector<8x1024xf32>
    %lt3A_3034 = arith.cmpf olt, %add3A_3033, %min3A_3024 : vector<8x1024xf32>
    %min3A_3035 = arith.minimumf %min3A_3024, %add3A_3033 : vector<8x1024xf32>
    %jit3A_3036 = arith.constant 43 : i32
    %broadcast_in_dim3A_3037 = vector.broadcast %jit3A_3036 : i32 to vector<8x1024xi32>
    %select_n3A_3038 = arith.select %lt3A_3034, %broadcast_in_dim3A_3037, %select_n3A_3027 : vector<8x1024xi1>, vector<8x1024xi32>
    %slice3A_3039 = vector.extract_strided_slice %reduce_sum3A_2548 {offsets = [352], sizes = [8], strides = [1]} : vector<576xf32> to vector<8xf32>
    %broadcast_in_dim3A_3040 = vector.shape_cast %slice3A_3039 : vector<8xf32> to vector<8x1xf32>
    %add3A_3041 = vector.broadcast %broadcast_in_dim3A_3040 : vector<8x1xf32> to vector<8x1024xf32>
    %add3A_3042 = arith.addf %get3A_6, %add3A_3041 : vector<8x1024xf32>
    %slice3A_3043 = vector.extract_strided_slice %dot_general3A_2554 {offsets = [352, 0], sizes = [8, 1024], strides = [1, 1]} : vector<576x1024xf32> to vector<8x1024xf32>
    %add3A_3044 = arith.addf %add3A_3042, %slice3A_3043 : vector<8x1024xf32>
    %lt3A_3045 = arith.cmpf olt, %add3A_3044, %min3A_3035 : vector<8x1024xf32>
    %min3A_3046 = arith.minimumf %min3A_3035, %add3A_3044 : vector<8x1024xf32>
    %jit3A_3047 = arith.constant 44 : i32
    %broadcast_in_dim3A_3048 = vector.broadcast %jit3A_3047 : i32 to vector<8x1024xi32>
    %select_n3A_3049 = arith.select %lt3A_3045, %broadcast_in_dim3A_3048, %select_n3A_3038 : vector<8x1024xi1>, vector<8x1024xi32>
    %slice3A_3050 = vector.extract_strided_slice %reduce_sum3A_2548 {offsets = [360], sizes = [8], strides = [1]} : vector<576xf32> to vector<8xf32>
    %broadcast_in_dim3A_3051 = vector.shape_cast %slice3A_3050 : vector<8xf32> to vector<8x1xf32>
    %add3A_3052 = vector.broadcast %broadcast_in_dim3A_3051 : vector<8x1xf32> to vector<8x1024xf32>
    %add3A_3053 = arith.addf %get3A_6, %add3A_3052 : vector<8x1024xf32>
    %slice3A_3054 = vector.extract_strided_slice %dot_general3A_2554 {offsets = [360, 0], sizes = [8, 1024], strides = [1, 1]} : vector<576x1024xf32> to vector<8x1024xf32>
    %add3A_3055 = arith.addf %add3A_3053, %slice3A_3054 : vector<8x1024xf32>
    %lt3A_3056 = arith.cmpf olt, %add3A_3055, %min3A_3046 : vector<8x1024xf32>
    %min3A_3057 = arith.minimumf %min3A_3046, %add3A_3055 : vector<8x1024xf32>
    %jit3A_3058 = arith.constant 45 : i32
    %broadcast_in_dim3A_3059 = vector.broadcast %jit3A_3058 : i32 to vector<8x1024xi32>
    %select_n3A_3060 = arith.select %lt3A_3056, %broadcast_in_dim3A_3059, %select_n3A_3049 : vector<8x1024xi1>, vector<8x1024xi32>
    %slice3A_3061 = vector.extract_strided_slice %reduce_sum3A_2548 {offsets = [368], sizes = [8], strides = [1]} : vector<576xf32> to vector<8xf32>
    %broadcast_in_dim3A_3062 = vector.shape_cast %slice3A_3061 : vector<8xf32> to vector<8x1xf32>
    %add3A_3063 = vector.broadcast %broadcast_in_dim3A_3062 : vector<8x1xf32> to vector<8x1024xf32>
    %add3A_3064 = arith.addf %get3A_6, %add3A_3063 : vector<8x1024xf32>
    %slice3A_3065 = vector.extract_strided_slice %dot_general3A_2554 {offsets = [368, 0], sizes = [8, 1024], strides = [1, 1]} : vector<576x1024xf32> to vector<8x1024xf32>
    %add3A_3066 = arith.addf %add3A_3064, %slice3A_3065 : vector<8x1024xf32>
    %lt3A_3067 = arith.cmpf olt, %add3A_3066, %min3A_3057 : vector<8x1024xf32>
    %min3A_3068 = arith.minimumf %min3A_3057, %add3A_3066 : vector<8x1024xf32>
    %jit3A_3069 = arith.constant 46 : i32
    %broadcast_in_dim3A_3070 = vector.broadcast %jit3A_3069 : i32 to vector<8x1024xi32>
    %select_n3A_3071 = arith.select %lt3A_3067, %broadcast_in_dim3A_3070, %select_n3A_3060 : vector<8x1024xi1>, vector<8x1024xi32>
    %slice3A_3072 = vector.extract_strided_slice %reduce_sum3A_2548 {offsets = [376], sizes = [8], strides = [1]} : vector<576xf32> to vector<8xf32>
    %broadcast_in_dim3A_3073 = vector.shape_cast %slice3A_3072 : vector<8xf32> to vector<8x1xf32>
    %add3A_3074 = vector.broadcast %broadcast_in_dim3A_3073 : vector<8x1xf32> to vector<8x1024xf32>
    %add3A_3075 = arith.addf %get3A_6, %add3A_3074 : vector<8x1024xf32>
    %slice3A_3076 = vector.extract_strided_slice %dot_general3A_2554 {offsets = [376, 0], sizes = [8, 1024], strides = [1, 1]} : vector<576x1024xf32> to vector<8x1024xf32>
    %add3A_3077 = arith.addf %add3A_3075, %slice3A_3076 : vector<8x1024xf32>
    %lt3A_3078 = arith.cmpf olt, %add3A_3077, %min3A_3068 : vector<8x1024xf32>
    %min3A_3079 = arith.minimumf %min3A_3068, %add3A_3077 : vector<8x1024xf32>
    %jit3A_3080 = arith.constant 47 : i32
    %broadcast_in_dim3A_3081 = vector.broadcast %jit3A_3080 : i32 to vector<8x1024xi32>
    %select_n3A_3082 = arith.select %lt3A_3078, %broadcast_in_dim3A_3081, %select_n3A_3071 : vector<8x1024xi1>, vector<8x1024xi32>
    %slice3A_3083 = vector.extract_strided_slice %reduce_sum3A_2548 {offsets = [384], sizes = [8], strides = [1]} : vector<576xf32> to vector<8xf32>
    %broadcast_in_dim3A_3084 = vector.shape_cast %slice3A_3083 : vector<8xf32> to vector<8x1xf32>
    %add3A_3085 = vector.broadcast %broadcast_in_dim3A_3084 : vector<8x1xf32> to vector<8x1024xf32>
    %add3A_3086 = arith.addf %get3A_6, %add3A_3085 : vector<8x1024xf32>
    %slice3A_3087 = vector.extract_strided_slice %dot_general3A_2554 {offsets = [384, 0], sizes = [8, 1024], strides = [1, 1]} : vector<576x1024xf32> to vector<8x1024xf32>
    %add3A_3088 = arith.addf %add3A_3086, %slice3A_3087 : vector<8x1024xf32>
    %lt3A_3089 = arith.cmpf olt, %add3A_3088, %min3A_3079 : vector<8x1024xf32>
    %min3A_3090 = arith.minimumf %min3A_3079, %add3A_3088 : vector<8x1024xf32>
    %jit3A_3091 = arith.constant 48 : i32
    %broadcast_in_dim3A_3092 = vector.broadcast %jit3A_3091 : i32 to vector<8x1024xi32>
    %select_n3A_3093 = arith.select %lt3A_3089, %broadcast_in_dim3A_3092, %select_n3A_3082 : vector<8x1024xi1>, vector<8x1024xi32>
    %slice3A_3094 = vector.extract_strided_slice %reduce_sum3A_2548 {offsets = [392], sizes = [8], strides = [1]} : vector<576xf32> to vector<8xf32>
    %broadcast_in_dim3A_3095 = vector.shape_cast %slice3A_3094 : vector<8xf32> to vector<8x1xf32>
    %add3A_3096 = vector.broadcast %broadcast_in_dim3A_3095 : vector<8x1xf32> to vector<8x1024xf32>
    %add3A_3097 = arith.addf %get3A_6, %add3A_3096 : vector<8x1024xf32>
    %slice3A_3098 = vector.extract_strided_slice %dot_general3A_2554 {offsets = [392, 0], sizes = [8, 1024], strides = [1, 1]} : vector<576x1024xf32> to vector<8x1024xf32>
    %add3A_3099 = arith.addf %add3A_3097, %slice3A_3098 : vector<8x1024xf32>
    %lt3A_3100 = arith.cmpf olt, %add3A_3099, %min3A_3090 : vector<8x1024xf32>
    %min3A_3101 = arith.minimumf %min3A_3090, %add3A_3099 : vector<8x1024xf32>
    %jit3A_3102 = arith.constant 49 : i32
    %broadcast_in_dim3A_3103 = vector.broadcast %jit3A_3102 : i32 to vector<8x1024xi32>
    %select_n3A_3104 = arith.select %lt3A_3100, %broadcast_in_dim3A_3103, %select_n3A_3093 : vector<8x1024xi1>, vector<8x1024xi32>
    %slice3A_3105 = vector.extract_strided_slice %reduce_sum3A_2548 {offsets = [400], sizes = [8], strides = [1]} : vector<576xf32> to vector<8xf32>
    %broadcast_in_dim3A_3106 = vector.shape_cast %slice3A_3105 : vector<8xf32> to vector<8x1xf32>
    %add3A_3107 = vector.broadcast %broadcast_in_dim3A_3106 : vector<8x1xf32> to vector<8x1024xf32>
    %add3A_3108 = arith.addf %get3A_6, %add3A_3107 : vector<8x1024xf32>
    %slice3A_3109 = vector.extract_strided_slice %dot_general3A_2554 {offsets = [400, 0], sizes = [8, 1024], strides = [1, 1]} : vector<576x1024xf32> to vector<8x1024xf32>
    %add3A_3110 = arith.addf %add3A_3108, %slice3A_3109 : vector<8x1024xf32>
    %lt3A_3111 = arith.cmpf olt, %add3A_3110, %min3A_3101 : vector<8x1024xf32>
    %min3A_3112 = arith.minimumf %min3A_3101, %add3A_3110 : vector<8x1024xf32>
    %jit3A_3113 = arith.constant 50 : i32
    %broadcast_in_dim3A_3114 = vector.broadcast %jit3A_3113 : i32 to vector<8x1024xi32>
    %select_n3A_3115 = arith.select %lt3A_3111, %broadcast_in_dim3A_3114, %select_n3A_3104 : vector<8x1024xi1>, vector<8x1024xi32>
    %slice3A_3116 = vector.extract_strided_slice %reduce_sum3A_2548 {offsets = [408], sizes = [8], strides = [1]} : vector<576xf32> to vector<8xf32>
    %broadcast_in_dim3A_3117 = vector.shape_cast %slice3A_3116 : vector<8xf32> to vector<8x1xf32>
    %add3A_3118 = vector.broadcast %broadcast_in_dim3A_3117 : vector<8x1xf32> to vector<8x1024xf32>
    %add3A_3119 = arith.addf %get3A_6, %add3A_3118 : vector<8x1024xf32>
    %slice3A_3120 = vector.extract_strided_slice %dot_general3A_2554 {offsets = [408, 0], sizes = [8, 1024], strides = [1, 1]} : vector<576x1024xf32> to vector<8x1024xf32>
    %add3A_3121 = arith.addf %add3A_3119, %slice3A_3120 : vector<8x1024xf32>
    %lt3A_3122 = arith.cmpf olt, %add3A_3121, %min3A_3112 : vector<8x1024xf32>
    %min3A_3123 = arith.minimumf %min3A_3112, %add3A_3121 : vector<8x1024xf32>
    %jit3A_3124 = arith.constant 51 : i32
    %broadcast_in_dim3A_3125 = vector.broadcast %jit3A_3124 : i32 to vector<8x1024xi32>
    %select_n3A_3126 = arith.select %lt3A_3122, %broadcast_in_dim3A_3125, %select_n3A_3115 : vector<8x1024xi1>, vector<8x1024xi32>
    %slice3A_3127 = vector.extract_strided_slice %reduce_sum3A_2548 {offsets = [416], sizes = [8], strides = [1]} : vector<576xf32> to vector<8xf32>
    %broadcast_in_dim3A_3128 = vector.shape_cast %slice3A_3127 : vector<8xf32> to vector<8x1xf32>
    %add3A_3129 = vector.broadcast %broadcast_in_dim3A_3128 : vector<8x1xf32> to vector<8x1024xf32>
    %add3A_3130 = arith.addf %get3A_6, %add3A_3129 : vector<8x1024xf32>
    %slice3A_3131 = vector.extract_strided_slice %dot_general3A_2554 {offsets = [416, 0], sizes = [8, 1024], strides = [1, 1]} : vector<576x1024xf32> to vector<8x1024xf32>
    %add3A_3132 = arith.addf %add3A_3130, %slice3A_3131 : vector<8x1024xf32>
    %lt3A_3133 = arith.cmpf olt, %add3A_3132, %min3A_3123 : vector<8x1024xf32>
    %min3A_3134 = arith.minimumf %min3A_3123, %add3A_3132 : vector<8x1024xf32>
    %jit3A_3135 = arith.constant 52 : i32
    %broadcast_in_dim3A_3136 = vector.broadcast %jit3A_3135 : i32 to vector<8x1024xi32>
    %select_n3A_3137 = arith.select %lt3A_3133, %broadcast_in_dim3A_3136, %select_n3A_3126 : vector<8x1024xi1>, vector<8x1024xi32>
    %slice3A_3138 = vector.extract_strided_slice %reduce_sum3A_2548 {offsets = [424], sizes = [8], strides = [1]} : vector<576xf32> to vector<8xf32>
    %broadcast_in_dim3A_3139 = vector.shape_cast %slice3A_3138 : vector<8xf32> to vector<8x1xf32>
    %add3A_3140 = vector.broadcast %broadcast_in_dim3A_3139 : vector<8x1xf32> to vector<8x1024xf32>
    %add3A_3141 = arith.addf %get3A_6, %add3A_3140 : vector<8x1024xf32>
    %slice3A_3142 = vector.extract_strided_slice %dot_general3A_2554 {offsets = [424, 0], sizes = [8, 1024], strides = [1, 1]} : vector<576x1024xf32> to vector<8x1024xf32>
    %add3A_3143 = arith.addf %add3A_3141, %slice3A_3142 : vector<8x1024xf32>
    %lt3A_3144 = arith.cmpf olt, %add3A_3143, %min3A_3134 : vector<8x1024xf32>
    %min3A_3145 = arith.minimumf %min3A_3134, %add3A_3143 : vector<8x1024xf32>
    %jit3A_3146 = arith.constant 53 : i32
    %broadcast_in_dim3A_3147 = vector.broadcast %jit3A_3146 : i32 to vector<8x1024xi32>
    %select_n3A_3148 = arith.select %lt3A_3144, %broadcast_in_dim3A_3147, %select_n3A_3137 : vector<8x1024xi1>, vector<8x1024xi32>
    %slice3A_3149 = vector.extract_strided_slice %reduce_sum3A_2548 {offsets = [432], sizes = [8], strides = [1]} : vector<576xf32> to vector<8xf32>
    %broadcast_in_dim3A_3150 = vector.shape_cast %slice3A_3149 : vector<8xf32> to vector<8x1xf32>
    %add3A_3151 = vector.broadcast %broadcast_in_dim3A_3150 : vector<8x1xf32> to vector<8x1024xf32>
    %add3A_3152 = arith.addf %get3A_6, %add3A_3151 : vector<8x1024xf32>
    %slice3A_3153 = vector.extract_strided_slice %dot_general3A_2554 {offsets = [432, 0], sizes = [8, 1024], strides = [1, 1]} : vector<576x1024xf32> to vector<8x1024xf32>
    %add3A_3154 = arith.addf %add3A_3152, %slice3A_3153 : vector<8x1024xf32>
    %lt3A_3155 = arith.cmpf olt, %add3A_3154, %min3A_3145 : vector<8x1024xf32>
    %min3A_3156 = arith.minimumf %min3A_3145, %add3A_3154 : vector<8x1024xf32>
    %jit3A_3157 = arith.constant 54 : i32
    %broadcast_in_dim3A_3158 = vector.broadcast %jit3A_3157 : i32 to vector<8x1024xi32>
    %select_n3A_3159 = arith.select %lt3A_3155, %broadcast_in_dim3A_3158, %select_n3A_3148 : vector<8x1024xi1>, vector<8x1024xi32>
    %slice3A_3160 = vector.extract_strided_slice %reduce_sum3A_2548 {offsets = [440], sizes = [8], strides = [1]} : vector<576xf32> to vector<8xf32>
    %broadcast_in_dim3A_3161 = vector.shape_cast %slice3A_3160 : vector<8xf32> to vector<8x1xf32>
    %add3A_3162 = vector.broadcast %broadcast_in_dim3A_3161 : vector<8x1xf32> to vector<8x1024xf32>
    %add3A_3163 = arith.addf %get3A_6, %add3A_3162 : vector<8x1024xf32>
    %slice3A_3164 = vector.extract_strided_slice %dot_general3A_2554 {offsets = [440, 0], sizes = [8, 1024], strides = [1, 1]} : vector<576x1024xf32> to vector<8x1024xf32>
    %add3A_3165 = arith.addf %add3A_3163, %slice3A_3164 : vector<8x1024xf32>
    %lt3A_3166 = arith.cmpf olt, %add3A_3165, %min3A_3156 : vector<8x1024xf32>
    %min3A_3167 = arith.minimumf %min3A_3156, %add3A_3165 : vector<8x1024xf32>
    %jit3A_3168 = arith.constant 55 : i32
    %broadcast_in_dim3A_3169 = vector.broadcast %jit3A_3168 : i32 to vector<8x1024xi32>
    %select_n3A_3170 = arith.select %lt3A_3166, %broadcast_in_dim3A_3169, %select_n3A_3159 : vector<8x1024xi1>, vector<8x1024xi32>
    %slice3A_3171 = vector.extract_strided_slice %reduce_sum3A_2548 {offsets = [448], sizes = [8], strides = [1]} : vector<576xf32> to vector<8xf32>
    %broadcast_in_dim3A_3172 = vector.shape_cast %slice3A_3171 : vector<8xf32> to vector<8x1xf32>
    %add3A_3173 = vector.broadcast %broadcast_in_dim3A_3172 : vector<8x1xf32> to vector<8x1024xf32>
    %add3A_3174 = arith.addf %get3A_6, %add3A_3173 : vector<8x1024xf32>
    %slice3A_3175 = vector.extract_strided_slice %dot_general3A_2554 {offsets = [448, 0], sizes = [8, 1024], strides = [1, 1]} : vector<576x1024xf32> to vector<8x1024xf32>
    %add3A_3176 = arith.addf %add3A_3174, %slice3A_3175 : vector<8x1024xf32>
    %lt3A_3177 = arith.cmpf olt, %add3A_3176, %min3A_3167 : vector<8x1024xf32>
    %min3A_3178 = arith.minimumf %min3A_3167, %add3A_3176 : vector<8x1024xf32>
    %jit3A_3179 = arith.constant 56 : i32
    %broadcast_in_dim3A_3180 = vector.broadcast %jit3A_3179 : i32 to vector<8x1024xi32>
    %select_n3A_3181 = arith.select %lt3A_3177, %broadcast_in_dim3A_3180, %select_n3A_3170 : vector<8x1024xi1>, vector<8x1024xi32>
    %slice3A_3182 = vector.extract_strided_slice %reduce_sum3A_2548 {offsets = [456], sizes = [8], strides = [1]} : vector<576xf32> to vector<8xf32>
    %broadcast_in_dim3A_3183 = vector.shape_cast %slice3A_3182 : vector<8xf32> to vector<8x1xf32>
    %add3A_3184 = vector.broadcast %broadcast_in_dim3A_3183 : vector<8x1xf32> to vector<8x1024xf32>
    %add3A_3185 = arith.addf %get3A_6, %add3A_3184 : vector<8x1024xf32>
    %slice3A_3186 = vector.extract_strided_slice %dot_general3A_2554 {offsets = [456, 0], sizes = [8, 1024], strides = [1, 1]} : vector<576x1024xf32> to vector<8x1024xf32>
    %add3A_3187 = arith.addf %add3A_3185, %slice3A_3186 : vector<8x1024xf32>
    %lt3A_3188 = arith.cmpf olt, %add3A_3187, %min3A_3178 : vector<8x1024xf32>
    %min3A_3189 = arith.minimumf %min3A_3178, %add3A_3187 : vector<8x1024xf32>
    %jit3A_3190 = arith.constant 57 : i32
    %broadcast_in_dim3A_3191 = vector.broadcast %jit3A_3190 : i32 to vector<8x1024xi32>
    %select_n3A_3192 = arith.select %lt3A_3188, %broadcast_in_dim3A_3191, %select_n3A_3181 : vector<8x1024xi1>, vector<8x1024xi32>
    %slice3A_3193 = vector.extract_strided_slice %reduce_sum3A_2548 {offsets = [464], sizes = [8], strides = [1]} : vector<576xf32> to vector<8xf32>
    %broadcast_in_dim3A_3194 = vector.shape_cast %slice3A_3193 : vector<8xf32> to vector<8x1xf32>
    %add3A_3195 = vector.broadcast %broadcast_in_dim3A_3194 : vector<8x1xf32> to vector<8x1024xf32>
    %add3A_3196 = arith.addf %get3A_6, %add3A_3195 : vector<8x1024xf32>
    %slice3A_3197 = vector.extract_strided_slice %dot_general3A_2554 {offsets = [464, 0], sizes = [8, 1024], strides = [1, 1]} : vector<576x1024xf32> to vector<8x1024xf32>
    %add3A_3198 = arith.addf %add3A_3196, %slice3A_3197 : vector<8x1024xf32>
    %lt3A_3199 = arith.cmpf olt, %add3A_3198, %min3A_3189 : vector<8x1024xf32>
    %min3A_3200 = arith.minimumf %min3A_3189, %add3A_3198 : vector<8x1024xf32>
    %jit3A_3201 = arith.constant 58 : i32
    %broadcast_in_dim3A_3202 = vector.broadcast %jit3A_3201 : i32 to vector<8x1024xi32>
    %select_n3A_3203 = arith.select %lt3A_3199, %broadcast_in_dim3A_3202, %select_n3A_3192 : vector<8x1024xi1>, vector<8x1024xi32>
    %slice3A_3204 = vector.extract_strided_slice %reduce_sum3A_2548 {offsets = [472], sizes = [8], strides = [1]} : vector<576xf32> to vector<8xf32>
    %broadcast_in_dim3A_3205 = vector.shape_cast %slice3A_3204 : vector<8xf32> to vector<8x1xf32>
    %add3A_3206 = vector.broadcast %broadcast_in_dim3A_3205 : vector<8x1xf32> to vector<8x1024xf32>
    %add3A_3207 = arith.addf %get3A_6, %add3A_3206 : vector<8x1024xf32>
    %slice3A_3208 = vector.extract_strided_slice %dot_general3A_2554 {offsets = [472, 0], sizes = [8, 1024], strides = [1, 1]} : vector<576x1024xf32> to vector<8x1024xf32>
    %add3A_3209 = arith.addf %add3A_3207, %slice3A_3208 : vector<8x1024xf32>
    %lt3A_3210 = arith.cmpf olt, %add3A_3209, %min3A_3200 : vector<8x1024xf32>
    %min3A_3211 = arith.minimumf %min3A_3200, %add3A_3209 : vector<8x1024xf32>
    %jit3A_3212 = arith.constant 59 : i32
    %broadcast_in_dim3A_3213 = vector.broadcast %jit3A_3212 : i32 to vector<8x1024xi32>
    %select_n3A_3214 = arith.select %lt3A_3210, %broadcast_in_dim3A_3213, %select_n3A_3203 : vector<8x1024xi1>, vector<8x1024xi32>
    %slice3A_3215 = vector.extract_strided_slice %reduce_sum3A_2548 {offsets = [480], sizes = [8], strides = [1]} : vector<576xf32> to vector<8xf32>
    %broadcast_in_dim3A_3216 = vector.shape_cast %slice3A_3215 : vector<8xf32> to vector<8x1xf32>
    %add3A_3217 = vector.broadcast %broadcast_in_dim3A_3216 : vector<8x1xf32> to vector<8x1024xf32>
    %add3A_3218 = arith.addf %get3A_6, %add3A_3217 : vector<8x1024xf32>
    %slice3A_3219 = vector.extract_strided_slice %dot_general3A_2554 {offsets = [480, 0], sizes = [8, 1024], strides = [1, 1]} : vector<576x1024xf32> to vector<8x1024xf32>
    %add3A_3220 = arith.addf %add3A_3218, %slice3A_3219 : vector<8x1024xf32>
    %lt3A_3221 = arith.cmpf olt, %add3A_3220, %min3A_3211 : vector<8x1024xf32>
    %min3A_3222 = arith.minimumf %min3A_3211, %add3A_3220 : vector<8x1024xf32>
    %jit3A_3223 = arith.constant 60 : i32
    %broadcast_in_dim3A_3224 = vector.broadcast %jit3A_3223 : i32 to vector<8x1024xi32>
    %select_n3A_3225 = arith.select %lt3A_3221, %broadcast_in_dim3A_3224, %select_n3A_3214 : vector<8x1024xi1>, vector<8x1024xi32>
    %slice3A_3226 = vector.extract_strided_slice %reduce_sum3A_2548 {offsets = [488], sizes = [8], strides = [1]} : vector<576xf32> to vector<8xf32>
    %broadcast_in_dim3A_3227 = vector.shape_cast %slice3A_3226 : vector<8xf32> to vector<8x1xf32>
    %add3A_3228 = vector.broadcast %broadcast_in_dim3A_3227 : vector<8x1xf32> to vector<8x1024xf32>
    %add3A_3229 = arith.addf %get3A_6, %add3A_3228 : vector<8x1024xf32>
    %slice3A_3230 = vector.extract_strided_slice %dot_general3A_2554 {offsets = [488, 0], sizes = [8, 1024], strides = [1, 1]} : vector<576x1024xf32> to vector<8x1024xf32>
    %add3A_3231 = arith.addf %add3A_3229, %slice3A_3230 : vector<8x1024xf32>
    %lt3A_3232 = arith.cmpf olt, %add3A_3231, %min3A_3222 : vector<8x1024xf32>
    %min3A_3233 = arith.minimumf %min3A_3222, %add3A_3231 : vector<8x1024xf32>
    %jit3A_3234 = arith.constant 61 : i32
    %broadcast_in_dim3A_3235 = vector.broadcast %jit3A_3234 : i32 to vector<8x1024xi32>
    %select_n3A_3236 = arith.select %lt3A_3232, %broadcast_in_dim3A_3235, %select_n3A_3225 : vector<8x1024xi1>, vector<8x1024xi32>
    %slice3A_3237 = vector.extract_strided_slice %reduce_sum3A_2548 {offsets = [496], sizes = [8], strides = [1]} : vector<576xf32> to vector<8xf32>
    %broadcast_in_dim3A_3238 = vector.shape_cast %slice3A_3237 : vector<8xf32> to vector<8x1xf32>
    %add3A_3239 = vector.broadcast %broadcast_in_dim3A_3238 : vector<8x1xf32> to vector<8x1024xf32>
    %add3A_3240 = arith.addf %get3A_6, %add3A_3239 : vector<8x1024xf32>
    %slice3A_3241 = vector.extract_strided_slice %dot_general3A_2554 {offsets = [496, 0], sizes = [8, 1024], strides = [1, 1]} : vector<576x1024xf32> to vector<8x1024xf32>
    %add3A_3242 = arith.addf %add3A_3240, %slice3A_3241 : vector<8x1024xf32>
    %lt3A_3243 = arith.cmpf olt, %add3A_3242, %min3A_3233 : vector<8x1024xf32>
    %min3A_3244 = arith.minimumf %min3A_3233, %add3A_3242 : vector<8x1024xf32>
    %jit3A_3245 = arith.constant 62 : i32
    %broadcast_in_dim3A_3246 = vector.broadcast %jit3A_3245 : i32 to vector<8x1024xi32>
    %select_n3A_3247 = arith.select %lt3A_3243, %broadcast_in_dim3A_3246, %select_n3A_3236 : vector<8x1024xi1>, vector<8x1024xi32>
    %slice3A_3248 = vector.extract_strided_slice %reduce_sum3A_2548 {offsets = [504], sizes = [8], strides = [1]} : vector<576xf32> to vector<8xf32>
    %broadcast_in_dim3A_3249 = vector.shape_cast %slice3A_3248 : vector<8xf32> to vector<8x1xf32>
    %add3A_3250 = vector.broadcast %broadcast_in_dim3A_3249 : vector<8x1xf32> to vector<8x1024xf32>
    %add3A_3251 = arith.addf %get3A_6, %add3A_3250 : vector<8x1024xf32>
    %slice3A_3252 = vector.extract_strided_slice %dot_general3A_2554 {offsets = [504, 0], sizes = [8, 1024], strides = [1, 1]} : vector<576x1024xf32> to vector<8x1024xf32>
    %add3A_3253 = arith.addf %add3A_3251, %slice3A_3252 : vector<8x1024xf32>
    %lt3A_3254 = arith.cmpf olt, %add3A_3253, %min3A_3244 : vector<8x1024xf32>
    %min3A_3255 = arith.minimumf %min3A_3244, %add3A_3253 : vector<8x1024xf32>
    %jit3A_3256 = arith.constant 63 : i32
    %broadcast_in_dim3A_3257 = vector.broadcast %jit3A_3256 : i32 to vector<8x1024xi32>
    %select_n3A_3258 = arith.select %lt3A_3254, %broadcast_in_dim3A_3257, %select_n3A_3247 : vector<8x1024xi1>, vector<8x1024xi32>
    %slice3A_3259 = vector.extract_strided_slice %reduce_sum3A_2548 {offsets = [512], sizes = [8], strides = [1]} : vector<576xf32> to vector<8xf32>
    %broadcast_in_dim3A_3260 = vector.shape_cast %slice3A_3259 : vector<8xf32> to vector<8x1xf32>
    %add3A_3261 = vector.broadcast %broadcast_in_dim3A_3260 : vector<8x1xf32> to vector<8x1024xf32>
    %add3A_3262 = arith.addf %get3A_6, %add3A_3261 : vector<8x1024xf32>
    %slice3A_3263 = vector.extract_strided_slice %dot_general3A_2554 {offsets = [512, 0], sizes = [8, 1024], strides = [1, 1]} : vector<576x1024xf32> to vector<8x1024xf32>
    %add3A_3264 = arith.addf %add3A_3262, %slice3A_3263 : vector<8x1024xf32>
    %lt3A_3265 = arith.cmpf olt, %add3A_3264, %min3A_3255 : vector<8x1024xf32>
    %min3A_3266 = arith.minimumf %min3A_3255, %add3A_3264 : vector<8x1024xf32>
    %jit3A_3267 = arith.constant 64 : i32
    %broadcast_in_dim3A_3268 = vector.broadcast %jit3A_3267 : i32 to vector<8x1024xi32>
    %select_n3A_3269 = arith.select %lt3A_3265, %broadcast_in_dim3A_3268, %select_n3A_3258 : vector<8x1024xi1>, vector<8x1024xi32>
    %slice3A_3270 = vector.extract_strided_slice %reduce_sum3A_2548 {offsets = [520], sizes = [8], strides = [1]} : vector<576xf32> to vector<8xf32>
    %broadcast_in_dim3A_3271 = vector.shape_cast %slice3A_3270 : vector<8xf32> to vector<8x1xf32>
    %add3A_3272 = vector.broadcast %broadcast_in_dim3A_3271 : vector<8x1xf32> to vector<8x1024xf32>
    %add3A_3273 = arith.addf %get3A_6, %add3A_3272 : vector<8x1024xf32>
    %slice3A_3274 = vector.extract_strided_slice %dot_general3A_2554 {offsets = [520, 0], sizes = [8, 1024], strides = [1, 1]} : vector<576x1024xf32> to vector<8x1024xf32>
    %add3A_3275 = arith.addf %add3A_3273, %slice3A_3274 : vector<8x1024xf32>
    %lt3A_3276 = arith.cmpf olt, %add3A_3275, %min3A_3266 : vector<8x1024xf32>
    %min3A_3277 = arith.minimumf %min3A_3266, %add3A_3275 : vector<8x1024xf32>
    %jit3A_3278 = arith.constant 65 : i32
    %broadcast_in_dim3A_3279 = vector.broadcast %jit3A_3278 : i32 to vector<8x1024xi32>
    %select_n3A_3280 = arith.select %lt3A_3276, %broadcast_in_dim3A_3279, %select_n3A_3269 : vector<8x1024xi1>, vector<8x1024xi32>
    %slice3A_3281 = vector.extract_strided_slice %reduce_sum3A_2548 {offsets = [528], sizes = [8], strides = [1]} : vector<576xf32> to vector<8xf32>
    %broadcast_in_dim3A_3282 = vector.shape_cast %slice3A_3281 : vector<8xf32> to vector<8x1xf32>
    %add3A_3283 = vector.broadcast %broadcast_in_dim3A_3282 : vector<8x1xf32> to vector<8x1024xf32>
    %add3A_3284 = arith.addf %get3A_6, %add3A_3283 : vector<8x1024xf32>
    %slice3A_3285 = vector.extract_strided_slice %dot_general3A_2554 {offsets = [528, 0], sizes = [8, 1024], strides = [1, 1]} : vector<576x1024xf32> to vector<8x1024xf32>
    %add3A_3286 = arith.addf %add3A_3284, %slice3A_3285 : vector<8x1024xf32>
    %lt3A_3287 = arith.cmpf olt, %add3A_3286, %min3A_3277 : vector<8x1024xf32>
    %min3A_3288 = arith.minimumf %min3A_3277, %add3A_3286 : vector<8x1024xf32>
    %jit3A_3289 = arith.constant 66 : i32
    %broadcast_in_dim3A_3290 = vector.broadcast %jit3A_3289 : i32 to vector<8x1024xi32>
    %select_n3A_3291 = arith.select %lt3A_3287, %broadcast_in_dim3A_3290, %select_n3A_3280 : vector<8x1024xi1>, vector<8x1024xi32>
    %slice3A_3292 = vector.extract_strided_slice %reduce_sum3A_2548 {offsets = [536], sizes = [8], strides = [1]} : vector<576xf32> to vector<8xf32>
    %broadcast_in_dim3A_3293 = vector.shape_cast %slice3A_3292 : vector<8xf32> to vector<8x1xf32>
    %add3A_3294 = vector.broadcast %broadcast_in_dim3A_3293 : vector<8x1xf32> to vector<8x1024xf32>
    %add3A_3295 = arith.addf %get3A_6, %add3A_3294 : vector<8x1024xf32>
    %slice3A_3296 = vector.extract_strided_slice %dot_general3A_2554 {offsets = [536, 0], sizes = [8, 1024], strides = [1, 1]} : vector<576x1024xf32> to vector<8x1024xf32>
    %add3A_3297 = arith.addf %add3A_3295, %slice3A_3296 : vector<8x1024xf32>
    %lt3A_3298 = arith.cmpf olt, %add3A_3297, %min3A_3288 : vector<8x1024xf32>
    %min3A_3299 = arith.minimumf %min3A_3288, %add3A_3297 : vector<8x1024xf32>
    %jit3A_3300 = arith.constant 67 : i32
    %broadcast_in_dim3A_3301 = vector.broadcast %jit3A_3300 : i32 to vector<8x1024xi32>
    %select_n3A_3302 = arith.select %lt3A_3298, %broadcast_in_dim3A_3301, %select_n3A_3291 : vector<8x1024xi1>, vector<8x1024xi32>
    %slice3A_3303 = vector.extract_strided_slice %reduce_sum3A_2548 {offsets = [544], sizes = [8], strides = [1]} : vector<576xf32> to vector<8xf32>
    %broadcast_in_dim3A_3304 = vector.shape_cast %slice3A_3303 : vector<8xf32> to vector<8x1xf32>
    %add3A_3305 = vector.broadcast %broadcast_in_dim3A_3304 : vector<8x1xf32> to vector<8x1024xf32>
    %add3A_3306 = arith.addf %get3A_6, %add3A_3305 : vector<8x1024xf32>
    %slice3A_3307 = vector.extract_strided_slice %dot_general3A_2554 {offsets = [544, 0], sizes = [8, 1024], strides = [1, 1]} : vector<576x1024xf32> to vector<8x1024xf32>
    %add3A_3308 = arith.addf %add3A_3306, %slice3A_3307 : vector<8x1024xf32>
    %lt3A_3309 = arith.cmpf olt, %add3A_3308, %min3A_3299 : vector<8x1024xf32>
    %min3A_3310 = arith.minimumf %min3A_3299, %add3A_3308 : vector<8x1024xf32>
    %jit3A_3311 = arith.constant 68 : i32
    %broadcast_in_dim3A_3312 = vector.broadcast %jit3A_3311 : i32 to vector<8x1024xi32>
    %select_n3A_3313 = arith.select %lt3A_3309, %broadcast_in_dim3A_3312, %select_n3A_3302 : vector<8x1024xi1>, vector<8x1024xi32>
    %slice3A_3314 = vector.extract_strided_slice %reduce_sum3A_2548 {offsets = [552], sizes = [8], strides = [1]} : vector<576xf32> to vector<8xf32>
    %broadcast_in_dim3A_3315 = vector.shape_cast %slice3A_3314 : vector<8xf32> to vector<8x1xf32>
    %add3A_3316 = vector.broadcast %broadcast_in_dim3A_3315 : vector<8x1xf32> to vector<8x1024xf32>
    %add3A_3317 = arith.addf %get3A_6, %add3A_3316 : vector<8x1024xf32>
    %slice3A_3318 = vector.extract_strided_slice %dot_general3A_2554 {offsets = [552, 0], sizes = [8, 1024], strides = [1, 1]} : vector<576x1024xf32> to vector<8x1024xf32>
    %add3A_3319 = arith.addf %add3A_3317, %slice3A_3318 : vector<8x1024xf32>
    %lt3A_3320 = arith.cmpf olt, %add3A_3319, %min3A_3310 : vector<8x1024xf32>
    %min3A_3321 = arith.minimumf %min3A_3310, %add3A_3319 : vector<8x1024xf32>
    %jit3A_3322 = arith.constant 69 : i32
    %broadcast_in_dim3A_3323 = vector.broadcast %jit3A_3322 : i32 to vector<8x1024xi32>
    %select_n3A_3324 = arith.select %lt3A_3320, %broadcast_in_dim3A_3323, %select_n3A_3313 : vector<8x1024xi1>, vector<8x1024xi32>
    %slice3A_3325 = vector.extract_strided_slice %reduce_sum3A_2548 {offsets = [560], sizes = [8], strides = [1]} : vector<576xf32> to vector<8xf32>
    %broadcast_in_dim3A_3326 = vector.shape_cast %slice3A_3325 : vector<8xf32> to vector<8x1xf32>
    %add3A_3327 = vector.broadcast %broadcast_in_dim3A_3326 : vector<8x1xf32> to vector<8x1024xf32>
    %add3A_3328 = arith.addf %get3A_6, %add3A_3327 : vector<8x1024xf32>
    %slice3A_3329 = vector.extract_strided_slice %dot_general3A_2554 {offsets = [560, 0], sizes = [8, 1024], strides = [1, 1]} : vector<576x1024xf32> to vector<8x1024xf32>
    %add3A_3330 = arith.addf %add3A_3328, %slice3A_3329 : vector<8x1024xf32>
    %lt3A_3331 = arith.cmpf olt, %add3A_3330, %min3A_3321 : vector<8x1024xf32>
    %min3A_3332 = arith.minimumf %min3A_3321, %add3A_3330 : vector<8x1024xf32>
    %jit3A_3333 = arith.constant 70 : i32
    %broadcast_in_dim3A_3334 = vector.broadcast %jit3A_3333 : i32 to vector<8x1024xi32>
    %select_n3A_3335 = arith.select %lt3A_3331, %broadcast_in_dim3A_3334, %select_n3A_3324 : vector<8x1024xi1>, vector<8x1024xi32>
    %slice3A_3336 = vector.extract_strided_slice %reduce_sum3A_2548 {offsets = [568], sizes = [8], strides = [1]} : vector<576xf32> to vector<8xf32>
    %broadcast_in_dim3A_3337 = vector.shape_cast %slice3A_3336 : vector<8xf32> to vector<8x1xf32>
    %add3A_3338 = vector.broadcast %broadcast_in_dim3A_3337 : vector<8x1xf32> to vector<8x1024xf32>
    %add3A_3339 = arith.addf %get3A_6, %add3A_3338 : vector<8x1024xf32>
    %slice3A_3340 = vector.extract_strided_slice %dot_general3A_2554 {offsets = [568, 0], sizes = [8, 1024], strides = [1, 1]} : vector<576x1024xf32> to vector<8x1024xf32>
    %add3A_3341 = arith.addf %add3A_3339, %slice3A_3340 : vector<8x1024xf32>
    %lt3A_3342 = arith.cmpf olt, %add3A_3341, %min3A_3332 : vector<8x1024xf32>
    %min3A_3343 = arith.minimumf %min3A_3332, %add3A_3341 : vector<8x1024xf32>
    %jit3A_3344 = arith.constant 71 : i32
    %broadcast_in_dim3A_3345 = vector.broadcast %jit3A_3344 : i32 to vector<8x1024xi32>
    %select_n3A_3346 = arith.select %lt3A_3342, %broadcast_in_dim3A_3345, %select_n3A_3335 : vector<8x1024xi1>, vector<8x1024xi32>
    %reduce_min3A_3347 = arith.constant dense<0x7F800000> : vector<1024xf32>
    %reduce_min3A_3348 = vector.multi_reduction <minimumf>, %min3A_3343, %reduce_min3A_3347 [0] : vector<8x1024xf32> to vector<1024xf32>
    %mul3A_3349 = arith.constant 8 : i32
    %mul3A_3350 = vector.broadcast %mul3A_3349 : i32 to vector<8x1024xi32>
    %mul3A_3351 = arith.muli %select_n3A_3346, %mul3A_3350 : vector<8x1024xi32>
    %iota3A_3352 = tpu.iota {dimensions = array<i32: 0>} : vector<8x1024xi32>
    %add3A_3353 = arith.addi %mul3A_3351, %iota3A_3352 : vector<8x1024xi32>
    %broadcast_in_dim3A_3354 = vector.shape_cast %reduce_min3A_3348 : vector<1024xf32> to vector<1x1024xf32>
    %eq3A_3355 = vector.broadcast %broadcast_in_dim3A_3354 : vector<1x1024xf32> to vector<8x1024xf32>
    %eq3A_3356 = arith.cmpf oeq, %min3A_3343, %eq3A_3355 : vector<8x1024xf32>
    %jit3A_3357 = arith.constant 576 : i32
    %broadcast_in_dim3A_3358 = vector.broadcast %jit3A_3357 : i32 to vector<8x1024xi32>
    %select_n3A_3359 = arith.select %eq3A_3356, %add3A_3353, %broadcast_in_dim3A_3358 : vector<8x1024xi1>, vector<8x1024xi32>
    %reduce_min3A_3360 = arith.constant dense<2147483647> : vector<1024xi32>
    %reduce_min3A_3361 = vector.multi_reduction <minsi>, %select_n3A_3359, %reduce_min3A_3360 [0] : vector<8x1024xi32> to vector<1024xi32>
    %mul3A_3362 = arith.constant 4 : i32
    %mul3A_3363 = arith.muli %arg0, %mul3A_3362 : i32
    %add3A_3364 = arith.constant 0 : i32
    %add3A_3365 = arith.addi %add3A_3364, %mul3A_3363 : i32
    %add3A_3366 = arith.constant 3 : i32
    %add3A_3367 = arith.addi %add3A_3365, %add3A_3366 : i32
    %mul3A_3368 = arith.constant 576 : i32
    %mul3A_3369 = arith.muli %add3A_3367, %mul3A_3368 : i32
    %add3A_3370 = vector.broadcast %mul3A_3369 : i32 to vector<1024xi32>
    %add3A_3371 = arith.addi %reduce_min3A_3361, %add3A_3370 : vector<1024xi32>
    %swap3A_3372 = arith.constant 3 : index
    %swap3A_3373 = arith.constant 0 : index
    %swap3A_3374 = arith.constant 0 : index
    %swap3A_3375 = vector.load %arg3[%swap3A_3372, %swap3A_3373, %swap3A_3374] : memref<4x1x1024xi32, #tpu.memory_space<vmem>>, vector<1x1x1024xi32>
    %swap3A_3376 = vector.shape_cast %swap3A_3375 : vector<1x1x1024xi32> to vector<1024xi32>
    %swap3A_3377 = vector.shape_cast %add3A_3371 : vector<1024xi32> to vector<1x1x1024xi32>
    tpu.vector_store %arg3[%swap3A_3372, %swap3A_3373, %swap3A_3374], %swap3A_3377 {strides = array<i32>} : memref<4x1x1024xi32, #tpu.memory_space<vmem>>, vector<1x1x1024xi32>,
    %get3A_3378 = arith.constant 0 : index
    %get3A_3379 = arith.constant 0 : index
    %get3A_3380 = memref.load %arg4[%get3A_3378, %get3A_3379] : memref<1x1xf32, #tpu.memory_space<smem>>
    %reduce_sum3A_3381 = vector.shape_cast %reduce_min3A_3348 : vector<1024xf32> to vector<1x1024xf32>
    %reduce_sum3A_3382 = arith.constant dense<0.000000e+00> : vector<1xf32>
    %reduce_sum3A_3383 = vector.multi_reduction <add>, %reduce_sum3A_3381, %reduce_sum3A_3382 [1] : vector<1x1024xf32> to vector<1xf32>
    %reduce_sum3A_3384 = vector.shape_cast %reduce_sum3A_3383 : vector<1xf32> to vector<1x1xf32>
    %reduce_sum3A_3385 = vector.extract %reduce_sum3A_3384[0, 0] : f32 from vector<1x1xf32>
    %add3A_3386 = arith.addf %get3A_3380, %reduce_sum3A_3385 : f32
    %swap3A_3387 = arith.constant 0 : index
    %swap3A_3388 = arith.constant 0 : index
    %swap3A_3389 = memref.load %arg4[%swap3A_3387, %swap3A_3388] : memref<1x1xf32, #tpu.memory_space<smem>>
    memref.store %add3A_3386, %arg4[%swap3A_3387, %swap3A_3388] : memref<1x1xf32, #tpu.memory_space<smem>>
    return
  }
  func.func @transform_0(%arg0: i32) -> (i32, i32, i32) {
    %c0_i32 = arith.constant 0 : i32
    %c0_i32_0 = arith.constant 0 : i32
    %c0_i32_1 = arith.constant 0 : i32
    return %arg0, %c0_i32, %c0_i32_0 : i32, i32, i32
  }
  func.func @transform_1(%arg0: i32) -> (i32, i32) {
    %c0_i32 = arith.constant 0 : i32
    %c0_i32_0 = arith.constant 0 : i32
    %c0_i32_1 = arith.constant 0 : i32
    return %c0_i32, %c0_i32_0 : i32, i32
  }
  func.func @transform_2(%arg0: i32) -> (i32, i32, i32) {
    %c0_i32 = arith.constant 0 : i32
    %c0_i32_0 = arith.constant 0 : i32
    %c0_i32_1 = arith.constant 0 : i32
    return %arg0, %c0_i32, %c0_i32_0 : i32, i32, i32
  }
  func.func @transform_3(%arg0: i32) -> (i32, i32) {
    %c0_i32 = arith.constant 0 : i32
    %c0_i32_0 = arith.constant 0 : i32
    %c0_i32_1 = arith.constant 0 : i32
    return %c0_i32, %c0_i32_0 : i32, i32
  }
}

</mosaic_0001>

<sc_bundles>
// kernel: kernel.4.cloned.1.call-start
scs
__scs_entry_jumppad:
0x0: {  	(pc) =	sbr.rel $0x88, $3  }
0x1: {  	(tag) =	ssettag $0x0;
	lr =	simm.s32 $0x1  }
0x2: {  	[smem:$0x3F9F] =	sst lr;
	_ =	strace $0xD0000000  }
0x3: {  	_ = 	snop  }
0x4: {  	_ = 	snop  }
0x5: {  	_ = 	snop  }
0x6: {  	_ = 	snop  }
0x7: {  	_ = 	snop  }
__scs_overlays_trampoline_lowered:
0x8: {  	[smem:$0x3FAE] =	sst s0  }
0x9: {  	[smem:$0x3FAF] =	sst s1  }
0xa: {  	[smem:$0x3FB0] =	sst s2  }
0xb: {  	[smem:$0x3FB1] =	sst s3  }
0xc: {  	[smem:$0x3FB2] =	sst s4  }
0xd: {  	[smem:$0x3FB3] =	sst s5  }
0xe: {  	[smem:$0x3FB4] =	sst s6  }
0xf: {  	[smem:$0x3FB5] =	sst s7  }
0x10: {  	[smem:$0x3FB6] =	sst s8  }
0x11: {  	[smem:$0x3FB7] =	sst s9;
	s0 =	simm.s32 @!p0 $0x0  }
0x12: {  	s1 =	sld [smem:$0x3F9D];
	s0 =	simm.s32 @p0 $0x1  }
0x13: {  	[smem:$0x3FB8] =	sst s0;
	s0 =	simm.s32 @!p1 $0x0  }
0x14: {  	s2 =	sld [smem:$0x3F9C];
	s0 =	simm.s32 @p1 $0x1  }
0x15: {  	[smem:$0x3FB9] =	sst s0;
	s0 =	simm.s32 @!p2 $0x0  }
0x16: {  	s3 =	sld [smem:$0x3FDB];
	s0 =	simm.s32 @p2 $0x1  }
0x17: {  	s4 =	simm.s32 $0x1BF5;
	[smem:$0x3FBB] =	sst s0  }
0x18: {  	s0 =	sld [smem:$0x3F9E];
	_ =	swait.ge [sflag:s4], $0x0  }
0x19: {  	s7 =	sld [smem:$0x3F9F]  }
0x1a: {  	s8 =	sadd.s32 $0xFFFFE003, lr  }
0x1b: {  	s9 =	sadd.s32 $0xFFFFFEF7, lr;
	s5 =	simm.s32 $0xFFFFFFFF;
	p2 =	slt.u32 s8, $0xFFFFF086  }
0x1c: {  	p1 =	slt.u32 s9, $0xF7A;
	s5 =	simm.s32 @!p2 $0x0  }
0x1d: {  	s5 =	simm.s32 @p1 $0x1;
	p0 =	seq.s32 s7, s2  }
0x1e: {  	s7 =	smul.u32 @!p0 $0xF7A, s2;
	p2 =	seq.s32 @!p0 s5, $0x0  }
0x1f: {  	s9 =	smul.u32 $0xF7A, s1;
	s8 =	simm.s32 @!p0 $0x1BF5;
	p2 =	por !p2, p0  }
0x20: {  	[sflag:s8] =	ssyncset.s32 @!p0 $0xFFFFF086;
	s6 =	sadd.s32 @!p0 s3, s7;
	s7 =	simm.s32 @!p0 $0x108  }
0x21: {  	s3 =	sadd.s32 s3, s9;
	s6 =	sadd.s32 @!p0 $0x88, s6;
	s7 =	simm.s32 @p2 $0x1082  }
0x22: {  	[simem:s7], [sflag:s8] =	dma.local @!p0 [hbm:s6], $0xF7A  }
0x23: {  	s9 =	sor.u32 $0xD0000000, s2;
	s6 =	simm.s32 $0x108;
	_ =	swait.ge @!p0 [sflag:s8], $0x0  }
0x24: {  	s3 =	sadd.s32 $0x88, s3;
	s6 =	simm.s32 @!p1 $0x1082;
	[sflag:s4] =	ssyncset.s32 $0xFFFFF086  }
0x25: {  	[simem:s6], [sflag:s4] =	dma.local [hbm:s3], $0xF7A  }
0x26: {  	[smem:$0x3F9F] =	sst s1;
	(tag) =	ssettag s2;
	_ =	strace s9  }
0x27: {  	s1 =	sld [smem:$0x3FAF]  }
0x28: {  	s2 =	sld [smem:$0x3FB0]  }
0x29: {  	s4 =	sld [smem:$0x3FB2]  }
0x2a: {  	p0 =	seq.s32 s5, $0x0;
	s5 =	sld [smem:$0x3FB3]  }
0x2b: {  	s6 =	sld [smem:$0x3FB4]  }
0x2c: {  	s7 =	sld [smem:$0x3FB5]  }
0x2d: {  	s3 =	simm.s32 $0x108;
	s8 =	sld [smem:$0x3FB6]  }
0x2e: {  	s3 =	simm.s32 @!p0 $0x1082;
	s9 =	sld [smem:$0x3FB7]  }
0x2f: {  	lr =	sadd.s32 s0, s3;
	s0 =	sld [smem:$0x3FAE]  }
0x30: {  	s3 =	sld [smem:$0x3FB1]  }
0x31: {  	[smem:$0x3FBA] =	sst s10  }
0x32: {  	s10 =	sld [smem:$0x3FB8];
	_ =	sdelay $0x3  }
0x33: {  	p0 =	seq.s32 s10, $0x1;
	s10 =	sld [smem:$0x3FBA];
	_ =	sdelay $0x3  }
0x34: {  	[smem:$0x3FBA] =	sst s10  }
0x35: {  	s10 =	sld [smem:$0x3FB9];
	_ =	sdelay $0x3  }
0x36: {  	p1 =	seq.s32 s10, $0x1;
	s10 =	sld [smem:$0x3FBA];
	_ =	sdelay $0x3  }
0x37: {  	[smem:$0x3FBA] =	sst s10  }
0x38: {  	s10 =	sld [smem:$0x3FBB]  }
0x39: {  	_ = 	snop;
	(pc) =	sbr.ind lr, $3  }
0x3a: {  	_ = 	snop  }
0x3b: {  	_ = 	snop  }
0x3c: {  	p2 =	seq.s32 s10, $0x1;
	s10 =	sld [smem:$0x3FBA]  }
0x3d: {  	_ =	shalt  }
0x3e: {  	_ =	shalt  }
0x3f: {  	_ =	shalt  }
0x40: {  	_ =	shalt  }
0x41: {  	_ =	shalt  }
0x42: {  	_ =	shalt  }
0x43: {  	_ =	shalt  }
0x44: {  	_ =	shalt  }
0x45: {  	_ =	shalt  }
0x46: {  	_ =	shalt  }
0x47: {  	_ =	shalt  }
0x48: {  	_ =	shalt  }
0x49: {  	_ =	shalt  }
0x4a: {  	_ =	shalt  }
0x4b: {  	_ =	shalt  }
0x4c: {  	_ =	shalt  }
0x4d: {  	_ =	shalt  }
0x4e: {  	_ =	shalt  }
0x4f: {  	_ =	shalt  }
0x50: {  	_ =	shalt  }
0x51: {  	_ =	shalt  }
0x52: {  	_ =	shalt  }
0x53: {  	_ =	shalt  }
0x54: {  	_ =	shalt  }
0x55: {  	_ =	shalt  }
0x56: {  	_ =	shalt  }
0x57: {  	_ =	shalt  }
0x58: {  	_ =	shalt  }
0x59: {  	_ =	shalt  }
0x5a: {  	_ =	shalt  }
0x5b: {  	_ =	shalt  }
0x5c: {  	_ =	shalt  }
0x5d: {  	_ =	shalt  }
0x5e: {  	_ =	shalt  }
0x5f: {  	_ =	shalt  }
0x60: {  	_ =	shalt  }
0x61: {  	_ =	shalt  }
0x62: {  	_ =	shalt  }
0x63: {  	_ =	shalt  }
0x64: {  	_ =	shalt  }
0x65: {  	_ =	shalt  }
0x66: {  	_ =	shalt  }
0x67: {  	_ =	shalt  }
0x68: {  	_ =	shalt  }
0x69: {  	_ =	shalt  }
0x6a: {  	_ =	shalt  }
0x6b: {  	_ =	shalt  }
0x6c: {  	_ =	shalt  }
0x6d: {  	_ =	shalt  }
0x6e: {  	_ =	shalt  }
0x6f: {  	_ =	shalt  }
0x70: {  	_ =	shalt  }
0x71: {  	_ =	shalt  }
0x72: {  	_ =	shalt  }
0x73: {  	_ =	shalt  }
0x74: {  	_ =	shalt  }
0x75: {  	_ =	shalt  }
0x76: {  	_ =	shalt  }
0x77: {  	_ =	shalt  }
0x78: {  	_ =	shalt  }
0x79: {  	_ =	shalt  }
0x7a: {  	_ =	shalt  }
0x7b: {  	_ =	shalt  }
0x7c: {  	_ =	shalt  }
0x7d: {  	_ =	shalt  }
0x7e: {  	_ =	shalt  }
0x7f: {  	_ =	shalt  }
0x80: {  	_ =	shalt  }
0x81: {  	_ =	shalt  }
0x82: {  	_ =	shalt  }
0x83: {  	_ =	shalt  }
0x84: {  	_ =	shalt  }
0x85: {  	_ =	shalt  }
0x86: {  	_ =	shalt  }
0x87: {  	_ =	shalt  }
.Lfunc_end0:
.L_simem_size_0:
called_computation_lowered:
.L_overlay_start_0:
0x88: {  	s2 =	sld [smem:$0x3FD9]  }
0x89: {  	s3 =	sld [smem:$0x3FFE];
	_ =	sdelay $0x1  }
0x8a: {  	s1 =	srdreg.scid  }
0x8b: {  	s0 =	sand.u32 $0x1, s1  }
0x8c: {  	s14 =	sshll.u32 s0, $0xA;
	s2 =	sadd.s32 s3, s2  }
0x8d: {  	s2 =	sadd.s32 s2, s14  }
0x8e: {  	[smem:$0x3FC6] =	sst s2  }
0x8f: {  	_ = 	snop  }
0x90: {  	s2 =	sld [smem:$0x3FD0];
	_ =	sdelay $0x2  }
0x91: {  	s4 =	simm.s32 $0xA;
	s5 =	simm.s32 $0x10;
	s15 =	sld [smem:$0x3FC9]  }
0x92: {  	[smem:s5], [sflag:s4] =	dma.local [hbm:s2], $0x1  }
0x93: {  	_ =	swait.eq [sflag:s4], $0x1  }
0x94: {  	[sflag:s4] =	ssyncset.done $0x0  }
0x95: {  	[sflag:s4] =	ssyncadd.s32 $0xFFFFFFFF  }
0x96: {  	s16 =	sld [smem:$0x10];
	(tm) =	ssettm $0x1  }
0x97: {  	s17 =	sld [smem:$0x3FFB];
	_ =	sdelay $0x3  }
0x98: {  	_ =	strace s17  }
0x99: {  	s4 =	sld [smem:$0x3FFC];
	_ =	sdelay $0x3  }
0x9a: {  	_ =	strace s4  }
0x9b: {  	s4 =	sld [smem:$0x3FFD];
	_ =	sdelay $0x3  }
0x9c: {  	_ =	strace s4  }
0x9d: {  	_ =	strace $0x8FFFFFFF  }
0x9e: {  	s18 =	sld [smem:$0x3FDB];
	_ =	sdelay $0x1  }
0x9f: {  	s19 =	simm.s32 $_scs_section_size  }
0xa0: {  	s6 =	simm.s32 $_size__tile_overlayer_lowered;
	s7 =	simm.s32 $_tile_overlayer_lowered  }
0xa1: {  	s22 =	simm.s32 $0x1BFF;
	s21 =	sshll.u32 s7, $0x1;
	s4 =	sadd.s32 s19, s18  }
0xa2: {  	s8 =	simm.s32 $0x0;
	s20 =	sshll.u32 s6, $0x1;
	s6 =	sadd.s32 s21, s4  }
0xa3: {  	[timem:s8], [sflag:s22] =	dma.local [hbm:s6], s20  }
0xa4: {  	_ =	swait.ge [sflag:s22], s20  }
0xa5: {  	s5 =	ssub.s32 $0x0, s20;
	[sflag:s22] =	ssyncset.done $0x0  }
0xa6: {  	[sflag:s22] =	ssyncadd.s32 s5;
	_ =	sdelay $0x1  }
0xa7: {  	s23 =	simm.s32 $0x1B8B  }
0xa8: {  	_ =	swait.ge [sflag:s23], $0x1  }
0xa9: {  	[sflag:s23] =	ssyncset.done $0x0  }
0xaa: {  	s25 =	simm.s32 $0x1B8E;
	s24 =	sld [smem:$0x3FFE];
	[sflag:s23] =	ssyncadd.s32 $0xFFFFFFFF  }
0xab: {  	s26 =	simm.s32 $execute0_lowered;
	[smem:$0x3FD2] =	sst s25  }
0xac: {  	s6 =	sshll.u32 s26, $0x1;
	_ =	strace $0x80000046;
	[dreg:$0x1] =	wrdreg $0xFFFFFFFF  }
0xad: {  	s28 =	simm.s32 $_size_execute0_lowered;
	s4 =	sadd.s32 s4, s6;
	[dreg:$0x0] =	wrdreg $0x0  }
0xae: {  	s6 =	sshll.u32 s28, $0x1;
	[dreg:$0x2] =	wrdreg s4  }
0xaf: {  	[dreg:$0x3] =	wrdreg s6  }
0xb0: {  	[dreg:$0x4] =	wrdreg $0xC0  }
0xb1: {  	_ =	task [dreg:s8], $0x5FFFF  }
0xb2: {  	[dreg:$0x1] =	wrdreg $0xFFFFFFFF  }
0xb3: {  	[dreg:$0x0] =	wrdreg $0x60  }
0xb4: {  	[dreg:$0x2] =	wrdreg s15  }
0xb5: {  	[dreg:$0x3] =	wrdreg s24  }
0xb6: {  	[dreg:$0x4] =	wrdreg s16  }
0xb7: {  	[dreg:$0x5] =	wrdreg $0x9  }
0xb8: {  	_ =	task.clear_ibuf [dreg:s8], $0x6FFFF;
	_ =	strace $0x90000046  }
0xb9: {  	s29 =	simm.s32 $0x9;
	_ =	strace $0x80000048  }
0xba: {  	_ =	swait.ge [sflag:s29], $0x1  }
0xbb: {  	[sflag:s29] =	ssyncadd.s32 $0xFFFFFFFF  }
0xbc: {  	_ =	strace $0x90000048  }
0xbd: {  	_ =	sfence  }
0xbe: {  	s30 =	sld [smem:$0x0];
	_ =	sdelay $0x2  }
0xbf: {  	s31 =	sshll.u32 s1, $0xD;
	s1 =	sshrl.u32 s1, $0x2  }
0xc0: {  	s3 =	sand.u32 $0x4000, s31;
	s1 =	sadd.s32 s1, s30  }
0xc1: {  	s0 =	sor.u32 s3, s0;
	s1 =	sshll.u32 s1, $0x11  }
0xc2: {  	s0 =	sor.u32 s1, s0  }
0xc3: {  	s0 =	sadd.s32 $0x8F2B, s0  }
0xc4: {  	[sflag:s0] =	ssyncadd.remote.s32 $0x1  }
0xc5: {  	_ =	sfence.sel $0xFFFF  }
0xc6: {  	[dreg:$0x0] =	wrdreg $0xFFFFFFFF;
	(pc) =	sbr.abs _section_cstart, $3  }
0xc7: {  	[dreg:$0x1] =	wrdreg $0xFFFFFFFF  }
0xc8: {  	_ =	task.clear_ibuf [dreg:s8], $0x2FFFF;
	_ =	strace $0x9FFFFFFF  }
0xc9: {  	(tm) =	ssettm $0x7FFFFFFF  }
tec
execute0_lowered:
.L_overlay_start_1:
0x0: {  	(tag) =	ssettag $0x1  }
0x1: {  	s1 =	rddreg [dreg:$0x0]  }
0x2: {  	s2 =	srdreg.scid;
	s4 =	rddreg [dreg:$0x1]  }
0x3: {  	s0 =	stileid.u32;
	s6 =	rddreg [dreg:$0x2];
	s16 =	simm.s32 $0x900  }
0x4: {  	s17 =	simm.s32 $0x1100;
	s18 =	simm.s32 $0x1900;
	s19 =	simm.s32 $0x2100  }
0x5: {  	s20 =	simm.s32 $0x2900;
	s21 =	simm.s32 $0x3100;
	s2 =	sand.u32 $0x1, s2  }
0x6: {  	s22 =	simm.s32 $0x3900;
	s3 =	sshll.u32 s0, $0x9;
	s5 =	sshll.u32 s2, $0x8  }
0x7: {  	s24 =	simm.s32 $0x4100;
	s5 =	sor.u32 s5, s3;
	s3 =	simm.s32 $0x0  }
0x8: {  	s25 =	simm.s32 $0x4900;
	s26 =	simm.s32 $0x5100;
	[smem:$0x7FF] =	sst s3  }
0x9: {  	s9 =	simm.s32 $0x6100;
	_ =	strace $0x80000047;
	[dreg:$0x6] =	wrdreg s16  }
0xa: {  	s10 =	simm.s32 $0x6900;
	s11 =	simm.s32 $0x7100;
	[dreg:$0x7] =	wrdreg s17  }
0xb: {  	s12 =	simm.s32 $0x7900;
	s13 =	simm.s32 $0x8100;
	[dreg:$0x8] =	wrdreg s18  }
0xc: {  	s14 =	simm.s32 $0x8900;
	s15 =	simm.s32 $0x9100;
	[dreg:$0x9] =	wrdreg s19  }
0xd: {  	s28 =	simm.s32 $0xF100;
	s29 =	simm.s32 $0xF900;
	[dreg:$0xa] =	wrdreg s20  }
0xe: {  	s30 =	simm.s32 $0x1;
	s2 =	ssub.s32 $0x2, s2;
	[dreg:$0xb] =	wrdreg s21  }
0xf: {  	s31 =	simm.s32 $0x2;
	s23 =	sshrl.u32 s2, $0x1;
	[dreg:$0xc] =	wrdreg s22  }
0x10: {  	s7 =	sshrl.u32 s5, $0x3;
	s5 =	sshll.u32 s5, $0x5;
	[dreg:$0xd] =	wrdreg s24  }
0x11: {  	s2 =	ssub.s32 s2, s23;
	s23 =	simm.s32 $0xD100;
	[dreg:$0xe] =	wrdreg s25  }
0x12: {  	s4 =	sadd.s32 s7, s4;
	[dreg:$0xf] =	wrdreg s26;
	s16 =	simm.s32 $0x9900  }
0x13: {  	s17 =	simm.s32 $0xA100;
	s18 =	simm.s32 $0xA900;
	s19 =	simm.s32 $0xB100  }
0x14: {  	s20 =	simm.s32 $0xB900;
	s21 =	simm.s32 $0xC100;
	s22 =	simm.s32 $0xC900  }
0x15: {  	s24 =	simm.s32 $0xD900;
	s25 =	simm.s32 $0xE100;
	s26 =	simm.s32 $0xE900  }
0x16: {  	v2 =	vlaneseq.u32;
	s7 =	sadd.s32 $0xC00, s4;
	s4 =	sadd.s32 s6, s5;
	s6 =	simm.s32 $0x4  }
0x17: {  	vm0 =	vmmov $0xffff;
	v1 =	vshrl.u32 v2, $0x3;
	[dreg:$0x4] =	wrdreg s7;
	s5 =	sadd.s32 $0x1000, s4;
	s7 =	simm.s32 $0x100  }
0x18: {  	v0 =	vand.u32 $0x7, v2;
	v2 =	vor.u32 $0x8, v2;
	v1 =	vmul.u32 $0x8, v1;
	[dreg:$0x5] =	wrdreg s5;
	s5 =	smax.u32 s2, $0x1;
	s2 =	simm.s32 $0x3  }
.LBB2_1:
0x19: {  	s0 =	rddreg [dreg:$0x4]  }
0x1a: {  	[tilespmem:s3], [sflag:$0x4] =	stream.linear.gather [hbm4b:s0+s3], $0x100, $0x38;
	[tilespmem:$0x10100] =	vst v63  }
0x1b: {  	_ =	swait.ge [sflag:s6], $0x100  }
0x1c: {  	[sflag:s6] =	ssyncset.done $0x0  }
0x1d: {  	[sflag:s6] =	ssyncadd.s32 $0xFFFFFF00  }
0x1e: {  	v3 =	vld [tilespmem:$0x0];
	_ =	sdelay $0x4  }
0x1f: {  	v4 =	vshll.u32 v3, $0x1  }
0x20: {  	v3 =	vand.u32 $0x7, v3;
	v4 =	vand.u32 $0xFFFFFFF0, v4  }
0x21: {  	v3 =	vor.u32 v3, v4  }
0x22: {  	v4 =	vperm.xlane v3, v0;
	_ =	sdelay $0x1  }
0x23: {  	v3 =	vperm.xlane v3, v2;
	v4 =	vadd.s32 v1, v4;
	_ =	sdelay $0x1  }
0x24: {  	v3 =	vadd.s32 v1, v3;
	_ =	sdelay $0x2  }
0x25: {  	[tilespmem:s7], [sflag:$0x1] =	stream.indirect_vreg.gather [hbm4b:s1+s3], $0x80, v4, vm0, $0xb8;
	[tilespmem:$0x10100] =	vst v63  }
0x26: {  	s8 =	rddreg [dreg:$0x6]  }
0x27: {  	[tilespmem:s8], [sflag:$0x1] =	stream.indirect_vreg.gather [hbm4b:s1+s3], $0x80, v3, vm0, $0xb8;
	[tilespmem:$0x10100] =	vst v63  }
0x28: {  	v3 =	vld [tilespmem:$0x10];
	_ =	sdelay $0x4  }
0x29: {  	v49 =	vshll.u32 v3, $0x1  }
0x2a: {  	v3 =	vand.u32 $0x7, v3;
	v4 =	vand.u32 $0xFFFFFFF0, v49  }
0x2b: {  	v3 =	vor.u32 v3, v4  }
0x2c: {  	v4 =	vperm.xlane v3, v0;
	_ =	sdelay $0x1  }
0x2d: {  	v3 =	vperm.xlane v3, v2;
	v4 =	vadd.s32 v1, v4;
	_ =	sdelay $0x1  }
0x2e: {  	v3 =	vadd.s32 v1, v3;
	_ =	sdelay $0x1  }
0x2f: {  	s0 =	rddreg [dreg:$0x7]  }
0x30: {  	[tilespmem:s0], [sflag:$0x1] =	stream.indirect_vreg.gather [hbm4b:s1+s3], $0x80, v4, vm0, $0xb8;
	[tilespmem:$0x10100] =	vst v63  }
0x31: {  	s8 =	rddreg [dreg:$0x8]  }
0x32: {  	[tilespmem:s8], [sflag:$0x1] =	stream.indirect_vreg.gather [hbm4b:s1+s3], $0x80, v3, vm0, $0xb8;
	[tilespmem:$0x10100] =	vst v63  }
0x33: {  	v3 =	vld [tilespmem:$0x20];
	_ =	sdelay $0x4  }
0x34: {  	v50 =	vshll.u32 v3, $0x1  }
0x35: {  	v3 =	vand.u32 $0x7, v3;
	v4 =	vand.u32 $0xFFFFFFF0, v50  }
0x36: {  	v3 =	vor.u32 v3, v4  }
0x37: {  	v4 =	vperm.xlane v3, v0;
	_ =	sdelay $0x1  }
0x38: {  	v3 =	vperm.xlane v3, v2;
	v4 =	vadd.s32 v1, v4;
	_ =	sdelay $0x1  }
0x39: {  	v3 =	vadd.s32 v1, v3;
	_ =	sdelay $0x1  }
0x3a: {  	s0 =	rddreg [dreg:$0x9]  }
0x3b: {  	[tilespmem:s0], [sflag:$0x1] =	stream.indirect_vreg.gather [hbm4b:s1+s3], $0x80, v4, vm0, $0xb8;
	[tilespmem:$0x10100] =	vst v63  }
0x3c: {  	s8 =	rddreg [dreg:$0xa]  }
0x3d: {  	[tilespmem:s8], [sflag:$0x1] =	stream.indirect_vreg.gather [hbm4b:s1+s3], $0x80, v3, vm0, $0xb8;
	[tilespmem:$0x10100] =	vst v63  }
0x3e: {  	v3 =	vld [tilespmem:$0x30];
	_ =	sdelay $0x4  }
0x3f: {  	v51 =	vshll.u32 v3, $0x1  }
0x40: {  	v3 =	vand.u32 $0x7, v3;
	v4 =	vand.u32 $0xFFFFFFF0, v51  }
0x41: {  	v3 =	vor.u32 v3, v4  }
0x42: {  	v4 =	vperm.xlane v3, v0;
	_ =	sdelay $0x1  }
0x43: {  	v3 =	vperm.xlane v3, v2;
	v4 =	vadd.s32 v1, v4;
	_ =	sdelay $0x1  }
0x44: {  	v3 =	vadd.s32 v1, v3;
	_ =	sdelay $0x1  }
0x45: {  	s0 =	rddreg [dreg:$0xb]  }
0x46: {  	[tilespmem:s0], [sflag:$0x1] =	stream.indirect_vreg.gather [hbm4b:s1+s3], $0x80, v4, vm0, $0xb8;
	[tilespmem:$0x10100] =	vst v63  }
0x47: {  	s8 =	rddreg [dreg:$0xc]  }
0x48: {  	[tilespmem:s8], [sflag:$0x1] =	stream.indirect_vreg.gather [hbm4b:s1+s3], $0x80, v3, vm0, $0xb8;
	[tilespmem:$0x10100] =	vst v63  }
0x49: {  	v3 =	vld [tilespmem:$0x40];
	_ =	sdelay $0x4  }
0x4a: {  	v52 =	vshll.u32 v3, $0x1  }
0x4b: {  	v3 =	vand.u32 $0x7, v3;
	v4 =	vand.u32 $0xFFFFFFF0, v52  }
0x4c: {  	v3 =	vor.u32 v3, v4  }
0x4d: {  	v4 =	vperm.xlane v3, v0;
	_ =	sdelay $0x1  }
0x4e: {  	v3 =	vperm.xlane v3, v2;
	v4 =	vadd.s32 v1, v4;
	_ =	sdelay $0x1  }
0x4f: {  	v3 =	vadd.s32 v1, v3;
	_ =	sdelay $0x1  }
0x50: {  	s0 =	rddreg [dreg:$0xd]  }
0x51: {  	[tilespmem:s0], [sflag:$0x1] =	stream.indirect_vreg.gather [hbm4b:s1+s3], $0x80, v4, vm0, $0xb8;
	[tilespmem:$0x10100] =	vst v63  }
0x52: {  	s8 =	rddreg [dreg:$0xe]  }
0x53: {  	[tilespmem:s8], [sflag:$0x1] =	stream.indirect_vreg.gather [hbm4b:s1+s3], $0x80, v3, vm0, $0xb8;
	[tilespmem:$0x10100] =	vst v63  }
0x54: {  	v3 =	vld [tilespmem:$0x50];
	_ =	sdelay $0x4  }
0x55: {  	v53 =	vshll.u32 v3, $0x1  }
0x56: {  	v3 =	vand.u32 $0x7, v3;
	v4 =	vand.u32 $0xFFFFFFF0, v53  }
0x57: {  	v3 =	vor.u32 v3, v4  }
0x58: {  	v4 =	vperm.xlane v3, v0;
	_ =	sdelay $0x1  }
0x59: {  	v3 =	vperm.xlane v3, v2;
	v4 =	vadd.s32 v1, v4;
	_ =	sdelay $0x1  }
0x5a: {  	v3 =	vadd.s32 v1, v3;
	_ =	sdelay $0x1  }
0x5b: {  	s8 =	rddreg [dreg:$0xf]  }
0x5c: {  	[tilespmem:s8], [sflag:$0x1] =	stream.indirect_vreg.gather [hbm4b:s1+s3], $0x80, v4, vm0, $0xb8;
	[tilespmem:$0x10100] =	vst v63  }
0x5d: {  	s8 =	simm.s32 $0x5900  }
0x5e: {  	[tilespmem:s8], [sflag:$0x1] =	stream.indirect_vreg.gather [hbm4b:s1+s3], $0x80, v3, vm0, $0xb8;
	[tilespmem:$0x10100] =	vst v63  }
0x5f: {  	v3 =	vld [tilespmem:$0x60];
	_ =	sdelay $0x4  }
0x60: {  	v54 =	vshll.u32 v3, $0x1  }
0x61: {  	v3 =	vand.u32 $0x7, v3;
	v4 =	vand.u32 $0xFFFFFFF0, v54  }
0x62: {  	v3 =	vor.u32 v3, v4  }
0x63: {  	v4 =	vperm.xlane v3, v0;
	_ =	sdelay $0x1  }
0x64: {  	v3 =	vperm.xlane v3, v2;
	v4 =	vadd.s32 v1, v4;
	_ =	sdelay $0x1  }
0x65: {  	v3 =	vadd.s32 v1, v3;
	_ =	sdelay $0x2  }
0x66: {  	[tilespmem:s9], [sflag:$0x1] =	stream.indirect_vreg.gather [hbm4b:s1+s3], $0x80, v4, vm0, $0xb8;
	[tilespmem:$0x10100] =	vst v63  }
0x67: {  	_ = 	snop  }
0x68: {  	[tilespmem:s10], [sflag:$0x1] =	stream.indirect_vreg.gather [hbm4b:s1+s3], $0x80, v3, vm0, $0xb8;
	[tilespmem:$0x10100] =	vst v63  }
0x69: {  	v3 =	vld [tilespmem:$0x70];
	_ =	sdelay $0x4  }
0x6a: {  	v55 =	vshll.u32 v3, $0x1  }
0x6b: {  	v3 =	vand.u32 $0x7, v3;
	v4 =	vand.u32 $0xFFFFFFF0, v55  }
0x6c: {  	v3 =	vor.u32 v3, v4  }
0x6d: {  	v4 =	vperm.xlane v3, v0;
	_ =	sdelay $0x1  }
0x6e: {  	v3 =	vperm.xlane v3, v2;
	v4 =	vadd.s32 v1, v4;
	_ =	sdelay $0x1  }
0x6f: {  	v3 =	vadd.s32 v1, v3;
	_ =	sdelay $0x2  }
0x70: {  	[tilespmem:s11], [sflag:$0x1] =	stream.indirect_vreg.gather [hbm4b:s1+s3], $0x80, v4, vm0, $0xb8;
	[tilespmem:$0x10100] =	vst v63  }
0x71: {  	_ = 	snop  }
0x72: {  	[tilespmem:s12], [sflag:$0x1] =	stream.indirect_vreg.gather [hbm4b:s1+s3], $0x80, v3, vm0, $0xb8;
	[tilespmem:$0x10100] =	vst v63  }
0x73: {  	v3 =	vld [tilespmem:$0x80];
	_ =	sdelay $0x4  }
0x74: {  	v56 =	vshll.u32 v3, $0x1  }
0x75: {  	v3 =	vand.u32 $0x7, v3;
	v4 =	vand.u32 $0xFFFFFFF0, v56  }
0x76: {  	v3 =	vor.u32 v3, v4  }
0x77: {  	v4 =	vperm.xlane v3, v0;
	_ =	sdelay $0x1  }
0x78: {  	v3 =	vperm.xlane v3, v2;
	v4 =	vadd.s32 v1, v4;
	_ =	sdelay $0x1  }
0x79: {  	v3 =	vadd.s32 v1, v3;
	_ =	sdelay $0x2  }
0x7a: {  	[tilespmem:s13], [sflag:$0x2] =	stream.indirect_vreg.gather [hbm4b:s1+s3], $0x80, v4, vm0, $0xb8;
	[tilespmem:$0x10100] =	vst v63  }
0x7b: {  	_ = 	snop  }
0x7c: {  	[tilespmem:s14], [sflag:$0x2] =	stream.indirect_vreg.gather [hbm4b:s1+s3], $0x80, v3, vm0, $0xb8;
	[tilespmem:$0x10100] =	vst v63  }
0x7d: {  	v3 =	vld [tilespmem:$0x90];
	_ =	sdelay $0x4  }
0x7e: {  	v57 =	vshll.u32 v3, $0x1  }
0x7f: {  	v3 =	vand.u32 $0x7, v3;
	v4 =	vand.u32 $0xFFFFFFF0, v57  }
0x80: {  	v3 =	vor.u32 v3, v4  }
0x81: {  	v4 =	vperm.xlane v3, v0;
	_ =	sdelay $0x1  }
0x82: {  	v3 =	vperm.xlane v3, v2;
	v4 =	vadd.s32 v1, v4;
	_ =	sdelay $0x1  }
0x83: {  	v3 =	vadd.s32 v1, v3;
	_ =	sdelay $0x2  }
0x84: {  	[tilespmem:s15], [sflag:$0x2] =	stream.indirect_vreg.gather [hbm4b:s1+s3], $0x80, v4, vm0, $0xb8;
	[tilespmem:$0x10100] =	vst v63  }
0x85: {  	_ = 	snop  }
0x86: {  	[tilespmem:s16], [sflag:$0x2] =	stream.indirect_vreg.gather [hbm4b:s1+s3], $0x80, v3, vm0, $0xb8;
	[tilespmem:$0x10100] =	vst v63  }
0x87: {  	v3 =	vld [tilespmem:$0xA0];
	_ =	sdelay $0x4  }
0x88: {  	v58 =	vshll.u32 v3, $0x1  }
0x89: {  	v3 =	vand.u32 $0x7, v3;
	v4 =	vand.u32 $0xFFFFFFF0, v58  }
0x8a: {  	v3 =	vor.u32 v3, v4  }
0x8b: {  	v4 =	vperm.xlane v3, v0;
	_ =	sdelay $0x1  }
0x8c: {  	v3 =	vperm.xlane v3, v2;
	v4 =	vadd.s32 v1, v4;
	_ =	sdelay $0x1  }
0x8d: {  	v3 =	vadd.s32 v1, v3;
	_ =	sdelay $0x2  }
0x8e: {  	[tilespmem:s17], [sflag:$0x2] =	stream.indirect_vreg.gather [hbm4b:s1+s3], $0x80, v4, vm0, $0xb8;
	[tilespmem:$0x10100] =	vst v63  }
0x8f: {  	_ = 	snop  }
0x90: {  	[tilespmem:s18], [sflag:$0x2] =	stream.indirect_vreg.gather [hbm4b:s1+s3], $0x80, v3, vm0, $0xb8;
	[tilespmem:$0x10100] =	vst v63  }
0x91: {  	v3 =	vld [tilespmem:$0xB0];
	_ =	sdelay $0x4  }
0x92: {  	v59 =	vshll.u32 v3, $0x1  }
0x93: {  	v3 =	vand.u32 $0x7, v3;
	v4 =	vand.u32 $0xFFFFFFF0, v59  }
0x94: {  	v3 =	vor.u32 v3, v4  }
0x95: {  	v4 =	vperm.xlane v3, v0;
	_ =	sdelay $0x1  }
0x96: {  	v3 =	vperm.xlane v3, v2;
	v4 =	vadd.s32 v1, v4;
	_ =	sdelay $0x1  }
0x97: {  	v3 =	vadd.s32 v1, v3;
	_ =	sdelay $0x2  }
0x98: {  	[tilespmem:s19], [sflag:$0x2] =	stream.indirect_vreg.gather [hbm4b:s1+s3], $0x80, v4, vm0, $0xb8;
	[tilespmem:$0x10100] =	vst v63  }
0x99: {  	_ = 	snop  }
0x9a: {  	[tilespmem:s20], [sflag:$0x2] =	stream.indirect_vreg.gather [hbm4b:s1+s3], $0x80, v3, vm0, $0xb8;
	[tilespmem:$0x10100] =	vst v63  }
0x9b: {  	v3 =	vld [tilespmem:$0xC0];
	_ =	sdelay $0x4  }
0x9c: {  	v60 =	vshll.u32 v3, $0x1  }
0x9d: {  	v3 =	vand.u32 $0x7, v3;
	v4 =	vand.u32 $0xFFFFFFF0, v60  }
0x9e: {  	v3 =	vor.u32 v3, v4  }
0x9f: {  	v4 =	vperm.xlane v3, v0;
	_ =	sdelay $0x1  }
0xa0: {  	v3 =	vperm.xlane v3, v2;
	v4 =	vadd.s32 v1, v4;
	_ =	sdelay $0x1  }
0xa1: {  	v3 =	vadd.s32 v1, v3;
	_ =	sdelay $0x2  }
0xa2: {  	[tilespmem:s21], [sflag:$0x2] =	stream.indirect_vreg.gather [hbm4b:s1+s3], $0x80, v4, vm0, $0xb8;
	[tilespmem:$0x10100] =	vst v63  }
0xa3: {  	_ = 	snop  }
0xa4: {  	[tilespmem:s22], [sflag:$0x2] =	stream.indirect_vreg.gather [hbm4b:s1+s3], $0x80, v3, vm0, $0xb8;
	[tilespmem:$0x10100] =	vst v63  }
0xa5: {  	v3 =	vld [tilespmem:$0xD0];
	_ =	sdelay $0x4  }
0xa6: {  	v61 =	vshll.u32 v3, $0x1  }
0xa7: {  	v3 =	vand.u32 $0x7, v3;
	v4 =	vand.u32 $0xFFFFFFF0, v61  }
0xa8: {  	v3 =	vor.u32 v3, v4  }
0xa9: {  	v4 =	vperm.xlane v3, v0;
	_ =	sdelay $0x1  }
0xaa: {  	v3 =	vperm.xlane v3, v2;
	v4 =	vadd.s32 v1, v4;
	_ =	sdelay $0x1  }
0xab: {  	v3 =	vadd.s32 v1, v3;
	_ =	sdelay $0x2  }
0xac: {  	[tilespmem:s23], [sflag:$0x2] =	stream.indirect_vreg.gather [hbm4b:s1+s3], $0x80, v4, vm0, $0xb8;
	[tilespmem:$0x10100] =	vst v63  }
0xad: {  	_ = 	snop  }
0xae: {  	[tilespmem:s24], [sflag:$0x2] =	stream.indirect_vreg.gather [hbm4b:s1+s3], $0x80, v3, vm0, $0xb8;
	[tilespmem:$0x10100] =	vst v63  }
0xaf: {  	v3 =	vld [tilespmem:$0xE0];
	_ =	sdelay $0x4  }
0xb0: {  	v62 =	vshll.u32 v3, $0x1  }
0xb1: {  	v3 =	vand.u32 $0x7, v3;
	v4 =	vand.u32 $0xFFFFFFF0, v62  }
0xb2: {  	v3 =	vor.u32 v3, v4  }
0xb3: {  	v4 =	vperm.xlane v3, v0;
	_ =	sdelay $0x1  }
0xb4: {  	v3 =	vperm.xlane v3, v2;
	v4 =	vadd.s32 v1, v4;
	_ =	sdelay $0x1  }
0xb5: {  	v3 =	vadd.s32 v1, v3;
	_ =	sdelay $0x2  }
0xb6: {  	[tilespmem:s25], [sflag:$0x2] =	stream.indirect_vreg.gather [hbm4b:s1+s3], $0x80, v4, vm0, $0xb8;
	[tilespmem:$0x10100] =	vst v63  }
0xb7: {  	_ = 	snop  }
0xb8: {  	[tilespmem:s26], [sflag:$0x2] =	stream.indirect_vreg.gather [hbm4b:s1+s3], $0x80, v3, vm0, $0xb8;
	[tilespmem:$0x10100] =	vst v63  }
0xb9: {  	v3 =	vld [tilespmem:$0xF0];
	_ =	sdelay $0x4  }
0xba: {  	v63 =	vshll.u32 v3, $0x1  }
0xbb: {  	v3 =	vand.u32 $0x7, v3;
	v4 =	vand.u32 $0xFFFFFFF0, v63  }
0xbc: {  	v3 =	vor.u32 v3, v4  }
0xbd: {  	v4 =	vperm.xlane v3, v0;
	_ =	sdelay $0x1  }
0xbe: {  	v3 =	vperm.xlane v3, v2;
	v4 =	vadd.s32 v1, v4;
	_ =	sdelay $0x1  }
0xbf: {  	v3 =	vadd.s32 v1, v3;
	_ =	sdelay $0x2  }
0xc0: {  	[tilespmem:s28], [sflag:$0x2] =	stream.indirect_vreg.gather [hbm4b:s1+s3], $0x80, v4, vm0, $0xb8;
	[tilespmem:$0x10100] =	vst v63  }
0xc1: {  	_ = 	snop  }
0xc2: {  	[tilespmem:s29], [sflag:$0x2] =	stream.indirect_vreg.gather [hbm4b:s1+s3], $0x80, v3, vm0, $0xb8;
	[tilespmem:$0x10100] =	vst v63  }
0xc3: {  	_ =	swait.ge [sflag:s30], $0x8000  }
0xc4: {  	[sflag:s30] =	ssyncset.done $0x0  }
0xc5: {  	[sflag:s30] =	ssyncadd.s32 $0xFFFF8000  }
0xc6: {  	[hbm4b:s4+s3] =	stream.linear.scatter [tilespmem:s7], [sflag:$0x3], $0x8000, $0x38;
	[tilespmem:$0x10100] =	vst v63  }
0xc7: {  	_ =	swait.ge [sflag:s31], $0x8000  }
0xc8: {  	[sflag:s31] =	ssyncset.done $0x0  }
0xc9: {  	s8 =	rddreg [dreg:$0x5];
	[sflag:s31] =	ssyncadd.s32 $0xFFFF8000  }
0xca: {  	[hbm4b:s8+s3] =	stream.linear.scatter [tilespmem:s13], [sflag:$0x3], $0x8000, $0x38;
	[tilespmem:$0x10100] =	vst v63  }
0xcb: {  	p0 =	sne.s32 s5, $0x1;
	_ =	swait.ge [sflag:s2], $0x8000  }
.Ltmp0:
0xcc: {  	[sflag:s2] =	ssyncset.done $0x0;
	(pc) =	sbr.rel @p0 .LBB2_1-.Ltmp0, $4  }
0xcd: {  	[sflag:s2] =	ssyncadd.s32 $0xFFFF8000  }
0xce: {  	_ =	swait.ge [sflag:s2], $0x8000  }
0xcf: {  	[sflag:s2] =	ssyncset.done $0x0  }
0xd0: {  	s5 =	sadd.s32 $0xFFFFFFFF, s5;
	[sflag:s2] =	ssyncadd.s32 $0xFFFF8000  }
0xd1: {  	_ =	sfence.sel $0x180000  }
0xd2: {  	[bflag:$0x0] =	sbarrier.arrive $0xFFFF  }
0xd3: {  	_ =	strace $0x90000047  }
0xd4: {  	s0 =	stileid.u32;
	[bflag:$0x2] =	sbarrier.arrive $0xFFFF  }
0xd5: {  	p0 =	sne.s32 s0, $0x0;
	s0 =	rddreg [dreg:$0x3]  }
0xd6: {  	s0 =	sadd.s32 @!p0 $0x100000, s0  }
0xd7: {  	[sflag:s0] =	ssyncadd.tile.s32 @!p0 $0x1;
	_ =	shalt  }
.Lfunc_end2:
_tile_overlayer_lowered:
.L_overlay_start_2:
0xd8: {  	(tag) =	ssettag $0x2  }
0xd9: {  	s0 =	rddreg [dreg:$0x0];
	s2 =	stileid.u32  }
0xda: {  	s1 =	rddreg [dreg:$0x1];
	p0 =	sne.s32 s2, $0x0  }
0xdb: {  	s3 =	rddreg [dreg:$0x2];
	[bflag:$0x3] =	sbarrier.arrive $0xFFFF;
	s2 =	simm.s32 @!p0 $0x1C04  }
0xdc: {  	[timem:s3], [sflag:s2] =	dma.local @!p0 [hbm:s0], s1  }
0xdd: {  	s0 =	simm.s32 @!p0 $0x4  }
0xde: {  	_ =	swait.ge @!p0 [sflag:s0], s1  }
0xdf: {  	s1 =	ssub.s32 @!p0 $0x0, s1;
	[sflag:s0] =	ssyncset.done @!p0 $0x0  }
0xe0: {  	[sflag:s0] =	ssyncadd.s32 @!p0 s1  }
0xe1: {  	[bflag:$0x3] =	sbarrier.arrive $0xFFFF  }
0xe2: {  	_ =	shalt  }

</sc_bundles>
